<compile_context>
chip_gen: v7x
topology: tpu7x:2x2x1
jax: 0.10.2.dev20260603
libtpu: 0.0.44.dev20260713+nightly
codegen_flags: <defaults>
</compile_context>

<pallas_src>
import functools

import jax
import jax.numpy as jnp
from jax import lax
from jax.experimental import pallas as pl
from jax.experimental.pallas import tpu as pltpu
from jax.experimental.pallas import tpu_sc as plsc

B = 1024
ED = 128
ND = 100000
K = 16
CHUNK = 2048
NCHUNK = 49
BSIZE = 8
NLANE = CHUNK // BSIZE
NHALF = NLANE // 128
NG2 = NHALF * NCHUNK
NCAND = K * BSIZE

_SC_NC = 2
_SC_NW = 32

_NEG = -3e38


def _normalize_rows(x):
    n = jnp.sqrt(jnp.sum(x * x, axis=-1, keepdims=True))
    return x / jnp.maximum(n, 1e-12)



def _pe_body(patient_ref, wpe_ref, bpe_ref, out_ref):
    x = jnp.dot(patient_ref[...], wpe_ref[...],
                preferred_element_type=jnp.float32) + bpe_ref[...][None, :]
    out_ref[...] = _normalize_rows(x)



def _sim_body(pe_ref, corpus_ref, mask_ref, bm_ref, f2_ref, cnorm_ref):
    c = pl.program_id(0)
    chunk = corpus_ref[...]
    cn = _normalize_rows(chunk)
    cnorm_ref[...] = cn
    sim = lax.dot_general(pe_ref[...], cn, (((1,), (1,)), ((), ())),
                          preferred_element_type=jnp.float32)

    def emit(sim):
        f = sim[:, 0:NLANE]
        for m in range(1, BSIZE):
            f = jnp.maximum(f, sim[:, m * NLANE:(m + 1) * NLANE])
        f2s = []
        for h in range(NHALF):
            part = f[:, h * 128:(h + 1) * 128]
            bm_ref[h] = part
            f2s.append(jnp.max(part, axis=1)[None, :])
        f2_ref[0] = jnp.concatenate(f2s, axis=0)

    @pl.when(c < NCHUNK - 1)
    def _():
        emit(sim)

    @pl.when(c == NCHUNK - 1)
    def _():
        emit(jnp.where(mask_ref[0] > 0.0, sim, _NEG))



def _l2_topk_body(f2_ref, selg2_ref, selrow_ref):
    s = f2_ref[...]
    g2f = (lax.broadcasted_iota(jnp.int32, s.shape, 0) * NHALF
           + lax.broadcasted_iota(jnp.int32, s.shape, 1)).astype(jnp.float32)
    riota = lax.broadcasted_iota(jnp.int32, (B, K), 0)
    sels = []
    for _ in range(K):
        vmax = jnp.max(jnp.max(s, axis=1), axis=0)
        vm = vmax[None, None, :]
        t = jnp.where(s == vm, g2f, jnp.float32(3e38))
        self_ = jnp.min(jnp.min(t, axis=1), axis=0)
        s = jnp.where(g2f == self_[None, None, :], _NEG, s)
        sels.append(self_[:, None])
    selg2 = jnp.concatenate(sels, axis=1).astype(jnp.int32)
    selg2_ref[...] = selg2
    selrow_ref[...] = selg2 * B + riota



def _l1_topk_body(cv_ref, selg2_ref, cand_ref):
    cv = cv_ref[...]
    bt = cv.shape[0] // K
    s = cv.reshape(bt, K, 128)
    g2 = selg2_ref[...]
    lanef = lax.broadcasted_iota(jnp.int32, (bt, K, 128), 2).astype(jnp.float32)
    b1f = g2.astype(jnp.float32)[:, :, None] * 128.0 + lanef
    off = lax.broadcasted_iota(jnp.int32, (1, BSIZE), 1) * NLANE
    cols = []
    for _ in range(K):
        vmax = jnp.max(jnp.max(s, axis=1), axis=1, keepdims=True)
        vm = vmax[:, :, None]
        t = jnp.where(s == vm, b1f, jnp.float32(3e38))
        self_ = jnp.min(jnp.min(t, axis=1), axis=1, keepdims=True)
        s = jnp.where(b1f == self_[:, :, None], _NEG, s)
        sel = self_.astype(jnp.int32)
        base = (sel // NLANE) * CHUNK + (sel % NLANE)
        docs = base + off
        cols.append(jnp.minimum(docs, ND - 1))
    cand_ref[...] = jnp.concatenate(cols, axis=1)



def _rescore_body(ce_ref, ci_ref, pe_ref, sc_ref, ix_ref):
    ce = ce_ref[...]
    bt = ce.shape[0] // NCAND
    bigT = lax.dot_general(pe_ref[...], ce, (((1,), (1,)), ((), ())),
                           preferred_element_type=jnp.float32)
    t3 = bigT.reshape(bt, bt, NCAND)
    r0 = lax.broadcasted_iota(jnp.int32, t3.shape, 0)
    r1 = lax.broadcasted_iota(jnp.int32, t3.shape, 1)
    sim = jnp.sum(jnp.where(r0 == r1, t3, 0.0), axis=0)
    gidf = ci_ref[...].astype(jnp.float32)
    scs, ixs = [], []
    s = sim
    for _ in range(K):
        vmax = jnp.max(s, axis=1, keepdims=True)
        selg = jnp.min(jnp.where(s == vmax, gidf, jnp.float32(3e38)),
                       axis=1, keepdims=True)
        scs.append(vmax)
        ixs.append(selg)
        s = jnp.where(gidf == selg, _NEG, s)
    sc_ref[...] = jnp.concatenate(scs, axis=1)
    ix_ref[...] = jnp.concatenate(ixs, axis=1).astype(jnp.int32)



def _mlp_body(conf_ref, retr_ref, tr_ref, ws1_ref, bs1_ref, ws2_ref, bs2_ref,
              ws3_ref, bs3_ref, wh1_ref, bh1_ref, wh2_ref, bh2_ref,
              out_ref, cf_ref, sh_ref):
    h = jnp.dot(conf_ref[...], ws1_ref[0:64, :],
                preferred_element_type=jnp.float32)
    h = h + jnp.dot(retr_ref[...], ws1_ref[64:, :],
                    preferred_element_type=jnp.float32)
    h = jnp.maximum(h + bs1_ref[...][None, :], 0.0)
    h = jnp.maximum(jnp.dot(h, ws2_ref[...], preferred_element_type=jnp.float32)
                    + bs2_ref[...][None, :], 0.0)
    sh = jnp.dot(h, ws3_ref[...], preferred_element_type=jnp.float32) \
        + bs3_ref[...][None, :]
    sh_ref[...] = sh
    cfs = []
    for t in range(2):
        ht = jnp.maximum(jnp.dot(sh, wh1_ref[t],
                                 preferred_element_type=jnp.float32)
                         + bh1_ref[t][None, :], 0.0)
        cf_t = jnp.dot(ht, wh2_ref[t][:, None],
                       preferred_element_type=jnp.float32) + bh2_ref[t]
        cfs.append(cf_t)
    cf = jnp.concatenate(cfs, axis=1)
    cf_ref[...] = cf
    out_ref[...] = jnp.sum(cf * tr_ref[...], axis=1, keepdims=True)



def _sc_gather_candidates(table, idx):
    n = idx.shape[0]
    per_w = n // _SC_NW
    step = 512
    nstep = per_w // step
    mesh = plsc.VectorSubcoreMesh(core_axis_name="c", subcore_axis_name="s")

    @functools.partial(
        pl.kernel, mesh=mesh,
        out_type=jax.ShapeDtypeStruct((n, ED), jnp.float32),
        compiler_params=pltpu.CompilerParams(use_tc_tiling_on_sc=False),
        scratch_types=[
            pltpu.VMEM((nstep, step), jnp.int32),
            pltpu.VMEM((step, ED), jnp.float32),
            pltpu.SemaphoreType.DMA,
        ],
    )
    def k(table_hbm, idx_hbm, out_hbm, idx_v, rows_v, sem):
        wid = lax.axis_index("s") * _SC_NC + lax.axis_index("c")
        base = wid * per_w
        for j in range(nstep):
            pltpu.sync_copy(idx_hbm.at[pl.ds(base + j * step, step)],
                            idx_v.at[j])
            pltpu.async_copy(table_hbm.at[idx_v.at[j]], rows_v, sem).wait()
            pltpu.sync_copy(rows_v, out_hbm.at[pl.ds(base + j * step, step)])

    return k(table, idx)


def _sc_gather_rows(table, idx):
    n = idx.shape[0]
    d = table.shape[1]
    per_w = n // _SC_NW
    mesh = plsc.VectorSubcoreMesh(core_axis_name="c", subcore_axis_name="s")

    @functools.partial(
        pl.kernel, mesh=mesh,
        out_type=jax.ShapeDtypeStruct((n, d), jnp.float32),
        compiler_params=pltpu.CompilerParams(use_tc_tiling_on_sc=False),
        scratch_types=[
            pltpu.VMEM((per_w,), jnp.int32),
            pltpu.VMEM((per_w, d), jnp.float32),
            pltpu.SemaphoreType.DMA,
        ],
    )
    def k(table_hbm, idx_hbm, out_hbm, idx_v, rows_v, sem):
        wid = lax.axis_index("s") * _SC_NC + lax.axis_index("c")
        base = wid * per_w
        pltpu.sync_copy(idx_hbm.at[pl.ds(base, per_w)], idx_v)
        pltpu.async_copy(table_hbm.at[idx_v], rows_v, sem).wait()
        pltpu.sync_copy(rows_v, out_hbm.at[pl.ds(base, per_w)])

    return k(table, idx)



def kernel(confounders, treatment, patient, corpus_embeddings,
           W_pe, b_pe, W_s1, b_s1, W_s2, b_s2, W_s3, b_s3,
           W_h1, b_h1, W_h2, b_h2):
    f32 = jnp.float32

    pe_norm = pl.pallas_call(
        _pe_body,
        out_shape=jax.ShapeDtypeStruct((B, ED), f32),
    )(patient, W_pe, b_pe)

    col = jnp.arange(NCHUNK * CHUNK, dtype=jnp.int32)
    maskvec = (col < ND).astype(f32).reshape(NCHUNK, 1, CHUNK)

    bmflat, f2, cnorm = pl.pallas_call(
        _sim_body,
        grid=(NCHUNK,),
        in_specs=[
            pl.BlockSpec((B, ED), lambda c: (0, 0)),
            pl.BlockSpec((CHUNK, ED), lambda c: (c, 0)),
            pl.BlockSpec((1, 1, CHUNK), lambda c: (c, 0, 0)),
        ],
        out_specs=[
            pl.BlockSpec((NHALF, B, 128), lambda c: (c, 0, 0)),
            pl.BlockSpec((1, NHALF, B), lambda c: (c, 0, 0)),
            pl.BlockSpec((CHUNK, ED), lambda c: (c, 0)),
        ],
        out_shape=[
            jax.ShapeDtypeStruct((NG2, B, 128), f32),
            jax.ShapeDtypeStruct((NCHUNK, NHALF, B), f32),
            jax.ShapeDtypeStruct((NCHUNK * CHUNK, ED), f32),
        ],
    )(pe_norm, corpus_embeddings, maskvec)

    selg2, selrow = pl.pallas_call(
        _l2_topk_body,
        out_shape=[
            jax.ShapeDtypeStruct((B, K), jnp.int32),
            jax.ShapeDtypeStruct((B, K), jnp.int32),
        ],
    )(f2)

    childvals = _sc_gather_rows(bmflat.reshape(NG2 * B, 128),
                                selrow.reshape(-1))

    BT2 = 256
    cand = pl.pallas_call(
        _l1_topk_body,
        grid=(B // BT2,),
        in_specs=[
            pl.BlockSpec((BT2 * K, 128), lambda t: (t, 0)),
            pl.BlockSpec((BT2, K), lambda t: (t, 0)),
        ],
        out_specs=pl.BlockSpec((BT2, NCAND), lambda t: (t, 0)),
        out_shape=jax.ShapeDtypeStruct((B, NCAND), jnp.int32),
    )(childvals, selg2)

    cand_emb = _sc_gather_candidates(cnorm, cand.reshape(-1))

    BT4 = 64
    scores, indices = pl.pallas_call(
        _rescore_body,
        grid=(B // BT4,),
        in_specs=[
            pl.BlockSpec((BT4 * NCAND, ED), lambda t: (t, 0)),
            pl.BlockSpec((BT4, NCAND), lambda t: (t, 0)),
            pl.BlockSpec((BT4, ED), lambda t: (t, 0)),
        ],
        out_specs=[
            pl.BlockSpec((BT4, K), lambda t: (t, 0)),
            pl.BlockSpec((BT4, K), lambda t: (t, 0)),
        ],
        out_shape=[
            jax.ShapeDtypeStruct((B, K), f32),
            jax.ShapeDtypeStruct((B, K), jnp.int32),
        ],
    )(cand_emb, cand, pe_norm)

    retrieved = _sc_gather_rows(corpus_embeddings, indices.reshape(-1))
    retr_flat = retrieved.reshape(B, K * ED)

    BT6 = 256
    rep = lambda t: (0, 0)
    rep1 = lambda t: (0,)
    rep3 = lambda t: (0, 0, 0)
    HD = W_s2.shape[0]
    outcome, cf2, shared = pl.pallas_call(
        _mlp_body,
        grid=(B // BT6,),
        in_specs=[
            pl.BlockSpec((BT6, 64), lambda t: (t, 0)),
            pl.BlockSpec((BT6, K * ED), lambda t: (t, 0)),
            pl.BlockSpec((BT6, 2), lambda t: (t, 0)),
            pl.BlockSpec(W_s1.shape, rep),
            pl.BlockSpec((HD,), rep1),
            pl.BlockSpec((HD, HD), rep),
            pl.BlockSpec((HD,), rep1),
            pl.BlockSpec((HD, HD), rep),
            pl.BlockSpec((HD,), rep1),
            pl.BlockSpec((2, HD, HD // 2), rep3),
            pl.BlockSpec((2, HD // 2), rep),
            pl.BlockSpec((2, HD // 2), rep),
            pl.BlockSpec(memory_space=pltpu.SMEM),
        ],
        out_specs=[
            pl.BlockSpec((BT6, 1), lambda t: (t, 0)),
            pl.BlockSpec((BT6, 2), lambda t: (t, 0)),
            pl.BlockSpec((BT6, HD), lambda t: (t, 0)),
        ],
        out_shape=[
            jax.ShapeDtypeStruct((B, 1), f32),
            jax.ShapeDtypeStruct((B, 2), f32),
            jax.ShapeDtypeStruct((B, HD), f32),
        ],
    )(confounders, retr_flat, treatment, W_s1, b_s1, W_s2, b_s2, W_s3, b_s3,
      W_h1, b_h1, W_h2[:, :, 0], b_h2[:, 0])

    return (outcome, scores, indices, cf2.reshape(B, 2, 1), shared)

# --- scband reference (transcript-rebuilt; emitter-appended) ---
"""Pipeline reference for scband-counterfactual-rag-78520592105862 (READ-ONLY COPY).

The authoritative reference and input builder live on the scoring server;
editing this copy changes nothing except your own understanding.
"""

import jax, jax.numpy as jnp
import numpy as np

B = 1024
CD = 64
TD = 2
OD = 1
ED = 128
K = 16
HD = 256
ND = 100000


def _normalize(x):
    return x / jnp.maximum(jnp.linalg.norm(x, axis=-1, keepdims=True), 1e-12)


def _lin(k, fi, fo):
    lim = 1.0 / np.sqrt(fi)
    kw, kb = jax.random.split(k)
    W = jax.random.uniform(kw, (fi, fo), minval=-lim, maxval=lim, dtype=jnp.float32)
    b = jax.random.uniform(kb, (fo,), minval=-lim, maxval=lim, dtype=jnp.float32)
    return W, b


def setup_inputs(seed: int = 0) -> dict:
    key = jax.random.key(seed)
    ks = jax.random.split(key, 16)
    confounders = jax.random.normal(ks[0], (B, CD), dtype=jnp.float32)
    tidx = jax.random.randint(ks[1], (B,), 0, TD)
    treatment = jax.nn.one_hot(tidx, TD, dtype=jnp.float32)
    patient = jnp.concatenate([confounders, treatment], axis=1)
    corpus_embeddings = jax.random.normal(ks[2], (ND, ED), dtype=jnp.float32)
    W_pe, b_pe = _lin(ks[3], CD + TD, ED)
    W_s1, b_s1 = _lin(ks[4], CD + ED * K, HD)
    W_s2, b_s2 = _lin(ks[5], HD, HD)
    W_s3, b_s3 = _lin(ks[6], HD, HD)
    Wh1, bh1, Wh2, bh2 = [], [], [], []
    for t in range(TD):
        w, b = _lin(ks[7 + t], HD, HD // 2)
        Wh1.append(w); bh1.append(b)
        w2, b2 = _lin(ks[9 + t], HD // 2, OD)
        Wh2.append(w2); bh2.append(b2)
    return {
        'confounders': confounders,
        'treatment': treatment,
        'patient': patient,
        'corpus_embeddings': corpus_embeddings,
        'W_pe': W_pe, 'b_pe': b_pe,
        'W_s1': W_s1, 'b_s1': b_s1,
        'W_s2': W_s2, 'b_s2': b_s2,
        'W_s3': W_s3, 'b_s3': b_s3,
        'W_h1': jnp.stack(Wh1), 'b_h1': jnp.stack(bh1),
        'W_h2': jnp.stack(Wh2), 'b_h2': jnp.stack(bh2),
    }


def reference(confounders, treatment, patient, corpus_embeddings,
              W_pe, b_pe, W_s1, b_s1, W_s2, b_s2, W_s3, b_s3,
              W_h1, b_h1, W_h2, b_h2):
    # retrieve_documents: encode patient, normalize, cosine sim, topk, gather
    patient_emb = _normalize(patient @ W_pe + b_pe)
    corpus_norm = _normalize(corpus_embeddings)
    similarity = patient_emb @ corpus_norm.T
    retrieval_scores, retrieval_indices = jax.lax.top_k(similarity, K)
    retrieved_embeddings = jnp.take(corpus_embeddings, retrieval_indices, axis=0)  # [B, K, ED]
    flattened_retrieval = retrieved_embeddings.reshape(retrieved_embeddings.shape[0], -1)
    shared_input = jnp.concatenate([confounders, flattened_retrieval], axis=1)
    h = jax.nn.relu(shared_input @ W_s1 + b_s1)
    h = jax.nn.relu(h @ W_s2 + b_s2)
    shared_representation = h @ W_s3 + b_s3
    # counterfactual predictions: run all treatment heads
    cf = []
    for t in range(TD):
        ht = jax.nn.relu(shared_representation @ W_h1[t] + b_h1[t])
        cf.append(ht @ W_h2[t] + b_h2[t])
    counterfactual_preds = jnp.stack(cf, axis=1)  # [B, TD, OD]
    # factual outcome: select head by argmax(treatment)
    treatment_idx = jnp.argmax(treatment, axis=1)
    outcome = jnp.take_along_axis(counterfactual_preds, treatment_idx[:, None, None], axis=1)[:, 0, :]
    return (outcome, retrieval_scores, retrieval_indices, counterfactual_preds, shared_representation)

if __name__ == "__main__":
    import jax
    _d = setup_inputs()
    print(jax.jit(kernel)(*tuple(_d.values())))

</pallas_src>

<mosaic_0001>
#map = affine_map<(d0, d1) -> (0, 0)>
#map1 = affine_map<(d0, d1) -> (0)>
module attributes {stable_mosaic.version = 14 : i64} {
  func.func @k(%arg0: i32, %arg1: i32, %arg2: memref<100352x128xf32, #tpu.memory_space<hbm>>, %arg3: memref<131072xi32, #tpu.memory_space<hbm>>, %arg4: memref<131072x128xf32, #tpu.memory_space<hbm>>, %arg5: memref<8x512xi32, #tpu.memory_space<vmem>>, %arg6: memref<512x128xf32, #tpu.memory_space<vmem>>, %arg7: memref<!tpu.dma_semaphore, #tpu.memory_space<semaphore_mem>>) attributes {dimension_semantics = [#tpu.dimension_semantics<core_parallel>, #tpu.dimension_semantics<subcore_parallel>], iteration_bounds = array<i64: 2, 16>, scalar_prefetch = 0 : i64, scratch_operands = 3 : i64, tpu.core_type = #tpu.core_type<sc_vector_subcore>, window_params = [{transform_indices = #map}, {transform_indices = #map1}, {transform_indices = #map}]} {
    %mul3A = arith.constant 2 : i32
    %mul3A_0 = arith.muli %arg1, %mul3A : i32
    %add3A = arith.addi %mul3A_0, %arg0 : i32
    %mul3A_1 = arith.constant 4096 : i32
    %mul3A_2 = arith.muli %add3A, %mul3A_1 : i32
    %add3A_3 = arith.constant 0 : i32
    %add3A_4 = arith.addi %mul3A_2, %add3A_3 : i32
    %run_scoped3A = arith.constant 0 : i32
    "tpu.region"() ({
      %run_scoped3A_152 = tpu.sem_alloc : memref<!tpu.dma_semaphore, #tpu.memory_space<semaphore_mem>>
      %dma_start3A_153 = arith.constant 0 : i32
      %dma_start3A_154 = tpu.memref_slice %arg5[%run_scoped3A, %dma_start3A_153] : memref<8x512xi32, #tpu.memory_space<vmem>> -> memref<1x512xi32, #tpu.memory_space<vmem>>
      %dma_start3A_155 = tpu.memref_squeeze %dma_start3A_154 : memref<1x512xi32, #tpu.memory_space<vmem>> -> memref<512xi32, #tpu.memory_space<vmem>>
      %dma_start3A_156 = tpu.memref_slice %arg3[%add3A_4] : memref<131072xi32, #tpu.memory_space<hbm>> -> memref<512xi32, #tpu.memory_space<hbm>>
      %dma_start3A_157 = arith.constant 0 : i32
      %dma_start3A_158 = tpu.memref_slice %arg5[%run_scoped3A, %dma_start3A_157] : memref<8x512xi32, #tpu.memory_space<vmem>> -> memref<1x512xi32, #tpu.memory_space<vmem>>
      %dma_start3A_159 = tpu.memref_squeeze %dma_start3A_158 : memref<1x512xi32, #tpu.memory_space<vmem>> -> memref<512xi32, #tpu.memory_space<vmem>>
      %dma_start3A_160 = tpu.memref_slice %arg3[%add3A_4] : memref<131072xi32, #tpu.memory_space<hbm>> -> memref<512xi32, #tpu.memory_space<hbm>>
      tpu.enqueue_dma source(%dma_start3A_160 : memref<512xi32, #tpu.memory_space<hbm>>) target(%dma_start3A_159 : memref<512xi32, #tpu.memory_space<vmem>>) target_semaphore(%run_scoped3A_152 : memref<!tpu.dma_semaphore, #tpu.memory_space<semaphore_mem>>)
      %dma_wait3A_161 = arith.constant 0 : i32
      %dma_wait3A_162 = tpu.memref_slice %arg5[%run_scoped3A, %dma_wait3A_161] : memref<8x512xi32, #tpu.memory_space<vmem>> -> memref<1x512xi32, #tpu.memory_space<vmem>>
      %dma_wait3A_163 = tpu.memref_squeeze %dma_wait3A_162 : memref<1x512xi32, #tpu.memory_space<vmem>> -> memref<512xi32, #tpu.memory_space<vmem>>
      %dma_wait3A_164 = tpu.memref_slice %arg3[%add3A_4] : memref<131072xi32, #tpu.memory_space<hbm>> -> memref<512xi32, #tpu.memory_space<hbm>>
      %dma_wait3A_165 = arith.constant 0 : i32
      %dma_wait3A_166 = tpu.memref_slice %arg5[%run_scoped3A, %dma_wait3A_165] : memref<8x512xi32, #tpu.memory_space<vmem>> -> memref<1x512xi32, #tpu.memory_space<vmem>>
      %dma_wait3A_167 = tpu.memref_squeeze %dma_wait3A_166 : memref<1x512xi32, #tpu.memory_space<vmem>> -> memref<512xi32, #tpu.memory_space<vmem>>
      %dma_wait3A_168 = tpu.memref_slice %arg3[%add3A_4] : memref<131072xi32, #tpu.memory_space<hbm>> -> memref<512xi32, #tpu.memory_space<hbm>>
      tpu.wait_dma2 semaphore(%run_scoped3A_152 : memref<!tpu.dma_semaphore, #tpu.memory_space<semaphore_mem>>) src(%dma_wait3A_168 : memref<512xi32, #tpu.memory_space<hbm>>) dst(%dma_wait3A_167 : memref<512xi32, #tpu.memory_space<vmem>>)
      tpu.yield
    }) : () -> ()
    %dma_start3A = arith.constant 0 : i32
    %dma_start3A_5 = arith.constant 0 : i32
    %dma_start3A_6 = tpu.memref_slice %arg5[%dma_start3A, %dma_start3A_5] : memref<8x512xi32, #tpu.memory_space<vmem>> -> memref<1x512xi32, #tpu.memory_space<vmem>>
    %dma_start3A_7 = tpu.memref_squeeze %dma_start3A_6 : memref<1x512xi32, #tpu.memory_space<vmem>> -> memref<512xi32, #tpu.memory_space<vmem>>
    %dma_start3A_8 = arith.constant 0 : i32
    %dma_start3A_9 = arith.constant 0 : i32
    %dma_start3A_10 = tpu.memref_slice %arg2[%dma_start3A_8, %dma_start3A_9] : memref<100352x128xf32, #tpu.memory_space<hbm>> -> memref<100352x128xf32, #tpu.memory_space<hbm>>
    tpu.enqueue_indirect_dma source(%dma_start3A_10 : memref<100352x128xf32, #tpu.memory_space<hbm>>) target(%arg6 : memref<512x128xf32, #tpu.memory_space<vmem>>) offsets(%dma_start3A_7 : memref<512xi32, #tpu.memory_space<vmem>>) semaphore(%arg7 : memref<!tpu.dma_semaphore, #tpu.memory_space<semaphore_mem>>)
    %dma_wait3A = arith.constant 0 : i32
    %dma_wait3A_11 = arith.constant 0 : i32
    %dma_wait3A_12 = tpu.memref_slice %arg5[%dma_wait3A, %dma_wait3A_11] : memref<8x512xi32, #tpu.memory_space<vmem>> -> memref<1x512xi32, #tpu.memory_space<vmem>>
    %dma_wait3A_13 = tpu.memref_squeeze %dma_wait3A_12 : memref<1x512xi32, #tpu.memory_space<vmem>> -> memref<512xi32, #tpu.memory_space<vmem>>
    %dma_wait3A_14 = arith.constant 0 : i32
    %dma_wait3A_15 = arith.constant 0 : i32
    %dma_wait3A_16 = tpu.memref_slice %arg2[%dma_wait3A_14, %dma_wait3A_15] : memref<100352x128xf32, #tpu.memory_space<hbm>> -> memref<100352x128xf32, #tpu.memory_space<hbm>>
    tpu.wait_indirect_dma semaphore(%arg7 : memref<!tpu.dma_semaphore, #tpu.memory_space<semaphore_mem>>) src(%dma_wait3A_16 : memref<100352x128xf32, #tpu.memory_space<hbm>>) dst(%arg6 : memref<512x128xf32, #tpu.memory_space<vmem>>)
    %add3A_17 = arith.constant 0 : i32
    %add3A_18 = arith.addi %mul3A_2, %add3A_17 : i32
    "tpu.region"() ({
      %run_scoped3A_152 = tpu.sem_alloc : memref<!tpu.dma_semaphore, #tpu.memory_space<semaphore_mem>>
      %dma_start3A_153 = arith.constant 0 : i32
      %dma_start3A_154 = tpu.memref_slice %arg4[%add3A_18, %dma_start3A_153] : memref<131072x128xf32, #tpu.memory_space<hbm>> -> memref<512x128xf32, #tpu.memory_space<hbm>>
      %dma_start3A_155 = arith.constant 0 : i32
      %dma_start3A_156 = tpu.memref_slice %arg4[%add3A_18, %dma_start3A_155] : memref<131072x128xf32, #tpu.memory_space<hbm>> -> memref<512x128xf32, #tpu.memory_space<hbm>>
      tpu.enqueue_dma source(%arg6 : memref<512x128xf32, #tpu.memory_space<vmem>>) target(%dma_start3A_156 : memref<512x128xf32, #tpu.memory_space<hbm>>) target_semaphore(%run_scoped3A_152 : memref<!tpu.dma_semaphore, #tpu.memory_space<semaphore_mem>>)
      %dma_wait3A_157 = arith.constant 0 : i32
      %dma_wait3A_158 = tpu.memref_slice %arg4[%add3A_18, %dma_wait3A_157] : memref<131072x128xf32, #tpu.memory_space<hbm>> -> memref<512x128xf32, #tpu.memory_space<hbm>>
      %dma_wait3A_159 = arith.constant 0 : i32
      %dma_wait3A_160 = tpu.memref_slice %arg4[%add3A_18, %dma_wait3A_159] : memref<131072x128xf32, #tpu.memory_space<hbm>> -> memref<512x128xf32, #tpu.memory_space<hbm>>
      tpu.wait_dma2 semaphore(%run_scoped3A_152 : memref<!tpu.dma_semaphore, #tpu.memory_space<semaphore_mem>>) src(%arg6 : memref<512x128xf32, #tpu.memory_space<vmem>>) dst(%dma_wait3A_160 : memref<512x128xf32, #tpu.memory_space<hbm>>)
      tpu.yield
    }) : () -> ()
    %add3A_19 = arith.constant 512 : i32
    %add3A_20 = arith.addi %mul3A_2, %add3A_19 : i32
    %run_scoped3A_21 = arith.constant 1 : i32
    "tpu.region"() ({
      %run_scoped3A_152 = tpu.sem_alloc : memref<!tpu.dma_semaphore, #tpu.memory_space<semaphore_mem>>
      %dma_start3A_153 = arith.constant 0 : i32
      %dma_start3A_154 = tpu.memref_slice %arg5[%run_scoped3A_21, %dma_start3A_153] : memref<8x512xi32, #tpu.memory_space<vmem>> -> memref<1x512xi32, #tpu.memory_space<vmem>>
      %dma_start3A_155 = tpu.memref_squeeze %dma_start3A_154 : memref<1x512xi32, #tpu.memory_space<vmem>> -> memref<512xi32, #tpu.memory_space<vmem>>
      %dma_start3A_156 = tpu.memref_slice %arg3[%add3A_20] : memref<131072xi32, #tpu.memory_space<hbm>> -> memref<512xi32, #tpu.memory_space<hbm>>
      %dma_start3A_157 = arith.constant 0 : i32
      %dma_start3A_158 = tpu.memref_slice %arg5[%run_scoped3A_21, %dma_start3A_157] : memref<8x512xi32, #tpu.memory_space<vmem>> -> memref<1x512xi32, #tpu.memory_space<vmem>>
      %dma_start3A_159 = tpu.memref_squeeze %dma_start3A_158 : memref<1x512xi32, #tpu.memory_space<vmem>> -> memref<512xi32, #tpu.memory_space<vmem>>
      %dma_start3A_160 = tpu.memref_slice %arg3[%add3A_20] : memref<131072xi32, #tpu.memory_space<hbm>> -> memref<512xi32, #tpu.memory_space<hbm>>
      tpu.enqueue_dma source(%dma_start3A_160 : memref<512xi32, #tpu.memory_space<hbm>>) target(%dma_start3A_159 : memref<512xi32, #tpu.memory_space<vmem>>) target_semaphore(%run_scoped3A_152 : memref<!tpu.dma_semaphore, #tpu.memory_space<semaphore_mem>>)
      %dma_wait3A_161 = arith.constant 0 : i32
      %dma_wait3A_162 = tpu.memref_slice %arg5[%run_scoped3A_21, %dma_wait3A_161] : memref<8x512xi32, #tpu.memory_space<vmem>> -> memref<1x512xi32, #tpu.memory_space<vmem>>
      %dma_wait3A_163 = tpu.memref_squeeze %dma_wait3A_162 : memref<1x512xi32, #tpu.memory_space<vmem>> -> memref<512xi32, #tpu.memory_space<vmem>>
      %dma_wait3A_164 = tpu.memref_slice %arg3[%add3A_20] : memref<131072xi32, #tpu.memory_space<hbm>> -> memref<512xi32, #tpu.memory_space<hbm>>
      %dma_wait3A_165 = arith.constant 0 : i32
      %dma_wait3A_166 = tpu.memref_slice %arg5[%run_scoped3A_21, %dma_wait3A_165] : memref<8x512xi32, #tpu.memory_space<vmem>> -> memref<1x512xi32, #tpu.memory_space<vmem>>
      %dma_wait3A_167 = tpu.memref_squeeze %dma_wait3A_166 : memref<1x512xi32, #tpu.memory_space<vmem>> -> memref<512xi32, #tpu.memory_space<vmem>>
      %dma_wait3A_168 = tpu.memref_slice %arg3[%add3A_20] : memref<131072xi32, #tpu.memory_space<hbm>> -> memref<512xi32, #tpu.memory_space<hbm>>
      tpu.wait_dma2 semaphore(%run_scoped3A_152 : memref<!tpu.dma_semaphore, #tpu.memory_space<semaphore_mem>>) src(%dma_wait3A_168 : memref<512xi32, #tpu.memory_space<hbm>>) dst(%dma_wait3A_167 : memref<512xi32, #tpu.memory_space<vmem>>)
      tpu.yield
    }) : () -> ()
    %dma_start3A_22 = arith.constant 1 : i32
    %dma_start3A_23 = arith.constant 0 : i32
    %dma_start3A_24 = tpu.memref_slice %arg5[%dma_start3A_22, %dma_start3A_23] : memref<8x512xi32, #tpu.memory_space<vmem>> -> memref<1x512xi32, #tpu.memory_space<vmem>>
    %dma_start3A_25 = tpu.memref_squeeze %dma_start3A_24 : memref<1x512xi32, #tpu.memory_space<vmem>> -> memref<512xi32, #tpu.memory_space<vmem>>
    %dma_start3A_26 = arith.constant 0 : i32
    %dma_start3A_27 = arith.constant 0 : i32
    %dma_start3A_28 = tpu.memref_slice %arg2[%dma_start3A_26, %dma_start3A_27] : memref<100352x128xf32, #tpu.memory_space<hbm>> -> memref<100352x128xf32, #tpu.memory_space<hbm>>
    tpu.enqueue_indirect_dma source(%dma_start3A_28 : memref<100352x128xf32, #tpu.memory_space<hbm>>) target(%arg6 : memref<512x128xf32, #tpu.memory_space<vmem>>) offsets(%dma_start3A_25 : memref<512xi32, #tpu.memory_space<vmem>>) semaphore(%arg7 : memref<!tpu.dma_semaphore, #tpu.memory_space<semaphore_mem>>)
    %dma_wait3A_29 = arith.constant 1 : i32
    %dma_wait3A_30 = arith.constant 0 : i32
    %dma_wait3A_31 = tpu.memref_slice %arg5[%dma_wait3A_29, %dma_wait3A_30] : memref<8x512xi32, #tpu.memory_space<vmem>> -> memref<1x512xi32, #tpu.memory_space<vmem>>
    %dma_wait3A_32 = tpu.memref_squeeze %dma_wait3A_31 : memref<1x512xi32, #tpu.memory_space<vmem>> -> memref<512xi32, #tpu.memory_space<vmem>>
    %dma_wait3A_33 = arith.constant 0 : i32
    %dma_wait3A_34 = arith.constant 0 : i32
    %dma_wait3A_35 = tpu.memref_slice %arg2[%dma_wait3A_33, %dma_wait3A_34] : memref<100352x128xf32, #tpu.memory_space<hbm>> -> memref<100352x128xf32, #tpu.memory_space<hbm>>
    tpu.wait_indirect_dma semaphore(%arg7 : memref<!tpu.dma_semaphore, #tpu.memory_space<semaphore_mem>>) src(%dma_wait3A_35 : memref<100352x128xf32, #tpu.memory_space<hbm>>) dst(%arg6 : memref<512x128xf32, #tpu.memory_space<vmem>>)
    %add3A_36 = arith.constant 512 : i32
    %add3A_37 = arith.addi %mul3A_2, %add3A_36 : i32
    "tpu.region"() ({
      %run_scoped3A_152 = tpu.sem_alloc : memref<!tpu.dma_semaphore, #tpu.memory_space<semaphore_mem>>
      %dma_start3A_153 = arith.constant 0 : i32
      %dma_start3A_154 = tpu.memref_slice %arg4[%add3A_37, %dma_start3A_153] : memref<131072x128xf32, #tpu.memory_space<hbm>> -> memref<512x128xf32, #tpu.memory_space<hbm>>
      %dma_start3A_155 = arith.constant 0 : i32
      %dma_start3A_156 = tpu.memref_slice %arg4[%add3A_37, %dma_start3A_155] : memref<131072x128xf32, #tpu.memory_space<hbm>> -> memref<512x128xf32, #tpu.memory_space<hbm>>
      tpu.enqueue_dma source(%arg6 : memref<512x128xf32, #tpu.memory_space<vmem>>) target(%dma_start3A_156 : memref<512x128xf32, #tpu.memory_space<hbm>>) target_semaphore(%run_scoped3A_152 : memref<!tpu.dma_semaphore, #tpu.memory_space<semaphore_mem>>)
      %dma_wait3A_157 = arith.constant 0 : i32
      %dma_wait3A_158 = tpu.memref_slice %arg4[%add3A_37, %dma_wait3A_157] : memref<131072x128xf32, #tpu.memory_space<hbm>> -> memref<512x128xf32, #tpu.memory_space<hbm>>
      %dma_wait3A_159 = arith.constant 0 : i32
      %dma_wait3A_160 = tpu.memref_slice %arg4[%add3A_37, %dma_wait3A_159] : memref<131072x128xf32, #tpu.memory_space<hbm>> -> memref<512x128xf32, #tpu.memory_space<hbm>>
      tpu.wait_dma2 semaphore(%run_scoped3A_152 : memref<!tpu.dma_semaphore, #tpu.memory_space<semaphore_mem>>) src(%arg6 : memref<512x128xf32, #tpu.memory_space<vmem>>) dst(%dma_wait3A_160 : memref<512x128xf32, #tpu.memory_space<hbm>>)
      tpu.yield
    }) : () -> ()
    %add3A_38 = arith.constant 1024 : i32
    %add3A_39 = arith.addi %mul3A_2, %add3A_38 : i32
    %run_scoped3A_40 = arith.constant 2 : i32
    "tpu.region"() ({
      %run_scoped3A_152 = tpu.sem_alloc : memref<!tpu.dma_semaphore, #tpu.memory_space<semaphore_mem>>
      %dma_start3A_153 = arith.constant 0 : i32
      %dma_start3A_154 = tpu.memref_slice %arg5[%run_scoped3A_40, %dma_start3A_153] : memref<8x512xi32, #tpu.memory_space<vmem>> -> memref<1x512xi32, #tpu.memory_space<vmem>>
      %dma_start3A_155 = tpu.memref_squeeze %dma_start3A_154 : memref<1x512xi32, #tpu.memory_space<vmem>> -> memref<512xi32, #tpu.memory_space<vmem>>
      %dma_start3A_156 = tpu.memref_slice %arg3[%add3A_39] : memref<131072xi32, #tpu.memory_space<hbm>> -> memref<512xi32, #tpu.memory_space<hbm>>
      %dma_start3A_157 = arith.constant 0 : i32
      %dma_start3A_158 = tpu.memref_slice %arg5[%run_scoped3A_40, %dma_start3A_157] : memref<8x512xi32, #tpu.memory_space<vmem>> -> memref<1x512xi32, #tpu.memory_space<vmem>>
      %dma_start3A_159 = tpu.memref_squeeze %dma_start3A_158 : memref<1x512xi32, #tpu.memory_space<vmem>> -> memref<512xi32, #tpu.memory_space<vmem>>
      %dma_start3A_160 = tpu.memref_slice %arg3[%add3A_39] : memref<131072xi32, #tpu.memory_space<hbm>> -> memref<512xi32, #tpu.memory_space<hbm>>
      tpu.enqueue_dma source(%dma_start3A_160 : memref<512xi32, #tpu.memory_space<hbm>>) target(%dma_start3A_159 : memref<512xi32, #tpu.memory_space<vmem>>) target_semaphore(%run_scoped3A_152 : memref<!tpu.dma_semaphore, #tpu.memory_space<semaphore_mem>>)
      %dma_wait3A_161 = arith.constant 0 : i32
      %dma_wait3A_162 = tpu.memref_slice %arg5[%run_scoped3A_40, %dma_wait3A_161] : memref<8x512xi32, #tpu.memory_space<vmem>> -> memref<1x512xi32, #tpu.memory_space<vmem>>
      %dma_wait3A_163 = tpu.memref_squeeze %dma_wait3A_162 : memref<1x512xi32, #tpu.memory_space<vmem>> -> memref<512xi32, #tpu.memory_space<vmem>>
      %dma_wait3A_164 = tpu.memref_slice %arg3[%add3A_39] : memref<131072xi32, #tpu.memory_space<hbm>> -> memref<512xi32, #tpu.memory_space<hbm>>
      %dma_wait3A_165 = arith.constant 0 : i32
      %dma_wait3A_166 = tpu.memref_slice %arg5[%run_scoped3A_40, %dma_wait3A_165] : memref<8x512xi32, #tpu.memory_space<vmem>> -> memref<1x512xi32, #tpu.memory_space<vmem>>
      %dma_wait3A_167 = tpu.memref_squeeze %dma_wait3A_166 : memref<1x512xi32, #tpu.memory_space<vmem>> -> memref<512xi32, #tpu.memory_space<vmem>>
      %dma_wait3A_168 = tpu.memref_slice %arg3[%add3A_39] : memref<131072xi32, #tpu.memory_space<hbm>> -> memref<512xi32, #tpu.memory_space<hbm>>
      tpu.wait_dma2 semaphore(%run_scoped3A_152 : memref<!tpu.dma_semaphore, #tpu.memory_space<semaphore_mem>>) src(%dma_wait3A_168 : memref<512xi32, #tpu.memory_space<hbm>>) dst(%dma_wait3A_167 : memref<512xi32, #tpu.memory_space<vmem>>)
      tpu.yield
    }) : () -> ()
    %dma_start3A_41 = arith.constant 2 : i32
    %dma_start3A_42 = arith.constant 0 : i32
    %dma_start3A_43 = tpu.memref_slice %arg5[%dma_start3A_41, %dma_start3A_42] : memref<8x512xi32, #tpu.memory_space<vmem>> -> memref<1x512xi32, #tpu.memory_space<vmem>>
    %dma_start3A_44 = tpu.memref_squeeze %dma_start3A_43 : memref<1x512xi32, #tpu.memory_space<vmem>> -> memref<512xi32, #tpu.memory_space<vmem>>
    %dma_start3A_45 = arith.constant 0 : i32
    %dma_start3A_46 = arith.constant 0 : i32
    %dma_start3A_47 = tpu.memref_slice %arg2[%dma_start3A_45, %dma_start3A_46] : memref<100352x128xf32, #tpu.memory_space<hbm>> -> memref<100352x128xf32, #tpu.memory_space<hbm>>
    tpu.enqueue_indirect_dma source(%dma_start3A_47 : memref<100352x128xf32, #tpu.memory_space<hbm>>) target(%arg6 : memref<512x128xf32, #tpu.memory_space<vmem>>) offsets(%dma_start3A_44 : memref<512xi32, #tpu.memory_space<vmem>>) semaphore(%arg7 : memref<!tpu.dma_semaphore, #tpu.memory_space<semaphore_mem>>)
    %dma_wait3A_48 = arith.constant 2 : i32
    %dma_wait3A_49 = arith.constant 0 : i32
    %dma_wait3A_50 = tpu.memref_slice %arg5[%dma_wait3A_48, %dma_wait3A_49] : memref<8x512xi32, #tpu.memory_space<vmem>> -> memref<1x512xi32, #tpu.memory_space<vmem>>
    %dma_wait3A_51 = tpu.memref_squeeze %dma_wait3A_50 : memref<1x512xi32, #tpu.memory_space<vmem>> -> memref<512xi32, #tpu.memory_space<vmem>>
    %dma_wait3A_52 = arith.constant 0 : i32
    %dma_wait3A_53 = arith.constant 0 : i32
    %dma_wait3A_54 = tpu.memref_slice %arg2[%dma_wait3A_52, %dma_wait3A_53] : memref<100352x128xf32, #tpu.memory_space<hbm>> -> memref<100352x128xf32, #tpu.memory_space<hbm>>
    tpu.wait_indirect_dma semaphore(%arg7 : memref<!tpu.dma_semaphore, #tpu.memory_space<semaphore_mem>>) src(%dma_wait3A_54 : memref<100352x128xf32, #tpu.memory_space<hbm>>) dst(%arg6 : memref<512x128xf32, #tpu.memory_space<vmem>>)
    %add3A_55 = arith.constant 1024 : i32
    %add3A_56 = arith.addi %mul3A_2, %add3A_55 : i32
    "tpu.region"() ({
      %run_scoped3A_152 = tpu.sem_alloc : memref<!tpu.dma_semaphore, #tpu.memory_space<semaphore_mem>>
      %dma_start3A_153 = arith.constant 0 : i32
      %dma_start3A_154 = tpu.memref_slice %arg4[%add3A_56, %dma_start3A_153] : memref<131072x128xf32, #tpu.memory_space<hbm>> -> memref<512x128xf32, #tpu.memory_space<hbm>>
      %dma_start3A_155 = arith.constant 0 : i32
      %dma_start3A_156 = tpu.memref_slice %arg4[%add3A_56, %dma_start3A_155] : memref<131072x128xf32, #tpu.memory_space<hbm>> -> memref<512x128xf32, #tpu.memory_space<hbm>>
      tpu.enqueue_dma source(%arg6 : memref<512x128xf32, #tpu.memory_space<vmem>>) target(%dma_start3A_156 : memref<512x128xf32, #tpu.memory_space<hbm>>) target_semaphore(%run_scoped3A_152 : memref<!tpu.dma_semaphore, #tpu.memory_space<semaphore_mem>>)
      %dma_wait3A_157 = arith.constant 0 : i32
      %dma_wait3A_158 = tpu.memref_slice %arg4[%add3A_56, %dma_wait3A_157] : memref<131072x128xf32, #tpu.memory_space<hbm>> -> memref<512x128xf32, #tpu.memory_space<hbm>>
      %dma_wait3A_159 = arith.constant 0 : i32
      %dma_wait3A_160 = tpu.memref_slice %arg4[%add3A_56, %dma_wait3A_159] : memref<131072x128xf32, #tpu.memory_space<hbm>> -> memref<512x128xf32, #tpu.memory_space<hbm>>
      tpu.wait_dma2 semaphore(%run_scoped3A_152 : memref<!tpu.dma_semaphore, #tpu.memory_space<semaphore_mem>>) src(%arg6 : memref<512x128xf32, #tpu.memory_space<vmem>>) dst(%dma_wait3A_160 : memref<512x128xf32, #tpu.memory_space<hbm>>)
      tpu.yield
    }) : () -> ()
    %add3A_57 = arith.constant 1536 : i32
    %add3A_58 = arith.addi %mul3A_2, %add3A_57 : i32
    %run_scoped3A_59 = arith.constant 3 : i32
    "tpu.region"() ({
      %run_scoped3A_152 = tpu.sem_alloc : memref<!tpu.dma_semaphore, #tpu.memory_space<semaphore_mem>>
      %dma_start3A_153 = arith.constant 0 : i32
      %dma_start3A_154 = tpu.memref_slice %arg5[%run_scoped3A_59, %dma_start3A_153] : memref<8x512xi32, #tpu.memory_space<vmem>> -> memref<1x512xi32, #tpu.memory_space<vmem>>
      %dma_start3A_155 = tpu.memref_squeeze %dma_start3A_154 : memref<1x512xi32, #tpu.memory_space<vmem>> -> memref<512xi32, #tpu.memory_space<vmem>>
      %dma_start3A_156 = tpu.memref_slice %arg3[%add3A_58] : memref<131072xi32, #tpu.memory_space<hbm>> -> memref<512xi32, #tpu.memory_space<hbm>>
      %dma_start3A_157 = arith.constant 0 : i32
      %dma_start3A_158 = tpu.memref_slice %arg5[%run_scoped3A_59, %dma_start3A_157] : memref<8x512xi32, #tpu.memory_space<vmem>> -> memref<1x512xi32, #tpu.memory_space<vmem>>
      %dma_start3A_159 = tpu.memref_squeeze %dma_start3A_158 : memref<1x512xi32, #tpu.memory_space<vmem>> -> memref<512xi32, #tpu.memory_space<vmem>>
      %dma_start3A_160 = tpu.memref_slice %arg3[%add3A_58] : memref<131072xi32, #tpu.memory_space<hbm>> -> memref<512xi32, #tpu.memory_space<hbm>>
      tpu.enqueue_dma source(%dma_start3A_160 : memref<512xi32, #tpu.memory_space<hbm>>) target(%dma_start3A_159 : memref<512xi32, #tpu.memory_space<vmem>>) target_semaphore(%run_scoped3A_152 : memref<!tpu.dma_semaphore, #tpu.memory_space<semaphore_mem>>)
      %dma_wait3A_161 = arith.constant 0 : i32
      %dma_wait3A_162 = tpu.memref_slice %arg5[%run_scoped3A_59, %dma_wait3A_161] : memref<8x512xi32, #tpu.memory_space<vmem>> -> memref<1x512xi32, #tpu.memory_space<vmem>>
      %dma_wait3A_163 = tpu.memref_squeeze %dma_wait3A_162 : memref<1x512xi32, #tpu.memory_space<vmem>> -> memref<512xi32, #tpu.memory_space<vmem>>
      %dma_wait3A_164 = tpu.memref_slice %arg3[%add3A_58] : memref<131072xi32, #tpu.memory_space<hbm>> -> memref<512xi32, #tpu.memory_space<hbm>>
      %dma_wait3A_165 = arith.constant 0 : i32
      %dma_wait3A_166 = tpu.memref_slice %arg5[%run_scoped3A_59, %dma_wait3A_165] : memref<8x512xi32, #tpu.memory_space<vmem>> -> memref<1x512xi32, #tpu.memory_space<vmem>>
      %dma_wait3A_167 = tpu.memref_squeeze %dma_wait3A_166 : memref<1x512xi32, #tpu.memory_space<vmem>> -> memref<512xi32, #tpu.memory_space<vmem>>
      %dma_wait3A_168 = tpu.memref_slice %arg3[%add3A_58] : memref<131072xi32, #tpu.memory_space<hbm>> -> memref<512xi32, #tpu.memory_space<hbm>>
      tpu.wait_dma2 semaphore(%run_scoped3A_152 : memref<!tpu.dma_semaphore, #tpu.memory_space<semaphore_mem>>) src(%dma_wait3A_168 : memref<512xi32, #tpu.memory_space<hbm>>) dst(%dma_wait3A_167 : memref<512xi32, #tpu.memory_space<vmem>>)
      tpu.yield
    }) : () -> ()
    %dma_start3A_60 = arith.constant 3 : i32
    %dma_start3A_61 = arith.constant 0 : i32
    %dma_start3A_62 = tpu.memref_slice %arg5[%dma_start3A_60, %dma_start3A_61] : memref<8x512xi32, #tpu.memory_space<vmem>> -> memref<1x512xi32, #tpu.memory_space<vmem>>
    %dma_start3A_63 = tpu.memref_squeeze %dma_start3A_62 : memref<1x512xi32, #tpu.memory_space<vmem>> -> memref<512xi32, #tpu.memory_space<vmem>>
    %dma_start3A_64 = arith.constant 0 : i32
    %dma_start3A_65 = arith.constant 0 : i32
    %dma_start3A_66 = tpu.memref_slice %arg2[%dma_start3A_64, %dma_start3A_65] : memref<100352x128xf32, #tpu.memory_space<hbm>> -> memref<100352x128xf32, #tpu.memory_space<hbm>>
    tpu.enqueue_indirect_dma source(%dma_start3A_66 : memref<100352x128xf32, #tpu.memory_space<hbm>>) target(%arg6 : memref<512x128xf32, #tpu.memory_space<vmem>>) offsets(%dma_start3A_63 : memref<512xi32, #tpu.memory_space<vmem>>) semaphore(%arg7 : memref<!tpu.dma_semaphore, #tpu.memory_space<semaphore_mem>>)
    %dma_wait3A_67 = arith.constant 3 : i32
    %dma_wait3A_68 = arith.constant 0 : i32
    %dma_wait3A_69 = tpu.memref_slice %arg5[%dma_wait3A_67, %dma_wait3A_68] : memref<8x512xi32, #tpu.memory_space<vmem>> -> memref<1x512xi32, #tpu.memory_space<vmem>>
    %dma_wait3A_70 = tpu.memref_squeeze %dma_wait3A_69 : memref<1x512xi32, #tpu.memory_space<vmem>> -> memref<512xi32, #tpu.memory_space<vmem>>
    %dma_wait3A_71 = arith.constant 0 : i32
    %dma_wait3A_72 = arith.constant 0 : i32
    %dma_wait3A_73 = tpu.memref_slice %arg2[%dma_wait3A_71, %dma_wait3A_72] : memref<100352x128xf32, #tpu.memory_space<hbm>> -> memref<100352x128xf32, #tpu.memory_space<hbm>>
    tpu.wait_indirect_dma semaphore(%arg7 : memref<!tpu.dma_semaphore, #tpu.memory_space<semaphore_mem>>) src(%dma_wait3A_73 : memref<100352x128xf32, #tpu.memory_space<hbm>>) dst(%arg6 : memref<512x128xf32, #tpu.memory_space<vmem>>)
    %add3A_74 = arith.constant 1536 : i32
    %add3A_75 = arith.addi %mul3A_2, %add3A_74 : i32
    "tpu.region"() ({
      %run_scoped3A_152 = tpu.sem_alloc : memref<!tpu.dma_semaphore, #tpu.memory_space<semaphore_mem>>
      %dma_start3A_153 = arith.constant 0 : i32
      %dma_start3A_154 = tpu.memref_slice %arg4[%add3A_75, %dma_start3A_153] : memref<131072x128xf32, #tpu.memory_space<hbm>> -> memref<512x128xf32, #tpu.memory_space<hbm>>
      %dma_start3A_155 = arith.constant 0 : i32
      %dma_start3A_156 = tpu.memref_slice %arg4[%add3A_75, %dma_start3A_155] : memref<131072x128xf32, #tpu.memory_space<hbm>> -> memref<512x128xf32, #tpu.memory_space<hbm>>
      tpu.enqueue_dma source(%arg6 : memref<512x128xf32, #tpu.memory_space<vmem>>) target(%dma_start3A_156 : memref<512x128xf32, #tpu.memory_space<hbm>>) target_semaphore(%run_scoped3A_152 : memref<!tpu.dma_semaphore, #tpu.memory_space<semaphore_mem>>)
      %dma_wait3A_157 = arith.constant 0 : i32
      %dma_wait3A_158 = tpu.memref_slice %arg4[%add3A_75, %dma_wait3A_157] : memref<131072x128xf32, #tpu.memory_space<hbm>> -> memref<512x128xf32, #tpu.memory_space<hbm>>
      %dma_wait3A_159 = arith.constant 0 : i32
      %dma_wait3A_160 = tpu.memref_slice %arg4[%add3A_75, %dma_wait3A_159] : memref<131072x128xf32, #tpu.memory_space<hbm>> -> memref<512x128xf32, #tpu.memory_space<hbm>>
      tpu.wait_dma2 semaphore(%run_scoped3A_152 : memref<!tpu.dma_semaphore, #tpu.memory_space<semaphore_mem>>) src(%arg6 : memref<512x128xf32, #tpu.memory_space<vmem>>) dst(%dma_wait3A_160 : memref<512x128xf32, #tpu.memory_space<hbm>>)
      tpu.yield
    }) : () -> ()
    %add3A_76 = arith.constant 2048 : i32
    %add3A_77 = arith.addi %mul3A_2, %add3A_76 : i32
    %run_scoped3A_78 = arith.constant 4 : i32
    "tpu.region"() ({
      %run_scoped3A_152 = tpu.sem_alloc : memref<!tpu.dma_semaphore, #tpu.memory_space<semaphore_mem>>
      %dma_start3A_153 = arith.constant 0 : i32
      %dma_start3A_154 = tpu.memref_slice %arg5[%run_scoped3A_78, %dma_start3A_153] : memref<8x512xi32, #tpu.memory_space<vmem>> -> memref<1x512xi32, #tpu.memory_space<vmem>>
      %dma_start3A_155 = tpu.memref_squeeze %dma_start3A_154 : memref<1x512xi32, #tpu.memory_space<vmem>> -> memref<512xi32, #tpu.memory_space<vmem>>
      %dma_start3A_156 = tpu.memref_slice %arg3[%add3A_77] : memref<131072xi32, #tpu.memory_space<hbm>> -> memref<512xi32, #tpu.memory_space<hbm>>
      %dma_start3A_157 = arith.constant 0 : i32
      %dma_start3A_158 = tpu.memref_slice %arg5[%run_scoped3A_78, %dma_start3A_157] : memref<8x512xi32, #tpu.memory_space<vmem>> -> memref<1x512xi32, #tpu.memory_space<vmem>>
      %dma_start3A_159 = tpu.memref_squeeze %dma_start3A_158 : memref<1x512xi32, #tpu.memory_space<vmem>> -> memref<512xi32, #tpu.memory_space<vmem>>
      %dma_start3A_160 = tpu.memref_slice %arg3[%add3A_77] : memref<131072xi32, #tpu.memory_space<hbm>> -> memref<512xi32, #tpu.memory_space<hbm>>
      tpu.enqueue_dma source(%dma_start3A_160 : memref<512xi32, #tpu.memory_space<hbm>>) target(%dma_start3A_159 : memref<512xi32, #tpu.memory_space<vmem>>) target_semaphore(%run_scoped3A_152 : memref<!tpu.dma_semaphore, #tpu.memory_space<semaphore_mem>>)
      %dma_wait3A_161 = arith.constant 0 : i32
      %dma_wait3A_162 = tpu.memref_slice %arg5[%run_scoped3A_78, %dma_wait3A_161] : memref<8x512xi32, #tpu.memory_space<vmem>> -> memref<1x512xi32, #tpu.memory_space<vmem>>
      %dma_wait3A_163 = tpu.memref_squeeze %dma_wait3A_162 : memref<1x512xi32, #tpu.memory_space<vmem>> -> memref<512xi32, #tpu.memory_space<vmem>>
      %dma_wait3A_164 = tpu.memref_slice %arg3[%add3A_77] : memref<131072xi32, #tpu.memory_space<hbm>> -> memref<512xi32, #tpu.memory_space<hbm>>
      %dma_wait3A_165 = arith.constant 0 : i32
      %dma_wait3A_166 = tpu.memref_slice %arg5[%run_scoped3A_78, %dma_wait3A_165] : memref<8x512xi32, #tpu.memory_space<vmem>> -> memref<1x512xi32, #tpu.memory_space<vmem>>
      %dma_wait3A_167 = tpu.memref_squeeze %dma_wait3A_166 : memref<1x512xi32, #tpu.memory_space<vmem>> -> memref<512xi32, #tpu.memory_space<vmem>>
      %dma_wait3A_168 = tpu.memref_slice %arg3[%add3A_77] : memref<131072xi32, #tpu.memory_space<hbm>> -> memref<512xi32, #tpu.memory_space<hbm>>
      tpu.wait_dma2 semaphore(%run_scoped3A_152 : memref<!tpu.dma_semaphore, #tpu.memory_space<semaphore_mem>>) src(%dma_wait3A_168 : memref<512xi32, #tpu.memory_space<hbm>>) dst(%dma_wait3A_167 : memref<512xi32, #tpu.memory_space<vmem>>)
      tpu.yield
    }) : () -> ()
    %dma_start3A_79 = arith.constant 4 : i32
    %dma_start3A_80 = arith.constant 0 : i32
    %dma_start3A_81 = tpu.memref_slice %arg5[%dma_start3A_79, %dma_start3A_80] : memref<8x512xi32, #tpu.memory_space<vmem>> -> memref<1x512xi32, #tpu.memory_space<vmem>>
    %dma_start3A_82 = tpu.memref_squeeze %dma_start3A_81 : memref<1x512xi32, #tpu.memory_space<vmem>> -> memref<512xi32, #tpu.memory_space<vmem>>
    %dma_start3A_83 = arith.constant 0 : i32
    %dma_start3A_84 = arith.constant 0 : i32
    %dma_start3A_85 = tpu.memref_slice %arg2[%dma_start3A_83, %dma_start3A_84] : memref<100352x128xf32, #tpu.memory_space<hbm>> -> memref<100352x128xf32, #tpu.memory_space<hbm>>
    tpu.enqueue_indirect_dma source(%dma_start3A_85 : memref<100352x128xf32, #tpu.memory_space<hbm>>) target(%arg6 : memref<512x128xf32, #tpu.memory_space<vmem>>) offsets(%dma_start3A_82 : memref<512xi32, #tpu.memory_space<vmem>>) semaphore(%arg7 : memref<!tpu.dma_semaphore, #tpu.memory_space<semaphore_mem>>)
    %dma_wait3A_86 = arith.constant 4 : i32
    %dma_wait3A_87 = arith.constant 0 : i32
    %dma_wait3A_88 = tpu.memref_slice %arg5[%dma_wait3A_86, %dma_wait3A_87] : memref<8x512xi32, #tpu.memory_space<vmem>> -> memref<1x512xi32, #tpu.memory_space<vmem>>
    %dma_wait3A_89 = tpu.memref_squeeze %dma_wait3A_88 : memref<1x512xi32, #tpu.memory_space<vmem>> -> memref<512xi32, #tpu.memory_space<vmem>>
    %dma_wait3A_90 = arith.constant 0 : i32
    %dma_wait3A_91 = arith.constant 0 : i32
    %dma_wait3A_92 = tpu.memref_slice %arg2[%dma_wait3A_90, %dma_wait3A_91] : memref<100352x128xf32, #tpu.memory_space<hbm>> -> memref<100352x128xf32, #tpu.memory_space<hbm>>
    tpu.wait_indirect_dma semaphore(%arg7 : memref<!tpu.dma_semaphore, #tpu.memory_space<semaphore_mem>>) src(%dma_wait3A_92 : memref<100352x128xf32, #tpu.memory_space<hbm>>) dst(%arg6 : memref<512x128xf32, #tpu.memory_space<vmem>>)
    %add3A_93 = arith.constant 2048 : i32
    %add3A_94 = arith.addi %mul3A_2, %add3A_93 : i32
    "tpu.region"() ({
      %run_scoped3A_152 = tpu.sem_alloc : memref<!tpu.dma_semaphore, #tpu.memory_space<semaphore_mem>>
      %dma_start3A_153 = arith.constant 0 : i32
      %dma_start3A_154 = tpu.memref_slice %arg4[%add3A_94, %dma_start3A_153] : memref<131072x128xf32, #tpu.memory_space<hbm>> -> memref<512x128xf32, #tpu.memory_space<hbm>>
      %dma_start3A_155 = arith.constant 0 : i32
      %dma_start3A_156 = tpu.memref_slice %arg4[%add3A_94, %dma_start3A_155] : memref<131072x128xf32, #tpu.memory_space<hbm>> -> memref<512x128xf32, #tpu.memory_space<hbm>>
      tpu.enqueue_dma source(%arg6 : memref<512x128xf32, #tpu.memory_space<vmem>>) target(%dma_start3A_156 : memref<512x128xf32, #tpu.memory_space<hbm>>) target_semaphore(%run_scoped3A_152 : memref<!tpu.dma_semaphore, #tpu.memory_space<semaphore_mem>>)
      %dma_wait3A_157 = arith.constant 0 : i32
      %dma_wait3A_158 = tpu.memref_slice %arg4[%add3A_94, %dma_wait3A_157] : memref<131072x128xf32, #tpu.memory_space<hbm>> -> memref<512x128xf32, #tpu.memory_space<hbm>>
      %dma_wait3A_159 = arith.constant 0 : i32
      %dma_wait3A_160 = tpu.memref_slice %arg4[%add3A_94, %dma_wait3A_159] : memref<131072x128xf32, #tpu.memory_space<hbm>> -> memref<512x128xf32, #tpu.memory_space<hbm>>
      tpu.wait_dma2 semaphore(%run_scoped3A_152 : memref<!tpu.dma_semaphore, #tpu.memory_space<semaphore_mem>>) src(%arg6 : memref<512x128xf32, #tpu.memory_space<vmem>>) dst(%dma_wait3A_160 : memref<512x128xf32, #tpu.memory_space<hbm>>)
      tpu.yield
    }) : () -> ()
    %add3A_95 = arith.constant 2560 : i32
    %add3A_96 = arith.addi %mul3A_2, %add3A_95 : i32
    %run_scoped3A_97 = arith.constant 5 : i32
    "tpu.region"() ({
      %run_scoped3A_152 = tpu.sem_alloc : memref<!tpu.dma_semaphore, #tpu.memory_space<semaphore_mem>>
      %dma_start3A_153 = arith.constant 0 : i32
      %dma_start3A_154 = tpu.memref_slice %arg5[%run_scoped3A_97, %dma_start3A_153] : memref<8x512xi32, #tpu.memory_space<vmem>> -> memref<1x512xi32, #tpu.memory_space<vmem>>
      %dma_start3A_155 = tpu.memref_squeeze %dma_start3A_154 : memref<1x512xi32, #tpu.memory_space<vmem>> -> memref<512xi32, #tpu.memory_space<vmem>>
      %dma_start3A_156 = tpu.memref_slice %arg3[%add3A_96] : memref<131072xi32, #tpu.memory_space<hbm>> -> memref<512xi32, #tpu.memory_space<hbm>>
      %dma_start3A_157 = arith.constant 0 : i32
      %dma_start3A_158 = tpu.memref_slice %arg5[%run_scoped3A_97, %dma_start3A_157] : memref<8x512xi32, #tpu.memory_space<vmem>> -> memref<1x512xi32, #tpu.memory_space<vmem>>
      %dma_start3A_159 = tpu.memref_squeeze %dma_start3A_158 : memref<1x512xi32, #tpu.memory_space<vmem>> -> memref<512xi32, #tpu.memory_space<vmem>>
      %dma_start3A_160 = tpu.memref_slice %arg3[%add3A_96] : memref<131072xi32, #tpu.memory_space<hbm>> -> memref<512xi32, #tpu.memory_space<hbm>>
      tpu.enqueue_dma source(%dma_start3A_160 : memref<512xi32, #tpu.memory_space<hbm>>) target(%dma_start3A_159 : memref<512xi32, #tpu.memory_space<vmem>>) target_semaphore(%run_scoped3A_152 : memref<!tpu.dma_semaphore, #tpu.memory_space<semaphore_mem>>)
      %dma_wait3A_161 = arith.constant 0 : i32
      %dma_wait3A_162 = tpu.memref_slice %arg5[%run_scoped3A_97, %dma_wait3A_161] : memref<8x512xi32, #tpu.memory_space<vmem>> -> memref<1x512xi32, #tpu.memory_space<vmem>>
      %dma_wait3A_163 = tpu.memref_squeeze %dma_wait3A_162 : memref<1x512xi32, #tpu.memory_space<vmem>> -> memref<512xi32, #tpu.memory_space<vmem>>
      %dma_wait3A_164 = tpu.memref_slice %arg3[%add3A_96] : memref<131072xi32, #tpu.memory_space<hbm>> -> memref<512xi32, #tpu.memory_space<hbm>>
      %dma_wait3A_165 = arith.constant 0 : i32
      %dma_wait3A_166 = tpu.memref_slice %arg5[%run_scoped3A_97, %dma_wait3A_165] : memref<8x512xi32, #tpu.memory_space<vmem>> -> memref<1x512xi32, #tpu.memory_space<vmem>>
      %dma_wait3A_167 = tpu.memref_squeeze %dma_wait3A_166 : memref<1x512xi32, #tpu.memory_space<vmem>> -> memref<512xi32, #tpu.memory_space<vmem>>
      %dma_wait3A_168 = tpu.memref_slice %arg3[%add3A_96] : memref<131072xi32, #tpu.memory_space<hbm>> -> memref<512xi32, #tpu.memory_space<hbm>>
      tpu.wait_dma2 semaphore(%run_scoped3A_152 : memref<!tpu.dma_semaphore, #tpu.memory_space<semaphore_mem>>) src(%dma_wait3A_168 : memref<512xi32, #tpu.memory_space<hbm>>) dst(%dma_wait3A_167 : memref<512xi32, #tpu.memory_space<vmem>>)
      tpu.yield
    }) : () -> ()
    %dma_start3A_98 = arith.constant 5 : i32
    %dma_start3A_99 = arith.constant 0 : i32
    %dma_start3A_100 = tpu.memref_slice %arg5[%dma_start3A_98, %dma_start3A_99] : memref<8x512xi32, #tpu.memory_space<vmem>> -> memref<1x512xi32, #tpu.memory_space<vmem>>
    %dma_start3A_101 = tpu.memref_squeeze %dma_start3A_100 : memref<1x512xi32, #tpu.memory_space<vmem>> -> memref<512xi32, #tpu.memory_space<vmem>>
    %dma_start3A_102 = arith.constant 0 : i32
    %dma_start3A_103 = arith.constant 0 : i32
    %dma_start3A_104 = tpu.memref_slice %arg2[%dma_start3A_102, %dma_start3A_103] : memref<100352x128xf32, #tpu.memory_space<hbm>> -> memref<100352x128xf32, #tpu.memory_space<hbm>>
    tpu.enqueue_indirect_dma source(%dma_start3A_104 : memref<100352x128xf32, #tpu.memory_space<hbm>>) target(%arg6 : memref<512x128xf32, #tpu.memory_space<vmem>>) offsets(%dma_start3A_101 : memref<512xi32, #tpu.memory_space<vmem>>) semaphore(%arg7 : memref<!tpu.dma_semaphore, #tpu.memory_space<semaphore_mem>>)
    %dma_wait3A_105 = arith.constant 5 : i32
    %dma_wait3A_106 = arith.constant 0 : i32
    %dma_wait3A_107 = tpu.memref_slice %arg5[%dma_wait3A_105, %dma_wait3A_106] : memref<8x512xi32, #tpu.memory_space<vmem>> -> memref<1x512xi32, #tpu.memory_space<vmem>>
    %dma_wait3A_108 = tpu.memref_squeeze %dma_wait3A_107 : memref<1x512xi32, #tpu.memory_space<vmem>> -> memref<512xi32, #tpu.memory_space<vmem>>
    %dma_wait3A_109 = arith.constant 0 : i32
    %dma_wait3A_110 = arith.constant 0 : i32
    %dma_wait3A_111 = tpu.memref_slice %arg2[%dma_wait3A_109, %dma_wait3A_110] : memref<100352x128xf32, #tpu.memory_space<hbm>> -> memref<100352x128xf32, #tpu.memory_space<hbm>>
    tpu.wait_indirect_dma semaphore(%arg7 : memref<!tpu.dma_semaphore, #tpu.memory_space<semaphore_mem>>) src(%dma_wait3A_111 : memref<100352x128xf32, #tpu.memory_space<hbm>>) dst(%arg6 : memref<512x128xf32, #tpu.memory_space<vmem>>)
    %add3A_112 = arith.constant 2560 : i32
    %add3A_113 = arith.addi %mul3A_2, %add3A_112 : i32
    "tpu.region"() ({
      %run_scoped3A_152 = tpu.sem_alloc : memref<!tpu.dma_semaphore, #tpu.memory_space<semaphore_mem>>
      %dma_start3A_153 = arith.constant 0 : i32
      %dma_start3A_154 = tpu.memref_slice %arg4[%add3A_113, %dma_start3A_153] : memref<131072x128xf32, #tpu.memory_space<hbm>> -> memref<512x128xf32, #tpu.memory_space<hbm>>
      %dma_start3A_155 = arith.constant 0 : i32
      %dma_start3A_156 = tpu.memref_slice %arg4[%add3A_113, %dma_start3A_155] : memref<131072x128xf32, #tpu.memory_space<hbm>> -> memref<512x128xf32, #tpu.memory_space<hbm>>
      tpu.enqueue_dma source(%arg6 : memref<512x128xf32, #tpu.memory_space<vmem>>) target(%dma_start3A_156 : memref<512x128xf32, #tpu.memory_space<hbm>>) target_semaphore(%run_scoped3A_152 : memref<!tpu.dma_semaphore, #tpu.memory_space<semaphore_mem>>)
      %dma_wait3A_157 = arith.constant 0 : i32
      %dma_wait3A_158 = tpu.memref_slice %arg4[%add3A_113, %dma_wait3A_157] : memref<131072x128xf32, #tpu.memory_space<hbm>> -> memref<512x128xf32, #tpu.memory_space<hbm>>
      %dma_wait3A_159 = arith.constant 0 : i32
      %dma_wait3A_160 = tpu.memref_slice %arg4[%add3A_113, %dma_wait3A_159] : memref<131072x128xf32, #tpu.memory_space<hbm>> -> memref<512x128xf32, #tpu.memory_space<hbm>>
      tpu.wait_dma2 semaphore(%run_scoped3A_152 : memref<!tpu.dma_semaphore, #tpu.memory_space<semaphore_mem>>) src(%arg6 : memref<512x128xf32, #tpu.memory_space<vmem>>) dst(%dma_wait3A_160 : memref<512x128xf32, #tpu.memory_space<hbm>>)
      tpu.yield
    }) : () -> ()
    %add3A_114 = arith.constant 3072 : i32
    %add3A_115 = arith.addi %mul3A_2, %add3A_114 : i32
    %run_scoped3A_116 = arith.constant 6 : i32
    "tpu.region"() ({
      %run_scoped3A_152 = tpu.sem_alloc : memref<!tpu.dma_semaphore, #tpu.memory_space<semaphore_mem>>
      %dma_start3A_153 = arith.constant 0 : i32
      %dma_start3A_154 = tpu.memref_slice %arg5[%run_scoped3A_116, %dma_start3A_153] : memref<8x512xi32, #tpu.memory_space<vmem>> -> memref<1x512xi32, #tpu.memory_space<vmem>>
      %dma_start3A_155 = tpu.memref_squeeze %dma_start3A_154 : memref<1x512xi32, #tpu.memory_space<vmem>> -> memref<512xi32, #tpu.memory_space<vmem>>
      %dma_start3A_156 = tpu.memref_slice %arg3[%add3A_115] : memref<131072xi32, #tpu.memory_space<hbm>> -> memref<512xi32, #tpu.memory_space<hbm>>
      %dma_start3A_157 = arith.constant 0 : i32
      %dma_start3A_158 = tpu.memref_slice %arg5[%run_scoped3A_116, %dma_start3A_157] : memref<8x512xi32, #tpu.memory_space<vmem>> -> memref<1x512xi32, #tpu.memory_space<vmem>>
      %dma_start3A_159 = tpu.memref_squeeze %dma_start3A_158 : memref<1x512xi32, #tpu.memory_space<vmem>> -> memref<512xi32, #tpu.memory_space<vmem>>
      %dma_start3A_160 = tpu.memref_slice %arg3[%add3A_115] : memref<131072xi32, #tpu.memory_space<hbm>> -> memref<512xi32, #tpu.memory_space<hbm>>
      tpu.enqueue_dma source(%dma_start3A_160 : memref<512xi32, #tpu.memory_space<hbm>>) target(%dma_start3A_159 : memref<512xi32, #tpu.memory_space<vmem>>) target_semaphore(%run_scoped3A_152 : memref<!tpu.dma_semaphore, #tpu.memory_space<semaphore_mem>>)
      %dma_wait3A_161 = arith.constant 0 : i32
      %dma_wait3A_162 = tpu.memref_slice %arg5[%run_scoped3A_116, %dma_wait3A_161] : memref<8x512xi32, #tpu.memory_space<vmem>> -> memref<1x512xi32, #tpu.memory_space<vmem>>
      %dma_wait3A_163 = tpu.memref_squeeze %dma_wait3A_162 : memref<1x512xi32, #tpu.memory_space<vmem>> -> memref<512xi32, #tpu.memory_space<vmem>>
      %dma_wait3A_164 = tpu.memref_slice %arg3[%add3A_115] : memref<131072xi32, #tpu.memory_space<hbm>> -> memref<512xi32, #tpu.memory_space<hbm>>
      %dma_wait3A_165 = arith.constant 0 : i32
      %dma_wait3A_166 = tpu.memref_slice %arg5[%run_scoped3A_116, %dma_wait3A_165] : memref<8x512xi32, #tpu.memory_space<vmem>> -> memref<1x512xi32, #tpu.memory_space<vmem>>
      %dma_wait3A_167 = tpu.memref_squeeze %dma_wait3A_166 : memref<1x512xi32, #tpu.memory_space<vmem>> -> memref<512xi32, #tpu.memory_space<vmem>>
      %dma_wait3A_168 = tpu.memref_slice %arg3[%add3A_115] : memref<131072xi32, #tpu.memory_space<hbm>> -> memref<512xi32, #tpu.memory_space<hbm>>
      tpu.wait_dma2 semaphore(%run_scoped3A_152 : memref<!tpu.dma_semaphore, #tpu.memory_space<semaphore_mem>>) src(%dma_wait3A_168 : memref<512xi32, #tpu.memory_space<hbm>>) dst(%dma_wait3A_167 : memref<512xi32, #tpu.memory_space<vmem>>)
      tpu.yield
    }) : () -> ()
    %dma_start3A_117 = arith.constant 6 : i32
    %dma_start3A_118 = arith.constant 0 : i32
    %dma_start3A_119 = tpu.memref_slice %arg5[%dma_start3A_117, %dma_start3A_118] : memref<8x512xi32, #tpu.memory_space<vmem>> -> memref<1x512xi32, #tpu.memory_space<vmem>>
    %dma_start3A_120 = tpu.memref_squeeze %dma_start3A_119 : memref<1x512xi32, #tpu.memory_space<vmem>> -> memref<512xi32, #tpu.memory_space<vmem>>
    %dma_start3A_121 = arith.constant 0 : i32
    %dma_start3A_122 = arith.constant 0 : i32
    %dma_start3A_123 = tpu.memref_slice %arg2[%dma_start3A_121, %dma_start3A_122] : memref<100352x128xf32, #tpu.memory_space<hbm>> -> memref<100352x128xf32, #tpu.memory_space<hbm>>
    tpu.enqueue_indirect_dma source(%dma_start3A_123 : memref<100352x128xf32, #tpu.memory_space<hbm>>) target(%arg6 : memref<512x128xf32, #tpu.memory_space<vmem>>) offsets(%dma_start3A_120 : memref<512xi32, #tpu.memory_space<vmem>>) semaphore(%arg7 : memref<!tpu.dma_semaphore, #tpu.memory_space<semaphore_mem>>)
    %dma_wait3A_124 = arith.constant 6 : i32
    %dma_wait3A_125 = arith.constant 0 : i32
    %dma_wait3A_126 = tpu.memref_slice %arg5[%dma_wait3A_124, %dma_wait3A_125] : memref<8x512xi32, #tpu.memory_space<vmem>> -> memref<1x512xi32, #tpu.memory_space<vmem>>
    %dma_wait3A_127 = tpu.memref_squeeze %dma_wait3A_126 : memref<1x512xi32, #tpu.memory_space<vmem>> -> memref<512xi32, #tpu.memory_space<vmem>>
    %dma_wait3A_128 = arith.constant 0 : i32
    %dma_wait3A_129 = arith.constant 0 : i32
    %dma_wait3A_130 = tpu.memref_slice %arg2[%dma_wait3A_128, %dma_wait3A_129] : memref<100352x128xf32, #tpu.memory_space<hbm>> -> memref<100352x128xf32, #tpu.memory_space<hbm>>
    tpu.wait_indirect_dma semaphore(%arg7 : memref<!tpu.dma_semaphore, #tpu.memory_space<semaphore_mem>>) src(%dma_wait3A_130 : memref<100352x128xf32, #tpu.memory_space<hbm>>) dst(%arg6 : memref<512x128xf32, #tpu.memory_space<vmem>>)
    %add3A_131 = arith.constant 3072 : i32
    %add3A_132 = arith.addi %mul3A_2, %add3A_131 : i32
    "tpu.region"() ({
      %run_scoped3A_152 = tpu.sem_alloc : memref<!tpu.dma_semaphore, #tpu.memory_space<semaphore_mem>>
      %dma_start3A_153 = arith.constant 0 : i32
      %dma_start3A_154 = tpu.memref_slice %arg4[%add3A_132, %dma_start3A_153] : memref<131072x128xf32, #tpu.memory_space<hbm>> -> memref<512x128xf32, #tpu.memory_space<hbm>>
      %dma_start3A_155 = arith.constant 0 : i32
      %dma_start3A_156 = tpu.memref_slice %arg4[%add3A_132, %dma_start3A_155] : memref<131072x128xf32, #tpu.memory_space<hbm>> -> memref<512x128xf32, #tpu.memory_space<hbm>>
      tpu.enqueue_dma source(%arg6 : memref<512x128xf32, #tpu.memory_space<vmem>>) target(%dma_start3A_156 : memref<512x128xf32, #tpu.memory_space<hbm>>) target_semaphore(%run_scoped3A_152 : memref<!tpu.dma_semaphore, #tpu.memory_space<semaphore_mem>>)
      %dma_wait3A_157 = arith.constant 0 : i32
      %dma_wait3A_158 = tpu.memref_slice %arg4[%add3A_132, %dma_wait3A_157] : memref<131072x128xf32, #tpu.memory_space<hbm>> -> memref<512x128xf32, #tpu.memory_space<hbm>>
      %dma_wait3A_159 = arith.constant 0 : i32
      %dma_wait3A_160 = tpu.memref_slice %arg4[%add3A_132, %dma_wait3A_159] : memref<131072x128xf32, #tpu.memory_space<hbm>> -> memref<512x128xf32, #tpu.memory_space<hbm>>
      tpu.wait_dma2 semaphore(%run_scoped3A_152 : memref<!tpu.dma_semaphore, #tpu.memory_space<semaphore_mem>>) src(%arg6 : memref<512x128xf32, #tpu.memory_space<vmem>>) dst(%dma_wait3A_160 : memref<512x128xf32, #tpu.memory_space<hbm>>)
      tpu.yield
    }) : () -> ()
    %add3A_133 = arith.constant 3584 : i32
    %add3A_134 = arith.addi %mul3A_2, %add3A_133 : i32
    %run_scoped3A_135 = arith.constant 7 : i32
    "tpu.region"() ({
      %run_scoped3A_152 = tpu.sem_alloc : memref<!tpu.dma_semaphore, #tpu.memory_space<semaphore_mem>>
      %dma_start3A_153 = arith.constant 0 : i32
      %dma_start3A_154 = tpu.memref_slice %arg5[%run_scoped3A_135, %dma_start3A_153] : memref<8x512xi32, #tpu.memory_space<vmem>> -> memref<1x512xi32, #tpu.memory_space<vmem>>
      %dma_start3A_155 = tpu.memref_squeeze %dma_start3A_154 : memref<1x512xi32, #tpu.memory_space<vmem>> -> memref<512xi32, #tpu.memory_space<vmem>>
      %dma_start3A_156 = tpu.memref_slice %arg3[%add3A_134] : memref<131072xi32, #tpu.memory_space<hbm>> -> memref<512xi32, #tpu.memory_space<hbm>>
      %dma_start3A_157 = arith.constant 0 : i32
      %dma_start3A_158 = tpu.memref_slice %arg5[%run_scoped3A_135, %dma_start3A_157] : memref<8x512xi32, #tpu.memory_space<vmem>> -> memref<1x512xi32, #tpu.memory_space<vmem>>
      %dma_start3A_159 = tpu.memref_squeeze %dma_start3A_158 : memref<1x512xi32, #tpu.memory_space<vmem>> -> memref<512xi32, #tpu.memory_space<vmem>>
      %dma_start3A_160 = tpu.memref_slice %arg3[%add3A_134] : memref<131072xi32, #tpu.memory_space<hbm>> -> memref<512xi32, #tpu.memory_space<hbm>>
      tpu.enqueue_dma source(%dma_start3A_160 : memref<512xi32, #tpu.memory_space<hbm>>) target(%dma_start3A_159 : memref<512xi32, #tpu.memory_space<vmem>>) target_semaphore(%run_scoped3A_152 : memref<!tpu.dma_semaphore, #tpu.memory_space<semaphore_mem>>)
      %dma_wait3A_161 = arith.constant 0 : i32
      %dma_wait3A_162 = tpu.memref_slice %arg5[%run_scoped3A_135, %dma_wait3A_161] : memref<8x512xi32, #tpu.memory_space<vmem>> -> memref<1x512xi32, #tpu.memory_space<vmem>>
      %dma_wait3A_163 = tpu.memref_squeeze %dma_wait3A_162 : memref<1x512xi32, #tpu.memory_space<vmem>> -> memref<512xi32, #tpu.memory_space<vmem>>
      %dma_wait3A_164 = tpu.memref_slice %arg3[%add3A_134] : memref<131072xi32, #tpu.memory_space<hbm>> -> memref<512xi32, #tpu.memory_space<hbm>>
      %dma_wait3A_165 = arith.constant 0 : i32
      %dma_wait3A_166 = tpu.memref_slice %arg5[%run_scoped3A_135, %dma_wait3A_165] : memref<8x512xi32, #tpu.memory_space<vmem>> -> memref<1x512xi32, #tpu.memory_space<vmem>>
      %dma_wait3A_167 = tpu.memref_squeeze %dma_wait3A_166 : memref<1x512xi32, #tpu.memory_space<vmem>> -> memref<512xi32, #tpu.memory_space<vmem>>
      %dma_wait3A_168 = tpu.memref_slice %arg3[%add3A_134] : memref<131072xi32, #tpu.memory_space<hbm>> -> memref<512xi32, #tpu.memory_space<hbm>>
      tpu.wait_dma2 semaphore(%run_scoped3A_152 : memref<!tpu.dma_semaphore, #tpu.memory_space<semaphore_mem>>) src(%dma_wait3A_168 : memref<512xi32, #tpu.memory_space<hbm>>) dst(%dma_wait3A_167 : memref<512xi32, #tpu.memory_space<vmem>>)
      tpu.yield
    }) : () -> ()
    %dma_start3A_136 = arith.constant 7 : i32
    %dma_start3A_137 = arith.constant 0 : i32
    %dma_start3A_138 = tpu.memref_slice %arg5[%dma_start3A_136, %dma_start3A_137] : memref<8x512xi32, #tpu.memory_space<vmem>> -> memref<1x512xi32, #tpu.memory_space<vmem>>
    %dma_start3A_139 = tpu.memref_squeeze %dma_start3A_138 : memref<1x512xi32, #tpu.memory_space<vmem>> -> memref<512xi32, #tpu.memory_space<vmem>>
    %dma_start3A_140 = arith.constant 0 : i32
    %dma_start3A_141 = arith.constant 0 : i32
    %dma_start3A_142 = tpu.memref_slice %arg2[%dma_start3A_140, %dma_start3A_141] : memref<100352x128xf32, #tpu.memory_space<hbm>> -> memref<100352x128xf32, #tpu.memory_space<hbm>>
    tpu.enqueue_indirect_dma source(%dma_start3A_142 : memref<100352x128xf32, #tpu.memory_space<hbm>>) target(%arg6 : memref<512x128xf32, #tpu.memory_space<vmem>>) offsets(%dma_start3A_139 : memref<512xi32, #tpu.memory_space<vmem>>) semaphore(%arg7 : memref<!tpu.dma_semaphore, #tpu.memory_space<semaphore_mem>>)
    %dma_wait3A_143 = arith.constant 7 : i32
    %dma_wait3A_144 = arith.constant 0 : i32
    %dma_wait3A_145 = tpu.memref_slice %arg5[%dma_wait3A_143, %dma_wait3A_144] : memref<8x512xi32, #tpu.memory_space<vmem>> -> memref<1x512xi32, #tpu.memory_space<vmem>>
    %dma_wait3A_146 = tpu.memref_squeeze %dma_wait3A_145 : memref<1x512xi32, #tpu.memory_space<vmem>> -> memref<512xi32, #tpu.memory_space<vmem>>
    %dma_wait3A_147 = arith.constant 0 : i32
    %dma_wait3A_148 = arith.constant 0 : i32
    %dma_wait3A_149 = tpu.memref_slice %arg2[%dma_wait3A_147, %dma_wait3A_148] : memref<100352x128xf32, #tpu.memory_space<hbm>> -> memref<100352x128xf32, #tpu.memory_space<hbm>>
    tpu.wait_indirect_dma semaphore(%arg7 : memref<!tpu.dma_semaphore, #tpu.memory_space<semaphore_mem>>) src(%dma_wait3A_149 : memref<100352x128xf32, #tpu.memory_space<hbm>>) dst(%arg6 : memref<512x128xf32, #tpu.memory_space<vmem>>)
    %add3A_150 = arith.constant 3584 : i32
    %add3A_151 = arith.addi %mul3A_2, %add3A_150 : i32
    "tpu.region"() ({
      %run_scoped3A_152 = tpu.sem_alloc : memref<!tpu.dma_semaphore, #tpu.memory_space<semaphore_mem>>
      %dma_start3A_153 = arith.constant 0 : i32
      %dma_start3A_154 = tpu.memref_slice %arg4[%add3A_151, %dma_start3A_153] : memref<131072x128xf32, #tpu.memory_space<hbm>> -> memref<512x128xf32, #tpu.memory_space<hbm>>
      %dma_start3A_155 = arith.constant 0 : i32
      %dma_start3A_156 = tpu.memref_slice %arg4[%add3A_151, %dma_start3A_155] : memref<131072x128xf32, #tpu.memory_space<hbm>> -> memref<512x128xf32, #tpu.memory_space<hbm>>
      tpu.enqueue_dma source(%arg6 : memref<512x128xf32, #tpu.memory_space<vmem>>) target(%dma_start3A_156 : memref<512x128xf32, #tpu.memory_space<hbm>>) target_semaphore(%run_scoped3A_152 : memref<!tpu.dma_semaphore, #tpu.memory_space<semaphore_mem>>)
      %dma_wait3A_157 = arith.constant 0 : i32
      %dma_wait3A_158 = tpu.memref_slice %arg4[%add3A_151, %dma_wait3A_157] : memref<131072x128xf32, #tpu.memory_space<hbm>> -> memref<512x128xf32, #tpu.memory_space<hbm>>
      %dma_wait3A_159 = arith.constant 0 : i32
      %dma_wait3A_160 = tpu.memref_slice %arg4[%add3A_151, %dma_wait3A_159] : memref<131072x128xf32, #tpu.memory_space<hbm>> -> memref<512x128xf32, #tpu.memory_space<hbm>>
      tpu.wait_dma2 semaphore(%run_scoped3A_152 : memref<!tpu.dma_semaphore, #tpu.memory_space<semaphore_mem>>) src(%arg6 : memref<512x128xf32, #tpu.memory_space<vmem>>) dst(%dma_wait3A_160 : memref<512x128xf32, #tpu.memory_space<hbm>>)
      tpu.yield
    }) : () -> ()
    return
  }
}

#map = affine_map<(d0, d1) -> (0, 0)>
#map1 = affine_map<(d0, d1) -> (0)>
module attributes {stable_mosaic.version = 14 : i64} {
  func.func @k(%arg0: i32, %arg1: i32, %arg2: memref<100000x128xf32, #tpu.memory_space<hbm>>, %arg3: memref<16384xi32, #tpu.memory_space<hbm>>, %arg4: memref<16384x128xf32, #tpu.memory_space<hbm>>, %arg5: memref<512xi32, #tpu.memory_space<vmem>>, %arg6: memref<512x128xf32, #tpu.memory_space<vmem>>, %arg7: memref<!tpu.dma_semaphore, #tpu.memory_space<semaphore_mem>>) attributes {dimension_semantics = [#tpu.dimension_semantics<core_parallel>, #tpu.dimension_semantics<subcore_parallel>], iteration_bounds = array<i64: 2, 16>, scalar_prefetch = 0 : i64, scratch_operands = 3 : i64, tpu.core_type = #tpu.core_type<sc_vector_subcore>, window_params = [{transform_indices = #map}, {transform_indices = #map1}, {transform_indices = #map}]} {
    %mul3A = arith.constant 2 : i32
    %mul3A_0 = arith.muli %arg1, %mul3A : i32
    %add3A = arith.addi %mul3A_0, %arg0 : i32
    %mul3A_1 = arith.constant 512 : i32
    %mul3A_2 = arith.muli %add3A, %mul3A_1 : i32
    "tpu.region"() ({
      %run_scoped3A = tpu.sem_alloc : memref<!tpu.dma_semaphore, #tpu.memory_space<semaphore_mem>>
      %dma_start3A_7 = tpu.memref_slice %arg3[%mul3A_2] : memref<16384xi32, #tpu.memory_space<hbm>> -> memref<512xi32, #tpu.memory_space<hbm>>
      %dma_start3A_8 = tpu.memref_slice %arg3[%mul3A_2] : memref<16384xi32, #tpu.memory_space<hbm>> -> memref<512xi32, #tpu.memory_space<hbm>>
      tpu.enqueue_dma source(%dma_start3A_8 : memref<512xi32, #tpu.memory_space<hbm>>) target(%arg5 : memref<512xi32, #tpu.memory_space<vmem>>) target_semaphore(%run_scoped3A : memref<!tpu.dma_semaphore, #tpu.memory_space<semaphore_mem>>)
      %dma_wait3A_9 = tpu.memref_slice %arg3[%mul3A_2] : memref<16384xi32, #tpu.memory_space<hbm>> -> memref<512xi32, #tpu.memory_space<hbm>>
      %dma_wait3A_10 = tpu.memref_slice %arg3[%mul3A_2] : memref<16384xi32, #tpu.memory_space<hbm>> -> memref<512xi32, #tpu.memory_space<hbm>>
      tpu.wait_dma2 semaphore(%run_scoped3A : memref<!tpu.dma_semaphore, #tpu.memory_space<semaphore_mem>>) src(%dma_wait3A_10 : memref<512xi32, #tpu.memory_space<hbm>>) dst(%arg5 : memref<512xi32, #tpu.memory_space<vmem>>)
      tpu.yield
    }) : () -> ()
    %dma_start3A = arith.constant 0 : i32
    %dma_start3A_3 = arith.constant 0 : i32
    %dma_start3A_4 = tpu.memref_slice %arg2[%dma_start3A, %dma_start3A_3] : memref<100000x128xf32, #tpu.memory_space<hbm>> -> memref<100000x128xf32, #tpu.memory_space<hbm>>
    tpu.enqueue_indirect_dma source(%dma_start3A_4 : memref<100000x128xf32, #tpu.memory_space<hbm>>) target(%arg6 : memref<512x128xf32, #tpu.memory_space<vmem>>) offsets(%arg5 : memref<512xi32, #tpu.memory_space<vmem>>) semaphore(%arg7 : memref<!tpu.dma_semaphore, #tpu.memory_space<semaphore_mem>>)
    %dma_wait3A = arith.constant 0 : i32
    %dma_wait3A_5 = arith.constant 0 : i32
    %dma_wait3A_6 = tpu.memref_slice %arg2[%dma_wait3A, %dma_wait3A_5] : memref<100000x128xf32, #tpu.memory_space<hbm>> -> memref<100000x128xf32, #tpu.memory_space<hbm>>
    tpu.wait_indirect_dma semaphore(%arg7 : memref<!tpu.dma_semaphore, #tpu.memory_space<semaphore_mem>>) src(%dma_wait3A_6 : memref<100000x128xf32, #tpu.memory_space<hbm>>) dst(%arg6 : memref<512x128xf32, #tpu.memory_space<vmem>>)
    "tpu.region"() ({
      %run_scoped3A = tpu.sem_alloc : memref<!tpu.dma_semaphore, #tpu.memory_space<semaphore_mem>>
      %dma_start3A_7 = arith.constant 0 : i32
      %dma_start3A_8 = tpu.memref_slice %arg4[%mul3A_2, %dma_start3A_7] : memref<16384x128xf32, #tpu.memory_space<hbm>> -> memref<512x128xf32, #tpu.memory_space<hbm>>
      %dma_start3A_9 = arith.constant 0 : i32
      %dma_start3A_10 = tpu.memref_slice %arg4[%mul3A_2, %dma_start3A_9] : memref<16384x128xf32, #tpu.memory_space<hbm>> -> memref<512x128xf32, #tpu.memory_space<hbm>>
      tpu.enqueue_dma source(%arg6 : memref<512x128xf32, #tpu.memory_space<vmem>>) target(%dma_start3A_10 : memref<512x128xf32, #tpu.memory_space<hbm>>) target_semaphore(%run_scoped3A : memref<!tpu.dma_semaphore, #tpu.memory_space<semaphore_mem>>)
      %dma_wait3A_11 = arith.constant 0 : i32
      %dma_wait3A_12 = tpu.memref_slice %arg4[%mul3A_2, %dma_wait3A_11] : memref<16384x128xf32, #tpu.memory_space<hbm>> -> memref<512x128xf32, #tpu.memory_space<hbm>>
      %dma_wait3A_13 = arith.constant 0 : i32
      %dma_wait3A_14 = tpu.memref_slice %arg4[%mul3A_2, %dma_wait3A_13] : memref<16384x128xf32, #tpu.memory_space<hbm>> -> memref<512x128xf32, #tpu.memory_space<hbm>>
      tpu.wait_dma2 semaphore(%run_scoped3A : memref<!tpu.dma_semaphore, #tpu.memory_space<semaphore_mem>>) src(%arg6 : memref<512x128xf32, #tpu.memory_space<vmem>>) dst(%dma_wait3A_14 : memref<512x128xf32, #tpu.memory_space<hbm>>)
      tpu.yield
    }) : () -> ()
    return
  }
}

#map = affine_map<(d0, d1) -> (0, 0)>
#map1 = affine_map<(d0, d1) -> (0)>
module attributes {stable_mosaic.version = 14 : i64} {
  func.func @k(%arg0: i32, %arg1: i32, %arg2: memref<100352x128xf32, #tpu.memory_space<hbm>>, %arg3: memref<16384xi32, #tpu.memory_space<hbm>>, %arg4: memref<16384x128xf32, #tpu.memory_space<hbm>>, %arg5: memref<512xi32, #tpu.memory_space<vmem>>, %arg6: memref<512x128xf32, #tpu.memory_space<vmem>>, %arg7: memref<!tpu.dma_semaphore, #tpu.memory_space<semaphore_mem>>) attributes {dimension_semantics = [#tpu.dimension_semantics<core_parallel>, #tpu.dimension_semantics<subcore_parallel>], iteration_bounds = array<i64: 2, 16>, scalar_prefetch = 0 : i64, scratch_operands = 3 : i64, tpu.core_type = #tpu.core_type<sc_vector_subcore>, window_params = [{transform_indices = #map}, {transform_indices = #map1}, {transform_indices = #map}]} {
    %mul3A = arith.constant 2 : i32
    %mul3A_0 = arith.muli %arg1, %mul3A : i32
    %add3A = arith.addi %mul3A_0, %arg0 : i32
    %mul3A_1 = arith.constant 512 : i32
    %mul3A_2 = arith.muli %add3A, %mul3A_1 : i32
    "tpu.region"() ({
      %run_scoped3A = tpu.sem_alloc : memref<!tpu.dma_semaphore, #tpu.memory_space<semaphore_mem>>
      %dma_start3A_7 = tpu.memref_slice %arg3[%mul3A_2] : memref<16384xi32, #tpu.memory_space<hbm>> -> memref<512xi32, #tpu.memory_space<hbm>>
      %dma_start3A_8 = tpu.memref_slice %arg3[%mul3A_2] : memref<16384xi32, #tpu.memory_space<hbm>> -> memref<512xi32, #tpu.memory_space<hbm>>
      tpu.enqueue_dma source(%dma_start3A_8 : memref<512xi32, #tpu.memory_space<hbm>>) target(%arg5 : memref<512xi32, #tpu.memory_space<vmem>>) target_semaphore(%run_scoped3A : memref<!tpu.dma_semaphore, #tpu.memory_space<semaphore_mem>>)
      %dma_wait3A_9 = tpu.memref_slice %arg3[%mul3A_2] : memref<16384xi32, #tpu.memory_space<hbm>> -> memref<512xi32, #tpu.memory_space<hbm>>
      %dma_wait3A_10 = tpu.memref_slice %arg3[%mul3A_2] : memref<16384xi32, #tpu.memory_space<hbm>> -> memref<512xi32, #tpu.memory_space<hbm>>
      tpu.wait_dma2 semaphore(%run_scoped3A : memref<!tpu.dma_semaphore, #tpu.memory_space<semaphore_mem>>) src(%dma_wait3A_10 : memref<512xi32, #tpu.memory_space<hbm>>) dst(%arg5 : memref<512xi32, #tpu.memory_space<vmem>>)
      tpu.yield
    }) : () -> ()
    %dma_start3A = arith.constant 0 : i32
    %dma_start3A_3 = arith.constant 0 : i32
    %dma_start3A_4 = tpu.memref_slice %arg2[%dma_start3A, %dma_start3A_3] : memref<100352x128xf32, #tpu.memory_space<hbm>> -> memref<100352x128xf32, #tpu.memory_space<hbm>>
    tpu.enqueue_indirect_dma source(%dma_start3A_4 : memref<100352x128xf32, #tpu.memory_space<hbm>>) target(%arg6 : memref<512x128xf32, #tpu.memory_space<vmem>>) offsets(%arg5 : memref<512xi32, #tpu.memory_space<vmem>>) semaphore(%arg7 : memref<!tpu.dma_semaphore, #tpu.memory_space<semaphore_mem>>)
    %dma_wait3A = arith.constant 0 : i32
    %dma_wait3A_5 = arith.constant 0 : i32
    %dma_wait3A_6 = tpu.memref_slice %arg2[%dma_wait3A, %dma_wait3A_5] : memref<100352x128xf32, #tpu.memory_space<hbm>> -> memref<100352x128xf32, #tpu.memory_space<hbm>>
    tpu.wait_indirect_dma semaphore(%arg7 : memref<!tpu.dma_semaphore, #tpu.memory_space<semaphore_mem>>) src(%dma_wait3A_6 : memref<100352x128xf32, #tpu.memory_space<hbm>>) dst(%arg6 : memref<512x128xf32, #tpu.memory_space<vmem>>)
    "tpu.region"() ({
      %run_scoped3A = tpu.sem_alloc : memref<!tpu.dma_semaphore, #tpu.memory_space<semaphore_mem>>
      %dma_start3A_7 = arith.constant 0 : i32
      %dma_start3A_8 = tpu.memref_slice %arg4[%mul3A_2, %dma_start3A_7] : memref<16384x128xf32, #tpu.memory_space<hbm>> -> memref<512x128xf32, #tpu.memory_space<hbm>>
      %dma_start3A_9 = arith.constant 0 : i32
      %dma_start3A_10 = tpu.memref_slice %arg4[%mul3A_2, %dma_start3A_9] : memref<16384x128xf32, #tpu.memory_space<hbm>> -> memref<512x128xf32, #tpu.memory_space<hbm>>
      tpu.enqueue_dma source(%arg6 : memref<512x128xf32, #tpu.memory_space<vmem>>) target(%dma_start3A_10 : memref<512x128xf32, #tpu.memory_space<hbm>>) target_semaphore(%run_scoped3A : memref<!tpu.dma_semaphore, #tpu.memory_space<semaphore_mem>>)
      %dma_wait3A_11 = arith.constant 0 : i32
      %dma_wait3A_12 = tpu.memref_slice %arg4[%mul3A_2, %dma_wait3A_11] : memref<16384x128xf32, #tpu.memory_space<hbm>> -> memref<512x128xf32, #tpu.memory_space<hbm>>
      %dma_wait3A_13 = arith.constant 0 : i32
      %dma_wait3A_14 = tpu.memref_slice %arg4[%mul3A_2, %dma_wait3A_13] : memref<16384x128xf32, #tpu.memory_space<hbm>> -> memref<512x128xf32, #tpu.memory_space<hbm>>
      tpu.wait_dma2 semaphore(%run_scoped3A : memref<!tpu.dma_semaphore, #tpu.memory_space<semaphore_mem>>) src(%arg6 : memref<512x128xf32, #tpu.memory_space<vmem>>) dst(%dma_wait3A_14 : memref<512x128xf32, #tpu.memory_space<hbm>>)
      tpu.yield
    }) : () -> ()
    return
  }
}

module attributes {stable_mosaic.version = 14 : i64} {
  func.func @_pe_body(%arg0: memref<1024x66xf32, #tpu.memory_space<vmem>>, %arg1: memref<66x128xf32, #tpu.memory_space<vmem>>, %arg2: memref<128xf32, #tpu.memory_space<vmem>>, %arg3: memref<1024x128xf32, #tpu.memory_space<vmem>>) attributes {dimension_semantics = [], scalar_prefetch = 0 : i64, scratch_operands = 0 : i64, tpu.core_type = #tpu.core_type<tc>} {
    %get3A = arith.constant 0 : index
    %get3A_0 = arith.constant 0 : index
    %get3A_1 = vector.load %arg0[%get3A, %get3A_0] : memref<1024x66xf32, #tpu.memory_space<vmem>>, vector<1024x66xf32>
    %get3A_2 = arith.constant 0 : index
    %get3A_3 = arith.constant 0 : index
    %get3A_4 = vector.load %arg1[%get3A_2, %get3A_3] : memref<66x128xf32, #tpu.memory_space<vmem>>, vector<66x128xf32>
    %dot_general3A = arith.constant dense<0.000000e+00> : vector<1024x128xf32>
    %dot_general3A_5 = tpu.matmul %get3A_1, %get3A_4, %dot_general3A {dimension_numbers = #tpu.dot_dimension_numbers<[1], [0], [0], [1], [0, 0, 1, 1], [], []>, transpose_lhs_hint = false} : vector<1024x66xf32>, vector<66x128xf32>, vector<1024x128xf32> -> vector<1024x128xf32>
    %get3A_6 = arith.constant 0 : index
    %get3A_7 = vector.load %arg2[%get3A_6] : memref<128xf32, #tpu.memory_space<vmem>>, vector<128xf32>
    %broadcast_in_dim3A = vector.shape_cast %get3A_7 : vector<128xf32> to vector<1x128xf32>
    %add3A = vector.broadcast %broadcast_in_dim3A : vector<1x128xf32> to vector<1024x128xf32>
    %add3A_8 = arith.addf %dot_general3A_5, %add3A : vector<1024x128xf32>
    %mul3A = arith.mulf %add3A_8, %add3A_8 : vector<1024x128xf32>
    %reduce_sum3A = arith.constant dense<0.000000e+00> : vector<1024xf32>
    %reduce_sum3A_9 = vector.multi_reduction <add>, %mul3A, %reduce_sum3A [1] : vector<1024x128xf32> to vector<1024xf32>
    %broadcast_in_dim3A_10 = vector.shape_cast %reduce_sum3A_9 : vector<1024xf32> to vector<1024x1xf32>
    %sqrt3A = math.sqrt %broadcast_in_dim3A_10 : vector<1024x1xf32>
    %max3A = arith.constant 9.99999996E-13 : f32
    %max3A_11 = vector.broadcast %max3A : f32 to vector<1024x1xf32>
    %max3A_12 = arith.maximumf %sqrt3A, %max3A_11 : vector<1024x1xf32>
    %div3A = vector.broadcast %max3A_12 : vector<1024x1xf32> to vector<1024x128xf32>
    %div3A_13 = arith.divf %add3A_8, %div3A : vector<1024x128xf32>
    %swap3A = arith.constant 0 : index
    %swap3A_14 = arith.constant 0 : index
    %swap3A_15 = vector.load %arg3[%swap3A, %swap3A_14] : memref<1024x128xf32, #tpu.memory_space<vmem>>, vector<1024x128xf32>
    tpu.vector_store %arg3[%swap3A, %swap3A_14], %div3A_13 {strides = array<i32>} : memref<1024x128xf32, #tpu.memory_space<vmem>>, vector<1024x128xf32>,
    return
  }
}

module attributes {stable_mosaic.version = 14 : i64} {
  func.func @_sim_body(%arg0: i32, %arg1: memref<1024x128xf32, #tpu.memory_space<vmem>>, %arg2: memref<2048x128xf32, #tpu.memory_space<vmem>>, %arg3: memref<1x1x2048xf32, #tpu.memory_space<vmem>>, %arg4: memref<2x1024x128xf32, #tpu.memory_space<vmem>>, %arg5: memref<1x2x1024xf32, #tpu.memory_space<vmem>>, %arg6: memref<2048x128xf32, #tpu.memory_space<vmem>>) attributes {dimension_semantics = [#tpu.dimension_semantics<arbitrary>], iteration_bounds = array<i64: 49>, scalar_prefetch = 0 : i64, scratch_operands = 0 : i64, tpu.core_type = #tpu.core_type<tc>, window_params = [{pipeline_mode = #tpu.pipeline_mode<synchronous>, transform_indices = @transform_0, window_bounds = array<i64: 1024, 128>}, {transform_indices = @transform_1, window_bounds = array<i64: 2048, 128>}, {transform_indices = @transform_2, window_bounds = array<i64: 1, 1, 2048>}, {transform_indices = @transform_3, window_bounds = array<i64: 2, 1024, 128>}, {transform_indices = @transform_4, window_bounds = array<i64: 1, 2, 1024>}, {transform_indices = @transform_5, window_bounds = array<i64: 2048, 128>}]} {
    %get3A = arith.constant 0 : index
    %get3A_0 = arith.constant 0 : index
    %get3A_1 = vector.load %arg2[%get3A, %get3A_0] : memref<2048x128xf32, #tpu.memory_space<vmem>>, vector<2048x128xf32>
    %mul3A = arith.mulf %get3A_1, %get3A_1 : vector<2048x128xf32>
    %reduce_sum3A = arith.constant dense<0.000000e+00> : vector<2048xf32>
    %reduce_sum3A_2 = vector.multi_reduction <add>, %mul3A, %reduce_sum3A [1] : vector<2048x128xf32> to vector<2048xf32>
    %broadcast_in_dim3A = vector.shape_cast %reduce_sum3A_2 : vector<2048xf32> to vector<2048x1xf32>
    %sqrt3A = math.sqrt %broadcast_in_dim3A : vector<2048x1xf32>
    %max3A = arith.constant 9.99999996E-13 : f32
    %max3A_3 = vector.broadcast %max3A : f32 to vector<2048x1xf32>
    %max3A_4 = arith.maximumf %sqrt3A, %max3A_3 : vector<2048x1xf32>
    %div3A = vector.broadcast %max3A_4 : vector<2048x1xf32> to vector<2048x128xf32>
    %div3A_5 = arith.divf %get3A_1, %div3A : vector<2048x128xf32>
    %swap3A = arith.constant 0 : index
    %swap3A_6 = arith.constant 0 : index
    %swap3A_7 = vector.load %arg6[%swap3A, %swap3A_6] : memref<2048x128xf32, #tpu.memory_space<vmem>>, vector<2048x128xf32>
    tpu.vector_store %arg6[%swap3A, %swap3A_6], %div3A_5 {strides = array<i32>} : memref<2048x128xf32, #tpu.memory_space<vmem>>, vector<2048x128xf32>,
    %get3A_8 = arith.constant 0 : index
    %get3A_9 = arith.constant 0 : index
    %get3A_10 = vector.load %arg1[%get3A_8, %get3A_9] : memref<1024x128xf32, #tpu.memory_space<vmem>>, vector<1024x128xf32>
    %dot_general3A = arith.constant dense<0.000000e+00> : vector<1024x2048xf32>
    %dot_general3A_11 = tpu.matmul %get3A_10, %div3A_5, %dot_general3A {dimension_numbers = #tpu.dot_dimension_numbers<[1], [1], [0], [0], [0, 0, 1, 0], [], []>, transpose_lhs_hint = false} : vector<1024x128xf32>, vector<2048x128xf32>, vector<1024x2048xf32> -> vector<1024x2048xf32>
    %lt3A = arith.constant 48 : i32
    %lt3A_12 = arith.cmpi slt, %arg0, %lt3A : i32
    %convert_element_type3A = arith.extui %lt3A_12 : i1 to i32
    %cond3A = arith.constant 0 : i32
    %cond3A_13 = arith.cmpi ne, %convert_element_type3A, %cond3A : i32
    scf.if %cond3A_13 {
      %slice3A = vector.extract_strided_slice %dot_general3A_11 {offsets = [0, 0], sizes = [1024, 256], strides = [1, 1]} : vector<1024x2048xf32> to vector<1024x256xf32>
      %slice3A_18 = vector.extract_strided_slice %dot_general3A_11 {offsets = [0, 256], sizes = [1024, 256], strides = [1, 1]} : vector<1024x2048xf32> to vector<1024x256xf32>
      %max3A_19 = arith.maximumf %slice3A, %slice3A_18 : vector<1024x256xf32>
      %slice3A_20 = vector.extract_strided_slice %dot_general3A_11 {offsets = [0, 512], sizes = [1024, 256], strides = [1, 1]} : vector<1024x2048xf32> to vector<1024x256xf32>
      %max3A_21 = arith.maximumf %max3A_19, %slice3A_20 : vector<1024x256xf32>
      %slice3A_22 = vector.extract_strided_slice %dot_general3A_11 {offsets = [0, 768], sizes = [1024, 256], strides = [1, 1]} : vector<1024x2048xf32> to vector<1024x256xf32>
      %max3A_23 = arith.maximumf %max3A_21, %slice3A_22 : vector<1024x256xf32>
      %slice3A_24 = vector.extract_strided_slice %dot_general3A_11 {offsets = [0, 1024], sizes = [1024, 256], strides = [1, 1]} : vector<1024x2048xf32> to vector<1024x256xf32>
      %max3A_25 = arith.maximumf %max3A_23, %slice3A_24 : vector<1024x256xf32>
      %slice3A_26 = vector.extract_strided_slice %dot_general3A_11 {offsets = [0, 1280], sizes = [1024, 256], strides = [1, 1]} : vector<1024x2048xf32> to vector<1024x256xf32>
      %max3A_27 = arith.maximumf %max3A_25, %slice3A_26 : vector<1024x256xf32>
      %slice3A_28 = vector.extract_strided_slice %dot_general3A_11 {offsets = [0, 1536], sizes = [1024, 256], strides = [1, 1]} : vector<1024x2048xf32> to vector<1024x256xf32>
      %max3A_29 = arith.maximumf %max3A_27, %slice3A_28 : vector<1024x256xf32>
      %slice3A_30 = vector.extract_strided_slice %dot_general3A_11 {offsets = [0, 1792], sizes = [1024, 256], strides = [1, 1]} : vector<1024x2048xf32> to vector<1024x256xf32>
      %max3A_31 = arith.maximumf %max3A_29, %slice3A_30 : vector<1024x256xf32>
      %slice3A_32 = vector.extract_strided_slice %max3A_31 {offsets = [0, 0], sizes = [1024, 128], strides = [1, 1]} : vector<1024x256xf32> to vector<1024x128xf32>
      %swap3A_33 = arith.constant 0 : index
      %swap3A_34 = arith.constant 0 : index
      %swap3A_35 = arith.constant 0 : index
      %swap3A_36 = vector.load %arg4[%swap3A_33, %swap3A_34, %swap3A_35] : memref<2x1024x128xf32, #tpu.memory_space<vmem>>, vector<1x1024x128xf32>
      %swap3A_37 = vector.shape_cast %swap3A_36 : vector<1x1024x128xf32> to vector<1024x128xf32>
      %swap3A_38 = vector.shape_cast %slice3A_32 : vector<1024x128xf32> to vector<1x1024x128xf32>
      tpu.vector_store %arg4[%swap3A_33, %swap3A_34, %swap3A_35], %swap3A_38 {strides = array<i32>} : memref<2x1024x128xf32, #tpu.memory_space<vmem>>, vector<1x1024x128xf32>,
      %reduce_max3A = arith.constant dense<0xFF800000> : vector<1024xf32>
      %reduce_max3A_39 = vector.multi_reduction <maximumf>, %slice3A_32, %reduce_max3A [1] : vector<1024x128xf32> to vector<1024xf32>
      %broadcast_in_dim3A_40 = vector.shape_cast %reduce_max3A_39 : vector<1024xf32> to vector<1x1024xf32>
      %slice3A_41 = vector.extract_strided_slice %max3A_31 {offsets = [0, 128], sizes = [1024, 128], strides = [1, 1]} : vector<1024x256xf32> to vector<1024x128xf32>
      %swap3A_42 = arith.constant 1 : index
      %swap3A_43 = arith.constant 0 : index
      %swap3A_44 = arith.constant 0 : index
      %swap3A_45 = vector.load %arg4[%swap3A_42, %swap3A_43, %swap3A_44] : memref<2x1024x128xf32, #tpu.memory_space<vmem>>, vector<1x1024x128xf32>
      %swap3A_46 = vector.shape_cast %swap3A_45 : vector<1x1024x128xf32> to vector<1024x128xf32>
      %swap3A_47 = vector.shape_cast %slice3A_41 : vector<1024x128xf32> to vector<1x1024x128xf32>
      tpu.vector_store %arg4[%swap3A_42, %swap3A_43, %swap3A_44], %swap3A_47 {strides = array<i32>} : memref<2x1024x128xf32, #tpu.memory_space<vmem>>, vector<1x1024x128xf32>,
      %reduce_max3A_48 = arith.constant dense<0xFF800000> : vector<1024xf32>
      %reduce_max3A_49 = vector.multi_reduction <maximumf>, %slice3A_41, %reduce_max3A_48 [1] : vector<1024x128xf32> to vector<1024xf32>
      %broadcast_in_dim3A_50 = vector.shape_cast %reduce_max3A_49 : vector<1024xf32> to vector<1x1024xf32>
      %concatenate3A = tpu.concatenate %broadcast_in_dim3A_40, %broadcast_in_dim3A_50 in 0 : vector<1x1024xf32>, vector<1x1024xf32> -> vector<2x1024xf32>
      %swap3A_51 = arith.constant 0 : index
      %swap3A_52 = arith.constant 0 : index
      %swap3A_53 = arith.constant 0 : index
      %swap3A_54 = vector.load %arg5[%swap3A_51, %swap3A_52, %swap3A_53] : memref<1x2x1024xf32, #tpu.memory_space<vmem>>, vector<1x2x1024xf32>
      %swap3A_55 = vector.shape_cast %swap3A_54 : vector<1x2x1024xf32> to vector<2x1024xf32>
      %swap3A_56 = vector.shape_cast %concatenate3A : vector<2x1024xf32> to vector<1x2x1024xf32>
      tpu.vector_store %arg5[%swap3A_51, %swap3A_52, %swap3A_53], %swap3A_56 {strides = array<i32>} : memref<1x2x1024xf32, #tpu.memory_space<vmem>>, vector<1x2x1024xf32>,
    } else {
    }
    %eq3A = arith.constant 48 : i32
    %eq3A_14 = arith.cmpi eq, %arg0, %eq3A : i32
    %convert_element_type3A_15 = arith.extui %eq3A_14 : i1 to i32
    %cond3A_16 = arith.constant 0 : i32
    %cond3A_17 = arith.cmpi ne, %convert_element_type3A_15, %cond3A_16 : i32
    scf.if %cond3A_17 {
      %get3A_18 = arith.constant 0 : index
      %get3A_19 = arith.constant 0 : index
      %get3A_20 = arith.constant 0 : index
      %get3A_21 = vector.load %arg3[%get3A_18, %get3A_19, %get3A_20] : memref<1x1x2048xf32, #tpu.memory_space<vmem>>, vector<1x1x2048xf32>
      %get3A_22 = vector.shape_cast %get3A_21 : vector<1x1x2048xf32> to vector<1x2048xf32>
      %gt3A = arith.constant 0.000000e+00 : f32
      %gt3A_23 = vector.broadcast %gt3A : f32 to vector<1x2048xf32>
      %gt3A_24 = arith.cmpf ogt, %get3A_22, %gt3A_23 : vector<1x2048xf32>
      %jit3A = arith.constant -3.000000e+38 : f32
      %broadcast_in_dim3A_25 = vector.shape_cast %gt3A_24 : vector<1x2048xi1> to vector<1x2048xi1>
      %broadcast_in_dim3A_26 = vector.broadcast %broadcast_in_dim3A_25 : vector<1x2048xi1> to vector<1024x2048xi1>
      %broadcast_in_dim3A_27 = vector.broadcast %jit3A : f32 to vector<1024x2048xf32>
      %select_n3A = arith.select %broadcast_in_dim3A_26, %dot_general3A_11, %broadcast_in_dim3A_27 : vector<1024x2048xi1>, vector<1024x2048xf32>
      %slice3A = vector.extract_strided_slice %select_n3A {offsets = [0, 0], sizes = [1024, 256], strides = [1, 1]} : vector<1024x2048xf32> to vector<1024x256xf32>
      %slice3A_28 = vector.extract_strided_slice %select_n3A {offsets = [0, 256], sizes = [1024, 256], strides = [1, 1]} : vector<1024x2048xf32> to vector<1024x256xf32>
      %max3A_29 = arith.maximumf %slice3A, %slice3A_28 : vector<1024x256xf32>
      %slice3A_30 = vector.extract_strided_slice %select_n3A {offsets = [0, 512], sizes = [1024, 256], strides = [1, 1]} : vector<1024x2048xf32> to vector<1024x256xf32>
      %max3A_31 = arith.maximumf %max3A_29, %slice3A_30 : vector<1024x256xf32>
      %slice3A_32 = vector.extract_strided_slice %select_n3A {offsets = [0, 768], sizes = [1024, 256], strides = [1, 1]} : vector<1024x2048xf32> to vector<1024x256xf32>
      %max3A_33 = arith.maximumf %max3A_31, %slice3A_32 : vector<1024x256xf32>
      %slice3A_34 = vector.extract_strided_slice %select_n3A {offsets = [0, 1024], sizes = [1024, 256], strides = [1, 1]} : vector<1024x2048xf32> to vector<1024x256xf32>
      %max3A_35 = arith.maximumf %max3A_33, %slice3A_34 : vector<1024x256xf32>
      %slice3A_36 = vector.extract_strided_slice %select_n3A {offsets = [0, 1280], sizes = [1024, 256], strides = [1, 1]} : vector<1024x2048xf32> to vector<1024x256xf32>
      %max3A_37 = arith.maximumf %max3A_35, %slice3A_36 : vector<1024x256xf32>
      %slice3A_38 = vector.extract_strided_slice %select_n3A {offsets = [0, 1536], sizes = [1024, 256], strides = [1, 1]} : vector<1024x2048xf32> to vector<1024x256xf32>
      %max3A_39 = arith.maximumf %max3A_37, %slice3A_38 : vector<1024x256xf32>
      %slice3A_40 = vector.extract_strided_slice %select_n3A {offsets = [0, 1792], sizes = [1024, 256], strides = [1, 1]} : vector<1024x2048xf32> to vector<1024x256xf32>
      %max3A_41 = arith.maximumf %max3A_39, %slice3A_40 : vector<1024x256xf32>
      %slice3A_42 = vector.extract_strided_slice %max3A_41 {offsets = [0, 0], sizes = [1024, 128], strides = [1, 1]} : vector<1024x256xf32> to vector<1024x128xf32>
      %swap3A_43 = arith.constant 0 : index
      %swap3A_44 = arith.constant 0 : index
      %swap3A_45 = arith.constant 0 : index
      %swap3A_46 = vector.load %arg4[%swap3A_43, %swap3A_44, %swap3A_45] : memref<2x1024x128xf32, #tpu.memory_space<vmem>>, vector<1x1024x128xf32>
      %swap3A_47 = vector.shape_cast %swap3A_46 : vector<1x1024x128xf32> to vector<1024x128xf32>
      %swap3A_48 = vector.shape_cast %slice3A_42 : vector<1024x128xf32> to vector<1x1024x128xf32>
      tpu.vector_store %arg4[%swap3A_43, %swap3A_44, %swap3A_45], %swap3A_48 {strides = array<i32>} : memref<2x1024x128xf32, #tpu.memory_space<vmem>>, vector<1x1024x128xf32>,
      %reduce_max3A = arith.constant dense<0xFF800000> : vector<1024xf32>
      %reduce_max3A_49 = vector.multi_reduction <maximumf>, %slice3A_42, %reduce_max3A [1] : vector<1024x128xf32> to vector<1024xf32>
      %broadcast_in_dim3A_50 = vector.shape_cast %reduce_max3A_49 : vector<1024xf32> to vector<1x1024xf32>
      %slice3A_51 = vector.extract_strided_slice %max3A_41 {offsets = [0, 128], sizes = [1024, 128], strides = [1, 1]} : vector<1024x256xf32> to vector<1024x128xf32>
      %swap3A_52 = arith.constant 1 : index
      %swap3A_53 = arith.constant 0 : index
      %swap3A_54 = arith.constant 0 : index
      %swap3A_55 = vector.load %arg4[%swap3A_52, %swap3A_53, %swap3A_54] : memref<2x1024x128xf32, #tpu.memory_space<vmem>>, vector<1x1024x128xf32>
      %swap3A_56 = vector.shape_cast %swap3A_55 : vector<1x1024x128xf32> to vector<1024x128xf32>
      %swap3A_57 = vector.shape_cast %slice3A_51 : vector<1024x128xf32> to vector<1x1024x128xf32>
      tpu.vector_store %arg4[%swap3A_52, %swap3A_53, %swap3A_54], %swap3A_57 {strides = array<i32>} : memref<2x1024x128xf32, #tpu.memory_space<vmem>>, vector<1x1024x128xf32>,
      %reduce_max3A_58 = arith.constant dense<0xFF800000> : vector<1024xf32>
      %reduce_max3A_59 = vector.multi_reduction <maximumf>, %slice3A_51, %reduce_max3A_58 [1] : vector<1024x128xf32> to vector<1024xf32>
      %broadcast_in_dim3A_60 = vector.shape_cast %reduce_max3A_59 : vector<1024xf32> to vector<1x1024xf32>
      %concatenate3A = tpu.concatenate %broadcast_in_dim3A_50, %broadcast_in_dim3A_60 in 0 : vector<1x1024xf32>, vector<1x1024xf32> -> vector<2x1024xf32>
      %swap3A_61 = arith.constant 0 : index
      %swap3A_62 = arith.constant 0 : index
      %swap3A_63 = arith.constant 0 : index
      %swap3A_64 = vector.load %arg5[%swap3A_61, %swap3A_62, %swap3A_63] : memref<1x2x1024xf32, #tpu.memory_space<vmem>>, vector<1x2x1024xf32>
      %swap3A_65 = vector.shape_cast %swap3A_64 : vector<1x2x1024xf32> to vector<2x1024xf32>
      %swap3A_66 = vector.shape_cast %concatenate3A : vector<2x1024xf32> to vector<1x2x1024xf32>
      tpu.vector_store %arg5[%swap3A_61, %swap3A_62, %swap3A_63], %swap3A_66 {strides = array<i32>} : memref<1x2x1024xf32, #tpu.memory_space<vmem>>, vector<1x2x1024xf32>,
    } else {
    }
    return
  }
  func.func @transform_0(%arg0: i32) -> (i32, i32) {
    %c0_i32 = arith.constant 0 : i32
    %c0_i32_0 = arith.constant 0 : i32
    %c0_i32_1 = arith.constant 0 : i32
    return %c0_i32, %c0_i32_0 : i32, i32
  }
  func.func @transform_1(%arg0: i32) -> (i32, i32) {
    %c0_i32 = arith.constant 0 : i32
    %c0_i32_0 = arith.constant 0 : i32
    return %arg0, %c0_i32 : i32, i32
  }
  func.func @transform_2(%arg0: i32) -> (i32, i32, i32) {
    %c0_i32 = arith.constant 0 : i32
    %c0_i32_0 = arith.constant 0 : i32
    %c0_i32_1 = arith.constant 0 : i32
    return %arg0, %c0_i32, %c0_i32_0 : i32, i32, i32
  }
  func.func @transform_3(%arg0: i32) -> (i32, i32, i32) {
    %c0_i32 = arith.constant 0 : i32
    %c0_i32_0 = arith.constant 0 : i32
    %c0_i32_1 = arith.constant 0 : i32
    return %arg0, %c0_i32, %c0_i32_0 : i32, i32, i32
  }
  func.func @transform_4(%arg0: i32) -> (i32, i32, i32) {
    %c0_i32 = arith.constant 0 : i32
    %c0_i32_0 = arith.constant 0 : i32
    %c0_i32_1 = arith.constant 0 : i32
    return %arg0, %c0_i32, %c0_i32_0 : i32, i32, i32
  }
  func.func @transform_5(%arg0: i32) -> (i32, i32) {
    %c0_i32 = arith.constant 0 : i32
    %c0_i32_0 = arith.constant 0 : i32
    return %arg0, %c0_i32 : i32, i32
  }
}

module attributes {stable_mosaic.version = 14 : i64} {
  func.func @_l2_topk_body(%arg0: memref<49x2x1024xf32, #tpu.memory_space<vmem>>, %arg1: memref<1024x16xi32, #tpu.memory_space<vmem>>, %arg2: memref<1024x16xi32, #tpu.memory_space<vmem>>) attributes {dimension_semantics = [], scalar_prefetch = 0 : i64, scratch_operands = 0 : i64, tpu.core_type = #tpu.core_type<tc>} {
    %get3A = arith.constant 0 : index
    %get3A_0 = arith.constant 0 : index
    %get3A_1 = arith.constant 0 : index
    %get3A_2 = vector.load %arg0[%get3A, %get3A_0, %get3A_1] : memref<49x2x1024xf32, #tpu.memory_space<vmem>>, vector<49x2x1024xf32>
    %iota3A = tpu.iota {dimensions = array<i32: 0>} : vector<49x2x1024xi32>
    %mul3A = arith.constant 2 : i32
    %mul3A_3 = vector.broadcast %mul3A : i32 to vector<49x2x1024xi32>
    %mul3A_4 = arith.muli %iota3A, %mul3A_3 : vector<49x2x1024xi32>
    %iota3A_5 = tpu.iota {dimensions = array<i32: 1>} : vector<49x2x1024xi32>
    %add3A = arith.addi %mul3A_4, %iota3A_5 : vector<49x2x1024xi32>
    %convert_element_type3A = arith.sitofp %add3A : vector<49x2x1024xi32> to vector<49x2x1024xf32>
    %iota3A_6 = tpu.iota {dimensions = array<i32: 0>} : vector<1024x16xi32>
    %reduce_max3A = arith.constant dense<0xFF800000> : vector<49x1024xf32>
    %reduce_max3A_7 = vector.multi_reduction <maximumf>, %get3A_2, %reduce_max3A [1] : vector<49x2x1024xf32> to vector<49x1024xf32>
    %reduce_max3A_8 = arith.constant dense<0xFF800000> : vector<1024xf32>
    %reduce_max3A_9 = vector.multi_reduction <maximumf>, %reduce_max3A_7, %reduce_max3A_8 [0] : vector<49x1024xf32> to vector<1024xf32>
    %broadcast_in_dim3A = vector.shape_cast %reduce_max3A_9 : vector<1024xf32> to vector<1x1x1024xf32>
    %eq3A = vector.broadcast %broadcast_in_dim3A : vector<1x1x1024xf32> to vector<49x2x1024xf32>
    %eq3A_10 = arith.cmpf oeq, %get3A_2, %eq3A : vector<49x2x1024xf32>
    %jit3A = arith.constant 3.000000e+38 : f32
    %broadcast_in_dim3A_11 = vector.broadcast %jit3A : f32 to vector<49x2x1024xf32>
    %select_n3A = arith.select %eq3A_10, %convert_element_type3A, %broadcast_in_dim3A_11 : vector<49x2x1024xi1>, vector<49x2x1024xf32>
    %reduce_min3A = arith.constant dense<0x7F800000> : vector<49x1024xf32>
    %reduce_min3A_12 = vector.multi_reduction <minimumf>, %select_n3A, %reduce_min3A [1] : vector<49x2x1024xf32> to vector<49x1024xf32>
    %reduce_min3A_13 = arith.constant dense<0x7F800000> : vector<1024xf32>
    %reduce_min3A_14 = vector.multi_reduction <minimumf>, %reduce_min3A_12, %reduce_min3A_13 [0] : vector<49x1024xf32> to vector<1024xf32>
    %broadcast_in_dim3A_15 = vector.shape_cast %reduce_min3A_14 : vector<1024xf32> to vector<1x1x1024xf32>
    %eq3A_16 = vector.broadcast %broadcast_in_dim3A_15 : vector<1x1x1024xf32> to vector<49x2x1024xf32>
    %eq3A_17 = arith.cmpf oeq, %convert_element_type3A, %eq3A_16 : vector<49x2x1024xf32>
    %jit3A_18 = arith.constant -3.000000e+38 : f32
    %broadcast_in_dim3A_19 = vector.broadcast %jit3A_18 : f32 to vector<49x2x1024xf32>
    %select_n3A_20 = arith.select %eq3A_17, %broadcast_in_dim3A_19, %get3A_2 : vector<49x2x1024xi1>, vector<49x2x1024xf32>
    %broadcast_in_dim3A_21 = vector.shape_cast %reduce_min3A_14 : vector<1024xf32> to vector<1024x1xf32>
    %reduce_max3A_22 = arith.constant dense<0xFF800000> : vector<49x1024xf32>
    %reduce_max3A_23 = vector.multi_reduction <maximumf>, %select_n3A_20, %reduce_max3A_22 [1] : vector<49x2x1024xf32> to vector<49x1024xf32>
    %reduce_max3A_24 = arith.constant dense<0xFF800000> : vector<1024xf32>
    %reduce_max3A_25 = vector.multi_reduction <maximumf>, %reduce_max3A_23, %reduce_max3A_24 [0] : vector<49x1024xf32> to vector<1024xf32>
    %broadcast_in_dim3A_26 = vector.shape_cast %reduce_max3A_25 : vector<1024xf32> to vector<1x1x1024xf32>
    %eq3A_27 = vector.broadcast %broadcast_in_dim3A_26 : vector<1x1x1024xf32> to vector<49x2x1024xf32>
    %eq3A_28 = arith.cmpf oeq, %select_n3A_20, %eq3A_27 : vector<49x2x1024xf32>
    %jit3A_29 = arith.constant 3.000000e+38 : f32
    %broadcast_in_dim3A_30 = vector.broadcast %jit3A_29 : f32 to vector<49x2x1024xf32>
    %select_n3A_31 = arith.select %eq3A_28, %convert_element_type3A, %broadcast_in_dim3A_30 : vector<49x2x1024xi1>, vector<49x2x1024xf32>
    %reduce_min3A_32 = arith.constant dense<0x7F800000> : vector<49x1024xf32>
    %reduce_min3A_33 = vector.multi_reduction <minimumf>, %select_n3A_31, %reduce_min3A_32 [1] : vector<49x2x1024xf32> to vector<49x1024xf32>
    %reduce_min3A_34 = arith.constant dense<0x7F800000> : vector<1024xf32>
    %reduce_min3A_35 = vector.multi_reduction <minimumf>, %reduce_min3A_33, %reduce_min3A_34 [0] : vector<49x1024xf32> to vector<1024xf32>
    %broadcast_in_dim3A_36 = vector.shape_cast %reduce_min3A_35 : vector<1024xf32> to vector<1x1x1024xf32>
    %eq3A_37 = vector.broadcast %broadcast_in_dim3A_36 : vector<1x1x1024xf32> to vector<49x2x1024xf32>
    %eq3A_38 = arith.cmpf oeq, %convert_element_type3A, %eq3A_37 : vector<49x2x1024xf32>
    %jit3A_39 = arith.constant -3.000000e+38 : f32
    %broadcast_in_dim3A_40 = vector.broadcast %jit3A_39 : f32 to vector<49x2x1024xf32>
    %select_n3A_41 = arith.select %eq3A_38, %broadcast_in_dim3A_40, %select_n3A_20 : vector<49x2x1024xi1>, vector<49x2x1024xf32>
    %broadcast_in_dim3A_42 = vector.shape_cast %reduce_min3A_35 : vector<1024xf32> to vector<1024x1xf32>
    %reduce_max3A_43 = arith.constant dense<0xFF800000> : vector<49x1024xf32>
    %reduce_max3A_44 = vector.multi_reduction <maximumf>, %select_n3A_41, %reduce_max3A_43 [1] : vector<49x2x1024xf32> to vector<49x1024xf32>
    %reduce_max3A_45 = arith.constant dense<0xFF800000> : vector<1024xf32>
    %reduce_max3A_46 = vector.multi_reduction <maximumf>, %reduce_max3A_44, %reduce_max3A_45 [0] : vector<49x1024xf32> to vector<1024xf32>
    %broadcast_in_dim3A_47 = vector.shape_cast %reduce_max3A_46 : vector<1024xf32> to vector<1x1x1024xf32>
    %eq3A_48 = vector.broadcast %broadcast_in_dim3A_47 : vector<1x1x1024xf32> to vector<49x2x1024xf32>
    %eq3A_49 = arith.cmpf oeq, %select_n3A_41, %eq3A_48 : vector<49x2x1024xf32>
    %jit3A_50 = arith.constant 3.000000e+38 : f32
    %broadcast_in_dim3A_51 = vector.broadcast %jit3A_50 : f32 to vector<49x2x1024xf32>
    %select_n3A_52 = arith.select %eq3A_49, %convert_element_type3A, %broadcast_in_dim3A_51 : vector<49x2x1024xi1>, vector<49x2x1024xf32>
    %reduce_min3A_53 = arith.constant dense<0x7F800000> : vector<49x1024xf32>
    %reduce_min3A_54 = vector.multi_reduction <minimumf>, %select_n3A_52, %reduce_min3A_53 [1] : vector<49x2x1024xf32> to vector<49x1024xf32>
    %reduce_min3A_55 = arith.constant dense<0x7F800000> : vector<1024xf32>
    %reduce_min3A_56 = vector.multi_reduction <minimumf>, %reduce_min3A_54, %reduce_min3A_55 [0] : vector<49x1024xf32> to vector<1024xf32>
    %broadcast_in_dim3A_57 = vector.shape_cast %reduce_min3A_56 : vector<1024xf32> to vector<1x1x1024xf32>
    %eq3A_58 = vector.broadcast %broadcast_in_dim3A_57 : vector<1x1x1024xf32> to vector<49x2x1024xf32>
    %eq3A_59 = arith.cmpf oeq, %convert_element_type3A, %eq3A_58 : vector<49x2x1024xf32>
    %jit3A_60 = arith.constant -3.000000e+38 : f32
    %broadcast_in_dim3A_61 = vector.broadcast %jit3A_60 : f32 to vector<49x2x1024xf32>
    %select_n3A_62 = arith.select %eq3A_59, %broadcast_in_dim3A_61, %select_n3A_41 : vector<49x2x1024xi1>, vector<49x2x1024xf32>
    %broadcast_in_dim3A_63 = vector.shape_cast %reduce_min3A_56 : vector<1024xf32> to vector<1024x1xf32>
    %reduce_max3A_64 = arith.constant dense<0xFF800000> : vector<49x1024xf32>
    %reduce_max3A_65 = vector.multi_reduction <maximumf>, %select_n3A_62, %reduce_max3A_64 [1] : vector<49x2x1024xf32> to vector<49x1024xf32>
    %reduce_max3A_66 = arith.constant dense<0xFF800000> : vector<1024xf32>
    %reduce_max3A_67 = vector.multi_reduction <maximumf>, %reduce_max3A_65, %reduce_max3A_66 [0] : vector<49x1024xf32> to vector<1024xf32>
    %broadcast_in_dim3A_68 = vector.shape_cast %reduce_max3A_67 : vector<1024xf32> to vector<1x1x1024xf32>
    %eq3A_69 = vector.broadcast %broadcast_in_dim3A_68 : vector<1x1x1024xf32> to vector<49x2x1024xf32>
    %eq3A_70 = arith.cmpf oeq, %select_n3A_62, %eq3A_69 : vector<49x2x1024xf32>
    %jit3A_71 = arith.constant 3.000000e+38 : f32
    %broadcast_in_dim3A_72 = vector.broadcast %jit3A_71 : f32 to vector<49x2x1024xf32>
    %select_n3A_73 = arith.select %eq3A_70, %convert_element_type3A, %broadcast_in_dim3A_72 : vector<49x2x1024xi1>, vector<49x2x1024xf32>
    %reduce_min3A_74 = arith.constant dense<0x7F800000> : vector<49x1024xf32>
    %reduce_min3A_75 = vector.multi_reduction <minimumf>, %select_n3A_73, %reduce_min3A_74 [1] : vector<49x2x1024xf32> to vector<49x1024xf32>
    %reduce_min3A_76 = arith.constant dense<0x7F800000> : vector<1024xf32>
    %reduce_min3A_77 = vector.multi_reduction <minimumf>, %reduce_min3A_75, %reduce_min3A_76 [0] : vector<49x1024xf32> to vector<1024xf32>
    %broadcast_in_dim3A_78 = vector.shape_cast %reduce_min3A_77 : vector<1024xf32> to vector<1x1x1024xf32>
    %eq3A_79 = vector.broadcast %broadcast_in_dim3A_78 : vector<1x1x1024xf32> to vector<49x2x1024xf32>
    %eq3A_80 = arith.cmpf oeq, %convert_element_type3A, %eq3A_79 : vector<49x2x1024xf32>
    %jit3A_81 = arith.constant -3.000000e+38 : f32
    %broadcast_in_dim3A_82 = vector.broadcast %jit3A_81 : f32 to vector<49x2x1024xf32>
    %select_n3A_83 = arith.select %eq3A_80, %broadcast_in_dim3A_82, %select_n3A_62 : vector<49x2x1024xi1>, vector<49x2x1024xf32>
    %broadcast_in_dim3A_84 = vector.shape_cast %reduce_min3A_77 : vector<1024xf32> to vector<1024x1xf32>
    %reduce_max3A_85 = arith.constant dense<0xFF800000> : vector<49x1024xf32>
    %reduce_max3A_86 = vector.multi_reduction <maximumf>, %select_n3A_83, %reduce_max3A_85 [1] : vector<49x2x1024xf32> to vector<49x1024xf32>
    %reduce_max3A_87 = arith.constant dense<0xFF800000> : vector<1024xf32>
    %reduce_max3A_88 = vector.multi_reduction <maximumf>, %reduce_max3A_86, %reduce_max3A_87 [0] : vector<49x1024xf32> to vector<1024xf32>
    %broadcast_in_dim3A_89 = vector.shape_cast %reduce_max3A_88 : vector<1024xf32> to vector<1x1x1024xf32>
    %eq3A_90 = vector.broadcast %broadcast_in_dim3A_89 : vector<1x1x1024xf32> to vector<49x2x1024xf32>
    %eq3A_91 = arith.cmpf oeq, %select_n3A_83, %eq3A_90 : vector<49x2x1024xf32>
    %jit3A_92 = arith.constant 3.000000e+38 : f32
    %broadcast_in_dim3A_93 = vector.broadcast %jit3A_92 : f32 to vector<49x2x1024xf32>
    %select_n3A_94 = arith.select %eq3A_91, %convert_element_type3A, %broadcast_in_dim3A_93 : vector<49x2x1024xi1>, vector<49x2x1024xf32>
    %reduce_min3A_95 = arith.constant dense<0x7F800000> : vector<49x1024xf32>
    %reduce_min3A_96 = vector.multi_reduction <minimumf>, %select_n3A_94, %reduce_min3A_95 [1] : vector<49x2x1024xf32> to vector<49x1024xf32>
    %reduce_min3A_97 = arith.constant dense<0x7F800000> : vector<1024xf32>
    %reduce_min3A_98 = vector.multi_reduction <minimumf>, %reduce_min3A_96, %reduce_min3A_97 [0] : vector<49x1024xf32> to vector<1024xf32>
    %broadcast_in_dim3A_99 = vector.shape_cast %reduce_min3A_98 : vector<1024xf32> to vector<1x1x1024xf32>
    %eq3A_100 = vector.broadcast %broadcast_in_dim3A_99 : vector<1x1x1024xf32> to vector<49x2x1024xf32>
    %eq3A_101 = arith.cmpf oeq, %convert_element_type3A, %eq3A_100 : vector<49x2x1024xf32>
    %jit3A_102 = arith.constant -3.000000e+38 : f32
    %broadcast_in_dim3A_103 = vector.broadcast %jit3A_102 : f32 to vector<49x2x1024xf32>
    %select_n3A_104 = arith.select %eq3A_101, %broadcast_in_dim3A_103, %select_n3A_83 : vector<49x2x1024xi1>, vector<49x2x1024xf32>
    %broadcast_in_dim3A_105 = vector.shape_cast %reduce_min3A_98 : vector<1024xf32> to vector<1024x1xf32>
    %reduce_max3A_106 = arith.constant dense<0xFF800000> : vector<49x1024xf32>
    %reduce_max3A_107 = vector.multi_reduction <maximumf>, %select_n3A_104, %reduce_max3A_106 [1] : vector<49x2x1024xf32> to vector<49x1024xf32>
    %reduce_max3A_108 = arith.constant dense<0xFF800000> : vector<1024xf32>
    %reduce_max3A_109 = vector.multi_reduction <maximumf>, %reduce_max3A_107, %reduce_max3A_108 [0] : vector<49x1024xf32> to vector<1024xf32>
    %broadcast_in_dim3A_110 = vector.shape_cast %reduce_max3A_109 : vector<1024xf32> to vector<1x1x1024xf32>
    %eq3A_111 = vector.broadcast %broadcast_in_dim3A_110 : vector<1x1x1024xf32> to vector<49x2x1024xf32>
    %eq3A_112 = arith.cmpf oeq, %select_n3A_104, %eq3A_111 : vector<49x2x1024xf32>
    %jit3A_113 = arith.constant 3.000000e+38 : f32
    %broadcast_in_dim3A_114 = vector.broadcast %jit3A_113 : f32 to vector<49x2x1024xf32>
    %select_n3A_115 = arith.select %eq3A_112, %convert_element_type3A, %broadcast_in_dim3A_114 : vector<49x2x1024xi1>, vector<49x2x1024xf32>
    %reduce_min3A_116 = arith.constant dense<0x7F800000> : vector<49x1024xf32>
    %reduce_min3A_117 = vector.multi_reduction <minimumf>, %select_n3A_115, %reduce_min3A_116 [1] : vector<49x2x1024xf32> to vector<49x1024xf32>
    %reduce_min3A_118 = arith.constant dense<0x7F800000> : vector<1024xf32>
    %reduce_min3A_119 = vector.multi_reduction <minimumf>, %reduce_min3A_117, %reduce_min3A_118 [0] : vector<49x1024xf32> to vector<1024xf32>
    %broadcast_in_dim3A_120 = vector.shape_cast %reduce_min3A_119 : vector<1024xf32> to vector<1x1x1024xf32>
    %eq3A_121 = vector.broadcast %broadcast_in_dim3A_120 : vector<1x1x1024xf32> to vector<49x2x1024xf32>
    %eq3A_122 = arith.cmpf oeq, %convert_element_type3A, %eq3A_121 : vector<49x2x1024xf32>
    %jit3A_123 = arith.constant -3.000000e+38 : f32
    %broadcast_in_dim3A_124 = vector.broadcast %jit3A_123 : f32 to vector<49x2x1024xf32>
    %select_n3A_125 = arith.select %eq3A_122, %broadcast_in_dim3A_124, %select_n3A_104 : vector<49x2x1024xi1>, vector<49x2x1024xf32>
    %broadcast_in_dim3A_126 = vector.shape_cast %reduce_min3A_119 : vector<1024xf32> to vector<1024x1xf32>
    %reduce_max3A_127 = arith.constant dense<0xFF800000> : vector<49x1024xf32>
    %reduce_max3A_128 = vector.multi_reduction <maximumf>, %select_n3A_125, %reduce_max3A_127 [1] : vector<49x2x1024xf32> to vector<49x1024xf32>
    %reduce_max3A_129 = arith.constant dense<0xFF800000> : vector<1024xf32>
    %reduce_max3A_130 = vector.multi_reduction <maximumf>, %reduce_max3A_128, %reduce_max3A_129 [0] : vector<49x1024xf32> to vector<1024xf32>
    %broadcast_in_dim3A_131 = vector.shape_cast %reduce_max3A_130 : vector<1024xf32> to vector<1x1x1024xf32>
    %eq3A_132 = vector.broadcast %broadcast_in_dim3A_131 : vector<1x1x1024xf32> to vector<49x2x1024xf32>
    %eq3A_133 = arith.cmpf oeq, %select_n3A_125, %eq3A_132 : vector<49x2x1024xf32>
    %jit3A_134 = arith.constant 3.000000e+38 : f32
    %broadcast_in_dim3A_135 = vector.broadcast %jit3A_134 : f32 to vector<49x2x1024xf32>
    %select_n3A_136 = arith.select %eq3A_133, %convert_element_type3A, %broadcast_in_dim3A_135 : vector<49x2x1024xi1>, vector<49x2x1024xf32>
    %reduce_min3A_137 = arith.constant dense<0x7F800000> : vector<49x1024xf32>
    %reduce_min3A_138 = vector.multi_reduction <minimumf>, %select_n3A_136, %reduce_min3A_137 [1] : vector<49x2x1024xf32> to vector<49x1024xf32>
    %reduce_min3A_139 = arith.constant dense<0x7F800000> : vector<1024xf32>
    %reduce_min3A_140 = vector.multi_reduction <minimumf>, %reduce_min3A_138, %reduce_min3A_139 [0] : vector<49x1024xf32> to vector<1024xf32>
    %broadcast_in_dim3A_141 = vector.shape_cast %reduce_min3A_140 : vector<1024xf32> to vector<1x1x1024xf32>
    %eq3A_142 = vector.broadcast %broadcast_in_dim3A_141 : vector<1x1x1024xf32> to vector<49x2x1024xf32>
    %eq3A_143 = arith.cmpf oeq, %convert_element_type3A, %eq3A_142 : vector<49x2x1024xf32>
    %jit3A_144 = arith.constant -3.000000e+38 : f32
    %broadcast_in_dim3A_145 = vector.broadcast %jit3A_144 : f32 to vector<49x2x1024xf32>
    %select_n3A_146 = arith.select %eq3A_143, %broadcast_in_dim3A_145, %select_n3A_125 : vector<49x2x1024xi1>, vector<49x2x1024xf32>
    %broadcast_in_dim3A_147 = vector.shape_cast %reduce_min3A_140 : vector<1024xf32> to vector<1024x1xf32>
    %reduce_max3A_148 = arith.constant dense<0xFF800000> : vector<49x1024xf32>
    %reduce_max3A_149 = vector.multi_reduction <maximumf>, %select_n3A_146, %reduce_max3A_148 [1] : vector<49x2x1024xf32> to vector<49x1024xf32>
    %reduce_max3A_150 = arith.constant dense<0xFF800000> : vector<1024xf32>
    %reduce_max3A_151 = vector.multi_reduction <maximumf>, %reduce_max3A_149, %reduce_max3A_150 [0] : vector<49x1024xf32> to vector<1024xf32>
    %broadcast_in_dim3A_152 = vector.shape_cast %reduce_max3A_151 : vector<1024xf32> to vector<1x1x1024xf32>
    %eq3A_153 = vector.broadcast %broadcast_in_dim3A_152 : vector<1x1x1024xf32> to vector<49x2x1024xf32>
    %eq3A_154 = arith.cmpf oeq, %select_n3A_146, %eq3A_153 : vector<49x2x1024xf32>
    %jit3A_155 = arith.constant 3.000000e+38 : f32
    %broadcast_in_dim3A_156 = vector.broadcast %jit3A_155 : f32 to vector<49x2x1024xf32>
    %select_n3A_157 = arith.select %eq3A_154, %convert_element_type3A, %broadcast_in_dim3A_156 : vector<49x2x1024xi1>, vector<49x2x1024xf32>
    %reduce_min3A_158 = arith.constant dense<0x7F800000> : vector<49x1024xf32>
    %reduce_min3A_159 = vector.multi_reduction <minimumf>, %select_n3A_157, %reduce_min3A_158 [1] : vector<49x2x1024xf32> to vector<49x1024xf32>
    %reduce_min3A_160 = arith.constant dense<0x7F800000> : vector<1024xf32>
    %reduce_min3A_161 = vector.multi_reduction <minimumf>, %reduce_min3A_159, %reduce_min3A_160 [0] : vector<49x1024xf32> to vector<1024xf32>
    %broadcast_in_dim3A_162 = vector.shape_cast %reduce_min3A_161 : vector<1024xf32> to vector<1x1x1024xf32>
    %eq3A_163 = vector.broadcast %broadcast_in_dim3A_162 : vector<1x1x1024xf32> to vector<49x2x1024xf32>
    %eq3A_164 = arith.cmpf oeq, %convert_element_type3A, %eq3A_163 : vector<49x2x1024xf32>
    %jit3A_165 = arith.constant -3.000000e+38 : f32
    %broadcast_in_dim3A_166 = vector.broadcast %jit3A_165 : f32 to vector<49x2x1024xf32>
    %select_n3A_167 = arith.select %eq3A_164, %broadcast_in_dim3A_166, %select_n3A_146 : vector<49x2x1024xi1>, vector<49x2x1024xf32>
    %broadcast_in_dim3A_168 = vector.shape_cast %reduce_min3A_161 : vector<1024xf32> to vector<1024x1xf32>
    %reduce_max3A_169 = arith.constant dense<0xFF800000> : vector<49x1024xf32>
    %reduce_max3A_170 = vector.multi_reduction <maximumf>, %select_n3A_167, %reduce_max3A_169 [1] : vector<49x2x1024xf32> to vector<49x1024xf32>
    %reduce_max3A_171 = arith.constant dense<0xFF800000> : vector<1024xf32>
    %reduce_max3A_172 = vector.multi_reduction <maximumf>, %reduce_max3A_170, %reduce_max3A_171 [0] : vector<49x1024xf32> to vector<1024xf32>
    %broadcast_in_dim3A_173 = vector.shape_cast %reduce_max3A_172 : vector<1024xf32> to vector<1x1x1024xf32>
    %eq3A_174 = vector.broadcast %broadcast_in_dim3A_173 : vector<1x1x1024xf32> to vector<49x2x1024xf32>
    %eq3A_175 = arith.cmpf oeq, %select_n3A_167, %eq3A_174 : vector<49x2x1024xf32>
    %jit3A_176 = arith.constant 3.000000e+38 : f32
    %broadcast_in_dim3A_177 = vector.broadcast %jit3A_176 : f32 to vector<49x2x1024xf32>
    %select_n3A_178 = arith.select %eq3A_175, %convert_element_type3A, %broadcast_in_dim3A_177 : vector<49x2x1024xi1>, vector<49x2x1024xf32>
    %reduce_min3A_179 = arith.constant dense<0x7F800000> : vector<49x1024xf32>
    %reduce_min3A_180 = vector.multi_reduction <minimumf>, %select_n3A_178, %reduce_min3A_179 [1] : vector<49x2x1024xf32> to vector<49x1024xf32>
    %reduce_min3A_181 = arith.constant dense<0x7F800000> : vector<1024xf32>
    %reduce_min3A_182 = vector.multi_reduction <minimumf>, %reduce_min3A_180, %reduce_min3A_181 [0] : vector<49x1024xf32> to vector<1024xf32>
    %broadcast_in_dim3A_183 = vector.shape_cast %reduce_min3A_182 : vector<1024xf32> to vector<1x1x1024xf32>
    %eq3A_184 = vector.broadcast %broadcast_in_dim3A_183 : vector<1x1x1024xf32> to vector<49x2x1024xf32>
    %eq3A_185 = arith.cmpf oeq, %convert_element_type3A, %eq3A_184 : vector<49x2x1024xf32>
    %jit3A_186 = arith.constant -3.000000e+38 : f32
    %broadcast_in_dim3A_187 = vector.broadcast %jit3A_186 : f32 to vector<49x2x1024xf32>
    %select_n3A_188 = arith.select %eq3A_185, %broadcast_in_dim3A_187, %select_n3A_167 : vector<49x2x1024xi1>, vector<49x2x1024xf32>
    %broadcast_in_dim3A_189 = vector.shape_cast %reduce_min3A_182 : vector<1024xf32> to vector<1024x1xf32>
    %reduce_max3A_190 = arith.constant dense<0xFF800000> : vector<49x1024xf32>
    %reduce_max3A_191 = vector.multi_reduction <maximumf>, %select_n3A_188, %reduce_max3A_190 [1] : vector<49x2x1024xf32> to vector<49x1024xf32>
    %reduce_max3A_192 = arith.constant dense<0xFF800000> : vector<1024xf32>
    %reduce_max3A_193 = vector.multi_reduction <maximumf>, %reduce_max3A_191, %reduce_max3A_192 [0] : vector<49x1024xf32> to vector<1024xf32>
    %broadcast_in_dim3A_194 = vector.shape_cast %reduce_max3A_193 : vector<1024xf32> to vector<1x1x1024xf32>
    %eq3A_195 = vector.broadcast %broadcast_in_dim3A_194 : vector<1x1x1024xf32> to vector<49x2x1024xf32>
    %eq3A_196 = arith.cmpf oeq, %select_n3A_188, %eq3A_195 : vector<49x2x1024xf32>
    %jit3A_197 = arith.constant 3.000000e+38 : f32
    %broadcast_in_dim3A_198 = vector.broadcast %jit3A_197 : f32 to vector<49x2x1024xf32>
    %select_n3A_199 = arith.select %eq3A_196, %convert_element_type3A, %broadcast_in_dim3A_198 : vector<49x2x1024xi1>, vector<49x2x1024xf32>
    %reduce_min3A_200 = arith.constant dense<0x7F800000> : vector<49x1024xf32>
    %reduce_min3A_201 = vector.multi_reduction <minimumf>, %select_n3A_199, %reduce_min3A_200 [1] : vector<49x2x1024xf32> to vector<49x1024xf32>
    %reduce_min3A_202 = arith.constant dense<0x7F800000> : vector<1024xf32>
    %reduce_min3A_203 = vector.multi_reduction <minimumf>, %reduce_min3A_201, %reduce_min3A_202 [0] : vector<49x1024xf32> to vector<1024xf32>
    %broadcast_in_dim3A_204 = vector.shape_cast %reduce_min3A_203 : vector<1024xf32> to vector<1x1x1024xf32>
    %eq3A_205 = vector.broadcast %broadcast_in_dim3A_204 : vector<1x1x1024xf32> to vector<49x2x1024xf32>
    %eq3A_206 = arith.cmpf oeq, %convert_element_type3A, %eq3A_205 : vector<49x2x1024xf32>
    %jit3A_207 = arith.constant -3.000000e+38 : f32
    %broadcast_in_dim3A_208 = vector.broadcast %jit3A_207 : f32 to vector<49x2x1024xf32>
    %select_n3A_209 = arith.select %eq3A_206, %broadcast_in_dim3A_208, %select_n3A_188 : vector<49x2x1024xi1>, vector<49x2x1024xf32>
    %broadcast_in_dim3A_210 = vector.shape_cast %reduce_min3A_203 : vector<1024xf32> to vector<1024x1xf32>
    %reduce_max3A_211 = arith.constant dense<0xFF800000> : vector<49x1024xf32>
    %reduce_max3A_212 = vector.multi_reduction <maximumf>, %select_n3A_209, %reduce_max3A_211 [1] : vector<49x2x1024xf32> to vector<49x1024xf32>
    %reduce_max3A_213 = arith.constant dense<0xFF800000> : vector<1024xf32>
    %reduce_max3A_214 = vector.multi_reduction <maximumf>, %reduce_max3A_212, %reduce_max3A_213 [0] : vector<49x1024xf32> to vector<1024xf32>
    %broadcast_in_dim3A_215 = vector.shape_cast %reduce_max3A_214 : vector<1024xf32> to vector<1x1x1024xf32>
    %eq3A_216 = vector.broadcast %broadcast_in_dim3A_215 : vector<1x1x1024xf32> to vector<49x2x1024xf32>
    %eq3A_217 = arith.cmpf oeq, %select_n3A_209, %eq3A_216 : vector<49x2x1024xf32>
    %jit3A_218 = arith.constant 3.000000e+38 : f32
    %broadcast_in_dim3A_219 = vector.broadcast %jit3A_218 : f32 to vector<49x2x1024xf32>
    %select_n3A_220 = arith.select %eq3A_217, %convert_element_type3A, %broadcast_in_dim3A_219 : vector<49x2x1024xi1>, vector<49x2x1024xf32>
    %reduce_min3A_221 = arith.constant dense<0x7F800000> : vector<49x1024xf32>
    %reduce_min3A_222 = vector.multi_reduction <minimumf>, %select_n3A_220, %reduce_min3A_221 [1] : vector<49x2x1024xf32> to vector<49x1024xf32>
    %reduce_min3A_223 = arith.constant dense<0x7F800000> : vector<1024xf32>
    %reduce_min3A_224 = vector.multi_reduction <minimumf>, %reduce_min3A_222, %reduce_min3A_223 [0] : vector<49x1024xf32> to vector<1024xf32>
    %broadcast_in_dim3A_225 = vector.shape_cast %reduce_min3A_224 : vector<1024xf32> to vector<1x1x1024xf32>
    %eq3A_226 = vector.broadcast %broadcast_in_dim3A_225 : vector<1x1x1024xf32> to vector<49x2x1024xf32>
    %eq3A_227 = arith.cmpf oeq, %convert_element_type3A, %eq3A_226 : vector<49x2x1024xf32>
    %jit3A_228 = arith.constant -3.000000e+38 : f32
    %broadcast_in_dim3A_229 = vector.broadcast %jit3A_228 : f32 to vector<49x2x1024xf32>
    %select_n3A_230 = arith.select %eq3A_227, %broadcast_in_dim3A_229, %select_n3A_209 : vector<49x2x1024xi1>, vector<49x2x1024xf32>
    %broadcast_in_dim3A_231 = vector.shape_cast %reduce_min3A_224 : vector<1024xf32> to vector<1024x1xf32>
    %reduce_max3A_232 = arith.constant dense<0xFF800000> : vector<49x1024xf32>
    %reduce_max3A_233 = vector.multi_reduction <maximumf>, %select_n3A_230, %reduce_max3A_232 [1] : vector<49x2x1024xf32> to vector<49x1024xf32>
    %reduce_max3A_234 = arith.constant dense<0xFF800000> : vector<1024xf32>
    %reduce_max3A_235 = vector.multi_reduction <maximumf>, %reduce_max3A_233, %reduce_max3A_234 [0] : vector<49x1024xf32> to vector<1024xf32>
    %broadcast_in_dim3A_236 = vector.shape_cast %reduce_max3A_235 : vector<1024xf32> to vector<1x1x1024xf32>
    %eq3A_237 = vector.broadcast %broadcast_in_dim3A_236 : vector<1x1x1024xf32> to vector<49x2x1024xf32>
    %eq3A_238 = arith.cmpf oeq, %select_n3A_230, %eq3A_237 : vector<49x2x1024xf32>
    %jit3A_239 = arith.constant 3.000000e+38 : f32
    %broadcast_in_dim3A_240 = vector.broadcast %jit3A_239 : f32 to vector<49x2x1024xf32>
    %select_n3A_241 = arith.select %eq3A_238, %convert_element_type3A, %broadcast_in_dim3A_240 : vector<49x2x1024xi1>, vector<49x2x1024xf32>
    %reduce_min3A_242 = arith.constant dense<0x7F800000> : vector<49x1024xf32>
    %reduce_min3A_243 = vector.multi_reduction <minimumf>, %select_n3A_241, %reduce_min3A_242 [1] : vector<49x2x1024xf32> to vector<49x1024xf32>
    %reduce_min3A_244 = arith.constant dense<0x7F800000> : vector<1024xf32>
    %reduce_min3A_245 = vector.multi_reduction <minimumf>, %reduce_min3A_243, %reduce_min3A_244 [0] : vector<49x1024xf32> to vector<1024xf32>
    %broadcast_in_dim3A_246 = vector.shape_cast %reduce_min3A_245 : vector<1024xf32> to vector<1x1x1024xf32>
    %eq3A_247 = vector.broadcast %broadcast_in_dim3A_246 : vector<1x1x1024xf32> to vector<49x2x1024xf32>
    %eq3A_248 = arith.cmpf oeq, %convert_element_type3A, %eq3A_247 : vector<49x2x1024xf32>
    %jit3A_249 = arith.constant -3.000000e+38 : f32
    %broadcast_in_dim3A_250 = vector.broadcast %jit3A_249 : f32 to vector<49x2x1024xf32>
    %select_n3A_251 = arith.select %eq3A_248, %broadcast_in_dim3A_250, %select_n3A_230 : vector<49x2x1024xi1>, vector<49x2x1024xf32>
    %broadcast_in_dim3A_252 = vector.shape_cast %reduce_min3A_245 : vector<1024xf32> to vector<1024x1xf32>
    %reduce_max3A_253 = arith.constant dense<0xFF800000> : vector<49x1024xf32>
    %reduce_max3A_254 = vector.multi_reduction <maximumf>, %select_n3A_251, %reduce_max3A_253 [1] : vector<49x2x1024xf32> to vector<49x1024xf32>
    %reduce_max3A_255 = arith.constant dense<0xFF800000> : vector<1024xf32>
    %reduce_max3A_256 = vector.multi_reduction <maximumf>, %reduce_max3A_254, %reduce_max3A_255 [0] : vector<49x1024xf32> to vector<1024xf32>
    %broadcast_in_dim3A_257 = vector.shape_cast %reduce_max3A_256 : vector<1024xf32> to vector<1x1x1024xf32>
    %eq3A_258 = vector.broadcast %broadcast_in_dim3A_257 : vector<1x1x1024xf32> to vector<49x2x1024xf32>
    %eq3A_259 = arith.cmpf oeq, %select_n3A_251, %eq3A_258 : vector<49x2x1024xf32>
    %jit3A_260 = arith.constant 3.000000e+38 : f32
    %broadcast_in_dim3A_261 = vector.broadcast %jit3A_260 : f32 to vector<49x2x1024xf32>
    %select_n3A_262 = arith.select %eq3A_259, %convert_element_type3A, %broadcast_in_dim3A_261 : vector<49x2x1024xi1>, vector<49x2x1024xf32>
    %reduce_min3A_263 = arith.constant dense<0x7F800000> : vector<49x1024xf32>
    %reduce_min3A_264 = vector.multi_reduction <minimumf>, %select_n3A_262, %reduce_min3A_263 [1] : vector<49x2x1024xf32> to vector<49x1024xf32>
    %reduce_min3A_265 = arith.constant dense<0x7F800000> : vector<1024xf32>
    %reduce_min3A_266 = vector.multi_reduction <minimumf>, %reduce_min3A_264, %reduce_min3A_265 [0] : vector<49x1024xf32> to vector<1024xf32>
    %broadcast_in_dim3A_267 = vector.shape_cast %reduce_min3A_266 : vector<1024xf32> to vector<1x1x1024xf32>
    %eq3A_268 = vector.broadcast %broadcast_in_dim3A_267 : vector<1x1x1024xf32> to vector<49x2x1024xf32>
    %eq3A_269 = arith.cmpf oeq, %convert_element_type3A, %eq3A_268 : vector<49x2x1024xf32>
    %jit3A_270 = arith.constant -3.000000e+38 : f32
    %broadcast_in_dim3A_271 = vector.broadcast %jit3A_270 : f32 to vector<49x2x1024xf32>
    %select_n3A_272 = arith.select %eq3A_269, %broadcast_in_dim3A_271, %select_n3A_251 : vector<49x2x1024xi1>, vector<49x2x1024xf32>
    %broadcast_in_dim3A_273 = vector.shape_cast %reduce_min3A_266 : vector<1024xf32> to vector<1024x1xf32>
    %reduce_max3A_274 = arith.constant dense<0xFF800000> : vector<49x1024xf32>
    %reduce_max3A_275 = vector.multi_reduction <maximumf>, %select_n3A_272, %reduce_max3A_274 [1] : vector<49x2x1024xf32> to vector<49x1024xf32>
    %reduce_max3A_276 = arith.constant dense<0xFF800000> : vector<1024xf32>
    %reduce_max3A_277 = vector.multi_reduction <maximumf>, %reduce_max3A_275, %reduce_max3A_276 [0] : vector<49x1024xf32> to vector<1024xf32>
    %broadcast_in_dim3A_278 = vector.shape_cast %reduce_max3A_277 : vector<1024xf32> to vector<1x1x1024xf32>
    %eq3A_279 = vector.broadcast %broadcast_in_dim3A_278 : vector<1x1x1024xf32> to vector<49x2x1024xf32>
    %eq3A_280 = arith.cmpf oeq, %select_n3A_272, %eq3A_279 : vector<49x2x1024xf32>
    %jit3A_281 = arith.constant 3.000000e+38 : f32
    %broadcast_in_dim3A_282 = vector.broadcast %jit3A_281 : f32 to vector<49x2x1024xf32>
    %select_n3A_283 = arith.select %eq3A_280, %convert_element_type3A, %broadcast_in_dim3A_282 : vector<49x2x1024xi1>, vector<49x2x1024xf32>
    %reduce_min3A_284 = arith.constant dense<0x7F800000> : vector<49x1024xf32>
    %reduce_min3A_285 = vector.multi_reduction <minimumf>, %select_n3A_283, %reduce_min3A_284 [1] : vector<49x2x1024xf32> to vector<49x1024xf32>
    %reduce_min3A_286 = arith.constant dense<0x7F800000> : vector<1024xf32>
    %reduce_min3A_287 = vector.multi_reduction <minimumf>, %reduce_min3A_285, %reduce_min3A_286 [0] : vector<49x1024xf32> to vector<1024xf32>
    %broadcast_in_dim3A_288 = vector.shape_cast %reduce_min3A_287 : vector<1024xf32> to vector<1x1x1024xf32>
    %eq3A_289 = vector.broadcast %broadcast_in_dim3A_288 : vector<1x1x1024xf32> to vector<49x2x1024xf32>
    %eq3A_290 = arith.cmpf oeq, %convert_element_type3A, %eq3A_289 : vector<49x2x1024xf32>
    %jit3A_291 = arith.constant -3.000000e+38 : f32
    %broadcast_in_dim3A_292 = vector.broadcast %jit3A_291 : f32 to vector<49x2x1024xf32>
    %select_n3A_293 = arith.select %eq3A_290, %broadcast_in_dim3A_292, %select_n3A_272 : vector<49x2x1024xi1>, vector<49x2x1024xf32>
    %broadcast_in_dim3A_294 = vector.shape_cast %reduce_min3A_287 : vector<1024xf32> to vector<1024x1xf32>
    %reduce_max3A_295 = arith.constant dense<0xFF800000> : vector<49x1024xf32>
    %reduce_max3A_296 = vector.multi_reduction <maximumf>, %select_n3A_293, %reduce_max3A_295 [1] : vector<49x2x1024xf32> to vector<49x1024xf32>
    %reduce_max3A_297 = arith.constant dense<0xFF800000> : vector<1024xf32>
    %reduce_max3A_298 = vector.multi_reduction <maximumf>, %reduce_max3A_296, %reduce_max3A_297 [0] : vector<49x1024xf32> to vector<1024xf32>
    %broadcast_in_dim3A_299 = vector.shape_cast %reduce_max3A_298 : vector<1024xf32> to vector<1x1x1024xf32>
    %eq3A_300 = vector.broadcast %broadcast_in_dim3A_299 : vector<1x1x1024xf32> to vector<49x2x1024xf32>
    %eq3A_301 = arith.cmpf oeq, %select_n3A_293, %eq3A_300 : vector<49x2x1024xf32>
    %jit3A_302 = arith.constant 3.000000e+38 : f32
    %broadcast_in_dim3A_303 = vector.broadcast %jit3A_302 : f32 to vector<49x2x1024xf32>
    %select_n3A_304 = arith.select %eq3A_301, %convert_element_type3A, %broadcast_in_dim3A_303 : vector<49x2x1024xi1>, vector<49x2x1024xf32>
    %reduce_min3A_305 = arith.constant dense<0x7F800000> : vector<49x1024xf32>
    %reduce_min3A_306 = vector.multi_reduction <minimumf>, %select_n3A_304, %reduce_min3A_305 [1] : vector<49x2x1024xf32> to vector<49x1024xf32>
    %reduce_min3A_307 = arith.constant dense<0x7F800000> : vector<1024xf32>
    %reduce_min3A_308 = vector.multi_reduction <minimumf>, %reduce_min3A_306, %reduce_min3A_307 [0] : vector<49x1024xf32> to vector<1024xf32>
    %broadcast_in_dim3A_309 = vector.shape_cast %reduce_min3A_308 : vector<1024xf32> to vector<1x1x1024xf32>
    %eq3A_310 = vector.broadcast %broadcast_in_dim3A_309 : vector<1x1x1024xf32> to vector<49x2x1024xf32>
    %eq3A_311 = arith.cmpf oeq, %convert_element_type3A, %eq3A_310 : vector<49x2x1024xf32>
    %jit3A_312 = arith.constant -3.000000e+38 : f32
    %broadcast_in_dim3A_313 = vector.broadcast %jit3A_312 : f32 to vector<49x2x1024xf32>
    %select_n3A_314 = arith.select %eq3A_311, %broadcast_in_dim3A_313, %select_n3A_293 : vector<49x2x1024xi1>, vector<49x2x1024xf32>
    %broadcast_in_dim3A_315 = vector.shape_cast %reduce_min3A_308 : vector<1024xf32> to vector<1024x1xf32>
    %reduce_max3A_316 = arith.constant dense<0xFF800000> : vector<49x1024xf32>
    %reduce_max3A_317 = vector.multi_reduction <maximumf>, %select_n3A_314, %reduce_max3A_316 [1] : vector<49x2x1024xf32> to vector<49x1024xf32>
    %reduce_max3A_318 = arith.constant dense<0xFF800000> : vector<1024xf32>
    %reduce_max3A_319 = vector.multi_reduction <maximumf>, %reduce_max3A_317, %reduce_max3A_318 [0] : vector<49x1024xf32> to vector<1024xf32>
    %broadcast_in_dim3A_320 = vector.shape_cast %reduce_max3A_319 : vector<1024xf32> to vector<1x1x1024xf32>
    %eq3A_321 = vector.broadcast %broadcast_in_dim3A_320 : vector<1x1x1024xf32> to vector<49x2x1024xf32>
    %eq3A_322 = arith.cmpf oeq, %select_n3A_314, %eq3A_321 : vector<49x2x1024xf32>
    %jit3A_323 = arith.constant 3.000000e+38 : f32
    %broadcast_in_dim3A_324 = vector.broadcast %jit3A_323 : f32 to vector<49x2x1024xf32>
    %select_n3A_325 = arith.select %eq3A_322, %convert_element_type3A, %broadcast_in_dim3A_324 : vector<49x2x1024xi1>, vector<49x2x1024xf32>
    %reduce_min3A_326 = arith.constant dense<0x7F800000> : vector<49x1024xf32>
    %reduce_min3A_327 = vector.multi_reduction <minimumf>, %select_n3A_325, %reduce_min3A_326 [1] : vector<49x2x1024xf32> to vector<49x1024xf32>
    %reduce_min3A_328 = arith.constant dense<0x7F800000> : vector<1024xf32>
    %reduce_min3A_329 = vector.multi_reduction <minimumf>, %reduce_min3A_327, %reduce_min3A_328 [0] : vector<49x1024xf32> to vector<1024xf32>
    %broadcast_in_dim3A_330 = vector.shape_cast %reduce_min3A_329 : vector<1024xf32> to vector<1024x1xf32>
    %concatenate3A = tpu.concatenate %broadcast_in_dim3A_21, %broadcast_in_dim3A_42, %broadcast_in_dim3A_63, %broadcast_in_dim3A_84, %broadcast_in_dim3A_105, %broadcast_in_dim3A_126, %broadcast_in_dim3A_147, %broadcast_in_dim3A_168, %broadcast_in_dim3A_189, %broadcast_in_dim3A_210, %broadcast_in_dim3A_231, %broadcast_in_dim3A_252, %broadcast_in_dim3A_273, %broadcast_in_dim3A_294, %broadcast_in_dim3A_315, %broadcast_in_dim3A_330 in 1 : vector<1024x1xf32>, vector<1024x1xf32>, vector<1024x1xf32>, vector<1024x1xf32>, vector<1024x1xf32>, vector<1024x1xf32>, vector<1024x1xf32>, vector<1024x1xf32>, vector<1024x1xf32>, vector<1024x1xf32>, vector<1024x1xf32>, vector<1024x1xf32>, vector<1024x1xf32>, vector<1024x1xf32>, vector<1024x1xf32>, vector<1024x1xf32> -> vector<1024x16xf32>
    %convert_element_type3A_331 = arith.fptosi %concatenate3A : vector<1024x16xf32> to vector<1024x16xi32>
    %swap3A = arith.constant 0 : index
    %swap3A_332 = arith.constant 0 : index
    %swap3A_333 = vector.load %arg1[%swap3A, %swap3A_332] : memref<1024x16xi32, #tpu.memory_space<vmem>>, vector<1024x16xi32>
    tpu.vector_store %arg1[%swap3A, %swap3A_332], %convert_element_type3A_331 {strides = array<i32>} : memref<1024x16xi32, #tpu.memory_space<vmem>>, vector<1024x16xi32>,
    %mul3A_334 = arith.constant 1024 : i32
    %mul3A_335 = vector.broadcast %mul3A_334 : i32 to vector<1024x16xi32>
    %mul3A_336 = arith.muli %convert_element_type3A_331, %mul3A_335 : vector<1024x16xi32>
    %add3A_337 = arith.addi %mul3A_336, %iota3A_6 : vector<1024x16xi32>
    %swap3A_338 = arith.constant 0 : index
    %swap3A_339 = arith.constant 0 : index
    %swap3A_340 = vector.load %arg2[%swap3A_338, %swap3A_339] : memref<1024x16xi32, #tpu.memory_space<vmem>>, vector<1024x16xi32>
    tpu.vector_store %arg2[%swap3A_338, %swap3A_339], %add3A_337 {strides = array<i32>} : memref<1024x16xi32, #tpu.memory_space<vmem>>, vector<1024x16xi32>,
    return
  }
}

module attributes {stable_mosaic.version = 14 : i64} {
  func.func @_rescore_body(%arg0: i32, %arg1: memref<8192x128xf32, #tpu.memory_space<vmem>>, %arg2: memref<64x128xi32, #tpu.memory_space<vmem>>, %arg3: memref<64x128xf32, #tpu.memory_space<vmem>>, %arg4: memref<64x16xf32, #tpu.memory_space<vmem>>, %arg5: memref<64x16xi32, #tpu.memory_space<vmem>>) attributes {dimension_semantics = [#tpu.dimension_semantics<arbitrary>], iteration_bounds = array<i64: 16>, scalar_prefetch = 0 : i64, scratch_operands = 0 : i64, tpu.core_type = #tpu.core_type<tc>, window_params = [{transform_indices = @transform_0, window_bounds = array<i64: 8192, 128>}, {transform_indices = @transform_1, window_bounds = array<i64: 64, 128>}, {transform_indices = @transform_2, window_bounds = array<i64: 64, 128>}, {transform_indices = @transform_3, window_bounds = array<i64: 64, 16>}, {transform_indices = @transform_4, window_bounds = array<i64: 64, 16>}]} {
    %get3A = arith.constant 0 : index
    %get3A_0 = arith.constant 0 : index
    %get3A_1 = vector.load %arg1[%get3A, %get3A_0] : memref<8192x128xf32, #tpu.memory_space<vmem>>, vector<8192x128xf32>
    %get3A_2 = arith.constant 0 : index
    %get3A_3 = arith.constant 0 : index
    %get3A_4 = vector.load %arg3[%get3A_2, %get3A_3] : memref<64x128xf32, #tpu.memory_space<vmem>>, vector<64x128xf32>
    %dot_general3A = arith.constant dense<0.000000e+00> : vector<64x8192xf32>
    %dot_general3A_5 = tpu.matmul %get3A_4, %get3A_1, %dot_general3A {dimension_numbers = #tpu.dot_dimension_numbers<[1], [1], [0], [0], [0, 0, 1, 0], [], []>, transpose_lhs_hint = false} : vector<64x128xf32>, vector<8192x128xf32>, vector<64x8192xf32> -> vector<64x8192xf32>
    %reshape3A = vector.shape_cast %dot_general3A_5 : vector<64x8192xf32> to vector<64x64x128xf32>
    %iota3A = tpu.iota {dimensions = array<i32: 0>} : vector<64x64x128xi32>
    %iota3A_6 = tpu.iota {dimensions = array<i32: 1>} : vector<64x64x128xi32>
    %eq3A = arith.cmpi eq, %iota3A, %iota3A_6 : vector<64x64x128xi32>
    %jit3A = arith.constant 0.000000e+00 : f32
    %broadcast_in_dim3A = vector.broadcast %jit3A : f32 to vector<64x64x128xf32>
    %select_n3A = arith.select %eq3A, %reshape3A, %broadcast_in_dim3A : vector<64x64x128xi1>, vector<64x64x128xf32>
    %reduce_sum3A = arith.constant dense<0.000000e+00> : vector<64x128xf32>
    %reduce_sum3A_7 = vector.multi_reduction <add>, %select_n3A, %reduce_sum3A [0] : vector<64x64x128xf32> to vector<64x128xf32>
    %get3A_8 = arith.constant 0 : index
    %get3A_9 = arith.constant 0 : index
    %get3A_10 = vector.load %arg2[%get3A_8, %get3A_9] : memref<64x128xi32, #tpu.memory_space<vmem>>, vector<64x128xi32>
    %convert_element_type3A = arith.sitofp %get3A_10 : vector<64x128xi32> to vector<64x128xf32>
    %reduce_max3A = arith.constant dense<0xFF800000> : vector<64xf32>
    %reduce_max3A_11 = vector.multi_reduction <maximumf>, %reduce_sum3A_7, %reduce_max3A [1] : vector<64x128xf32> to vector<64xf32>
    %broadcast_in_dim3A_12 = vector.shape_cast %reduce_max3A_11 : vector<64xf32> to vector<64x1xf32>
    %eq3A_13 = vector.broadcast %broadcast_in_dim3A_12 : vector<64x1xf32> to vector<64x128xf32>
    %eq3A_14 = arith.cmpf oeq, %reduce_sum3A_7, %eq3A_13 : vector<64x128xf32>
    %jit3A_15 = arith.constant 3.000000e+38 : f32
    %broadcast_in_dim3A_16 = vector.broadcast %jit3A_15 : f32 to vector<64x128xf32>
    %select_n3A_17 = arith.select %eq3A_14, %convert_element_type3A, %broadcast_in_dim3A_16 : vector<64x128xi1>, vector<64x128xf32>
    %reduce_min3A = arith.constant dense<0x7F800000> : vector<64xf32>
    %reduce_min3A_18 = vector.multi_reduction <minimumf>, %select_n3A_17, %reduce_min3A [1] : vector<64x128xf32> to vector<64xf32>
    %broadcast_in_dim3A_19 = vector.shape_cast %reduce_min3A_18 : vector<64xf32> to vector<64x1xf32>
    %eq3A_20 = vector.broadcast %broadcast_in_dim3A_19 : vector<64x1xf32> to vector<64x128xf32>
    %eq3A_21 = arith.cmpf oeq, %convert_element_type3A, %eq3A_20 : vector<64x128xf32>
    %jit3A_22 = arith.constant -3.000000e+38 : f32
    %broadcast_in_dim3A_23 = vector.broadcast %jit3A_22 : f32 to vector<64x128xf32>
    %select_n3A_24 = arith.select %eq3A_21, %broadcast_in_dim3A_23, %reduce_sum3A_7 : vector<64x128xi1>, vector<64x128xf32>
    %reduce_max3A_25 = arith.constant dense<0xFF800000> : vector<64xf32>
    %reduce_max3A_26 = vector.multi_reduction <maximumf>, %select_n3A_24, %reduce_max3A_25 [1] : vector<64x128xf32> to vector<64xf32>
    %broadcast_in_dim3A_27 = vector.shape_cast %reduce_max3A_26 : vector<64xf32> to vector<64x1xf32>
    %eq3A_28 = vector.broadcast %broadcast_in_dim3A_27 : vector<64x1xf32> to vector<64x128xf32>
    %eq3A_29 = arith.cmpf oeq, %select_n3A_24, %eq3A_28 : vector<64x128xf32>
    %jit3A_30 = arith.constant 3.000000e+38 : f32
    %broadcast_in_dim3A_31 = vector.broadcast %jit3A_30 : f32 to vector<64x128xf32>
    %select_n3A_32 = arith.select %eq3A_29, %convert_element_type3A, %broadcast_in_dim3A_31 : vector<64x128xi1>, vector<64x128xf32>
    %reduce_min3A_33 = arith.constant dense<0x7F800000> : vector<64xf32>
    %reduce_min3A_34 = vector.multi_reduction <minimumf>, %select_n3A_32, %reduce_min3A_33 [1] : vector<64x128xf32> to vector<64xf32>
    %broadcast_in_dim3A_35 = vector.shape_cast %reduce_min3A_34 : vector<64xf32> to vector<64x1xf32>
    %eq3A_36 = vector.broadcast %broadcast_in_dim3A_35 : vector<64x1xf32> to vector<64x128xf32>
    %eq3A_37 = arith.cmpf oeq, %convert_element_type3A, %eq3A_36 : vector<64x128xf32>
    %jit3A_38 = arith.constant -3.000000e+38 : f32
    %broadcast_in_dim3A_39 = vector.broadcast %jit3A_38 : f32 to vector<64x128xf32>
    %select_n3A_40 = arith.select %eq3A_37, %broadcast_in_dim3A_39, %select_n3A_24 : vector<64x128xi1>, vector<64x128xf32>
    %reduce_max3A_41 = arith.constant dense<0xFF800000> : vector<64xf32>
    %reduce_max3A_42 = vector.multi_reduction <maximumf>, %select_n3A_40, %reduce_max3A_41 [1] : vector<64x128xf32> to vector<64xf32>
    %broadcast_in_dim3A_43 = vector.shape_cast %reduce_max3A_42 : vector<64xf32> to vector<64x1xf32>
    %eq3A_44 = vector.broadcast %broadcast_in_dim3A_43 : vector<64x1xf32> to vector<64x128xf32>
    %eq3A_45 = arith.cmpf oeq, %select_n3A_40, %eq3A_44 : vector<64x128xf32>
    %jit3A_46 = arith.constant 3.000000e+38 : f32
    %broadcast_in_dim3A_47 = vector.broadcast %jit3A_46 : f32 to vector<64x128xf32>
    %select_n3A_48 = arith.select %eq3A_45, %convert_element_type3A, %broadcast_in_dim3A_47 : vector<64x128xi1>, vector<64x128xf32>
    %reduce_min3A_49 = arith.constant dense<0x7F800000> : vector<64xf32>
    %reduce_min3A_50 = vector.multi_reduction <minimumf>, %select_n3A_48, %reduce_min3A_49 [1] : vector<64x128xf32> to vector<64xf32>
    %broadcast_in_dim3A_51 = vector.shape_cast %reduce_min3A_50 : vector<64xf32> to vector<64x1xf32>
    %eq3A_52 = vector.broadcast %broadcast_in_dim3A_51 : vector<64x1xf32> to vector<64x128xf32>
    %eq3A_53 = arith.cmpf oeq, %convert_element_type3A, %eq3A_52 : vector<64x128xf32>
    %jit3A_54 = arith.constant -3.000000e+38 : f32
    %broadcast_in_dim3A_55 = vector.broadcast %jit3A_54 : f32 to vector<64x128xf32>
    %select_n3A_56 = arith.select %eq3A_53, %broadcast_in_dim3A_55, %select_n3A_40 : vector<64x128xi1>, vector<64x128xf32>
    %reduce_max3A_57 = arith.constant dense<0xFF800000> : vector<64xf32>
    %reduce_max3A_58 = vector.multi_reduction <maximumf>, %select_n3A_56, %reduce_max3A_57 [1] : vector<64x128xf32> to vector<64xf32>
    %broadcast_in_dim3A_59 = vector.shape_cast %reduce_max3A_58 : vector<64xf32> to vector<64x1xf32>
    %eq3A_60 = vector.broadcast %broadcast_in_dim3A_59 : vector<64x1xf32> to vector<64x128xf32>
    %eq3A_61 = arith.cmpf oeq, %select_n3A_56, %eq3A_60 : vector<64x128xf32>
    %jit3A_62 = arith.constant 3.000000e+38 : f32
    %broadcast_in_dim3A_63 = vector.broadcast %jit3A_62 : f32 to vector<64x128xf32>
    %select_n3A_64 = arith.select %eq3A_61, %convert_element_type3A, %broadcast_in_dim3A_63 : vector<64x128xi1>, vector<64x128xf32>
    %reduce_min3A_65 = arith.constant dense<0x7F800000> : vector<64xf32>
    %reduce_min3A_66 = vector.multi_reduction <minimumf>, %select_n3A_64, %reduce_min3A_65 [1] : vector<64x128xf32> to vector<64xf32>
    %broadcast_in_dim3A_67 = vector.shape_cast %reduce_min3A_66 : vector<64xf32> to vector<64x1xf32>
    %eq3A_68 = vector.broadcast %broadcast_in_dim3A_67 : vector<64x1xf32> to vector<64x128xf32>
    %eq3A_69 = arith.cmpf oeq, %convert_element_type3A, %eq3A_68 : vector<64x128xf32>
    %jit3A_70 = arith.constant -3.000000e+38 : f32
    %broadcast_in_dim3A_71 = vector.broadcast %jit3A_70 : f32 to vector<64x128xf32>
    %select_n3A_72 = arith.select %eq3A_69, %broadcast_in_dim3A_71, %select_n3A_56 : vector<64x128xi1>, vector<64x128xf32>
    %reduce_max3A_73 = arith.constant dense<0xFF800000> : vector<64xf32>
    %reduce_max3A_74 = vector.multi_reduction <maximumf>, %select_n3A_72, %reduce_max3A_73 [1] : vector<64x128xf32> to vector<64xf32>
    %broadcast_in_dim3A_75 = vector.shape_cast %reduce_max3A_74 : vector<64xf32> to vector<64x1xf32>
    %eq3A_76 = vector.broadcast %broadcast_in_dim3A_75 : vector<64x1xf32> to vector<64x128xf32>
    %eq3A_77 = arith.cmpf oeq, %select_n3A_72, %eq3A_76 : vector<64x128xf32>
    %jit3A_78 = arith.constant 3.000000e+38 : f32
    %broadcast_in_dim3A_79 = vector.broadcast %jit3A_78 : f32 to vector<64x128xf32>
    %select_n3A_80 = arith.select %eq3A_77, %convert_element_type3A, %broadcast_in_dim3A_79 : vector<64x128xi1>, vector<64x128xf32>
    %reduce_min3A_81 = arith.constant dense<0x7F800000> : vector<64xf32>
    %reduce_min3A_82 = vector.multi_reduction <minimumf>, %select_n3A_80, %reduce_min3A_81 [1] : vector<64x128xf32> to vector<64xf32>
    %broadcast_in_dim3A_83 = vector.shape_cast %reduce_min3A_82 : vector<64xf32> to vector<64x1xf32>
    %eq3A_84 = vector.broadcast %broadcast_in_dim3A_83 : vector<64x1xf32> to vector<64x128xf32>
    %eq3A_85 = arith.cmpf oeq, %convert_element_type3A, %eq3A_84 : vector<64x128xf32>
    %jit3A_86 = arith.constant -3.000000e+38 : f32
    %broadcast_in_dim3A_87 = vector.broadcast %jit3A_86 : f32 to vector<64x128xf32>
    %select_n3A_88 = arith.select %eq3A_85, %broadcast_in_dim3A_87, %select_n3A_72 : vector<64x128xi1>, vector<64x128xf32>
    %reduce_max3A_89 = arith.constant dense<0xFF800000> : vector<64xf32>
    %reduce_max3A_90 = vector.multi_reduction <maximumf>, %select_n3A_88, %reduce_max3A_89 [1] : vector<64x128xf32> to vector<64xf32>
    %broadcast_in_dim3A_91 = vector.shape_cast %reduce_max3A_90 : vector<64xf32> to vector<64x1xf32>
    %eq3A_92 = vector.broadcast %broadcast_in_dim3A_91 : vector<64x1xf32> to vector<64x128xf32>
    %eq3A_93 = arith.cmpf oeq, %select_n3A_88, %eq3A_92 : vector<64x128xf32>
    %jit3A_94 = arith.constant 3.000000e+38 : f32
    %broadcast_in_dim3A_95 = vector.broadcast %jit3A_94 : f32 to vector<64x128xf32>
    %select_n3A_96 = arith.select %eq3A_93, %convert_element_type3A, %broadcast_in_dim3A_95 : vector<64x128xi1>, vector<64x128xf32>
    %reduce_min3A_97 = arith.constant dense<0x7F800000> : vector<64xf32>
    %reduce_min3A_98 = vector.multi_reduction <minimumf>, %select_n3A_96, %reduce_min3A_97 [1] : vector<64x128xf32> to vector<64xf32>
    %broadcast_in_dim3A_99 = vector.shape_cast %reduce_min3A_98 : vector<64xf32> to vector<64x1xf32>
    %eq3A_100 = vector.broadcast %broadcast_in_dim3A_99 : vector<64x1xf32> to vector<64x128xf32>
    %eq3A_101 = arith.cmpf oeq, %convert_element_type3A, %eq3A_100 : vector<64x128xf32>
    %jit3A_102 = arith.constant -3.000000e+38 : f32
    %broadcast_in_dim3A_103 = vector.broadcast %jit3A_102 : f32 to vector<64x128xf32>
    %select_n3A_104 = arith.select %eq3A_101, %broadcast_in_dim3A_103, %select_n3A_88 : vector<64x128xi1>, vector<64x128xf32>
    %reduce_max3A_105 = arith.constant dense<0xFF800000> : vector<64xf32>
    %reduce_max3A_106 = vector.multi_reduction <maximumf>, %select_n3A_104, %reduce_max3A_105 [1] : vector<64x128xf32> to vector<64xf32>
    %broadcast_in_dim3A_107 = vector.shape_cast %reduce_max3A_106 : vector<64xf32> to vector<64x1xf32>
    %eq3A_108 = vector.broadcast %broadcast_in_dim3A_107 : vector<64x1xf32> to vector<64x128xf32>
    %eq3A_109 = arith.cmpf oeq, %select_n3A_104, %eq3A_108 : vector<64x128xf32>
    %jit3A_110 = arith.constant 3.000000e+38 : f32
    %broadcast_in_dim3A_111 = vector.broadcast %jit3A_110 : f32 to vector<64x128xf32>
    %select_n3A_112 = arith.select %eq3A_109, %convert_element_type3A, %broadcast_in_dim3A_111 : vector<64x128xi1>, vector<64x128xf32>
    %reduce_min3A_113 = arith.constant dense<0x7F800000> : vector<64xf32>
    %reduce_min3A_114 = vector.multi_reduction <minimumf>, %select_n3A_112, %reduce_min3A_113 [1] : vector<64x128xf32> to vector<64xf32>
    %broadcast_in_dim3A_115 = vector.shape_cast %reduce_min3A_114 : vector<64xf32> to vector<64x1xf32>
    %eq3A_116 = vector.broadcast %broadcast_in_dim3A_115 : vector<64x1xf32> to vector<64x128xf32>
    %eq3A_117 = arith.cmpf oeq, %convert_element_type3A, %eq3A_116 : vector<64x128xf32>
    %jit3A_118 = arith.constant -3.000000e+38 : f32
    %broadcast_in_dim3A_119 = vector.broadcast %jit3A_118 : f32 to vector<64x128xf32>
    %select_n3A_120 = arith.select %eq3A_117, %broadcast_in_dim3A_119, %select_n3A_104 : vector<64x128xi1>, vector<64x128xf32>
    %reduce_max3A_121 = arith.constant dense<0xFF800000> : vector<64xf32>
    %reduce_max3A_122 = vector.multi_reduction <maximumf>, %select_n3A_120, %reduce_max3A_121 [1] : vector<64x128xf32> to vector<64xf32>
    %broadcast_in_dim3A_123 = vector.shape_cast %reduce_max3A_122 : vector<64xf32> to vector<64x1xf32>
    %eq3A_124 = vector.broadcast %broadcast_in_dim3A_123 : vector<64x1xf32> to vector<64x128xf32>
    %eq3A_125 = arith.cmpf oeq, %select_n3A_120, %eq3A_124 : vector<64x128xf32>
    %jit3A_126 = arith.constant 3.000000e+38 : f32
    %broadcast_in_dim3A_127 = vector.broadcast %jit3A_126 : f32 to vector<64x128xf32>
    %select_n3A_128 = arith.select %eq3A_125, %convert_element_type3A, %broadcast_in_dim3A_127 : vector<64x128xi1>, vector<64x128xf32>
    %reduce_min3A_129 = arith.constant dense<0x7F800000> : vector<64xf32>
    %reduce_min3A_130 = vector.multi_reduction <minimumf>, %select_n3A_128, %reduce_min3A_129 [1] : vector<64x128xf32> to vector<64xf32>
    %broadcast_in_dim3A_131 = vector.shape_cast %reduce_min3A_130 : vector<64xf32> to vector<64x1xf32>
    %eq3A_132 = vector.broadcast %broadcast_in_dim3A_131 : vector<64x1xf32> to vector<64x128xf32>
    %eq3A_133 = arith.cmpf oeq, %convert_element_type3A, %eq3A_132 : vector<64x128xf32>
    %jit3A_134 = arith.constant -3.000000e+38 : f32
    %broadcast_in_dim3A_135 = vector.broadcast %jit3A_134 : f32 to vector<64x128xf32>
    %select_n3A_136 = arith.select %eq3A_133, %broadcast_in_dim3A_135, %select_n3A_120 : vector<64x128xi1>, vector<64x128xf32>
    %reduce_max3A_137 = arith.constant dense<0xFF800000> : vector<64xf32>
    %reduce_max3A_138 = vector.multi_reduction <maximumf>, %select_n3A_136, %reduce_max3A_137 [1] : vector<64x128xf32> to vector<64xf32>
    %broadcast_in_dim3A_139 = vector.shape_cast %reduce_max3A_138 : vector<64xf32> to vector<64x1xf32>
    %eq3A_140 = vector.broadcast %broadcast_in_dim3A_139 : vector<64x1xf32> to vector<64x128xf32>
    %eq3A_141 = arith.cmpf oeq, %select_n3A_136, %eq3A_140 : vector<64x128xf32>
    %jit3A_142 = arith.constant 3.000000e+38 : f32
    %broadcast_in_dim3A_143 = vector.broadcast %jit3A_142 : f32 to vector<64x128xf32>
    %select_n3A_144 = arith.select %eq3A_141, %convert_element_type3A, %broadcast_in_dim3A_143 : vector<64x128xi1>, vector<64x128xf32>
    %reduce_min3A_145 = arith.constant dense<0x7F800000> : vector<64xf32>
    %reduce_min3A_146 = vector.multi_reduction <minimumf>, %select_n3A_144, %reduce_min3A_145 [1] : vector<64x128xf32> to vector<64xf32>
    %broadcast_in_dim3A_147 = vector.shape_cast %reduce_min3A_146 : vector<64xf32> to vector<64x1xf32>
    %eq3A_148 = vector.broadcast %broadcast_in_dim3A_147 : vector<64x1xf32> to vector<64x128xf32>
    %eq3A_149 = arith.cmpf oeq, %convert_element_type3A, %eq3A_148 : vector<64x128xf32>
    %jit3A_150 = arith.constant -3.000000e+38 : f32
    %broadcast_in_dim3A_151 = vector.broadcast %jit3A_150 : f32 to vector<64x128xf32>
    %select_n3A_152 = arith.select %eq3A_149, %broadcast_in_dim3A_151, %select_n3A_136 : vector<64x128xi1>, vector<64x128xf32>
    %reduce_max3A_153 = arith.constant dense<0xFF800000> : vector<64xf32>
    %reduce_max3A_154 = vector.multi_reduction <maximumf>, %select_n3A_152, %reduce_max3A_153 [1] : vector<64x128xf32> to vector<64xf32>
    %broadcast_in_dim3A_155 = vector.shape_cast %reduce_max3A_154 : vector<64xf32> to vector<64x1xf32>
    %eq3A_156 = vector.broadcast %broadcast_in_dim3A_155 : vector<64x1xf32> to vector<64x128xf32>
    %eq3A_157 = arith.cmpf oeq, %select_n3A_152, %eq3A_156 : vector<64x128xf32>
    %jit3A_158 = arith.constant 3.000000e+38 : f32
    %broadcast_in_dim3A_159 = vector.broadcast %jit3A_158 : f32 to vector<64x128xf32>
    %select_n3A_160 = arith.select %eq3A_157, %convert_element_type3A, %broadcast_in_dim3A_159 : vector<64x128xi1>, vector<64x128xf32>
    %reduce_min3A_161 = arith.constant dense<0x7F800000> : vector<64xf32>
    %reduce_min3A_162 = vector.multi_reduction <minimumf>, %select_n3A_160, %reduce_min3A_161 [1] : vector<64x128xf32> to vector<64xf32>
    %broadcast_in_dim3A_163 = vector.shape_cast %reduce_min3A_162 : vector<64xf32> to vector<64x1xf32>
    %eq3A_164 = vector.broadcast %broadcast_in_dim3A_163 : vector<64x1xf32> to vector<64x128xf32>
    %eq3A_165 = arith.cmpf oeq, %convert_element_type3A, %eq3A_164 : vector<64x128xf32>
    %jit3A_166 = arith.constant -3.000000e+38 : f32
    %broadcast_in_dim3A_167 = vector.broadcast %jit3A_166 : f32 to vector<64x128xf32>
    %select_n3A_168 = arith.select %eq3A_165, %broadcast_in_dim3A_167, %select_n3A_152 : vector<64x128xi1>, vector<64x128xf32>
    %reduce_max3A_169 = arith.constant dense<0xFF800000> : vector<64xf32>
    %reduce_max3A_170 = vector.multi_reduction <maximumf>, %select_n3A_168, %reduce_max3A_169 [1] : vector<64x128xf32> to vector<64xf32>
    %broadcast_in_dim3A_171 = vector.shape_cast %reduce_max3A_170 : vector<64xf32> to vector<64x1xf32>
    %eq3A_172 = vector.broadcast %broadcast_in_dim3A_171 : vector<64x1xf32> to vector<64x128xf32>
    %eq3A_173 = arith.cmpf oeq, %select_n3A_168, %eq3A_172 : vector<64x128xf32>
    %jit3A_174 = arith.constant 3.000000e+38 : f32
    %broadcast_in_dim3A_175 = vector.broadcast %jit3A_174 : f32 to vector<64x128xf32>
    %select_n3A_176 = arith.select %eq3A_173, %convert_element_type3A, %broadcast_in_dim3A_175 : vector<64x128xi1>, vector<64x128xf32>
    %reduce_min3A_177 = arith.constant dense<0x7F800000> : vector<64xf32>
    %reduce_min3A_178 = vector.multi_reduction <minimumf>, %select_n3A_176, %reduce_min3A_177 [1] : vector<64x128xf32> to vector<64xf32>
    %broadcast_in_dim3A_179 = vector.shape_cast %reduce_min3A_178 : vector<64xf32> to vector<64x1xf32>
    %eq3A_180 = vector.broadcast %broadcast_in_dim3A_179 : vector<64x1xf32> to vector<64x128xf32>
    %eq3A_181 = arith.cmpf oeq, %convert_element_type3A, %eq3A_180 : vector<64x128xf32>
    %jit3A_182 = arith.constant -3.000000e+38 : f32
    %broadcast_in_dim3A_183 = vector.broadcast %jit3A_182 : f32 to vector<64x128xf32>
    %select_n3A_184 = arith.select %eq3A_181, %broadcast_in_dim3A_183, %select_n3A_168 : vector<64x128xi1>, vector<64x128xf32>
    %reduce_max3A_185 = arith.constant dense<0xFF800000> : vector<64xf32>
    %reduce_max3A_186 = vector.multi_reduction <maximumf>, %select_n3A_184, %reduce_max3A_185 [1] : vector<64x128xf32> to vector<64xf32>
    %broadcast_in_dim3A_187 = vector.shape_cast %reduce_max3A_186 : vector<64xf32> to vector<64x1xf32>
    %eq3A_188 = vector.broadcast %broadcast_in_dim3A_187 : vector<64x1xf32> to vector<64x128xf32>
    %eq3A_189 = arith.cmpf oeq, %select_n3A_184, %eq3A_188 : vector<64x128xf32>
    %jit3A_190 = arith.constant 3.000000e+38 : f32
    %broadcast_in_dim3A_191 = vector.broadcast %jit3A_190 : f32 to vector<64x128xf32>
    %select_n3A_192 = arith.select %eq3A_189, %convert_element_type3A, %broadcast_in_dim3A_191 : vector<64x128xi1>, vector<64x128xf32>
    %reduce_min3A_193 = arith.constant dense<0x7F800000> : vector<64xf32>
    %reduce_min3A_194 = vector.multi_reduction <minimumf>, %select_n3A_192, %reduce_min3A_193 [1] : vector<64x128xf32> to vector<64xf32>
    %broadcast_in_dim3A_195 = vector.shape_cast %reduce_min3A_194 : vector<64xf32> to vector<64x1xf32>
    %eq3A_196 = vector.broadcast %broadcast_in_dim3A_195 : vector<64x1xf32> to vector<64x128xf32>
    %eq3A_197 = arith.cmpf oeq, %convert_element_type3A, %eq3A_196 : vector<64x128xf32>
    %jit3A_198 = arith.constant -3.000000e+38 : f32
    %broadcast_in_dim3A_199 = vector.broadcast %jit3A_198 : f32 to vector<64x128xf32>
    %select_n3A_200 = arith.select %eq3A_197, %broadcast_in_dim3A_199, %select_n3A_184 : vector<64x128xi1>, vector<64x128xf32>
    %reduce_max3A_201 = arith.constant dense<0xFF800000> : vector<64xf32>
    %reduce_max3A_202 = vector.multi_reduction <maximumf>, %select_n3A_200, %reduce_max3A_201 [1] : vector<64x128xf32> to vector<64xf32>
    %broadcast_in_dim3A_203 = vector.shape_cast %reduce_max3A_202 : vector<64xf32> to vector<64x1xf32>
    %eq3A_204 = vector.broadcast %broadcast_in_dim3A_203 : vector<64x1xf32> to vector<64x128xf32>
    %eq3A_205 = arith.cmpf oeq, %select_n3A_200, %eq3A_204 : vector<64x128xf32>
    %jit3A_206 = arith.constant 3.000000e+38 : f32
    %broadcast_in_dim3A_207 = vector.broadcast %jit3A_206 : f32 to vector<64x128xf32>
    %select_n3A_208 = arith.select %eq3A_205, %convert_element_type3A, %broadcast_in_dim3A_207 : vector<64x128xi1>, vector<64x128xf32>
    %reduce_min3A_209 = arith.constant dense<0x7F800000> : vector<64xf32>
    %reduce_min3A_210 = vector.multi_reduction <minimumf>, %select_n3A_208, %reduce_min3A_209 [1] : vector<64x128xf32> to vector<64xf32>
    %broadcast_in_dim3A_211 = vector.shape_cast %reduce_min3A_210 : vector<64xf32> to vector<64x1xf32>
    %eq3A_212 = vector.broadcast %broadcast_in_dim3A_211 : vector<64x1xf32> to vector<64x128xf32>
    %eq3A_213 = arith.cmpf oeq, %convert_element_type3A, %eq3A_212 : vector<64x128xf32>
    %jit3A_214 = arith.constant -3.000000e+38 : f32
    %broadcast_in_dim3A_215 = vector.broadcast %jit3A_214 : f32 to vector<64x128xf32>
    %select_n3A_216 = arith.select %eq3A_213, %broadcast_in_dim3A_215, %select_n3A_200 : vector<64x128xi1>, vector<64x128xf32>
    %reduce_max3A_217 = arith.constant dense<0xFF800000> : vector<64xf32>
    %reduce_max3A_218 = vector.multi_reduction <maximumf>, %select_n3A_216, %reduce_max3A_217 [1] : vector<64x128xf32> to vector<64xf32>
    %broadcast_in_dim3A_219 = vector.shape_cast %reduce_max3A_218 : vector<64xf32> to vector<64x1xf32>
    %eq3A_220 = vector.broadcast %broadcast_in_dim3A_219 : vector<64x1xf32> to vector<64x128xf32>
    %eq3A_221 = arith.cmpf oeq, %select_n3A_216, %eq3A_220 : vector<64x128xf32>
    %jit3A_222 = arith.constant 3.000000e+38 : f32
    %broadcast_in_dim3A_223 = vector.broadcast %jit3A_222 : f32 to vector<64x128xf32>
    %select_n3A_224 = arith.select %eq3A_221, %convert_element_type3A, %broadcast_in_dim3A_223 : vector<64x128xi1>, vector<64x128xf32>
    %reduce_min3A_225 = arith.constant dense<0x7F800000> : vector<64xf32>
    %reduce_min3A_226 = vector.multi_reduction <minimumf>, %select_n3A_224, %reduce_min3A_225 [1] : vector<64x128xf32> to vector<64xf32>
    %broadcast_in_dim3A_227 = vector.shape_cast %reduce_min3A_226 : vector<64xf32> to vector<64x1xf32>
    %eq3A_228 = vector.broadcast %broadcast_in_dim3A_227 : vector<64x1xf32> to vector<64x128xf32>
    %eq3A_229 = arith.cmpf oeq, %convert_element_type3A, %eq3A_228 : vector<64x128xf32>
    %jit3A_230 = arith.constant -3.000000e+38 : f32
    %broadcast_in_dim3A_231 = vector.broadcast %jit3A_230 : f32 to vector<64x128xf32>
    %select_n3A_232 = arith.select %eq3A_229, %broadcast_in_dim3A_231, %select_n3A_216 : vector<64x128xi1>, vector<64x128xf32>
    %reduce_max3A_233 = arith.constant dense<0xFF800000> : vector<64xf32>
    %reduce_max3A_234 = vector.multi_reduction <maximumf>, %select_n3A_232, %reduce_max3A_233 [1] : vector<64x128xf32> to vector<64xf32>
    %broadcast_in_dim3A_235 = vector.shape_cast %reduce_max3A_234 : vector<64xf32> to vector<64x1xf32>
    %eq3A_236 = vector.broadcast %broadcast_in_dim3A_235 : vector<64x1xf32> to vector<64x128xf32>
    %eq3A_237 = arith.cmpf oeq, %select_n3A_232, %eq3A_236 : vector<64x128xf32>
    %jit3A_238 = arith.constant 3.000000e+38 : f32
    %broadcast_in_dim3A_239 = vector.broadcast %jit3A_238 : f32 to vector<64x128xf32>
    %select_n3A_240 = arith.select %eq3A_237, %convert_element_type3A, %broadcast_in_dim3A_239 : vector<64x128xi1>, vector<64x128xf32>
    %reduce_min3A_241 = arith.constant dense<0x7F800000> : vector<64xf32>
    %reduce_min3A_242 = vector.multi_reduction <minimumf>, %select_n3A_240, %reduce_min3A_241 [1] : vector<64x128xf32> to vector<64xf32>
    %broadcast_in_dim3A_243 = vector.shape_cast %reduce_min3A_242 : vector<64xf32> to vector<64x1xf32>
    %eq3A_244 = vector.broadcast %broadcast_in_dim3A_243 : vector<64x1xf32> to vector<64x128xf32>
    %eq3A_245 = arith.cmpf oeq, %convert_element_type3A, %eq3A_244 : vector<64x128xf32>
    %jit3A_246 = arith.constant -3.000000e+38 : f32
    %broadcast_in_dim3A_247 = vector.broadcast %jit3A_246 : f32 to vector<64x128xf32>
    %select_n3A_248 = arith.select %eq3A_245, %broadcast_in_dim3A_247, %select_n3A_232 : vector<64x128xi1>, vector<64x128xf32>
    %reduce_max3A_249 = arith.constant dense<0xFF800000> : vector<64xf32>
    %reduce_max3A_250 = vector.multi_reduction <maximumf>, %select_n3A_248, %reduce_max3A_249 [1] : vector<64x128xf32> to vector<64xf32>
    %broadcast_in_dim3A_251 = vector.shape_cast %reduce_max3A_250 : vector<64xf32> to vector<64x1xf32>
    %eq3A_252 = vector.broadcast %broadcast_in_dim3A_251 : vector<64x1xf32> to vector<64x128xf32>
    %eq3A_253 = arith.cmpf oeq, %select_n3A_248, %eq3A_252 : vector<64x128xf32>
    %jit3A_254 = arith.constant 3.000000e+38 : f32
    %broadcast_in_dim3A_255 = vector.broadcast %jit3A_254 : f32 to vector<64x128xf32>
    %select_n3A_256 = arith.select %eq3A_253, %convert_element_type3A, %broadcast_in_dim3A_255 : vector<64x128xi1>, vector<64x128xf32>
    %reduce_min3A_257 = arith.constant dense<0x7F800000> : vector<64xf32>
    %reduce_min3A_258 = vector.multi_reduction <minimumf>, %select_n3A_256, %reduce_min3A_257 [1] : vector<64x128xf32> to vector<64xf32>
    %broadcast_in_dim3A_259 = vector.shape_cast %reduce_min3A_258 : vector<64xf32> to vector<64x1xf32>
    %concatenate3A = tpu.concatenate %broadcast_in_dim3A_12, %broadcast_in_dim3A_27, %broadcast_in_dim3A_43, %broadcast_in_dim3A_59, %broadcast_in_dim3A_75, %broadcast_in_dim3A_91, %broadcast_in_dim3A_107, %broadcast_in_dim3A_123, %broadcast_in_dim3A_139, %broadcast_in_dim3A_155, %broadcast_in_dim3A_171, %broadcast_in_dim3A_187, %broadcast_in_dim3A_203, %broadcast_in_dim3A_219, %broadcast_in_dim3A_235, %broadcast_in_dim3A_251 in 1 : vector<64x1xf32>, vector<64x1xf32>, vector<64x1xf32>, vector<64x1xf32>, vector<64x1xf32>, vector<64x1xf32>, vector<64x1xf32>, vector<64x1xf32>, vector<64x1xf32>, vector<64x1xf32>, vector<64x1xf32>, vector<64x1xf32>, vector<64x1xf32>, vector<64x1xf32>, vector<64x1xf32>, vector<64x1xf32> -> vector<64x16xf32>
    %swap3A = arith.constant 0 : index
    %swap3A_260 = arith.constant 0 : index
    %swap3A_261 = vector.load %arg4[%swap3A, %swap3A_260] : memref<64x16xf32, #tpu.memory_space<vmem>>, vector<64x16xf32>
    tpu.vector_store %arg4[%swap3A, %swap3A_260], %concatenate3A {strides = array<i32>} : memref<64x16xf32, #tpu.memory_space<vmem>>, vector<64x16xf32>,
    %concatenate3A_262 = tpu.concatenate %broadcast_in_dim3A_19, %broadcast_in_dim3A_35, %broadcast_in_dim3A_51, %broadcast_in_dim3A_67, %broadcast_in_dim3A_83, %broadcast_in_dim3A_99, %broadcast_in_dim3A_115, %broadcast_in_dim3A_131, %broadcast_in_dim3A_147, %broadcast_in_dim3A_163, %broadcast_in_dim3A_179, %broadcast_in_dim3A_195, %broadcast_in_dim3A_211, %broadcast_in_dim3A_227, %broadcast_in_dim3A_243, %broadcast_in_dim3A_259 in 1 : vector<64x1xf32>, vector<64x1xf32>, vector<64x1xf32>, vector<64x1xf32>, vector<64x1xf32>, vector<64x1xf32>, vector<64x1xf32>, vector<64x1xf32>, vector<64x1xf32>, vector<64x1xf32>, vector<64x1xf32>, vector<64x1xf32>, vector<64x1xf32>, vector<64x1xf32>, vector<64x1xf32>, vector<64x1xf32> -> vector<64x16xf32>
    %convert_element_type3A_263 = arith.fptosi %concatenate3A_262 : vector<64x16xf32> to vector<64x16xi32>
    %swap3A_264 = arith.constant 0 : index
    %swap3A_265 = arith.constant 0 : index
    %swap3A_266 = vector.load %arg5[%swap3A_264, %swap3A_265] : memref<64x16xi32, #tpu.memory_space<vmem>>, vector<64x16xi32>
    tpu.vector_store %arg5[%swap3A_264, %swap3A_265], %convert_element_type3A_263 {strides = array<i32>} : memref<64x16xi32, #tpu.memory_space<vmem>>, vector<64x16xi32>,
    return
  }
  func.func @transform_0(%arg0: i32) -> (i32, i32) {
    %c0_i32 = arith.constant 0 : i32
    %c0_i32_0 = arith.constant 0 : i32
    return %arg0, %c0_i32 : i32, i32
  }
  func.func @transform_1(%arg0: i32) -> (i32, i32) {
    %c0_i32 = arith.constant 0 : i32
    %c0_i32_0 = arith.constant 0 : i32
    return %arg0, %c0_i32 : i32, i32
  }
  func.func @transform_2(%arg0: i32) -> (i32, i32) {
    %c0_i32 = arith.constant 0 : i32
    %c0_i32_0 = arith.constant 0 : i32
    return %arg0, %c0_i32 : i32, i32
  }
  func.func @transform_3(%arg0: i32) -> (i32, i32) {
    %c0_i32 = arith.constant 0 : i32
    %c0_i32_0 = arith.constant 0 : i32
    return %arg0, %c0_i32 : i32, i32
  }
  func.func @transform_4(%arg0: i32) -> (i32, i32) {
    %c0_i32 = arith.constant 0 : i32
    %c0_i32_0 = arith.constant 0 : i32
    return %arg0, %c0_i32 : i32, i32
  }
}

module attributes {stable_mosaic.version = 14 : i64} {
  func.func @_l1_topk_body(%arg0: i32, %arg1: memref<4096x128xf32, #tpu.memory_space<vmem>>, %arg2: memref<256x16xi32, #tpu.memory_space<vmem>>, %arg3: memref<256x128xi32, #tpu.memory_space<vmem>>) attributes {dimension_semantics = [#tpu.dimension_semantics<arbitrary>], iteration_bounds = array<i64: 4>, scalar_prefetch = 0 : i64, scratch_operands = 0 : i64, tpu.core_type = #tpu.core_type<tc>, window_params = [{transform_indices = @transform_0, window_bounds = array<i64: 4096, 128>}, {transform_indices = @transform_1, window_bounds = array<i64: 256, 16>}, {transform_indices = @transform_2, window_bounds = array<i64: 256, 128>}]} {
    %get3A = arith.constant 0 : index
    %get3A_0 = arith.constant 0 : index
    %get3A_1 = vector.load %arg1[%get3A, %get3A_0] : memref<4096x128xf32, #tpu.memory_space<vmem>>, vector<4096x128xf32>
    %reshape3A = vector.shape_cast %get3A_1 : vector<4096x128xf32> to vector<256x16x128xf32>
    %get3A_2 = arith.constant 0 : index
    %get3A_3 = arith.constant 0 : index
    %get3A_4 = vector.load %arg2[%get3A_2, %get3A_3] : memref<256x16xi32, #tpu.memory_space<vmem>>, vector<256x16xi32>
    %iota3A = tpu.iota {dimensions = array<i32: 2>} : vector<256x16x128xi32>
    %convert_element_type3A = arith.sitofp %iota3A : vector<256x16x128xi32> to vector<256x16x128xf32>
    %convert_element_type3A_5 = arith.sitofp %get3A_4 : vector<256x16xi32> to vector<256x16xf32>
    %broadcast_in_dim3A = vector.shape_cast %convert_element_type3A_5 : vector<256x16xf32> to vector<256x16x1xf32>
    %mul3A = arith.constant 1.280000e+02 : f32
    %mul3A_6 = vector.broadcast %mul3A : f32 to vector<256x16x1xf32>
    %mul3A_7 = arith.mulf %broadcast_in_dim3A, %mul3A_6 : vector<256x16x1xf32>
    %add3A = vector.broadcast %mul3A_7 : vector<256x16x1xf32> to vector<256x16x128xf32>
    %add3A_8 = arith.addf %add3A, %convert_element_type3A : vector<256x16x128xf32>
    %iota3A_9 = tpu.iota {dimensions = array<i32: 1>} : vector<1x8xi32>
    %mul3A_10 = arith.constant 256 : i32
    %mul3A_11 = vector.broadcast %mul3A_10 : i32 to vector<1x8xi32>
    %mul3A_12 = arith.muli %iota3A_9, %mul3A_11 : vector<1x8xi32>
    %reduce_max3A = arith.constant dense<0xFF800000> : vector<256x128xf32>
    %reduce_max3A_13 = vector.multi_reduction <maximumf>, %reshape3A, %reduce_max3A [1] : vector<256x16x128xf32> to vector<256x128xf32>
    %reduce_max3A_14 = arith.constant dense<0xFF800000> : vector<256xf32>
    %reduce_max3A_15 = vector.multi_reduction <maximumf>, %reduce_max3A_13, %reduce_max3A_14 [1] : vector<256x128xf32> to vector<256xf32>
    %broadcast_in_dim3A_16 = vector.shape_cast %reduce_max3A_15 : vector<256xf32> to vector<256x1xf32>
    %broadcast_in_dim3A_17 = vector.shape_cast %broadcast_in_dim3A_16 : vector<256x1xf32> to vector<256x1x1xf32>
    %eq3A = vector.broadcast %broadcast_in_dim3A_17 : vector<256x1x1xf32> to vector<256x16x128xf32>
    %eq3A_18 = arith.cmpf oeq, %reshape3A, %eq3A : vector<256x16x128xf32>
    %jit3A = arith.constant 3.000000e+38 : f32
    %broadcast_in_dim3A_19 = vector.broadcast %jit3A : f32 to vector<256x16x128xf32>
    %select_n3A = arith.select %eq3A_18, %add3A_8, %broadcast_in_dim3A_19 : vector<256x16x128xi1>, vector<256x16x128xf32>
    %reduce_min3A = arith.constant dense<0x7F800000> : vector<256x128xf32>
    %reduce_min3A_20 = vector.multi_reduction <minimumf>, %select_n3A, %reduce_min3A [1] : vector<256x16x128xf32> to vector<256x128xf32>
    %reduce_min3A_21 = arith.constant dense<0x7F800000> : vector<256xf32>
    %reduce_min3A_22 = vector.multi_reduction <minimumf>, %reduce_min3A_20, %reduce_min3A_21 [1] : vector<256x128xf32> to vector<256xf32>
    %broadcast_in_dim3A_23 = vector.shape_cast %reduce_min3A_22 : vector<256xf32> to vector<256x1xf32>
    %broadcast_in_dim3A_24 = vector.shape_cast %broadcast_in_dim3A_23 : vector<256x1xf32> to vector<256x1x1xf32>
    %eq3A_25 = vector.broadcast %broadcast_in_dim3A_24 : vector<256x1x1xf32> to vector<256x16x128xf32>
    %eq3A_26 = arith.cmpf oeq, %add3A_8, %eq3A_25 : vector<256x16x128xf32>
    %jit3A_27 = arith.constant -3.000000e+38 : f32
    %broadcast_in_dim3A_28 = vector.broadcast %jit3A_27 : f32 to vector<256x16x128xf32>
    %select_n3A_29 = arith.select %eq3A_26, %broadcast_in_dim3A_28, %reshape3A : vector<256x16x128xi1>, vector<256x16x128xf32>
    %convert_element_type3A_30 = arith.fptosi %broadcast_in_dim3A_23 : vector<256x1xf32> to vector<256x1xi32>
    %jit3A_31 = arith.constant 256 : i32
    %div3A = vector.broadcast %jit3A_31 : i32 to vector<256x1xi32>
    %div3A_32 = arith.divsi %convert_element_type3A_30, %div3A : vector<256x1xi32>
    %sign3A = arith.constant 0 : i32
    %sign3A_33 = vector.broadcast %sign3A : i32 to vector<256x1xi32>
    %sign3A_34 = arith.cmpi sgt, %convert_element_type3A_30, %sign3A_33 : vector<256x1xi32>
    %sign3A_35 = arith.extui %sign3A_34 : vector<256x1xi1> to vector<256x1xi32>
    %sign3A_36 = arith.constant 0 : i32
    %sign3A_37 = vector.broadcast %sign3A_36 : i32 to vector<256x1xi32>
    %sign3A_38 = arith.cmpi slt, %convert_element_type3A_30, %sign3A_37 : vector<256x1xi32>
    %sign3A_39 = arith.extui %sign3A_38 : vector<256x1xi1> to vector<256x1xi32>
    %sign3A_40 = arith.subi %sign3A_35, %sign3A_39 : vector<256x1xi32>
    %sign3A_41 = arith.constant 0 : i32
    %sign3A_42 = arith.cmpi sgt, %jit3A_31, %sign3A_41 : i32
    %sign3A_43 = arith.extui %sign3A_42 : i1 to i32
    %sign3A_44 = arith.constant 0 : i32
    %sign3A_45 = arith.cmpi slt, %jit3A_31, %sign3A_44 : i32
    %sign3A_46 = arith.extui %sign3A_45 : i1 to i32
    %sign3A_47 = arith.subi %sign3A_43, %sign3A_46 : i32
    %ne3A = vector.broadcast %sign3A_47 : i32 to vector<256x1xi32>
    %ne3A_48 = arith.cmpi ne, %sign3A_40, %ne3A : vector<256x1xi32>
    %rem3A = vector.broadcast %jit3A_31 : i32 to vector<256x1xi32>
    %rem3A_49 = arith.remsi %convert_element_type3A_30, %rem3A : vector<256x1xi32>
    %ne3A_50 = arith.constant 0 : i32
    %ne3A_51 = vector.broadcast %ne3A_50 : i32 to vector<256x1xi32>
    %ne3A_52 = arith.cmpi ne, %rem3A_49, %ne3A_51 : vector<256x1xi32>
    %and3A = arith.andi %ne3A_48, %ne3A_52 : vector<256x1xi1>
    %sub3A = arith.constant 1 : i32
    %sub3A_53 = vector.broadcast %sub3A : i32 to vector<256x1xi32>
    %sub3A_54 = arith.subi %div3A_32, %sub3A_53 : vector<256x1xi32>
    %select_n3A_55 = arith.select %and3A, %sub3A_54, %div3A_32 : vector<256x1xi1>, vector<256x1xi32>
    %mul3A_56 = arith.constant 2048 : i32
    %mul3A_57 = vector.broadcast %mul3A_56 : i32 to vector<256x1xi32>
    %mul3A_58 = arith.muli %select_n3A_55, %mul3A_57 : vector<256x1xi32>
    %jit3A_59 = arith.constant 256 : i32
    %eq3A_60 = arith.constant 0 : i32
    %eq3A_61 = arith.cmpi eq, %jit3A_59, %eq3A_60 : i32
    %jit3A_62 = arith.constant 1 : i32
    %select_n3A_63 = arith.select %eq3A_61, %jit3A_62, %jit3A_59 : i32
    %rem3A_64 = vector.broadcast %select_n3A_63 : i32 to vector<256x1xi32>
    %rem3A_65 = arith.remsi %convert_element_type3A_30, %rem3A_64 : vector<256x1xi32>
    %ne3A_66 = arith.constant 0 : i32
    %ne3A_67 = vector.broadcast %ne3A_66 : i32 to vector<256x1xi32>
    %ne3A_68 = arith.cmpi ne, %rem3A_65, %ne3A_67 : vector<256x1xi32>
    %lt3A = arith.constant 0 : i32
    %lt3A_69 = vector.broadcast %lt3A : i32 to vector<256x1xi32>
    %lt3A_70 = arith.cmpi slt, %rem3A_65, %lt3A_69 : vector<256x1xi32>
    %lt3A_71 = arith.constant 0 : i32
    %lt3A_72 = arith.cmpi slt, %select_n3A_63, %lt3A_71 : i32
    %ne3A_73 = vector.broadcast %lt3A_72 : i1 to vector<256x1xi1>
    %ne3A_74 = vector.broadcast %ne3A_73 : vector<256x1xi1> to vector<256x1xi1>
    %ne3A_75 = arith.xori %lt3A_70, %ne3A_74 : vector<256x1xi1>
    %and3A_76 = arith.andi %ne3A_75, %ne3A_68 : vector<256x1xi1>
    %add3A_77 = vector.broadcast %select_n3A_63 : i32 to vector<256x1xi32>
    %add3A_78 = arith.addi %rem3A_65, %add3A_77 : vector<256x1xi32>
    %select_n3A_79 = arith.select %and3A_76, %add3A_78, %rem3A_65 : vector<256x1xi1>, vector<256x1xi32>
    %add3A_80 = arith.addi %mul3A_58, %select_n3A_79 : vector<256x1xi32>
    %add3A_81 = vector.broadcast %add3A_80 : vector<256x1xi32> to vector<256x8xi32>
    %add3A_82 = vector.broadcast %mul3A_12 : vector<1x8xi32> to vector<256x8xi32>
    %add3A_83 = arith.addi %add3A_81, %add3A_82 : vector<256x8xi32>
    %min3A = arith.constant 99999 : i32
    %min3A_84 = vector.broadcast %min3A : i32 to vector<256x8xi32>
    %min3A_85 = arith.minsi %add3A_83, %min3A_84 : vector<256x8xi32>
    %reduce_max3A_86 = arith.constant dense<0xFF800000> : vector<256x128xf32>
    %reduce_max3A_87 = vector.multi_reduction <maximumf>, %select_n3A_29, %reduce_max3A_86 [1] : vector<256x16x128xf32> to vector<256x128xf32>
    %reduce_max3A_88 = arith.constant dense<0xFF800000> : vector<256xf32>
    %reduce_max3A_89 = vector.multi_reduction <maximumf>, %reduce_max3A_87, %reduce_max3A_88 [1] : vector<256x128xf32> to vector<256xf32>
    %broadcast_in_dim3A_90 = vector.shape_cast %reduce_max3A_89 : vector<256xf32> to vector<256x1xf32>
    %broadcast_in_dim3A_91 = vector.shape_cast %broadcast_in_dim3A_90 : vector<256x1xf32> to vector<256x1x1xf32>
    %eq3A_92 = vector.broadcast %broadcast_in_dim3A_91 : vector<256x1x1xf32> to vector<256x16x128xf32>
    %eq3A_93 = arith.cmpf oeq, %select_n3A_29, %eq3A_92 : vector<256x16x128xf32>
    %jit3A_94 = arith.constant 3.000000e+38 : f32
    %broadcast_in_dim3A_95 = vector.broadcast %jit3A_94 : f32 to vector<256x16x128xf32>
    %select_n3A_96 = arith.select %eq3A_93, %add3A_8, %broadcast_in_dim3A_95 : vector<256x16x128xi1>, vector<256x16x128xf32>
    %reduce_min3A_97 = arith.constant dense<0x7F800000> : vector<256x128xf32>
    %reduce_min3A_98 = vector.multi_reduction <minimumf>, %select_n3A_96, %reduce_min3A_97 [1] : vector<256x16x128xf32> to vector<256x128xf32>
    %reduce_min3A_99 = arith.constant dense<0x7F800000> : vector<256xf32>
    %reduce_min3A_100 = vector.multi_reduction <minimumf>, %reduce_min3A_98, %reduce_min3A_99 [1] : vector<256x128xf32> to vector<256xf32>
    %broadcast_in_dim3A_101 = vector.shape_cast %reduce_min3A_100 : vector<256xf32> to vector<256x1xf32>
    %broadcast_in_dim3A_102 = vector.shape_cast %broadcast_in_dim3A_101 : vector<256x1xf32> to vector<256x1x1xf32>
    %eq3A_103 = vector.broadcast %broadcast_in_dim3A_102 : vector<256x1x1xf32> to vector<256x16x128xf32>
    %eq3A_104 = arith.cmpf oeq, %add3A_8, %eq3A_103 : vector<256x16x128xf32>
    %jit3A_105 = arith.constant -3.000000e+38 : f32
    %broadcast_in_dim3A_106 = vector.broadcast %jit3A_105 : f32 to vector<256x16x128xf32>
    %select_n3A_107 = arith.select %eq3A_104, %broadcast_in_dim3A_106, %select_n3A_29 : vector<256x16x128xi1>, vector<256x16x128xf32>
    %convert_element_type3A_108 = arith.fptosi %broadcast_in_dim3A_101 : vector<256x1xf32> to vector<256x1xi32>
    %jit3A_109 = arith.constant 256 : i32
    %div3A_110 = vector.broadcast %jit3A_109 : i32 to vector<256x1xi32>
    %div3A_111 = arith.divsi %convert_element_type3A_108, %div3A_110 : vector<256x1xi32>
    %sign3A_112 = arith.constant 0 : i32
    %sign3A_113 = vector.broadcast %sign3A_112 : i32 to vector<256x1xi32>
    %sign3A_114 = arith.cmpi sgt, %convert_element_type3A_108, %sign3A_113 : vector<256x1xi32>
    %sign3A_115 = arith.extui %sign3A_114 : vector<256x1xi1> to vector<256x1xi32>
    %sign3A_116 = arith.constant 0 : i32
    %sign3A_117 = vector.broadcast %sign3A_116 : i32 to vector<256x1xi32>
    %sign3A_118 = arith.cmpi slt, %convert_element_type3A_108, %sign3A_117 : vector<256x1xi32>
    %sign3A_119 = arith.extui %sign3A_118 : vector<256x1xi1> to vector<256x1xi32>
    %sign3A_120 = arith.subi %sign3A_115, %sign3A_119 : vector<256x1xi32>
    %sign3A_121 = arith.constant 0 : i32
    %sign3A_122 = arith.cmpi sgt, %jit3A_109, %sign3A_121 : i32
    %sign3A_123 = arith.extui %sign3A_122 : i1 to i32
    %sign3A_124 = arith.constant 0 : i32
    %sign3A_125 = arith.cmpi slt, %jit3A_109, %sign3A_124 : i32
    %sign3A_126 = arith.extui %sign3A_125 : i1 to i32
    %sign3A_127 = arith.subi %sign3A_123, %sign3A_126 : i32
    %ne3A_128 = vector.broadcast %sign3A_127 : i32 to vector<256x1xi32>
    %ne3A_129 = arith.cmpi ne, %sign3A_120, %ne3A_128 : vector<256x1xi32>
    %rem3A_130 = vector.broadcast %jit3A_109 : i32 to vector<256x1xi32>
    %rem3A_131 = arith.remsi %convert_element_type3A_108, %rem3A_130 : vector<256x1xi32>
    %ne3A_132 = arith.constant 0 : i32
    %ne3A_133 = vector.broadcast %ne3A_132 : i32 to vector<256x1xi32>
    %ne3A_134 = arith.cmpi ne, %rem3A_131, %ne3A_133 : vector<256x1xi32>
    %and3A_135 = arith.andi %ne3A_129, %ne3A_134 : vector<256x1xi1>
    %sub3A_136 = arith.constant 1 : i32
    %sub3A_137 = vector.broadcast %sub3A_136 : i32 to vector<256x1xi32>
    %sub3A_138 = arith.subi %div3A_111, %sub3A_137 : vector<256x1xi32>
    %select_n3A_139 = arith.select %and3A_135, %sub3A_138, %div3A_111 : vector<256x1xi1>, vector<256x1xi32>
    %mul3A_140 = arith.constant 2048 : i32
    %mul3A_141 = vector.broadcast %mul3A_140 : i32 to vector<256x1xi32>
    %mul3A_142 = arith.muli %select_n3A_139, %mul3A_141 : vector<256x1xi32>
    %jit3A_143 = arith.constant 256 : i32
    %eq3A_144 = arith.constant 0 : i32
    %eq3A_145 = arith.cmpi eq, %jit3A_143, %eq3A_144 : i32
    %jit3A_146 = arith.constant 1 : i32
    %select_n3A_147 = arith.select %eq3A_145, %jit3A_146, %jit3A_143 : i32
    %rem3A_148 = vector.broadcast %select_n3A_147 : i32 to vector<256x1xi32>
    %rem3A_149 = arith.remsi %convert_element_type3A_108, %rem3A_148 : vector<256x1xi32>
    %ne3A_150 = arith.constant 0 : i32
    %ne3A_151 = vector.broadcast %ne3A_150 : i32 to vector<256x1xi32>
    %ne3A_152 = arith.cmpi ne, %rem3A_149, %ne3A_151 : vector<256x1xi32>
    %lt3A_153 = arith.constant 0 : i32
    %lt3A_154 = vector.broadcast %lt3A_153 : i32 to vector<256x1xi32>
    %lt3A_155 = arith.cmpi slt, %rem3A_149, %lt3A_154 : vector<256x1xi32>
    %lt3A_156 = arith.constant 0 : i32
    %lt3A_157 = arith.cmpi slt, %select_n3A_147, %lt3A_156 : i32
    %ne3A_158 = vector.broadcast %lt3A_157 : i1 to vector<256x1xi1>
    %ne3A_159 = vector.broadcast %ne3A_158 : vector<256x1xi1> to vector<256x1xi1>
    %ne3A_160 = arith.xori %lt3A_155, %ne3A_159 : vector<256x1xi1>
    %and3A_161 = arith.andi %ne3A_160, %ne3A_152 : vector<256x1xi1>
    %add3A_162 = vector.broadcast %select_n3A_147 : i32 to vector<256x1xi32>
    %add3A_163 = arith.addi %rem3A_149, %add3A_162 : vector<256x1xi32>
    %select_n3A_164 = arith.select %and3A_161, %add3A_163, %rem3A_149 : vector<256x1xi1>, vector<256x1xi32>
    %add3A_165 = arith.addi %mul3A_142, %select_n3A_164 : vector<256x1xi32>
    %add3A_166 = vector.broadcast %add3A_165 : vector<256x1xi32> to vector<256x8xi32>
    %add3A_167 = vector.broadcast %mul3A_12 : vector<1x8xi32> to vector<256x8xi32>
    %add3A_168 = arith.addi %add3A_166, %add3A_167 : vector<256x8xi32>
    %min3A_169 = arith.constant 99999 : i32
    %min3A_170 = vector.broadcast %min3A_169 : i32 to vector<256x8xi32>
    %min3A_171 = arith.minsi %add3A_168, %min3A_170 : vector<256x8xi32>
    %reduce_max3A_172 = arith.constant dense<0xFF800000> : vector<256x128xf32>
    %reduce_max3A_173 = vector.multi_reduction <maximumf>, %select_n3A_107, %reduce_max3A_172 [1] : vector<256x16x128xf32> to vector<256x128xf32>
    %reduce_max3A_174 = arith.constant dense<0xFF800000> : vector<256xf32>
    %reduce_max3A_175 = vector.multi_reduction <maximumf>, %reduce_max3A_173, %reduce_max3A_174 [1] : vector<256x128xf32> to vector<256xf32>
    %broadcast_in_dim3A_176 = vector.shape_cast %reduce_max3A_175 : vector<256xf32> to vector<256x1xf32>
    %broadcast_in_dim3A_177 = vector.shape_cast %broadcast_in_dim3A_176 : vector<256x1xf32> to vector<256x1x1xf32>
    %eq3A_178 = vector.broadcast %broadcast_in_dim3A_177 : vector<256x1x1xf32> to vector<256x16x128xf32>
    %eq3A_179 = arith.cmpf oeq, %select_n3A_107, %eq3A_178 : vector<256x16x128xf32>
    %jit3A_180 = arith.constant 3.000000e+38 : f32
    %broadcast_in_dim3A_181 = vector.broadcast %jit3A_180 : f32 to vector<256x16x128xf32>
    %select_n3A_182 = arith.select %eq3A_179, %add3A_8, %broadcast_in_dim3A_181 : vector<256x16x128xi1>, vector<256x16x128xf32>
    %reduce_min3A_183 = arith.constant dense<0x7F800000> : vector<256x128xf32>
    %reduce_min3A_184 = vector.multi_reduction <minimumf>, %select_n3A_182, %reduce_min3A_183 [1] : vector<256x16x128xf32> to vector<256x128xf32>
    %reduce_min3A_185 = arith.constant dense<0x7F800000> : vector<256xf32>
    %reduce_min3A_186 = vector.multi_reduction <minimumf>, %reduce_min3A_184, %reduce_min3A_185 [1] : vector<256x128xf32> to vector<256xf32>
    %broadcast_in_dim3A_187 = vector.shape_cast %reduce_min3A_186 : vector<256xf32> to vector<256x1xf32>
    %broadcast_in_dim3A_188 = vector.shape_cast %broadcast_in_dim3A_187 : vector<256x1xf32> to vector<256x1x1xf32>
    %eq3A_189 = vector.broadcast %broadcast_in_dim3A_188 : vector<256x1x1xf32> to vector<256x16x128xf32>
    %eq3A_190 = arith.cmpf oeq, %add3A_8, %eq3A_189 : vector<256x16x128xf32>
    %jit3A_191 = arith.constant -3.000000e+38 : f32
    %broadcast_in_dim3A_192 = vector.broadcast %jit3A_191 : f32 to vector<256x16x128xf32>
    %select_n3A_193 = arith.select %eq3A_190, %broadcast_in_dim3A_192, %select_n3A_107 : vector<256x16x128xi1>, vector<256x16x128xf32>
    %convert_element_type3A_194 = arith.fptosi %broadcast_in_dim3A_187 : vector<256x1xf32> to vector<256x1xi32>
    %jit3A_195 = arith.constant 256 : i32
    %div3A_196 = vector.broadcast %jit3A_195 : i32 to vector<256x1xi32>
    %div3A_197 = arith.divsi %convert_element_type3A_194, %div3A_196 : vector<256x1xi32>
    %sign3A_198 = arith.constant 0 : i32
    %sign3A_199 = vector.broadcast %sign3A_198 : i32 to vector<256x1xi32>
    %sign3A_200 = arith.cmpi sgt, %convert_element_type3A_194, %sign3A_199 : vector<256x1xi32>
    %sign3A_201 = arith.extui %sign3A_200 : vector<256x1xi1> to vector<256x1xi32>
    %sign3A_202 = arith.constant 0 : i32
    %sign3A_203 = vector.broadcast %sign3A_202 : i32 to vector<256x1xi32>
    %sign3A_204 = arith.cmpi slt, %convert_element_type3A_194, %sign3A_203 : vector<256x1xi32>
    %sign3A_205 = arith.extui %sign3A_204 : vector<256x1xi1> to vector<256x1xi32>
    %sign3A_206 = arith.subi %sign3A_201, %sign3A_205 : vector<256x1xi32>
    %sign3A_207 = arith.constant 0 : i32
    %sign3A_208 = arith.cmpi sgt, %jit3A_195, %sign3A_207 : i32
    %sign3A_209 = arith.extui %sign3A_208 : i1 to i32
    %sign3A_210 = arith.constant 0 : i32
    %sign3A_211 = arith.cmpi slt, %jit3A_195, %sign3A_210 : i32
    %sign3A_212 = arith.extui %sign3A_211 : i1 to i32
    %sign3A_213 = arith.subi %sign3A_209, %sign3A_212 : i32
    %ne3A_214 = vector.broadcast %sign3A_213 : i32 to vector<256x1xi32>
    %ne3A_215 = arith.cmpi ne, %sign3A_206, %ne3A_214 : vector<256x1xi32>
    %rem3A_216 = vector.broadcast %jit3A_195 : i32 to vector<256x1xi32>
    %rem3A_217 = arith.remsi %convert_element_type3A_194, %rem3A_216 : vector<256x1xi32>
    %ne3A_218 = arith.constant 0 : i32
    %ne3A_219 = vector.broadcast %ne3A_218 : i32 to vector<256x1xi32>
    %ne3A_220 = arith.cmpi ne, %rem3A_217, %ne3A_219 : vector<256x1xi32>
    %and3A_221 = arith.andi %ne3A_215, %ne3A_220 : vector<256x1xi1>
    %sub3A_222 = arith.constant 1 : i32
    %sub3A_223 = vector.broadcast %sub3A_222 : i32 to vector<256x1xi32>
    %sub3A_224 = arith.subi %div3A_197, %sub3A_223 : vector<256x1xi32>
    %select_n3A_225 = arith.select %and3A_221, %sub3A_224, %div3A_197 : vector<256x1xi1>, vector<256x1xi32>
    %mul3A_226 = arith.constant 2048 : i32
    %mul3A_227 = vector.broadcast %mul3A_226 : i32 to vector<256x1xi32>
    %mul3A_228 = arith.muli %select_n3A_225, %mul3A_227 : vector<256x1xi32>
    %jit3A_229 = arith.constant 256 : i32
    %eq3A_230 = arith.constant 0 : i32
    %eq3A_231 = arith.cmpi eq, %jit3A_229, %eq3A_230 : i32
    %jit3A_232 = arith.constant 1 : i32
    %select_n3A_233 = arith.select %eq3A_231, %jit3A_232, %jit3A_229 : i32
    %rem3A_234 = vector.broadcast %select_n3A_233 : i32 to vector<256x1xi32>
    %rem3A_235 = arith.remsi %convert_element_type3A_194, %rem3A_234 : vector<256x1xi32>
    %ne3A_236 = arith.constant 0 : i32
    %ne3A_237 = vector.broadcast %ne3A_236 : i32 to vector<256x1xi32>
    %ne3A_238 = arith.cmpi ne, %rem3A_235, %ne3A_237 : vector<256x1xi32>
    %lt3A_239 = arith.constant 0 : i32
    %lt3A_240 = vector.broadcast %lt3A_239 : i32 to vector<256x1xi32>
    %lt3A_241 = arith.cmpi slt, %rem3A_235, %lt3A_240 : vector<256x1xi32>
    %lt3A_242 = arith.constant 0 : i32
    %lt3A_243 = arith.cmpi slt, %select_n3A_233, %lt3A_242 : i32
    %ne3A_244 = vector.broadcast %lt3A_243 : i1 to vector<256x1xi1>
    %ne3A_245 = vector.broadcast %ne3A_244 : vector<256x1xi1> to vector<256x1xi1>
    %ne3A_246 = arith.xori %lt3A_241, %ne3A_245 : vector<256x1xi1>
    %and3A_247 = arith.andi %ne3A_246, %ne3A_238 : vector<256x1xi1>
    %add3A_248 = vector.broadcast %select_n3A_233 : i32 to vector<256x1xi32>
    %add3A_249 = arith.addi %rem3A_235, %add3A_248 : vector<256x1xi32>
    %select_n3A_250 = arith.select %and3A_247, %add3A_249, %rem3A_235 : vector<256x1xi1>, vector<256x1xi32>
    %add3A_251 = arith.addi %mul3A_228, %select_n3A_250 : vector<256x1xi32>
    %add3A_252 = vector.broadcast %add3A_251 : vector<256x1xi32> to vector<256x8xi32>
    %add3A_253 = vector.broadcast %mul3A_12 : vector<1x8xi32> to vector<256x8xi32>
    %add3A_254 = arith.addi %add3A_252, %add3A_253 : vector<256x8xi32>
    %min3A_255 = arith.constant 99999 : i32
    %min3A_256 = vector.broadcast %min3A_255 : i32 to vector<256x8xi32>
    %min3A_257 = arith.minsi %add3A_254, %min3A_256 : vector<256x8xi32>
    %reduce_max3A_258 = arith.constant dense<0xFF800000> : vector<256x128xf32>
    %reduce_max3A_259 = vector.multi_reduction <maximumf>, %select_n3A_193, %reduce_max3A_258 [1] : vector<256x16x128xf32> to vector<256x128xf32>
    %reduce_max3A_260 = arith.constant dense<0xFF800000> : vector<256xf32>
    %reduce_max3A_261 = vector.multi_reduction <maximumf>, %reduce_max3A_259, %reduce_max3A_260 [1] : vector<256x128xf32> to vector<256xf32>
    %broadcast_in_dim3A_262 = vector.shape_cast %reduce_max3A_261 : vector<256xf32> to vector<256x1xf32>
    %broadcast_in_dim3A_263 = vector.shape_cast %broadcast_in_dim3A_262 : vector<256x1xf32> to vector<256x1x1xf32>
    %eq3A_264 = vector.broadcast %broadcast_in_dim3A_263 : vector<256x1x1xf32> to vector<256x16x128xf32>
    %eq3A_265 = arith.cmpf oeq, %select_n3A_193, %eq3A_264 : vector<256x16x128xf32>
    %jit3A_266 = arith.constant 3.000000e+38 : f32
    %broadcast_in_dim3A_267 = vector.broadcast %jit3A_266 : f32 to vector<256x16x128xf32>
    %select_n3A_268 = arith.select %eq3A_265, %add3A_8, %broadcast_in_dim3A_267 : vector<256x16x128xi1>, vector<256x16x128xf32>
    %reduce_min3A_269 = arith.constant dense<0x7F800000> : vector<256x128xf32>
    %reduce_min3A_270 = vector.multi_reduction <minimumf>, %select_n3A_268, %reduce_min3A_269 [1] : vector<256x16x128xf32> to vector<256x128xf32>
    %reduce_min3A_271 = arith.constant dense<0x7F800000> : vector<256xf32>
    %reduce_min3A_272 = vector.multi_reduction <minimumf>, %reduce_min3A_270, %reduce_min3A_271 [1] : vector<256x128xf32> to vector<256xf32>
    %broadcast_in_dim3A_273 = vector.shape_cast %reduce_min3A_272 : vector<256xf32> to vector<256x1xf32>
    %broadcast_in_dim3A_274 = vector.shape_cast %broadcast_in_dim3A_273 : vector<256x1xf32> to vector<256x1x1xf32>
    %eq3A_275 = vector.broadcast %broadcast_in_dim3A_274 : vector<256x1x1xf32> to vector<256x16x128xf32>
    %eq3A_276 = arith.cmpf oeq, %add3A_8, %eq3A_275 : vector<256x16x128xf32>
    %jit3A_277 = arith.constant -3.000000e+38 : f32
    %broadcast_in_dim3A_278 = vector.broadcast %jit3A_277 : f32 to vector<256x16x128xf32>
    %select_n3A_279 = arith.select %eq3A_276, %broadcast_in_dim3A_278, %select_n3A_193 : vector<256x16x128xi1>, vector<256x16x128xf32>
    %convert_element_type3A_280 = arith.fptosi %broadcast_in_dim3A_273 : vector<256x1xf32> to vector<256x1xi32>
    %jit3A_281 = arith.constant 256 : i32
    %div3A_282 = vector.broadcast %jit3A_281 : i32 to vector<256x1xi32>
    %div3A_283 = arith.divsi %convert_element_type3A_280, %div3A_282 : vector<256x1xi32>
    %sign3A_284 = arith.constant 0 : i32
    %sign3A_285 = vector.broadcast %sign3A_284 : i32 to vector<256x1xi32>
    %sign3A_286 = arith.cmpi sgt, %convert_element_type3A_280, %sign3A_285 : vector<256x1xi32>
    %sign3A_287 = arith.extui %sign3A_286 : vector<256x1xi1> to vector<256x1xi32>
    %sign3A_288 = arith.constant 0 : i32
    %sign3A_289 = vector.broadcast %sign3A_288 : i32 to vector<256x1xi32>
    %sign3A_290 = arith.cmpi slt, %convert_element_type3A_280, %sign3A_289 : vector<256x1xi32>
    %sign3A_291 = arith.extui %sign3A_290 : vector<256x1xi1> to vector<256x1xi32>
    %sign3A_292 = arith.subi %sign3A_287, %sign3A_291 : vector<256x1xi32>
    %sign3A_293 = arith.constant 0 : i32
    %sign3A_294 = arith.cmpi sgt, %jit3A_281, %sign3A_293 : i32
    %sign3A_295 = arith.extui %sign3A_294 : i1 to i32
    %sign3A_296 = arith.constant 0 : i32
    %sign3A_297 = arith.cmpi slt, %jit3A_281, %sign3A_296 : i32
    %sign3A_298 = arith.extui %sign3A_297 : i1 to i32
    %sign3A_299 = arith.subi %sign3A_295, %sign3A_298 : i32
    %ne3A_300 = vector.broadcast %sign3A_299 : i32 to vector<256x1xi32>
    %ne3A_301 = arith.cmpi ne, %sign3A_292, %ne3A_300 : vector<256x1xi32>
    %rem3A_302 = vector.broadcast %jit3A_281 : i32 to vector<256x1xi32>
    %rem3A_303 = arith.remsi %convert_element_type3A_280, %rem3A_302 : vector<256x1xi32>
    %ne3A_304 = arith.constant 0 : i32
    %ne3A_305 = vector.broadcast %ne3A_304 : i32 to vector<256x1xi32>
    %ne3A_306 = arith.cmpi ne, %rem3A_303, %ne3A_305 : vector<256x1xi32>
    %and3A_307 = arith.andi %ne3A_301, %ne3A_306 : vector<256x1xi1>
    %sub3A_308 = arith.constant 1 : i32
    %sub3A_309 = vector.broadcast %sub3A_308 : i32 to vector<256x1xi32>
    %sub3A_310 = arith.subi %div3A_283, %sub3A_309 : vector<256x1xi32>
    %select_n3A_311 = arith.select %and3A_307, %sub3A_310, %div3A_283 : vector<256x1xi1>, vector<256x1xi32>
    %mul3A_312 = arith.constant 2048 : i32
    %mul3A_313 = vector.broadcast %mul3A_312 : i32 to vector<256x1xi32>
    %mul3A_314 = arith.muli %select_n3A_311, %mul3A_313 : vector<256x1xi32>
    %jit3A_315 = arith.constant 256 : i32
    %eq3A_316 = arith.constant 0 : i32
    %eq3A_317 = arith.cmpi eq, %jit3A_315, %eq3A_316 : i32
    %jit3A_318 = arith.constant 1 : i32
    %select_n3A_319 = arith.select %eq3A_317, %jit3A_318, %jit3A_315 : i32
    %rem3A_320 = vector.broadcast %select_n3A_319 : i32 to vector<256x1xi32>
    %rem3A_321 = arith.remsi %convert_element_type3A_280, %rem3A_320 : vector<256x1xi32>
    %ne3A_322 = arith.constant 0 : i32
    %ne3A_323 = vector.broadcast %ne3A_322 : i32 to vector<256x1xi32>
    %ne3A_324 = arith.cmpi ne, %rem3A_321, %ne3A_323 : vector<256x1xi32>
    %lt3A_325 = arith.constant 0 : i32
    %lt3A_326 = vector.broadcast %lt3A_325 : i32 to vector<256x1xi32>
    %lt3A_327 = arith.cmpi slt, %rem3A_321, %lt3A_326 : vector<256x1xi32>
    %lt3A_328 = arith.constant 0 : i32
    %lt3A_329 = arith.cmpi slt, %select_n3A_319, %lt3A_328 : i32
    %ne3A_330 = vector.broadcast %lt3A_329 : i1 to vector<256x1xi1>
    %ne3A_331 = vector.broadcast %ne3A_330 : vector<256x1xi1> to vector<256x1xi1>
    %ne3A_332 = arith.xori %lt3A_327, %ne3A_331 : vector<256x1xi1>
    %and3A_333 = arith.andi %ne3A_332, %ne3A_324 : vector<256x1xi1>
    %add3A_334 = vector.broadcast %select_n3A_319 : i32 to vector<256x1xi32>
    %add3A_335 = arith.addi %rem3A_321, %add3A_334 : vector<256x1xi32>
    %select_n3A_336 = arith.select %and3A_333, %add3A_335, %rem3A_321 : vector<256x1xi1>, vector<256x1xi32>
    %add3A_337 = arith.addi %mul3A_314, %select_n3A_336 : vector<256x1xi32>
    %add3A_338 = vector.broadcast %add3A_337 : vector<256x1xi32> to vector<256x8xi32>
    %add3A_339 = vector.broadcast %mul3A_12 : vector<1x8xi32> to vector<256x8xi32>
    %add3A_340 = arith.addi %add3A_338, %add3A_339 : vector<256x8xi32>
    %min3A_341 = arith.constant 99999 : i32
    %min3A_342 = vector.broadcast %min3A_341 : i32 to vector<256x8xi32>
    %min3A_343 = arith.minsi %add3A_340, %min3A_342 : vector<256x8xi32>
    %reduce_max3A_344 = arith.constant dense<0xFF800000> : vector<256x128xf32>
    %reduce_max3A_345 = vector.multi_reduction <maximumf>, %select_n3A_279, %reduce_max3A_344 [1] : vector<256x16x128xf32> to vector<256x128xf32>
    %reduce_max3A_346 = arith.constant dense<0xFF800000> : vector<256xf32>
    %reduce_max3A_347 = vector.multi_reduction <maximumf>, %reduce_max3A_345, %reduce_max3A_346 [1] : vector<256x128xf32> to vector<256xf32>
    %broadcast_in_dim3A_348 = vector.shape_cast %reduce_max3A_347 : vector<256xf32> to vector<256x1xf32>
    %broadcast_in_dim3A_349 = vector.shape_cast %broadcast_in_dim3A_348 : vector<256x1xf32> to vector<256x1x1xf32>
    %eq3A_350 = vector.broadcast %broadcast_in_dim3A_349 : vector<256x1x1xf32> to vector<256x16x128xf32>
    %eq3A_351 = arith.cmpf oeq, %select_n3A_279, %eq3A_350 : vector<256x16x128xf32>
    %jit3A_352 = arith.constant 3.000000e+38 : f32
    %broadcast_in_dim3A_353 = vector.broadcast %jit3A_352 : f32 to vector<256x16x128xf32>
    %select_n3A_354 = arith.select %eq3A_351, %add3A_8, %broadcast_in_dim3A_353 : vector<256x16x128xi1>, vector<256x16x128xf32>
    %reduce_min3A_355 = arith.constant dense<0x7F800000> : vector<256x128xf32>
    %reduce_min3A_356 = vector.multi_reduction <minimumf>, %select_n3A_354, %reduce_min3A_355 [1] : vector<256x16x128xf32> to vector<256x128xf32>
    %reduce_min3A_357 = arith.constant dense<0x7F800000> : vector<256xf32>
    %reduce_min3A_358 = vector.multi_reduction <minimumf>, %reduce_min3A_356, %reduce_min3A_357 [1] : vector<256x128xf32> to vector<256xf32>
    %broadcast_in_dim3A_359 = vector.shape_cast %reduce_min3A_358 : vector<256xf32> to vector<256x1xf32>
    %broadcast_in_dim3A_360 = vector.shape_cast %broadcast_in_dim3A_359 : vector<256x1xf32> to vector<256x1x1xf32>
    %eq3A_361 = vector.broadcast %broadcast_in_dim3A_360 : vector<256x1x1xf32> to vector<256x16x128xf32>
    %eq3A_362 = arith.cmpf oeq, %add3A_8, %eq3A_361 : vector<256x16x128xf32>
    %jit3A_363 = arith.constant -3.000000e+38 : f32
    %broadcast_in_dim3A_364 = vector.broadcast %jit3A_363 : f32 to vector<256x16x128xf32>
    %select_n3A_365 = arith.select %eq3A_362, %broadcast_in_dim3A_364, %select_n3A_279 : vector<256x16x128xi1>, vector<256x16x128xf32>
    %convert_element_type3A_366 = arith.fptosi %broadcast_in_dim3A_359 : vector<256x1xf32> to vector<256x1xi32>
    %jit3A_367 = arith.constant 256 : i32
    %div3A_368 = vector.broadcast %jit3A_367 : i32 to vector<256x1xi32>
    %div3A_369 = arith.divsi %convert_element_type3A_366, %div3A_368 : vector<256x1xi32>
    %sign3A_370 = arith.constant 0 : i32
    %sign3A_371 = vector.broadcast %sign3A_370 : i32 to vector<256x1xi32>
    %sign3A_372 = arith.cmpi sgt, %convert_element_type3A_366, %sign3A_371 : vector<256x1xi32>
    %sign3A_373 = arith.extui %sign3A_372 : vector<256x1xi1> to vector<256x1xi32>
    %sign3A_374 = arith.constant 0 : i32
    %sign3A_375 = vector.broadcast %sign3A_374 : i32 to vector<256x1xi32>
    %sign3A_376 = arith.cmpi slt, %convert_element_type3A_366, %sign3A_375 : vector<256x1xi32>
    %sign3A_377 = arith.extui %sign3A_376 : vector<256x1xi1> to vector<256x1xi32>
    %sign3A_378 = arith.subi %sign3A_373, %sign3A_377 : vector<256x1xi32>
    %sign3A_379 = arith.constant 0 : i32
    %sign3A_380 = arith.cmpi sgt, %jit3A_367, %sign3A_379 : i32
    %sign3A_381 = arith.extui %sign3A_380 : i1 to i32
    %sign3A_382 = arith.constant 0 : i32
    %sign3A_383 = arith.cmpi slt, %jit3A_367, %sign3A_382 : i32
    %sign3A_384 = arith.extui %sign3A_383 : i1 to i32
    %sign3A_385 = arith.subi %sign3A_381, %sign3A_384 : i32
    %ne3A_386 = vector.broadcast %sign3A_385 : i32 to vector<256x1xi32>
    %ne3A_387 = arith.cmpi ne, %sign3A_378, %ne3A_386 : vector<256x1xi32>
    %rem3A_388 = vector.broadcast %jit3A_367 : i32 to vector<256x1xi32>
    %rem3A_389 = arith.remsi %convert_element_type3A_366, %rem3A_388 : vector<256x1xi32>
    %ne3A_390 = arith.constant 0 : i32
    %ne3A_391 = vector.broadcast %ne3A_390 : i32 to vector<256x1xi32>
    %ne3A_392 = arith.cmpi ne, %rem3A_389, %ne3A_391 : vector<256x1xi32>
    %and3A_393 = arith.andi %ne3A_387, %ne3A_392 : vector<256x1xi1>
    %sub3A_394 = arith.constant 1 : i32
    %sub3A_395 = vector.broadcast %sub3A_394 : i32 to vector<256x1xi32>
    %sub3A_396 = arith.subi %div3A_369, %sub3A_395 : vector<256x1xi32>
    %select_n3A_397 = arith.select %and3A_393, %sub3A_396, %div3A_369 : vector<256x1xi1>, vector<256x1xi32>
    %mul3A_398 = arith.constant 2048 : i32
    %mul3A_399 = vector.broadcast %mul3A_398 : i32 to vector<256x1xi32>
    %mul3A_400 = arith.muli %select_n3A_397, %mul3A_399 : vector<256x1xi32>
    %jit3A_401 = arith.constant 256 : i32
    %eq3A_402 = arith.constant 0 : i32
    %eq3A_403 = arith.cmpi eq, %jit3A_401, %eq3A_402 : i32
    %jit3A_404 = arith.constant 1 : i32
    %select_n3A_405 = arith.select %eq3A_403, %jit3A_404, %jit3A_401 : i32
    %rem3A_406 = vector.broadcast %select_n3A_405 : i32 to vector<256x1xi32>
    %rem3A_407 = arith.remsi %convert_element_type3A_366, %rem3A_406 : vector<256x1xi32>
    %ne3A_408 = arith.constant 0 : i32
    %ne3A_409 = vector.broadcast %ne3A_408 : i32 to vector<256x1xi32>
    %ne3A_410 = arith.cmpi ne, %rem3A_407, %ne3A_409 : vector<256x1xi32>
    %lt3A_411 = arith.constant 0 : i32
    %lt3A_412 = vector.broadcast %lt3A_411 : i32 to vector<256x1xi32>
    %lt3A_413 = arith.cmpi slt, %rem3A_407, %lt3A_412 : vector<256x1xi32>
    %lt3A_414 = arith.constant 0 : i32
    %lt3A_415 = arith.cmpi slt, %select_n3A_405, %lt3A_414 : i32
    %ne3A_416 = vector.broadcast %lt3A_415 : i1 to vector<256x1xi1>
    %ne3A_417 = vector.broadcast %ne3A_416 : vector<256x1xi1> to vector<256x1xi1>
    %ne3A_418 = arith.xori %lt3A_413, %ne3A_417 : vector<256x1xi1>
    %and3A_419 = arith.andi %ne3A_418, %ne3A_410 : vector<256x1xi1>
    %add3A_420 = vector.broadcast %select_n3A_405 : i32 to vector<256x1xi32>
    %add3A_421 = arith.addi %rem3A_407, %add3A_420 : vector<256x1xi32>
    %select_n3A_422 = arith.select %and3A_419, %add3A_421, %rem3A_407 : vector<256x1xi1>, vector<256x1xi32>
    %add3A_423 = arith.addi %mul3A_400, %select_n3A_422 : vector<256x1xi32>
    %add3A_424 = vector.broadcast %add3A_423 : vector<256x1xi32> to vector<256x8xi32>
    %add3A_425 = vector.broadcast %mul3A_12 : vector<1x8xi32> to vector<256x8xi32>
    %add3A_426 = arith.addi %add3A_424, %add3A_425 : vector<256x8xi32>
    %min3A_427 = arith.constant 99999 : i32
    %min3A_428 = vector.broadcast %min3A_427 : i32 to vector<256x8xi32>
    %min3A_429 = arith.minsi %add3A_426, %min3A_428 : vector<256x8xi32>
    %reduce_max3A_430 = arith.constant dense<0xFF800000> : vector<256x128xf32>
    %reduce_max3A_431 = vector.multi_reduction <maximumf>, %select_n3A_365, %reduce_max3A_430 [1] : vector<256x16x128xf32> to vector<256x128xf32>
    %reduce_max3A_432 = arith.constant dense<0xFF800000> : vector<256xf32>
    %reduce_max3A_433 = vector.multi_reduction <maximumf>, %reduce_max3A_431, %reduce_max3A_432 [1] : vector<256x128xf32> to vector<256xf32>
    %broadcast_in_dim3A_434 = vector.shape_cast %reduce_max3A_433 : vector<256xf32> to vector<256x1xf32>
    %broadcast_in_dim3A_435 = vector.shape_cast %broadcast_in_dim3A_434 : vector<256x1xf32> to vector<256x1x1xf32>
    %eq3A_436 = vector.broadcast %broadcast_in_dim3A_435 : vector<256x1x1xf32> to vector<256x16x128xf32>
    %eq3A_437 = arith.cmpf oeq, %select_n3A_365, %eq3A_436 : vector<256x16x128xf32>
    %jit3A_438 = arith.constant 3.000000e+38 : f32
    %broadcast_in_dim3A_439 = vector.broadcast %jit3A_438 : f32 to vector<256x16x128xf32>
    %select_n3A_440 = arith.select %eq3A_437, %add3A_8, %broadcast_in_dim3A_439 : vector<256x16x128xi1>, vector<256x16x128xf32>
    %reduce_min3A_441 = arith.constant dense<0x7F800000> : vector<256x128xf32>
    %reduce_min3A_442 = vector.multi_reduction <minimumf>, %select_n3A_440, %reduce_min3A_441 [1] : vector<256x16x128xf32> to vector<256x128xf32>
    %reduce_min3A_443 = arith.constant dense<0x7F800000> : vector<256xf32>
    %reduce_min3A_444 = vector.multi_reduction <minimumf>, %reduce_min3A_442, %reduce_min3A_443 [1] : vector<256x128xf32> to vector<256xf32>
    %broadcast_in_dim3A_445 = vector.shape_cast %reduce_min3A_444 : vector<256xf32> to vector<256x1xf32>
    %broadcast_in_dim3A_446 = vector.shape_cast %broadcast_in_dim3A_445 : vector<256x1xf32> to vector<256x1x1xf32>
    %eq3A_447 = vector.broadcast %broadcast_in_dim3A_446 : vector<256x1x1xf32> to vector<256x16x128xf32>
    %eq3A_448 = arith.cmpf oeq, %add3A_8, %eq3A_447 : vector<256x16x128xf32>
    %jit3A_449 = arith.constant -3.000000e+38 : f32
    %broadcast_in_dim3A_450 = vector.broadcast %jit3A_449 : f32 to vector<256x16x128xf32>
    %select_n3A_451 = arith.select %eq3A_448, %broadcast_in_dim3A_450, %select_n3A_365 : vector<256x16x128xi1>, vector<256x16x128xf32>
    %convert_element_type3A_452 = arith.fptosi %broadcast_in_dim3A_445 : vector<256x1xf32> to vector<256x1xi32>
    %jit3A_453 = arith.constant 256 : i32
    %div3A_454 = vector.broadcast %jit3A_453 : i32 to vector<256x1xi32>
    %div3A_455 = arith.divsi %convert_element_type3A_452, %div3A_454 : vector<256x1xi32>
    %sign3A_456 = arith.constant 0 : i32
    %sign3A_457 = vector.broadcast %sign3A_456 : i32 to vector<256x1xi32>
    %sign3A_458 = arith.cmpi sgt, %convert_element_type3A_452, %sign3A_457 : vector<256x1xi32>
    %sign3A_459 = arith.extui %sign3A_458 : vector<256x1xi1> to vector<256x1xi32>
    %sign3A_460 = arith.constant 0 : i32
    %sign3A_461 = vector.broadcast %sign3A_460 : i32 to vector<256x1xi32>
    %sign3A_462 = arith.cmpi slt, %convert_element_type3A_452, %sign3A_461 : vector<256x1xi32>
    %sign3A_463 = arith.extui %sign3A_462 : vector<256x1xi1> to vector<256x1xi32>
    %sign3A_464 = arith.subi %sign3A_459, %sign3A_463 : vector<256x1xi32>
    %sign3A_465 = arith.constant 0 : i32
    %sign3A_466 = arith.cmpi sgt, %jit3A_453, %sign3A_465 : i32
    %sign3A_467 = arith.extui %sign3A_466 : i1 to i32
    %sign3A_468 = arith.constant 0 : i32
    %sign3A_469 = arith.cmpi slt, %jit3A_453, %sign3A_468 : i32
    %sign3A_470 = arith.extui %sign3A_469 : i1 to i32
    %sign3A_471 = arith.subi %sign3A_467, %sign3A_470 : i32
    %ne3A_472 = vector.broadcast %sign3A_471 : i32 to vector<256x1xi32>
    %ne3A_473 = arith.cmpi ne, %sign3A_464, %ne3A_472 : vector<256x1xi32>
    %rem3A_474 = vector.broadcast %jit3A_453 : i32 to vector<256x1xi32>
    %rem3A_475 = arith.remsi %convert_element_type3A_452, %rem3A_474 : vector<256x1xi32>
    %ne3A_476 = arith.constant 0 : i32
    %ne3A_477 = vector.broadcast %ne3A_476 : i32 to vector<256x1xi32>
    %ne3A_478 = arith.cmpi ne, %rem3A_475, %ne3A_477 : vector<256x1xi32>
    %and3A_479 = arith.andi %ne3A_473, %ne3A_478 : vector<256x1xi1>
    %sub3A_480 = arith.constant 1 : i32
    %sub3A_481 = vector.broadcast %sub3A_480 : i32 to vector<256x1xi32>
    %sub3A_482 = arith.subi %div3A_455, %sub3A_481 : vector<256x1xi32>
    %select_n3A_483 = arith.select %and3A_479, %sub3A_482, %div3A_455 : vector<256x1xi1>, vector<256x1xi32>
    %mul3A_484 = arith.constant 2048 : i32
    %mul3A_485 = vector.broadcast %mul3A_484 : i32 to vector<256x1xi32>
    %mul3A_486 = arith.muli %select_n3A_483, %mul3A_485 : vector<256x1xi32>
    %jit3A_487 = arith.constant 256 : i32
    %eq3A_488 = arith.constant 0 : i32
    %eq3A_489 = arith.cmpi eq, %jit3A_487, %eq3A_488 : i32
    %jit3A_490 = arith.constant 1 : i32
    %select_n3A_491 = arith.select %eq3A_489, %jit3A_490, %jit3A_487 : i32
    %rem3A_492 = vector.broadcast %select_n3A_491 : i32 to vector<256x1xi32>
    %rem3A_493 = arith.remsi %convert_element_type3A_452, %rem3A_492 : vector<256x1xi32>
    %ne3A_494 = arith.constant 0 : i32
    %ne3A_495 = vector.broadcast %ne3A_494 : i32 to vector<256x1xi32>
    %ne3A_496 = arith.cmpi ne, %rem3A_493, %ne3A_495 : vector<256x1xi32>
    %lt3A_497 = arith.constant 0 : i32
    %lt3A_498 = vector.broadcast %lt3A_497 : i32 to vector<256x1xi32>
    %lt3A_499 = arith.cmpi slt, %rem3A_493, %lt3A_498 : vector<256x1xi32>
    %lt3A_500 = arith.constant 0 : i32
    %lt3A_501 = arith.cmpi slt, %select_n3A_491, %lt3A_500 : i32
    %ne3A_502 = vector.broadcast %lt3A_501 : i1 to vector<256x1xi1>
    %ne3A_503 = vector.broadcast %ne3A_502 : vector<256x1xi1> to vector<256x1xi1>
    %ne3A_504 = arith.xori %lt3A_499, %ne3A_503 : vector<256x1xi1>
    %and3A_505 = arith.andi %ne3A_504, %ne3A_496 : vector<256x1xi1>
    %add3A_506 = vector.broadcast %select_n3A_491 : i32 to vector<256x1xi32>
    %add3A_507 = arith.addi %rem3A_493, %add3A_506 : vector<256x1xi32>
    %select_n3A_508 = arith.select %and3A_505, %add3A_507, %rem3A_493 : vector<256x1xi1>, vector<256x1xi32>
    %add3A_509 = arith.addi %mul3A_486, %select_n3A_508 : vector<256x1xi32>
    %add3A_510 = vector.broadcast %add3A_509 : vector<256x1xi32> to vector<256x8xi32>
    %add3A_511 = vector.broadcast %mul3A_12 : vector<1x8xi32> to vector<256x8xi32>
    %add3A_512 = arith.addi %add3A_510, %add3A_511 : vector<256x8xi32>
    %min3A_513 = arith.constant 99999 : i32
    %min3A_514 = vector.broadcast %min3A_513 : i32 to vector<256x8xi32>
    %min3A_515 = arith.minsi %add3A_512, %min3A_514 : vector<256x8xi32>
    %reduce_max3A_516 = arith.constant dense<0xFF800000> : vector<256x128xf32>
    %reduce_max3A_517 = vector.multi_reduction <maximumf>, %select_n3A_451, %reduce_max3A_516 [1] : vector<256x16x128xf32> to vector<256x128xf32>
    %reduce_max3A_518 = arith.constant dense<0xFF800000> : vector<256xf32>
    %reduce_max3A_519 = vector.multi_reduction <maximumf>, %reduce_max3A_517, %reduce_max3A_518 [1] : vector<256x128xf32> to vector<256xf32>
    %broadcast_in_dim3A_520 = vector.shape_cast %reduce_max3A_519 : vector<256xf32> to vector<256x1xf32>
    %broadcast_in_dim3A_521 = vector.shape_cast %broadcast_in_dim3A_520 : vector<256x1xf32> to vector<256x1x1xf32>
    %eq3A_522 = vector.broadcast %broadcast_in_dim3A_521 : vector<256x1x1xf32> to vector<256x16x128xf32>
    %eq3A_523 = arith.cmpf oeq, %select_n3A_451, %eq3A_522 : vector<256x16x128xf32>
    %jit3A_524 = arith.constant 3.000000e+38 : f32
    %broadcast_in_dim3A_525 = vector.broadcast %jit3A_524 : f32 to vector<256x16x128xf32>
    %select_n3A_526 = arith.select %eq3A_523, %add3A_8, %broadcast_in_dim3A_525 : vector<256x16x128xi1>, vector<256x16x128xf32>
    %reduce_min3A_527 = arith.constant dense<0x7F800000> : vector<256x128xf32>
    %reduce_min3A_528 = vector.multi_reduction <minimumf>, %select_n3A_526, %reduce_min3A_527 [1] : vector<256x16x128xf32> to vector<256x128xf32>
    %reduce_min3A_529 = arith.constant dense<0x7F800000> : vector<256xf32>
    %reduce_min3A_530 = vector.multi_reduction <minimumf>, %reduce_min3A_528, %reduce_min3A_529 [1] : vector<256x128xf32> to vector<256xf32>
    %broadcast_in_dim3A_531 = vector.shape_cast %reduce_min3A_530 : vector<256xf32> to vector<256x1xf32>
    %broadcast_in_dim3A_532 = vector.shape_cast %broadcast_in_dim3A_531 : vector<256x1xf32> to vector<256x1x1xf32>
    %eq3A_533 = vector.broadcast %broadcast_in_dim3A_532 : vector<256x1x1xf32> to vector<256x16x128xf32>
    %eq3A_534 = arith.cmpf oeq, %add3A_8, %eq3A_533 : vector<256x16x128xf32>
    %jit3A_535 = arith.constant -3.000000e+38 : f32
    %broadcast_in_dim3A_536 = vector.broadcast %jit3A_535 : f32 to vector<256x16x128xf32>
    %select_n3A_537 = arith.select %eq3A_534, %broadcast_in_dim3A_536, %select_n3A_451 : vector<256x16x128xi1>, vector<256x16x128xf32>
    %convert_element_type3A_538 = arith.fptosi %broadcast_in_dim3A_531 : vector<256x1xf32> to vector<256x1xi32>
    %jit3A_539 = arith.constant 256 : i32
    %div3A_540 = vector.broadcast %jit3A_539 : i32 to vector<256x1xi32>
    %div3A_541 = arith.divsi %convert_element_type3A_538, %div3A_540 : vector<256x1xi32>
    %sign3A_542 = arith.constant 0 : i32
    %sign3A_543 = vector.broadcast %sign3A_542 : i32 to vector<256x1xi32>
    %sign3A_544 = arith.cmpi sgt, %convert_element_type3A_538, %sign3A_543 : vector<256x1xi32>
    %sign3A_545 = arith.extui %sign3A_544 : vector<256x1xi1> to vector<256x1xi32>
    %sign3A_546 = arith.constant 0 : i32
    %sign3A_547 = vector.broadcast %sign3A_546 : i32 to vector<256x1xi32>
    %sign3A_548 = arith.cmpi slt, %convert_element_type3A_538, %sign3A_547 : vector<256x1xi32>
    %sign3A_549 = arith.extui %sign3A_548 : vector<256x1xi1> to vector<256x1xi32>
    %sign3A_550 = arith.subi %sign3A_545, %sign3A_549 : vector<256x1xi32>
    %sign3A_551 = arith.constant 0 : i32
    %sign3A_552 = arith.cmpi sgt, %jit3A_539, %sign3A_551 : i32
    %sign3A_553 = arith.extui %sign3A_552 : i1 to i32
    %sign3A_554 = arith.constant 0 : i32
    %sign3A_555 = arith.cmpi slt, %jit3A_539, %sign3A_554 : i32
    %sign3A_556 = arith.extui %sign3A_555 : i1 to i32
    %sign3A_557 = arith.subi %sign3A_553, %sign3A_556 : i32
    %ne3A_558 = vector.broadcast %sign3A_557 : i32 to vector<256x1xi32>
    %ne3A_559 = arith.cmpi ne, %sign3A_550, %ne3A_558 : vector<256x1xi32>
    %rem3A_560 = vector.broadcast %jit3A_539 : i32 to vector<256x1xi32>
    %rem3A_561 = arith.remsi %convert_element_type3A_538, %rem3A_560 : vector<256x1xi32>
    %ne3A_562 = arith.constant 0 : i32
    %ne3A_563 = vector.broadcast %ne3A_562 : i32 to vector<256x1xi32>
    %ne3A_564 = arith.cmpi ne, %rem3A_561, %ne3A_563 : vector<256x1xi32>
    %and3A_565 = arith.andi %ne3A_559, %ne3A_564 : vector<256x1xi1>
    %sub3A_566 = arith.constant 1 : i32
    %sub3A_567 = vector.broadcast %sub3A_566 : i32 to vector<256x1xi32>
    %sub3A_568 = arith.subi %div3A_541, %sub3A_567 : vector<256x1xi32>
    %select_n3A_569 = arith.select %and3A_565, %sub3A_568, %div3A_541 : vector<256x1xi1>, vector<256x1xi32>
    %mul3A_570 = arith.constant 2048 : i32
    %mul3A_571 = vector.broadcast %mul3A_570 : i32 to vector<256x1xi32>
    %mul3A_572 = arith.muli %select_n3A_569, %mul3A_571 : vector<256x1xi32>
    %jit3A_573 = arith.constant 256 : i32
    %eq3A_574 = arith.constant 0 : i32
    %eq3A_575 = arith.cmpi eq, %jit3A_573, %eq3A_574 : i32
    %jit3A_576 = arith.constant 1 : i32
    %select_n3A_577 = arith.select %eq3A_575, %jit3A_576, %jit3A_573 : i32
    %rem3A_578 = vector.broadcast %select_n3A_577 : i32 to vector<256x1xi32>
    %rem3A_579 = arith.remsi %convert_element_type3A_538, %rem3A_578 : vector<256x1xi32>
    %ne3A_580 = arith.constant 0 : i32
    %ne3A_581 = vector.broadcast %ne3A_580 : i32 to vector<256x1xi32>
    %ne3A_582 = arith.cmpi ne, %rem3A_579, %ne3A_581 : vector<256x1xi32>
    %lt3A_583 = arith.constant 0 : i32
    %lt3A_584 = vector.broadcast %lt3A_583 : i32 to vector<256x1xi32>
    %lt3A_585 = arith.cmpi slt, %rem3A_579, %lt3A_584 : vector<256x1xi32>
    %lt3A_586 = arith.constant 0 : i32
    %lt3A_587 = arith.cmpi slt, %select_n3A_577, %lt3A_586 : i32
    %ne3A_588 = vector.broadcast %lt3A_587 : i1 to vector<256x1xi1>
    %ne3A_589 = vector.broadcast %ne3A_588 : vector<256x1xi1> to vector<256x1xi1>
    %ne3A_590 = arith.xori %lt3A_585, %ne3A_589 : vector<256x1xi1>
    %and3A_591 = arith.andi %ne3A_590, %ne3A_582 : vector<256x1xi1>
    %add3A_592 = vector.broadcast %select_n3A_577 : i32 to vector<256x1xi32>
    %add3A_593 = arith.addi %rem3A_579, %add3A_592 : vector<256x1xi32>
    %select_n3A_594 = arith.select %and3A_591, %add3A_593, %rem3A_579 : vector<256x1xi1>, vector<256x1xi32>
    %add3A_595 = arith.addi %mul3A_572, %select_n3A_594 : vector<256x1xi32>
    %add3A_596 = vector.broadcast %add3A_595 : vector<256x1xi32> to vector<256x8xi32>
    %add3A_597 = vector.broadcast %mul3A_12 : vector<1x8xi32> to vector<256x8xi32>
    %add3A_598 = arith.addi %add3A_596, %add3A_597 : vector<256x8xi32>
    %min3A_599 = arith.constant 99999 : i32
    %min3A_600 = vector.broadcast %min3A_599 : i32 to vector<256x8xi32>
    %min3A_601 = arith.minsi %add3A_598, %min3A_600 : vector<256x8xi32>
    %reduce_max3A_602 = arith.constant dense<0xFF800000> : vector<256x128xf32>
    %reduce_max3A_603 = vector.multi_reduction <maximumf>, %select_n3A_537, %reduce_max3A_602 [1] : vector<256x16x128xf32> to vector<256x128xf32>
    %reduce_max3A_604 = arith.constant dense<0xFF800000> : vector<256xf32>
    %reduce_max3A_605 = vector.multi_reduction <maximumf>, %reduce_max3A_603, %reduce_max3A_604 [1] : vector<256x128xf32> to vector<256xf32>
    %broadcast_in_dim3A_606 = vector.shape_cast %reduce_max3A_605 : vector<256xf32> to vector<256x1xf32>
    %broadcast_in_dim3A_607 = vector.shape_cast %broadcast_in_dim3A_606 : vector<256x1xf32> to vector<256x1x1xf32>
    %eq3A_608 = vector.broadcast %broadcast_in_dim3A_607 : vector<256x1x1xf32> to vector<256x16x128xf32>
    %eq3A_609 = arith.cmpf oeq, %select_n3A_537, %eq3A_608 : vector<256x16x128xf32>
    %jit3A_610 = arith.constant 3.000000e+38 : f32
    %broadcast_in_dim3A_611 = vector.broadcast %jit3A_610 : f32 to vector<256x16x128xf32>
    %select_n3A_612 = arith.select %eq3A_609, %add3A_8, %broadcast_in_dim3A_611 : vector<256x16x128xi1>, vector<256x16x128xf32>
    %reduce_min3A_613 = arith.constant dense<0x7F800000> : vector<256x128xf32>
    %reduce_min3A_614 = vector.multi_reduction <minimumf>, %select_n3A_612, %reduce_min3A_613 [1] : vector<256x16x128xf32> to vector<256x128xf32>
    %reduce_min3A_615 = arith.constant dense<0x7F800000> : vector<256xf32>
    %reduce_min3A_616 = vector.multi_reduction <minimumf>, %reduce_min3A_614, %reduce_min3A_615 [1] : vector<256x128xf32> to vector<256xf32>
    %broadcast_in_dim3A_617 = vector.shape_cast %reduce_min3A_616 : vector<256xf32> to vector<256x1xf32>
    %broadcast_in_dim3A_618 = vector.shape_cast %broadcast_in_dim3A_617 : vector<256x1xf32> to vector<256x1x1xf32>
    %eq3A_619 = vector.broadcast %broadcast_in_dim3A_618 : vector<256x1x1xf32> to vector<256x16x128xf32>
    %eq3A_620 = arith.cmpf oeq, %add3A_8, %eq3A_619 : vector<256x16x128xf32>
    %jit3A_621 = arith.constant -3.000000e+38 : f32
    %broadcast_in_dim3A_622 = vector.broadcast %jit3A_621 : f32 to vector<256x16x128xf32>
    %select_n3A_623 = arith.select %eq3A_620, %broadcast_in_dim3A_622, %select_n3A_537 : vector<256x16x128xi1>, vector<256x16x128xf32>
    %convert_element_type3A_624 = arith.fptosi %broadcast_in_dim3A_617 : vector<256x1xf32> to vector<256x1xi32>
    %jit3A_625 = arith.constant 256 : i32
    %div3A_626 = vector.broadcast %jit3A_625 : i32 to vector<256x1xi32>
    %div3A_627 = arith.divsi %convert_element_type3A_624, %div3A_626 : vector<256x1xi32>
    %sign3A_628 = arith.constant 0 : i32
    %sign3A_629 = vector.broadcast %sign3A_628 : i32 to vector<256x1xi32>
    %sign3A_630 = arith.cmpi sgt, %convert_element_type3A_624, %sign3A_629 : vector<256x1xi32>
    %sign3A_631 = arith.extui %sign3A_630 : vector<256x1xi1> to vector<256x1xi32>
    %sign3A_632 = arith.constant 0 : i32
    %sign3A_633 = vector.broadcast %sign3A_632 : i32 to vector<256x1xi32>
    %sign3A_634 = arith.cmpi slt, %convert_element_type3A_624, %sign3A_633 : vector<256x1xi32>
    %sign3A_635 = arith.extui %sign3A_634 : vector<256x1xi1> to vector<256x1xi32>
    %sign3A_636 = arith.subi %sign3A_631, %sign3A_635 : vector<256x1xi32>
    %sign3A_637 = arith.constant 0 : i32
    %sign3A_638 = arith.cmpi sgt, %jit3A_625, %sign3A_637 : i32
    %sign3A_639 = arith.extui %sign3A_638 : i1 to i32
    %sign3A_640 = arith.constant 0 : i32
    %sign3A_641 = arith.cmpi slt, %jit3A_625, %sign3A_640 : i32
    %sign3A_642 = arith.extui %sign3A_641 : i1 to i32
    %sign3A_643 = arith.subi %sign3A_639, %sign3A_642 : i32
    %ne3A_644 = vector.broadcast %sign3A_643 : i32 to vector<256x1xi32>
    %ne3A_645 = arith.cmpi ne, %sign3A_636, %ne3A_644 : vector<256x1xi32>
    %rem3A_646 = vector.broadcast %jit3A_625 : i32 to vector<256x1xi32>
    %rem3A_647 = arith.remsi %convert_element_type3A_624, %rem3A_646 : vector<256x1xi32>
    %ne3A_648 = arith.constant 0 : i32
    %ne3A_649 = vector.broadcast %ne3A_648 : i32 to vector<256x1xi32>
    %ne3A_650 = arith.cmpi ne, %rem3A_647, %ne3A_649 : vector<256x1xi32>
    %and3A_651 = arith.andi %ne3A_645, %ne3A_650 : vector<256x1xi1>
    %sub3A_652 = arith.constant 1 : i32
    %sub3A_653 = vector.broadcast %sub3A_652 : i32 to vector<256x1xi32>
    %sub3A_654 = arith.subi %div3A_627, %sub3A_653 : vector<256x1xi32>
    %select_n3A_655 = arith.select %and3A_651, %sub3A_654, %div3A_627 : vector<256x1xi1>, vector<256x1xi32>
    %mul3A_656 = arith.constant 2048 : i32
    %mul3A_657 = vector.broadcast %mul3A_656 : i32 to vector<256x1xi32>
    %mul3A_658 = arith.muli %select_n3A_655, %mul3A_657 : vector<256x1xi32>
    %jit3A_659 = arith.constant 256 : i32
    %eq3A_660 = arith.constant 0 : i32
    %eq3A_661 = arith.cmpi eq, %jit3A_659, %eq3A_660 : i32
    %jit3A_662 = arith.constant 1 : i32
    %select_n3A_663 = arith.select %eq3A_661, %jit3A_662, %jit3A_659 : i32
    %rem3A_664 = vector.broadcast %select_n3A_663 : i32 to vector<256x1xi32>
    %rem3A_665 = arith.remsi %convert_element_type3A_624, %rem3A_664 : vector<256x1xi32>
    %ne3A_666 = arith.constant 0 : i32
    %ne3A_667 = vector.broadcast %ne3A_666 : i32 to vector<256x1xi32>
    %ne3A_668 = arith.cmpi ne, %rem3A_665, %ne3A_667 : vector<256x1xi32>
    %lt3A_669 = arith.constant 0 : i32
    %lt3A_670 = vector.broadcast %lt3A_669 : i32 to vector<256x1xi32>
    %lt3A_671 = arith.cmpi slt, %rem3A_665, %lt3A_670 : vector<256x1xi32>
    %lt3A_672 = arith.constant 0 : i32
    %lt3A_673 = arith.cmpi slt, %select_n3A_663, %lt3A_672 : i32
    %ne3A_674 = vector.broadcast %lt3A_673 : i1 to vector<256x1xi1>
    %ne3A_675 = vector.broadcast %ne3A_674 : vector<256x1xi1> to vector<256x1xi1>
    %ne3A_676 = arith.xori %lt3A_671, %ne3A_675 : vector<256x1xi1>
    %and3A_677 = arith.andi %ne3A_676, %ne3A_668 : vector<256x1xi1>
    %add3A_678 = vector.broadcast %select_n3A_663 : i32 to vector<256x1xi32>
    %add3A_679 = arith.addi %rem3A_665, %add3A_678 : vector<256x1xi32>
    %select_n3A_680 = arith.select %and3A_677, %add3A_679, %rem3A_665 : vector<256x1xi1>, vector<256x1xi32>
    %add3A_681 = arith.addi %mul3A_658, %select_n3A_680 : vector<256x1xi32>
    %add3A_682 = vector.broadcast %add3A_681 : vector<256x1xi32> to vector<256x8xi32>
    %add3A_683 = vector.broadcast %mul3A_12 : vector<1x8xi32> to vector<256x8xi32>
    %add3A_684 = arith.addi %add3A_682, %add3A_683 : vector<256x8xi32>
    %min3A_685 = arith.constant 99999 : i32
    %min3A_686 = vector.broadcast %min3A_685 : i32 to vector<256x8xi32>
    %min3A_687 = arith.minsi %add3A_684, %min3A_686 : vector<256x8xi32>
    %reduce_max3A_688 = arith.constant dense<0xFF800000> : vector<256x128xf32>
    %reduce_max3A_689 = vector.multi_reduction <maximumf>, %select_n3A_623, %reduce_max3A_688 [1] : vector<256x16x128xf32> to vector<256x128xf32>
    %reduce_max3A_690 = arith.constant dense<0xFF800000> : vector<256xf32>
    %reduce_max3A_691 = vector.multi_reduction <maximumf>, %reduce_max3A_689, %reduce_max3A_690 [1] : vector<256x128xf32> to vector<256xf32>
    %broadcast_in_dim3A_692 = vector.shape_cast %reduce_max3A_691 : vector<256xf32> to vector<256x1xf32>
    %broadcast_in_dim3A_693 = vector.shape_cast %broadcast_in_dim3A_692 : vector<256x1xf32> to vector<256x1x1xf32>
    %eq3A_694 = vector.broadcast %broadcast_in_dim3A_693 : vector<256x1x1xf32> to vector<256x16x128xf32>
    %eq3A_695 = arith.cmpf oeq, %select_n3A_623, %eq3A_694 : vector<256x16x128xf32>
    %jit3A_696 = arith.constant 3.000000e+38 : f32
    %broadcast_in_dim3A_697 = vector.broadcast %jit3A_696 : f32 to vector<256x16x128xf32>
    %select_n3A_698 = arith.select %eq3A_695, %add3A_8, %broadcast_in_dim3A_697 : vector<256x16x128xi1>, vector<256x16x128xf32>
    %reduce_min3A_699 = arith.constant dense<0x7F800000> : vector<256x128xf32>
    %reduce_min3A_700 = vector.multi_reduction <minimumf>, %select_n3A_698, %reduce_min3A_699 [1] : vector<256x16x128xf32> to vector<256x128xf32>
    %reduce_min3A_701 = arith.constant dense<0x7F800000> : vector<256xf32>
    %reduce_min3A_702 = vector.multi_reduction <minimumf>, %reduce_min3A_700, %reduce_min3A_701 [1] : vector<256x128xf32> to vector<256xf32>
    %broadcast_in_dim3A_703 = vector.shape_cast %reduce_min3A_702 : vector<256xf32> to vector<256x1xf32>
    %broadcast_in_dim3A_704 = vector.shape_cast %broadcast_in_dim3A_703 : vector<256x1xf32> to vector<256x1x1xf32>
    %eq3A_705 = vector.broadcast %broadcast_in_dim3A_704 : vector<256x1x1xf32> to vector<256x16x128xf32>
    %eq3A_706 = arith.cmpf oeq, %add3A_8, %eq3A_705 : vector<256x16x128xf32>
    %jit3A_707 = arith.constant -3.000000e+38 : f32
    %broadcast_in_dim3A_708 = vector.broadcast %jit3A_707 : f32 to vector<256x16x128xf32>
    %select_n3A_709 = arith.select %eq3A_706, %broadcast_in_dim3A_708, %select_n3A_623 : vector<256x16x128xi1>, vector<256x16x128xf32>
    %convert_element_type3A_710 = arith.fptosi %broadcast_in_dim3A_703 : vector<256x1xf32> to vector<256x1xi32>
    %jit3A_711 = arith.constant 256 : i32
    %div3A_712 = vector.broadcast %jit3A_711 : i32 to vector<256x1xi32>
    %div3A_713 = arith.divsi %convert_element_type3A_710, %div3A_712 : vector<256x1xi32>
    %sign3A_714 = arith.constant 0 : i32
    %sign3A_715 = vector.broadcast %sign3A_714 : i32 to vector<256x1xi32>
    %sign3A_716 = arith.cmpi sgt, %convert_element_type3A_710, %sign3A_715 : vector<256x1xi32>
    %sign3A_717 = arith.extui %sign3A_716 : vector<256x1xi1> to vector<256x1xi32>
    %sign3A_718 = arith.constant 0 : i32
    %sign3A_719 = vector.broadcast %sign3A_718 : i32 to vector<256x1xi32>
    %sign3A_720 = arith.cmpi slt, %convert_element_type3A_710, %sign3A_719 : vector<256x1xi32>
    %sign3A_721 = arith.extui %sign3A_720 : vector<256x1xi1> to vector<256x1xi32>
    %sign3A_722 = arith.subi %sign3A_717, %sign3A_721 : vector<256x1xi32>
    %sign3A_723 = arith.constant 0 : i32
    %sign3A_724 = arith.cmpi sgt, %jit3A_711, %sign3A_723 : i32
    %sign3A_725 = arith.extui %sign3A_724 : i1 to i32
    %sign3A_726 = arith.constant 0 : i32
    %sign3A_727 = arith.cmpi slt, %jit3A_711, %sign3A_726 : i32
    %sign3A_728 = arith.extui %sign3A_727 : i1 to i32
    %sign3A_729 = arith.subi %sign3A_725, %sign3A_728 : i32
    %ne3A_730 = vector.broadcast %sign3A_729 : i32 to vector<256x1xi32>
    %ne3A_731 = arith.cmpi ne, %sign3A_722, %ne3A_730 : vector<256x1xi32>
    %rem3A_732 = vector.broadcast %jit3A_711 : i32 to vector<256x1xi32>
    %rem3A_733 = arith.remsi %convert_element_type3A_710, %rem3A_732 : vector<256x1xi32>
    %ne3A_734 = arith.constant 0 : i32
    %ne3A_735 = vector.broadcast %ne3A_734 : i32 to vector<256x1xi32>
    %ne3A_736 = arith.cmpi ne, %rem3A_733, %ne3A_735 : vector<256x1xi32>
    %and3A_737 = arith.andi %ne3A_731, %ne3A_736 : vector<256x1xi1>
    %sub3A_738 = arith.constant 1 : i32
    %sub3A_739 = vector.broadcast %sub3A_738 : i32 to vector<256x1xi32>
    %sub3A_740 = arith.subi %div3A_713, %sub3A_739 : vector<256x1xi32>
    %select_n3A_741 = arith.select %and3A_737, %sub3A_740, %div3A_713 : vector<256x1xi1>, vector<256x1xi32>
    %mul3A_742 = arith.constant 2048 : i32
    %mul3A_743 = vector.broadcast %mul3A_742 : i32 to vector<256x1xi32>
    %mul3A_744 = arith.muli %select_n3A_741, %mul3A_743 : vector<256x1xi32>
    %jit3A_745 = arith.constant 256 : i32
    %eq3A_746 = arith.constant 0 : i32
    %eq3A_747 = arith.cmpi eq, %jit3A_745, %eq3A_746 : i32
    %jit3A_748 = arith.constant 1 : i32
    %select_n3A_749 = arith.select %eq3A_747, %jit3A_748, %jit3A_745 : i32
    %rem3A_750 = vector.broadcast %select_n3A_749 : i32 to vector<256x1xi32>
    %rem3A_751 = arith.remsi %convert_element_type3A_710, %rem3A_750 : vector<256x1xi32>
    %ne3A_752 = arith.constant 0 : i32
    %ne3A_753 = vector.broadcast %ne3A_752 : i32 to vector<256x1xi32>
    %ne3A_754 = arith.cmpi ne, %rem3A_751, %ne3A_753 : vector<256x1xi32>
    %lt3A_755 = arith.constant 0 : i32
    %lt3A_756 = vector.broadcast %lt3A_755 : i32 to vector<256x1xi32>
    %lt3A_757 = arith.cmpi slt, %rem3A_751, %lt3A_756 : vector<256x1xi32>
    %lt3A_758 = arith.constant 0 : i32
    %lt3A_759 = arith.cmpi slt, %select_n3A_749, %lt3A_758 : i32
    %ne3A_760 = vector.broadcast %lt3A_759 : i1 to vector<256x1xi1>
    %ne3A_761 = vector.broadcast %ne3A_760 : vector<256x1xi1> to vector<256x1xi1>
    %ne3A_762 = arith.xori %lt3A_757, %ne3A_761 : vector<256x1xi1>
    %and3A_763 = arith.andi %ne3A_762, %ne3A_754 : vector<256x1xi1>
    %add3A_764 = vector.broadcast %select_n3A_749 : i32 to vector<256x1xi32>
    %add3A_765 = arith.addi %rem3A_751, %add3A_764 : vector<256x1xi32>
    %select_n3A_766 = arith.select %and3A_763, %add3A_765, %rem3A_751 : vector<256x1xi1>, vector<256x1xi32>
    %add3A_767 = arith.addi %mul3A_744, %select_n3A_766 : vector<256x1xi32>
    %add3A_768 = vector.broadcast %add3A_767 : vector<256x1xi32> to vector<256x8xi32>
    %add3A_769 = vector.broadcast %mul3A_12 : vector<1x8xi32> to vector<256x8xi32>
    %add3A_770 = arith.addi %add3A_768, %add3A_769 : vector<256x8xi32>
    %min3A_771 = arith.constant 99999 : i32
    %min3A_772 = vector.broadcast %min3A_771 : i32 to vector<256x8xi32>
    %min3A_773 = arith.minsi %add3A_770, %min3A_772 : vector<256x8xi32>
    %reduce_max3A_774 = arith.constant dense<0xFF800000> : vector<256x128xf32>
    %reduce_max3A_775 = vector.multi_reduction <maximumf>, %select_n3A_709, %reduce_max3A_774 [1] : vector<256x16x128xf32> to vector<256x128xf32>
    %reduce_max3A_776 = arith.constant dense<0xFF800000> : vector<256xf32>
    %reduce_max3A_777 = vector.multi_reduction <maximumf>, %reduce_max3A_775, %reduce_max3A_776 [1] : vector<256x128xf32> to vector<256xf32>
    %broadcast_in_dim3A_778 = vector.shape_cast %reduce_max3A_777 : vector<256xf32> to vector<256x1xf32>
    %broadcast_in_dim3A_779 = vector.shape_cast %broadcast_in_dim3A_778 : vector<256x1xf32> to vector<256x1x1xf32>
    %eq3A_780 = vector.broadcast %broadcast_in_dim3A_779 : vector<256x1x1xf32> to vector<256x16x128xf32>
    %eq3A_781 = arith.cmpf oeq, %select_n3A_709, %eq3A_780 : vector<256x16x128xf32>
    %jit3A_782 = arith.constant 3.000000e+38 : f32
    %broadcast_in_dim3A_783 = vector.broadcast %jit3A_782 : f32 to vector<256x16x128xf32>
    %select_n3A_784 = arith.select %eq3A_781, %add3A_8, %broadcast_in_dim3A_783 : vector<256x16x128xi1>, vector<256x16x128xf32>
    %reduce_min3A_785 = arith.constant dense<0x7F800000> : vector<256x128xf32>
    %reduce_min3A_786 = vector.multi_reduction <minimumf>, %select_n3A_784, %reduce_min3A_785 [1] : vector<256x16x128xf32> to vector<256x128xf32>
    %reduce_min3A_787 = arith.constant dense<0x7F800000> : vector<256xf32>
    %reduce_min3A_788 = vector.multi_reduction <minimumf>, %reduce_min3A_786, %reduce_min3A_787 [1] : vector<256x128xf32> to vector<256xf32>
    %broadcast_in_dim3A_789 = vector.shape_cast %reduce_min3A_788 : vector<256xf32> to vector<256x1xf32>
    %broadcast_in_dim3A_790 = vector.shape_cast %broadcast_in_dim3A_789 : vector<256x1xf32> to vector<256x1x1xf32>
    %eq3A_791 = vector.broadcast %broadcast_in_dim3A_790 : vector<256x1x1xf32> to vector<256x16x128xf32>
    %eq3A_792 = arith.cmpf oeq, %add3A_8, %eq3A_791 : vector<256x16x128xf32>
    %jit3A_793 = arith.constant -3.000000e+38 : f32
    %broadcast_in_dim3A_794 = vector.broadcast %jit3A_793 : f32 to vector<256x16x128xf32>
    %select_n3A_795 = arith.select %eq3A_792, %broadcast_in_dim3A_794, %select_n3A_709 : vector<256x16x128xi1>, vector<256x16x128xf32>
    %convert_element_type3A_796 = arith.fptosi %broadcast_in_dim3A_789 : vector<256x1xf32> to vector<256x1xi32>
    %jit3A_797 = arith.constant 256 : i32
    %div3A_798 = vector.broadcast %jit3A_797 : i32 to vector<256x1xi32>
    %div3A_799 = arith.divsi %convert_element_type3A_796, %div3A_798 : vector<256x1xi32>
    %sign3A_800 = arith.constant 0 : i32
    %sign3A_801 = vector.broadcast %sign3A_800 : i32 to vector<256x1xi32>
    %sign3A_802 = arith.cmpi sgt, %convert_element_type3A_796, %sign3A_801 : vector<256x1xi32>
    %sign3A_803 = arith.extui %sign3A_802 : vector<256x1xi1> to vector<256x1xi32>
    %sign3A_804 = arith.constant 0 : i32
    %sign3A_805 = vector.broadcast %sign3A_804 : i32 to vector<256x1xi32>
    %sign3A_806 = arith.cmpi slt, %convert_element_type3A_796, %sign3A_805 : vector<256x1xi32>
    %sign3A_807 = arith.extui %sign3A_806 : vector<256x1xi1> to vector<256x1xi32>
    %sign3A_808 = arith.subi %sign3A_803, %sign3A_807 : vector<256x1xi32>
    %sign3A_809 = arith.constant 0 : i32
    %sign3A_810 = arith.cmpi sgt, %jit3A_797, %sign3A_809 : i32
    %sign3A_811 = arith.extui %sign3A_810 : i1 to i32
    %sign3A_812 = arith.constant 0 : i32
    %sign3A_813 = arith.cmpi slt, %jit3A_797, %sign3A_812 : i32
    %sign3A_814 = arith.extui %sign3A_813 : i1 to i32
    %sign3A_815 = arith.subi %sign3A_811, %sign3A_814 : i32
    %ne3A_816 = vector.broadcast %sign3A_815 : i32 to vector<256x1xi32>
    %ne3A_817 = arith.cmpi ne, %sign3A_808, %ne3A_816 : vector<256x1xi32>
    %rem3A_818 = vector.broadcast %jit3A_797 : i32 to vector<256x1xi32>
    %rem3A_819 = arith.remsi %convert_element_type3A_796, %rem3A_818 : vector<256x1xi32>
    %ne3A_820 = arith.constant 0 : i32
    %ne3A_821 = vector.broadcast %ne3A_820 : i32 to vector<256x1xi32>
    %ne3A_822 = arith.cmpi ne, %rem3A_819, %ne3A_821 : vector<256x1xi32>
    %and3A_823 = arith.andi %ne3A_817, %ne3A_822 : vector<256x1xi1>
    %sub3A_824 = arith.constant 1 : i32
    %sub3A_825 = vector.broadcast %sub3A_824 : i32 to vector<256x1xi32>
    %sub3A_826 = arith.subi %div3A_799, %sub3A_825 : vector<256x1xi32>
    %select_n3A_827 = arith.select %and3A_823, %sub3A_826, %div3A_799 : vector<256x1xi1>, vector<256x1xi32>
    %mul3A_828 = arith.constant 2048 : i32
    %mul3A_829 = vector.broadcast %mul3A_828 : i32 to vector<256x1xi32>
    %mul3A_830 = arith.muli %select_n3A_827, %mul3A_829 : vector<256x1xi32>
    %jit3A_831 = arith.constant 256 : i32
    %eq3A_832 = arith.constant 0 : i32
    %eq3A_833 = arith.cmpi eq, %jit3A_831, %eq3A_832 : i32
    %jit3A_834 = arith.constant 1 : i32
    %select_n3A_835 = arith.select %eq3A_833, %jit3A_834, %jit3A_831 : i32
    %rem3A_836 = vector.broadcast %select_n3A_835 : i32 to vector<256x1xi32>
    %rem3A_837 = arith.remsi %convert_element_type3A_796, %rem3A_836 : vector<256x1xi32>
    %ne3A_838 = arith.constant 0 : i32
    %ne3A_839 = vector.broadcast %ne3A_838 : i32 to vector<256x1xi32>
    %ne3A_840 = arith.cmpi ne, %rem3A_837, %ne3A_839 : vector<256x1xi32>
    %lt3A_841 = arith.constant 0 : i32
    %lt3A_842 = vector.broadcast %lt3A_841 : i32 to vector<256x1xi32>
    %lt3A_843 = arith.cmpi slt, %rem3A_837, %lt3A_842 : vector<256x1xi32>
    %lt3A_844 = arith.constant 0 : i32
    %lt3A_845 = arith.cmpi slt, %select_n3A_835, %lt3A_844 : i32
    %ne3A_846 = vector.broadcast %lt3A_845 : i1 to vector<256x1xi1>
    %ne3A_847 = vector.broadcast %ne3A_846 : vector<256x1xi1> to vector<256x1xi1>
    %ne3A_848 = arith.xori %lt3A_843, %ne3A_847 : vector<256x1xi1>
    %and3A_849 = arith.andi %ne3A_848, %ne3A_840 : vector<256x1xi1>
    %add3A_850 = vector.broadcast %select_n3A_835 : i32 to vector<256x1xi32>
    %add3A_851 = arith.addi %rem3A_837, %add3A_850 : vector<256x1xi32>
    %select_n3A_852 = arith.select %and3A_849, %add3A_851, %rem3A_837 : vector<256x1xi1>, vector<256x1xi32>
    %add3A_853 = arith.addi %mul3A_830, %select_n3A_852 : vector<256x1xi32>
    %add3A_854 = vector.broadcast %add3A_853 : vector<256x1xi32> to vector<256x8xi32>
    %add3A_855 = vector.broadcast %mul3A_12 : vector<1x8xi32> to vector<256x8xi32>
    %add3A_856 = arith.addi %add3A_854, %add3A_855 : vector<256x8xi32>
    %min3A_857 = arith.constant 99999 : i32
    %min3A_858 = vector.broadcast %min3A_857 : i32 to vector<256x8xi32>
    %min3A_859 = arith.minsi %add3A_856, %min3A_858 : vector<256x8xi32>
    %reduce_max3A_860 = arith.constant dense<0xFF800000> : vector<256x128xf32>
    %reduce_max3A_861 = vector.multi_reduction <maximumf>, %select_n3A_795, %reduce_max3A_860 [1] : vector<256x16x128xf32> to vector<256x128xf32>
    %reduce_max3A_862 = arith.constant dense<0xFF800000> : vector<256xf32>
    %reduce_max3A_863 = vector.multi_reduction <maximumf>, %reduce_max3A_861, %reduce_max3A_862 [1] : vector<256x128xf32> to vector<256xf32>
    %broadcast_in_dim3A_864 = vector.shape_cast %reduce_max3A_863 : vector<256xf32> to vector<256x1xf32>
    %broadcast_in_dim3A_865 = vector.shape_cast %broadcast_in_dim3A_864 : vector<256x1xf32> to vector<256x1x1xf32>
    %eq3A_866 = vector.broadcast %broadcast_in_dim3A_865 : vector<256x1x1xf32> to vector<256x16x128xf32>
    %eq3A_867 = arith.cmpf oeq, %select_n3A_795, %eq3A_866 : vector<256x16x128xf32>
    %jit3A_868 = arith.constant 3.000000e+38 : f32
    %broadcast_in_dim3A_869 = vector.broadcast %jit3A_868 : f32 to vector<256x16x128xf32>
    %select_n3A_870 = arith.select %eq3A_867, %add3A_8, %broadcast_in_dim3A_869 : vector<256x16x128xi1>, vector<256x16x128xf32>
    %reduce_min3A_871 = arith.constant dense<0x7F800000> : vector<256x128xf32>
    %reduce_min3A_872 = vector.multi_reduction <minimumf>, %select_n3A_870, %reduce_min3A_871 [1] : vector<256x16x128xf32> to vector<256x128xf32>
    %reduce_min3A_873 = arith.constant dense<0x7F800000> : vector<256xf32>
    %reduce_min3A_874 = vector.multi_reduction <minimumf>, %reduce_min3A_872, %reduce_min3A_873 [1] : vector<256x128xf32> to vector<256xf32>
    %broadcast_in_dim3A_875 = vector.shape_cast %reduce_min3A_874 : vector<256xf32> to vector<256x1xf32>
    %broadcast_in_dim3A_876 = vector.shape_cast %broadcast_in_dim3A_875 : vector<256x1xf32> to vector<256x1x1xf32>
    %eq3A_877 = vector.broadcast %broadcast_in_dim3A_876 : vector<256x1x1xf32> to vector<256x16x128xf32>
    %eq3A_878 = arith.cmpf oeq, %add3A_8, %eq3A_877 : vector<256x16x128xf32>
    %jit3A_879 = arith.constant -3.000000e+38 : f32
    %broadcast_in_dim3A_880 = vector.broadcast %jit3A_879 : f32 to vector<256x16x128xf32>
    %select_n3A_881 = arith.select %eq3A_878, %broadcast_in_dim3A_880, %select_n3A_795 : vector<256x16x128xi1>, vector<256x16x128xf32>
    %convert_element_type3A_882 = arith.fptosi %broadcast_in_dim3A_875 : vector<256x1xf32> to vector<256x1xi32>
    %jit3A_883 = arith.constant 256 : i32
    %div3A_884 = vector.broadcast %jit3A_883 : i32 to vector<256x1xi32>
    %div3A_885 = arith.divsi %convert_element_type3A_882, %div3A_884 : vector<256x1xi32>
    %sign3A_886 = arith.constant 0 : i32
    %sign3A_887 = vector.broadcast %sign3A_886 : i32 to vector<256x1xi32>
    %sign3A_888 = arith.cmpi sgt, %convert_element_type3A_882, %sign3A_887 : vector<256x1xi32>
    %sign3A_889 = arith.extui %sign3A_888 : vector<256x1xi1> to vector<256x1xi32>
    %sign3A_890 = arith.constant 0 : i32
    %sign3A_891 = vector.broadcast %sign3A_890 : i32 to vector<256x1xi32>
    %sign3A_892 = arith.cmpi slt, %convert_element_type3A_882, %sign3A_891 : vector<256x1xi32>
    %sign3A_893 = arith.extui %sign3A_892 : vector<256x1xi1> to vector<256x1xi32>
    %sign3A_894 = arith.subi %sign3A_889, %sign3A_893 : vector<256x1xi32>
    %sign3A_895 = arith.constant 0 : i32
    %sign3A_896 = arith.cmpi sgt, %jit3A_883, %sign3A_895 : i32
    %sign3A_897 = arith.extui %sign3A_896 : i1 to i32
    %sign3A_898 = arith.constant 0 : i32
    %sign3A_899 = arith.cmpi slt, %jit3A_883, %sign3A_898 : i32
    %sign3A_900 = arith.extui %sign3A_899 : i1 to i32
    %sign3A_901 = arith.subi %sign3A_897, %sign3A_900 : i32
    %ne3A_902 = vector.broadcast %sign3A_901 : i32 to vector<256x1xi32>
    %ne3A_903 = arith.cmpi ne, %sign3A_894, %ne3A_902 : vector<256x1xi32>
    %rem3A_904 = vector.broadcast %jit3A_883 : i32 to vector<256x1xi32>
    %rem3A_905 = arith.remsi %convert_element_type3A_882, %rem3A_904 : vector<256x1xi32>
    %ne3A_906 = arith.constant 0 : i32
    %ne3A_907 = vector.broadcast %ne3A_906 : i32 to vector<256x1xi32>
    %ne3A_908 = arith.cmpi ne, %rem3A_905, %ne3A_907 : vector<256x1xi32>
    %and3A_909 = arith.andi %ne3A_903, %ne3A_908 : vector<256x1xi1>
    %sub3A_910 = arith.constant 1 : i32
    %sub3A_911 = vector.broadcast %sub3A_910 : i32 to vector<256x1xi32>
    %sub3A_912 = arith.subi %div3A_885, %sub3A_911 : vector<256x1xi32>
    %select_n3A_913 = arith.select %and3A_909, %sub3A_912, %div3A_885 : vector<256x1xi1>, vector<256x1xi32>
    %mul3A_914 = arith.constant 2048 : i32
    %mul3A_915 = vector.broadcast %mul3A_914 : i32 to vector<256x1xi32>
    %mul3A_916 = arith.muli %select_n3A_913, %mul3A_915 : vector<256x1xi32>
    %jit3A_917 = arith.constant 256 : i32
    %eq3A_918 = arith.constant 0 : i32
    %eq3A_919 = arith.cmpi eq, %jit3A_917, %eq3A_918 : i32
    %jit3A_920 = arith.constant 1 : i32
    %select_n3A_921 = arith.select %eq3A_919, %jit3A_920, %jit3A_917 : i32
    %rem3A_922 = vector.broadcast %select_n3A_921 : i32 to vector<256x1xi32>
    %rem3A_923 = arith.remsi %convert_element_type3A_882, %rem3A_922 : vector<256x1xi32>
    %ne3A_924 = arith.constant 0 : i32
    %ne3A_925 = vector.broadcast %ne3A_924 : i32 to vector<256x1xi32>
    %ne3A_926 = arith.cmpi ne, %rem3A_923, %ne3A_925 : vector<256x1xi32>
    %lt3A_927 = arith.constant 0 : i32
    %lt3A_928 = vector.broadcast %lt3A_927 : i32 to vector<256x1xi32>
    %lt3A_929 = arith.cmpi slt, %rem3A_923, %lt3A_928 : vector<256x1xi32>
    %lt3A_930 = arith.constant 0 : i32
    %lt3A_931 = arith.cmpi slt, %select_n3A_921, %lt3A_930 : i32
    %ne3A_932 = vector.broadcast %lt3A_931 : i1 to vector<256x1xi1>
    %ne3A_933 = vector.broadcast %ne3A_932 : vector<256x1xi1> to vector<256x1xi1>
    %ne3A_934 = arith.xori %lt3A_929, %ne3A_933 : vector<256x1xi1>
    %and3A_935 = arith.andi %ne3A_934, %ne3A_926 : vector<256x1xi1>
    %add3A_936 = vector.broadcast %select_n3A_921 : i32 to vector<256x1xi32>
    %add3A_937 = arith.addi %rem3A_923, %add3A_936 : vector<256x1xi32>
    %select_n3A_938 = arith.select %and3A_935, %add3A_937, %rem3A_923 : vector<256x1xi1>, vector<256x1xi32>
    %add3A_939 = arith.addi %mul3A_916, %select_n3A_938 : vector<256x1xi32>
    %add3A_940 = vector.broadcast %add3A_939 : vector<256x1xi32> to vector<256x8xi32>
    %add3A_941 = vector.broadcast %mul3A_12 : vector<1x8xi32> to vector<256x8xi32>
    %add3A_942 = arith.addi %add3A_940, %add3A_941 : vector<256x8xi32>
    %min3A_943 = arith.constant 99999 : i32
    %min3A_944 = vector.broadcast %min3A_943 : i32 to vector<256x8xi32>
    %min3A_945 = arith.minsi %add3A_942, %min3A_944 : vector<256x8xi32>
    %reduce_max3A_946 = arith.constant dense<0xFF800000> : vector<256x128xf32>
    %reduce_max3A_947 = vector.multi_reduction <maximumf>, %select_n3A_881, %reduce_max3A_946 [1] : vector<256x16x128xf32> to vector<256x128xf32>
    %reduce_max3A_948 = arith.constant dense<0xFF800000> : vector<256xf32>
    %reduce_max3A_949 = vector.multi_reduction <maximumf>, %reduce_max3A_947, %reduce_max3A_948 [1] : vector<256x128xf32> to vector<256xf32>
    %broadcast_in_dim3A_950 = vector.shape_cast %reduce_max3A_949 : vector<256xf32> to vector<256x1xf32>
    %broadcast_in_dim3A_951 = vector.shape_cast %broadcast_in_dim3A_950 : vector<256x1xf32> to vector<256x1x1xf32>
    %eq3A_952 = vector.broadcast %broadcast_in_dim3A_951 : vector<256x1x1xf32> to vector<256x16x128xf32>
    %eq3A_953 = arith.cmpf oeq, %select_n3A_881, %eq3A_952 : vector<256x16x128xf32>
    %jit3A_954 = arith.constant 3.000000e+38 : f32
    %broadcast_in_dim3A_955 = vector.broadcast %jit3A_954 : f32 to vector<256x16x128xf32>
    %select_n3A_956 = arith.select %eq3A_953, %add3A_8, %broadcast_in_dim3A_955 : vector<256x16x128xi1>, vector<256x16x128xf32>
    %reduce_min3A_957 = arith.constant dense<0x7F800000> : vector<256x128xf32>
    %reduce_min3A_958 = vector.multi_reduction <minimumf>, %select_n3A_956, %reduce_min3A_957 [1] : vector<256x16x128xf32> to vector<256x128xf32>
    %reduce_min3A_959 = arith.constant dense<0x7F800000> : vector<256xf32>
    %reduce_min3A_960 = vector.multi_reduction <minimumf>, %reduce_min3A_958, %reduce_min3A_959 [1] : vector<256x128xf32> to vector<256xf32>
    %broadcast_in_dim3A_961 = vector.shape_cast %reduce_min3A_960 : vector<256xf32> to vector<256x1xf32>
    %broadcast_in_dim3A_962 = vector.shape_cast %broadcast_in_dim3A_961 : vector<256x1xf32> to vector<256x1x1xf32>
    %eq3A_963 = vector.broadcast %broadcast_in_dim3A_962 : vector<256x1x1xf32> to vector<256x16x128xf32>
    %eq3A_964 = arith.cmpf oeq, %add3A_8, %eq3A_963 : vector<256x16x128xf32>
    %jit3A_965 = arith.constant -3.000000e+38 : f32
    %broadcast_in_dim3A_966 = vector.broadcast %jit3A_965 : f32 to vector<256x16x128xf32>
    %select_n3A_967 = arith.select %eq3A_964, %broadcast_in_dim3A_966, %select_n3A_881 : vector<256x16x128xi1>, vector<256x16x128xf32>
    %convert_element_type3A_968 = arith.fptosi %broadcast_in_dim3A_961 : vector<256x1xf32> to vector<256x1xi32>
    %jit3A_969 = arith.constant 256 : i32
    %div3A_970 = vector.broadcast %jit3A_969 : i32 to vector<256x1xi32>
    %div3A_971 = arith.divsi %convert_element_type3A_968, %div3A_970 : vector<256x1xi32>
    %sign3A_972 = arith.constant 0 : i32
    %sign3A_973 = vector.broadcast %sign3A_972 : i32 to vector<256x1xi32>
    %sign3A_974 = arith.cmpi sgt, %convert_element_type3A_968, %sign3A_973 : vector<256x1xi32>
    %sign3A_975 = arith.extui %sign3A_974 : vector<256x1xi1> to vector<256x1xi32>
    %sign3A_976 = arith.constant 0 : i32
    %sign3A_977 = vector.broadcast %sign3A_976 : i32 to vector<256x1xi32>
    %sign3A_978 = arith.cmpi slt, %convert_element_type3A_968, %sign3A_977 : vector<256x1xi32>
    %sign3A_979 = arith.extui %sign3A_978 : vector<256x1xi1> to vector<256x1xi32>
    %sign3A_980 = arith.subi %sign3A_975, %sign3A_979 : vector<256x1xi32>
    %sign3A_981 = arith.constant 0 : i32
    %sign3A_982 = arith.cmpi sgt, %jit3A_969, %sign3A_981 : i32
    %sign3A_983 = arith.extui %sign3A_982 : i1 to i32
    %sign3A_984 = arith.constant 0 : i32
    %sign3A_985 = arith.cmpi slt, %jit3A_969, %sign3A_984 : i32
    %sign3A_986 = arith.extui %sign3A_985 : i1 to i32
    %sign3A_987 = arith.subi %sign3A_983, %sign3A_986 : i32
    %ne3A_988 = vector.broadcast %sign3A_987 : i32 to vector<256x1xi32>
    %ne3A_989 = arith.cmpi ne, %sign3A_980, %ne3A_988 : vector<256x1xi32>
    %rem3A_990 = vector.broadcast %jit3A_969 : i32 to vector<256x1xi32>
    %rem3A_991 = arith.remsi %convert_element_type3A_968, %rem3A_990 : vector<256x1xi32>
    %ne3A_992 = arith.constant 0 : i32
    %ne3A_993 = vector.broadcast %ne3A_992 : i32 to vector<256x1xi32>
    %ne3A_994 = arith.cmpi ne, %rem3A_991, %ne3A_993 : vector<256x1xi32>
    %and3A_995 = arith.andi %ne3A_989, %ne3A_994 : vector<256x1xi1>
    %sub3A_996 = arith.constant 1 : i32
    %sub3A_997 = vector.broadcast %sub3A_996 : i32 to vector<256x1xi32>
    %sub3A_998 = arith.subi %div3A_971, %sub3A_997 : vector<256x1xi32>
    %select_n3A_999 = arith.select %and3A_995, %sub3A_998, %div3A_971 : vector<256x1xi1>, vector<256x1xi32>
    %mul3A_1000 = arith.constant 2048 : i32
    %mul3A_1001 = vector.broadcast %mul3A_1000 : i32 to vector<256x1xi32>
    %mul3A_1002 = arith.muli %select_n3A_999, %mul3A_1001 : vector<256x1xi32>
    %jit3A_1003 = arith.constant 256 : i32
    %eq3A_1004 = arith.constant 0 : i32
    %eq3A_1005 = arith.cmpi eq, %jit3A_1003, %eq3A_1004 : i32
    %jit3A_1006 = arith.constant 1 : i32
    %select_n3A_1007 = arith.select %eq3A_1005, %jit3A_1006, %jit3A_1003 : i32
    %rem3A_1008 = vector.broadcast %select_n3A_1007 : i32 to vector<256x1xi32>
    %rem3A_1009 = arith.remsi %convert_element_type3A_968, %rem3A_1008 : vector<256x1xi32>
    %ne3A_1010 = arith.constant 0 : i32
    %ne3A_1011 = vector.broadcast %ne3A_1010 : i32 to vector<256x1xi32>
    %ne3A_1012 = arith.cmpi ne, %rem3A_1009, %ne3A_1011 : vector<256x1xi32>
    %lt3A_1013 = arith.constant 0 : i32
    %lt3A_1014 = vector.broadcast %lt3A_1013 : i32 to vector<256x1xi32>
    %lt3A_1015 = arith.cmpi slt, %rem3A_1009, %lt3A_1014 : vector<256x1xi32>
    %lt3A_1016 = arith.constant 0 : i32
    %lt3A_1017 = arith.cmpi slt, %select_n3A_1007, %lt3A_1016 : i32
    %ne3A_1018 = vector.broadcast %lt3A_1017 : i1 to vector<256x1xi1>
    %ne3A_1019 = vector.broadcast %ne3A_1018 : vector<256x1xi1> to vector<256x1xi1>
    %ne3A_1020 = arith.xori %lt3A_1015, %ne3A_1019 : vector<256x1xi1>
    %and3A_1021 = arith.andi %ne3A_1020, %ne3A_1012 : vector<256x1xi1>
    %add3A_1022 = vector.broadcast %select_n3A_1007 : i32 to vector<256x1xi32>
    %add3A_1023 = arith.addi %rem3A_1009, %add3A_1022 : vector<256x1xi32>
    %select_n3A_1024 = arith.select %and3A_1021, %add3A_1023, %rem3A_1009 : vector<256x1xi1>, vector<256x1xi32>
    %add3A_1025 = arith.addi %mul3A_1002, %select_n3A_1024 : vector<256x1xi32>
    %add3A_1026 = vector.broadcast %add3A_1025 : vector<256x1xi32> to vector<256x8xi32>
    %add3A_1027 = vector.broadcast %mul3A_12 : vector<1x8xi32> to vector<256x8xi32>
    %add3A_1028 = arith.addi %add3A_1026, %add3A_1027 : vector<256x8xi32>
    %min3A_1029 = arith.constant 99999 : i32
    %min3A_1030 = vector.broadcast %min3A_1029 : i32 to vector<256x8xi32>
    %min3A_1031 = arith.minsi %add3A_1028, %min3A_1030 : vector<256x8xi32>
    %reduce_max3A_1032 = arith.constant dense<0xFF800000> : vector<256x128xf32>
    %reduce_max3A_1033 = vector.multi_reduction <maximumf>, %select_n3A_967, %reduce_max3A_1032 [1] : vector<256x16x128xf32> to vector<256x128xf32>
    %reduce_max3A_1034 = arith.constant dense<0xFF800000> : vector<256xf32>
    %reduce_max3A_1035 = vector.multi_reduction <maximumf>, %reduce_max3A_1033, %reduce_max3A_1034 [1] : vector<256x128xf32> to vector<256xf32>
    %broadcast_in_dim3A_1036 = vector.shape_cast %reduce_max3A_1035 : vector<256xf32> to vector<256x1xf32>
    %broadcast_in_dim3A_1037 = vector.shape_cast %broadcast_in_dim3A_1036 : vector<256x1xf32> to vector<256x1x1xf32>
    %eq3A_1038 = vector.broadcast %broadcast_in_dim3A_1037 : vector<256x1x1xf32> to vector<256x16x128xf32>
    %eq3A_1039 = arith.cmpf oeq, %select_n3A_967, %eq3A_1038 : vector<256x16x128xf32>
    %jit3A_1040 = arith.constant 3.000000e+38 : f32
    %broadcast_in_dim3A_1041 = vector.broadcast %jit3A_1040 : f32 to vector<256x16x128xf32>
    %select_n3A_1042 = arith.select %eq3A_1039, %add3A_8, %broadcast_in_dim3A_1041 : vector<256x16x128xi1>, vector<256x16x128xf32>
    %reduce_min3A_1043 = arith.constant dense<0x7F800000> : vector<256x128xf32>
    %reduce_min3A_1044 = vector.multi_reduction <minimumf>, %select_n3A_1042, %reduce_min3A_1043 [1] : vector<256x16x128xf32> to vector<256x128xf32>
    %reduce_min3A_1045 = arith.constant dense<0x7F800000> : vector<256xf32>
    %reduce_min3A_1046 = vector.multi_reduction <minimumf>, %reduce_min3A_1044, %reduce_min3A_1045 [1] : vector<256x128xf32> to vector<256xf32>
    %broadcast_in_dim3A_1047 = vector.shape_cast %reduce_min3A_1046 : vector<256xf32> to vector<256x1xf32>
    %broadcast_in_dim3A_1048 = vector.shape_cast %broadcast_in_dim3A_1047 : vector<256x1xf32> to vector<256x1x1xf32>
    %eq3A_1049 = vector.broadcast %broadcast_in_dim3A_1048 : vector<256x1x1xf32> to vector<256x16x128xf32>
    %eq3A_1050 = arith.cmpf oeq, %add3A_8, %eq3A_1049 : vector<256x16x128xf32>
    %jit3A_1051 = arith.constant -3.000000e+38 : f32
    %broadcast_in_dim3A_1052 = vector.broadcast %jit3A_1051 : f32 to vector<256x16x128xf32>
    %select_n3A_1053 = arith.select %eq3A_1050, %broadcast_in_dim3A_1052, %select_n3A_967 : vector<256x16x128xi1>, vector<256x16x128xf32>
    %convert_element_type3A_1054 = arith.fptosi %broadcast_in_dim3A_1047 : vector<256x1xf32> to vector<256x1xi32>
    %jit3A_1055 = arith.constant 256 : i32
    %div3A_1056 = vector.broadcast %jit3A_1055 : i32 to vector<256x1xi32>
    %div3A_1057 = arith.divsi %convert_element_type3A_1054, %div3A_1056 : vector<256x1xi32>
    %sign3A_1058 = arith.constant 0 : i32
    %sign3A_1059 = vector.broadcast %sign3A_1058 : i32 to vector<256x1xi32>
    %sign3A_1060 = arith.cmpi sgt, %convert_element_type3A_1054, %sign3A_1059 : vector<256x1xi32>
    %sign3A_1061 = arith.extui %sign3A_1060 : vector<256x1xi1> to vector<256x1xi32>
    %sign3A_1062 = arith.constant 0 : i32
    %sign3A_1063 = vector.broadcast %sign3A_1062 : i32 to vector<256x1xi32>
    %sign3A_1064 = arith.cmpi slt, %convert_element_type3A_1054, %sign3A_1063 : vector<256x1xi32>
    %sign3A_1065 = arith.extui %sign3A_1064 : vector<256x1xi1> to vector<256x1xi32>
    %sign3A_1066 = arith.subi %sign3A_1061, %sign3A_1065 : vector<256x1xi32>
    %sign3A_1067 = arith.constant 0 : i32
    %sign3A_1068 = arith.cmpi sgt, %jit3A_1055, %sign3A_1067 : i32
    %sign3A_1069 = arith.extui %sign3A_1068 : i1 to i32
    %sign3A_1070 = arith.constant 0 : i32
    %sign3A_1071 = arith.cmpi slt, %jit3A_1055, %sign3A_1070 : i32
    %sign3A_1072 = arith.extui %sign3A_1071 : i1 to i32
    %sign3A_1073 = arith.subi %sign3A_1069, %sign3A_1072 : i32
    %ne3A_1074 = vector.broadcast %sign3A_1073 : i32 to vector<256x1xi32>
    %ne3A_1075 = arith.cmpi ne, %sign3A_1066, %ne3A_1074 : vector<256x1xi32>
    %rem3A_1076 = vector.broadcast %jit3A_1055 : i32 to vector<256x1xi32>
    %rem3A_1077 = arith.remsi %convert_element_type3A_1054, %rem3A_1076 : vector<256x1xi32>
    %ne3A_1078 = arith.constant 0 : i32
    %ne3A_1079 = vector.broadcast %ne3A_1078 : i32 to vector<256x1xi32>
    %ne3A_1080 = arith.cmpi ne, %rem3A_1077, %ne3A_1079 : vector<256x1xi32>
    %and3A_1081 = arith.andi %ne3A_1075, %ne3A_1080 : vector<256x1xi1>
    %sub3A_1082 = arith.constant 1 : i32
    %sub3A_1083 = vector.broadcast %sub3A_1082 : i32 to vector<256x1xi32>
    %sub3A_1084 = arith.subi %div3A_1057, %sub3A_1083 : vector<256x1xi32>
    %select_n3A_1085 = arith.select %and3A_1081, %sub3A_1084, %div3A_1057 : vector<256x1xi1>, vector<256x1xi32>
    %mul3A_1086 = arith.constant 2048 : i32
    %mul3A_1087 = vector.broadcast %mul3A_1086 : i32 to vector<256x1xi32>
    %mul3A_1088 = arith.muli %select_n3A_1085, %mul3A_1087 : vector<256x1xi32>
    %jit3A_1089 = arith.constant 256 : i32
    %eq3A_1090 = arith.constant 0 : i32
    %eq3A_1091 = arith.cmpi eq, %jit3A_1089, %eq3A_1090 : i32
    %jit3A_1092 = arith.constant 1 : i32
    %select_n3A_1093 = arith.select %eq3A_1091, %jit3A_1092, %jit3A_1089 : i32
    %rem3A_1094 = vector.broadcast %select_n3A_1093 : i32 to vector<256x1xi32>
    %rem3A_1095 = arith.remsi %convert_element_type3A_1054, %rem3A_1094 : vector<256x1xi32>
    %ne3A_1096 = arith.constant 0 : i32
    %ne3A_1097 = vector.broadcast %ne3A_1096 : i32 to vector<256x1xi32>
    %ne3A_1098 = arith.cmpi ne, %rem3A_1095, %ne3A_1097 : vector<256x1xi32>
    %lt3A_1099 = arith.constant 0 : i32
    %lt3A_1100 = vector.broadcast %lt3A_1099 : i32 to vector<256x1xi32>
    %lt3A_1101 = arith.cmpi slt, %rem3A_1095, %lt3A_1100 : vector<256x1xi32>
    %lt3A_1102 = arith.constant 0 : i32
    %lt3A_1103 = arith.cmpi slt, %select_n3A_1093, %lt3A_1102 : i32
    %ne3A_1104 = vector.broadcast %lt3A_1103 : i1 to vector<256x1xi1>
    %ne3A_1105 = vector.broadcast %ne3A_1104 : vector<256x1xi1> to vector<256x1xi1>
    %ne3A_1106 = arith.xori %lt3A_1101, %ne3A_1105 : vector<256x1xi1>
    %and3A_1107 = arith.andi %ne3A_1106, %ne3A_1098 : vector<256x1xi1>
    %add3A_1108 = vector.broadcast %select_n3A_1093 : i32 to vector<256x1xi32>
    %add3A_1109 = arith.addi %rem3A_1095, %add3A_1108 : vector<256x1xi32>
    %select_n3A_1110 = arith.select %and3A_1107, %add3A_1109, %rem3A_1095 : vector<256x1xi1>, vector<256x1xi32>
    %add3A_1111 = arith.addi %mul3A_1088, %select_n3A_1110 : vector<256x1xi32>
    %add3A_1112 = vector.broadcast %add3A_1111 : vector<256x1xi32> to vector<256x8xi32>
    %add3A_1113 = vector.broadcast %mul3A_12 : vector<1x8xi32> to vector<256x8xi32>
    %add3A_1114 = arith.addi %add3A_1112, %add3A_1113 : vector<256x8xi32>
    %min3A_1115 = arith.constant 99999 : i32
    %min3A_1116 = vector.broadcast %min3A_1115 : i32 to vector<256x8xi32>
    %min3A_1117 = arith.minsi %add3A_1114, %min3A_1116 : vector<256x8xi32>
    %reduce_max3A_1118 = arith.constant dense<0xFF800000> : vector<256x128xf32>
    %reduce_max3A_1119 = vector.multi_reduction <maximumf>, %select_n3A_1053, %reduce_max3A_1118 [1] : vector<256x16x128xf32> to vector<256x128xf32>
    %reduce_max3A_1120 = arith.constant dense<0xFF800000> : vector<256xf32>
    %reduce_max3A_1121 = vector.multi_reduction <maximumf>, %reduce_max3A_1119, %reduce_max3A_1120 [1] : vector<256x128xf32> to vector<256xf32>
    %broadcast_in_dim3A_1122 = vector.shape_cast %reduce_max3A_1121 : vector<256xf32> to vector<256x1xf32>
    %broadcast_in_dim3A_1123 = vector.shape_cast %broadcast_in_dim3A_1122 : vector<256x1xf32> to vector<256x1x1xf32>
    %eq3A_1124 = vector.broadcast %broadcast_in_dim3A_1123 : vector<256x1x1xf32> to vector<256x16x128xf32>
    %eq3A_1125 = arith.cmpf oeq, %select_n3A_1053, %eq3A_1124 : vector<256x16x128xf32>
    %jit3A_1126 = arith.constant 3.000000e+38 : f32
    %broadcast_in_dim3A_1127 = vector.broadcast %jit3A_1126 : f32 to vector<256x16x128xf32>
    %select_n3A_1128 = arith.select %eq3A_1125, %add3A_8, %broadcast_in_dim3A_1127 : vector<256x16x128xi1>, vector<256x16x128xf32>
    %reduce_min3A_1129 = arith.constant dense<0x7F800000> : vector<256x128xf32>
    %reduce_min3A_1130 = vector.multi_reduction <minimumf>, %select_n3A_1128, %reduce_min3A_1129 [1] : vector<256x16x128xf32> to vector<256x128xf32>
    %reduce_min3A_1131 = arith.constant dense<0x7F800000> : vector<256xf32>
    %reduce_min3A_1132 = vector.multi_reduction <minimumf>, %reduce_min3A_1130, %reduce_min3A_1131 [1] : vector<256x128xf32> to vector<256xf32>
    %broadcast_in_dim3A_1133 = vector.shape_cast %reduce_min3A_1132 : vector<256xf32> to vector<256x1xf32>
    %broadcast_in_dim3A_1134 = vector.shape_cast %broadcast_in_dim3A_1133 : vector<256x1xf32> to vector<256x1x1xf32>
    %eq3A_1135 = vector.broadcast %broadcast_in_dim3A_1134 : vector<256x1x1xf32> to vector<256x16x128xf32>
    %eq3A_1136 = arith.cmpf oeq, %add3A_8, %eq3A_1135 : vector<256x16x128xf32>
    %jit3A_1137 = arith.constant -3.000000e+38 : f32
    %broadcast_in_dim3A_1138 = vector.broadcast %jit3A_1137 : f32 to vector<256x16x128xf32>
    %select_n3A_1139 = arith.select %eq3A_1136, %broadcast_in_dim3A_1138, %select_n3A_1053 : vector<256x16x128xi1>, vector<256x16x128xf32>
    %convert_element_type3A_1140 = arith.fptosi %broadcast_in_dim3A_1133 : vector<256x1xf32> to vector<256x1xi32>
    %jit3A_1141 = arith.constant 256 : i32
    %div3A_1142 = vector.broadcast %jit3A_1141 : i32 to vector<256x1xi32>
    %div3A_1143 = arith.divsi %convert_element_type3A_1140, %div3A_1142 : vector<256x1xi32>
    %sign3A_1144 = arith.constant 0 : i32
    %sign3A_1145 = vector.broadcast %sign3A_1144 : i32 to vector<256x1xi32>
    %sign3A_1146 = arith.cmpi sgt, %convert_element_type3A_1140, %sign3A_1145 : vector<256x1xi32>
    %sign3A_1147 = arith.extui %sign3A_1146 : vector<256x1xi1> to vector<256x1xi32>
    %sign3A_1148 = arith.constant 0 : i32
    %sign3A_1149 = vector.broadcast %sign3A_1148 : i32 to vector<256x1xi32>
    %sign3A_1150 = arith.cmpi slt, %convert_element_type3A_1140, %sign3A_1149 : vector<256x1xi32>
    %sign3A_1151 = arith.extui %sign3A_1150 : vector<256x1xi1> to vector<256x1xi32>
    %sign3A_1152 = arith.subi %sign3A_1147, %sign3A_1151 : vector<256x1xi32>
    %sign3A_1153 = arith.constant 0 : i32
    %sign3A_1154 = arith.cmpi sgt, %jit3A_1141, %sign3A_1153 : i32
    %sign3A_1155 = arith.extui %sign3A_1154 : i1 to i32
    %sign3A_1156 = arith.constant 0 : i32
    %sign3A_1157 = arith.cmpi slt, %jit3A_1141, %sign3A_1156 : i32
    %sign3A_1158 = arith.extui %sign3A_1157 : i1 to i32
    %sign3A_1159 = arith.subi %sign3A_1155, %sign3A_1158 : i32
    %ne3A_1160 = vector.broadcast %sign3A_1159 : i32 to vector<256x1xi32>
    %ne3A_1161 = arith.cmpi ne, %sign3A_1152, %ne3A_1160 : vector<256x1xi32>
    %rem3A_1162 = vector.broadcast %jit3A_1141 : i32 to vector<256x1xi32>
    %rem3A_1163 = arith.remsi %convert_element_type3A_1140, %rem3A_1162 : vector<256x1xi32>
    %ne3A_1164 = arith.constant 0 : i32
    %ne3A_1165 = vector.broadcast %ne3A_1164 : i32 to vector<256x1xi32>
    %ne3A_1166 = arith.cmpi ne, %rem3A_1163, %ne3A_1165 : vector<256x1xi32>
    %and3A_1167 = arith.andi %ne3A_1161, %ne3A_1166 : vector<256x1xi1>
    %sub3A_1168 = arith.constant 1 : i32
    %sub3A_1169 = vector.broadcast %sub3A_1168 : i32 to vector<256x1xi32>
    %sub3A_1170 = arith.subi %div3A_1143, %sub3A_1169 : vector<256x1xi32>
    %select_n3A_1171 = arith.select %and3A_1167, %sub3A_1170, %div3A_1143 : vector<256x1xi1>, vector<256x1xi32>
    %mul3A_1172 = arith.constant 2048 : i32
    %mul3A_1173 = vector.broadcast %mul3A_1172 : i32 to vector<256x1xi32>
    %mul3A_1174 = arith.muli %select_n3A_1171, %mul3A_1173 : vector<256x1xi32>
    %jit3A_1175 = arith.constant 256 : i32
    %eq3A_1176 = arith.constant 0 : i32
    %eq3A_1177 = arith.cmpi eq, %jit3A_1175, %eq3A_1176 : i32
    %jit3A_1178 = arith.constant 1 : i32
    %select_n3A_1179 = arith.select %eq3A_1177, %jit3A_1178, %jit3A_1175 : i32
    %rem3A_1180 = vector.broadcast %select_n3A_1179 : i32 to vector<256x1xi32>
    %rem3A_1181 = arith.remsi %convert_element_type3A_1140, %rem3A_1180 : vector<256x1xi32>
    %ne3A_1182 = arith.constant 0 : i32
    %ne3A_1183 = vector.broadcast %ne3A_1182 : i32 to vector<256x1xi32>
    %ne3A_1184 = arith.cmpi ne, %rem3A_1181, %ne3A_1183 : vector<256x1xi32>
    %lt3A_1185 = arith.constant 0 : i32
    %lt3A_1186 = vector.broadcast %lt3A_1185 : i32 to vector<256x1xi32>
    %lt3A_1187 = arith.cmpi slt, %rem3A_1181, %lt3A_1186 : vector<256x1xi32>
    %lt3A_1188 = arith.constant 0 : i32
    %lt3A_1189 = arith.cmpi slt, %select_n3A_1179, %lt3A_1188 : i32
    %ne3A_1190 = vector.broadcast %lt3A_1189 : i1 to vector<256x1xi1>
    %ne3A_1191 = vector.broadcast %ne3A_1190 : vector<256x1xi1> to vector<256x1xi1>
    %ne3A_1192 = arith.xori %lt3A_1187, %ne3A_1191 : vector<256x1xi1>
    %and3A_1193 = arith.andi %ne3A_1192, %ne3A_1184 : vector<256x1xi1>
    %add3A_1194 = vector.broadcast %select_n3A_1179 : i32 to vector<256x1xi32>
    %add3A_1195 = arith.addi %rem3A_1181, %add3A_1194 : vector<256x1xi32>
    %select_n3A_1196 = arith.select %and3A_1193, %add3A_1195, %rem3A_1181 : vector<256x1xi1>, vector<256x1xi32>
    %add3A_1197 = arith.addi %mul3A_1174, %select_n3A_1196 : vector<256x1xi32>
    %add3A_1198 = vector.broadcast %add3A_1197 : vector<256x1xi32> to vector<256x8xi32>
    %add3A_1199 = vector.broadcast %mul3A_12 : vector<1x8xi32> to vector<256x8xi32>
    %add3A_1200 = arith.addi %add3A_1198, %add3A_1199 : vector<256x8xi32>
    %min3A_1201 = arith.constant 99999 : i32
    %min3A_1202 = vector.broadcast %min3A_1201 : i32 to vector<256x8xi32>
    %min3A_1203 = arith.minsi %add3A_1200, %min3A_1202 : vector<256x8xi32>
    %reduce_max3A_1204 = arith.constant dense<0xFF800000> : vector<256x128xf32>
    %reduce_max3A_1205 = vector.multi_reduction <maximumf>, %select_n3A_1139, %reduce_max3A_1204 [1] : vector<256x16x128xf32> to vector<256x128xf32>
    %reduce_max3A_1206 = arith.constant dense<0xFF800000> : vector<256xf32>
    %reduce_max3A_1207 = vector.multi_reduction <maximumf>, %reduce_max3A_1205, %reduce_max3A_1206 [1] : vector<256x128xf32> to vector<256xf32>
    %broadcast_in_dim3A_1208 = vector.shape_cast %reduce_max3A_1207 : vector<256xf32> to vector<256x1xf32>
    %broadcast_in_dim3A_1209 = vector.shape_cast %broadcast_in_dim3A_1208 : vector<256x1xf32> to vector<256x1x1xf32>
    %eq3A_1210 = vector.broadcast %broadcast_in_dim3A_1209 : vector<256x1x1xf32> to vector<256x16x128xf32>
    %eq3A_1211 = arith.cmpf oeq, %select_n3A_1139, %eq3A_1210 : vector<256x16x128xf32>
    %jit3A_1212 = arith.constant 3.000000e+38 : f32
    %broadcast_in_dim3A_1213 = vector.broadcast %jit3A_1212 : f32 to vector<256x16x128xf32>
    %select_n3A_1214 = arith.select %eq3A_1211, %add3A_8, %broadcast_in_dim3A_1213 : vector<256x16x128xi1>, vector<256x16x128xf32>
    %reduce_min3A_1215 = arith.constant dense<0x7F800000> : vector<256x128xf32>
    %reduce_min3A_1216 = vector.multi_reduction <minimumf>, %select_n3A_1214, %reduce_min3A_1215 [1] : vector<256x16x128xf32> to vector<256x128xf32>
    %reduce_min3A_1217 = arith.constant dense<0x7F800000> : vector<256xf32>
    %reduce_min3A_1218 = vector.multi_reduction <minimumf>, %reduce_min3A_1216, %reduce_min3A_1217 [1] : vector<256x128xf32> to vector<256xf32>
    %broadcast_in_dim3A_1219 = vector.shape_cast %reduce_min3A_1218 : vector<256xf32> to vector<256x1xf32>
    %broadcast_in_dim3A_1220 = vector.shape_cast %broadcast_in_dim3A_1219 : vector<256x1xf32> to vector<256x1x1xf32>
    %eq3A_1221 = vector.broadcast %broadcast_in_dim3A_1220 : vector<256x1x1xf32> to vector<256x16x128xf32>
    %eq3A_1222 = arith.cmpf oeq, %add3A_8, %eq3A_1221 : vector<256x16x128xf32>
    %jit3A_1223 = arith.constant -3.000000e+38 : f32
    %broadcast_in_dim3A_1224 = vector.broadcast %jit3A_1223 : f32 to vector<256x16x128xf32>
    %select_n3A_1225 = arith.select %eq3A_1222, %broadcast_in_dim3A_1224, %select_n3A_1139 : vector<256x16x128xi1>, vector<256x16x128xf32>
    %convert_element_type3A_1226 = arith.fptosi %broadcast_in_dim3A_1219 : vector<256x1xf32> to vector<256x1xi32>
    %jit3A_1227 = arith.constant 256 : i32
    %div3A_1228 = vector.broadcast %jit3A_1227 : i32 to vector<256x1xi32>
    %div3A_1229 = arith.divsi %convert_element_type3A_1226, %div3A_1228 : vector<256x1xi32>
    %sign3A_1230 = arith.constant 0 : i32
    %sign3A_1231 = vector.broadcast %sign3A_1230 : i32 to vector<256x1xi32>
    %sign3A_1232 = arith.cmpi sgt, %convert_element_type3A_1226, %sign3A_1231 : vector<256x1xi32>
    %sign3A_1233 = arith.extui %sign3A_1232 : vector<256x1xi1> to vector<256x1xi32>
    %sign3A_1234 = arith.constant 0 : i32
    %sign3A_1235 = vector.broadcast %sign3A_1234 : i32 to vector<256x1xi32>
    %sign3A_1236 = arith.cmpi slt, %convert_element_type3A_1226, %sign3A_1235 : vector<256x1xi32>
    %sign3A_1237 = arith.extui %sign3A_1236 : vector<256x1xi1> to vector<256x1xi32>
    %sign3A_1238 = arith.subi %sign3A_1233, %sign3A_1237 : vector<256x1xi32>
    %sign3A_1239 = arith.constant 0 : i32
    %sign3A_1240 = arith.cmpi sgt, %jit3A_1227, %sign3A_1239 : i32
    %sign3A_1241 = arith.extui %sign3A_1240 : i1 to i32
    %sign3A_1242 = arith.constant 0 : i32
    %sign3A_1243 = arith.cmpi slt, %jit3A_1227, %sign3A_1242 : i32
    %sign3A_1244 = arith.extui %sign3A_1243 : i1 to i32
    %sign3A_1245 = arith.subi %sign3A_1241, %sign3A_1244 : i32
    %ne3A_1246 = vector.broadcast %sign3A_1245 : i32 to vector<256x1xi32>
    %ne3A_1247 = arith.cmpi ne, %sign3A_1238, %ne3A_1246 : vector<256x1xi32>
    %rem3A_1248 = vector.broadcast %jit3A_1227 : i32 to vector<256x1xi32>
    %rem3A_1249 = arith.remsi %convert_element_type3A_1226, %rem3A_1248 : vector<256x1xi32>
    %ne3A_1250 = arith.constant 0 : i32
    %ne3A_1251 = vector.broadcast %ne3A_1250 : i32 to vector<256x1xi32>
    %ne3A_1252 = arith.cmpi ne, %rem3A_1249, %ne3A_1251 : vector<256x1xi32>
    %and3A_1253 = arith.andi %ne3A_1247, %ne3A_1252 : vector<256x1xi1>
    %sub3A_1254 = arith.constant 1 : i32
    %sub3A_1255 = vector.broadcast %sub3A_1254 : i32 to vector<256x1xi32>
    %sub3A_1256 = arith.subi %div3A_1229, %sub3A_1255 : vector<256x1xi32>
    %select_n3A_1257 = arith.select %and3A_1253, %sub3A_1256, %div3A_1229 : vector<256x1xi1>, vector<256x1xi32>
    %mul3A_1258 = arith.constant 2048 : i32
    %mul3A_1259 = vector.broadcast %mul3A_1258 : i32 to vector<256x1xi32>
    %mul3A_1260 = arith.muli %select_n3A_1257, %mul3A_1259 : vector<256x1xi32>
    %jit3A_1261 = arith.constant 256 : i32
    %eq3A_1262 = arith.constant 0 : i32
    %eq3A_1263 = arith.cmpi eq, %jit3A_1261, %eq3A_1262 : i32
    %jit3A_1264 = arith.constant 1 : i32
    %select_n3A_1265 = arith.select %eq3A_1263, %jit3A_1264, %jit3A_1261 : i32
    %rem3A_1266 = vector.broadcast %select_n3A_1265 : i32 to vector<256x1xi32>
    %rem3A_1267 = arith.remsi %convert_element_type3A_1226, %rem3A_1266 : vector<256x1xi32>
    %ne3A_1268 = arith.constant 0 : i32
    %ne3A_1269 = vector.broadcast %ne3A_1268 : i32 to vector<256x1xi32>
    %ne3A_1270 = arith.cmpi ne, %rem3A_1267, %ne3A_1269 : vector<256x1xi32>
    %lt3A_1271 = arith.constant 0 : i32
    %lt3A_1272 = vector.broadcast %lt3A_1271 : i32 to vector<256x1xi32>
    %lt3A_1273 = arith.cmpi slt, %rem3A_1267, %lt3A_1272 : vector<256x1xi32>
    %lt3A_1274 = arith.constant 0 : i32
    %lt3A_1275 = arith.cmpi slt, %select_n3A_1265, %lt3A_1274 : i32
    %ne3A_1276 = vector.broadcast %lt3A_1275 : i1 to vector<256x1xi1>
    %ne3A_1277 = vector.broadcast %ne3A_1276 : vector<256x1xi1> to vector<256x1xi1>
    %ne3A_1278 = arith.xori %lt3A_1273, %ne3A_1277 : vector<256x1xi1>
    %and3A_1279 = arith.andi %ne3A_1278, %ne3A_1270 : vector<256x1xi1>
    %add3A_1280 = vector.broadcast %select_n3A_1265 : i32 to vector<256x1xi32>
    %add3A_1281 = arith.addi %rem3A_1267, %add3A_1280 : vector<256x1xi32>
    %select_n3A_1282 = arith.select %and3A_1279, %add3A_1281, %rem3A_1267 : vector<256x1xi1>, vector<256x1xi32>
    %add3A_1283 = arith.addi %mul3A_1260, %select_n3A_1282 : vector<256x1xi32>
    %add3A_1284 = vector.broadcast %add3A_1283 : vector<256x1xi32> to vector<256x8xi32>
    %add3A_1285 = vector.broadcast %mul3A_12 : vector<1x8xi32> to vector<256x8xi32>
    %add3A_1286 = arith.addi %add3A_1284, %add3A_1285 : vector<256x8xi32>
    %min3A_1287 = arith.constant 99999 : i32
    %min3A_1288 = vector.broadcast %min3A_1287 : i32 to vector<256x8xi32>
    %min3A_1289 = arith.minsi %add3A_1286, %min3A_1288 : vector<256x8xi32>
    %reduce_max3A_1290 = arith.constant dense<0xFF800000> : vector<256x128xf32>
    %reduce_max3A_1291 = vector.multi_reduction <maximumf>, %select_n3A_1225, %reduce_max3A_1290 [1] : vector<256x16x128xf32> to vector<256x128xf32>
    %reduce_max3A_1292 = arith.constant dense<0xFF800000> : vector<256xf32>
    %reduce_max3A_1293 = vector.multi_reduction <maximumf>, %reduce_max3A_1291, %reduce_max3A_1292 [1] : vector<256x128xf32> to vector<256xf32>
    %broadcast_in_dim3A_1294 = vector.shape_cast %reduce_max3A_1293 : vector<256xf32> to vector<256x1xf32>
    %broadcast_in_dim3A_1295 = vector.shape_cast %broadcast_in_dim3A_1294 : vector<256x1xf32> to vector<256x1x1xf32>
    %eq3A_1296 = vector.broadcast %broadcast_in_dim3A_1295 : vector<256x1x1xf32> to vector<256x16x128xf32>
    %eq3A_1297 = arith.cmpf oeq, %select_n3A_1225, %eq3A_1296 : vector<256x16x128xf32>
    %jit3A_1298 = arith.constant 3.000000e+38 : f32
    %broadcast_in_dim3A_1299 = vector.broadcast %jit3A_1298 : f32 to vector<256x16x128xf32>
    %select_n3A_1300 = arith.select %eq3A_1297, %add3A_8, %broadcast_in_dim3A_1299 : vector<256x16x128xi1>, vector<256x16x128xf32>
    %reduce_min3A_1301 = arith.constant dense<0x7F800000> : vector<256x128xf32>
    %reduce_min3A_1302 = vector.multi_reduction <minimumf>, %select_n3A_1300, %reduce_min3A_1301 [1] : vector<256x16x128xf32> to vector<256x128xf32>
    %reduce_min3A_1303 = arith.constant dense<0x7F800000> : vector<256xf32>
    %reduce_min3A_1304 = vector.multi_reduction <minimumf>, %reduce_min3A_1302, %reduce_min3A_1303 [1] : vector<256x128xf32> to vector<256xf32>
    %broadcast_in_dim3A_1305 = vector.shape_cast %reduce_min3A_1304 : vector<256xf32> to vector<256x1xf32>
    %convert_element_type3A_1306 = arith.fptosi %broadcast_in_dim3A_1305 : vector<256x1xf32> to vector<256x1xi32>
    %jit3A_1307 = arith.constant 256 : i32
    %div3A_1308 = vector.broadcast %jit3A_1307 : i32 to vector<256x1xi32>
    %div3A_1309 = arith.divsi %convert_element_type3A_1306, %div3A_1308 : vector<256x1xi32>
    %sign3A_1310 = arith.constant 0 : i32
    %sign3A_1311 = vector.broadcast %sign3A_1310 : i32 to vector<256x1xi32>
    %sign3A_1312 = arith.cmpi sgt, %convert_element_type3A_1306, %sign3A_1311 : vector<256x1xi32>
    %sign3A_1313 = arith.extui %sign3A_1312 : vector<256x1xi1> to vector<256x1xi32>
    %sign3A_1314 = arith.constant 0 : i32
    %sign3A_1315 = vector.broadcast %sign3A_1314 : i32 to vector<256x1xi32>
    %sign3A_1316 = arith.cmpi slt, %convert_element_type3A_1306, %sign3A_1315 : vector<256x1xi32>
    %sign3A_1317 = arith.extui %sign3A_1316 : vector<256x1xi1> to vector<256x1xi32>
    %sign3A_1318 = arith.subi %sign3A_1313, %sign3A_1317 : vector<256x1xi32>
    %sign3A_1319 = arith.constant 0 : i32
    %sign3A_1320 = arith.cmpi sgt, %jit3A_1307, %sign3A_1319 : i32
    %sign3A_1321 = arith.extui %sign3A_1320 : i1 to i32
    %sign3A_1322 = arith.constant 0 : i32
    %sign3A_1323 = arith.cmpi slt, %jit3A_1307, %sign3A_1322 : i32
    %sign3A_1324 = arith.extui %sign3A_1323 : i1 to i32
    %sign3A_1325 = arith.subi %sign3A_1321, %sign3A_1324 : i32
    %ne3A_1326 = vector.broadcast %sign3A_1325 : i32 to vector<256x1xi32>
    %ne3A_1327 = arith.cmpi ne, %sign3A_1318, %ne3A_1326 : vector<256x1xi32>
    %rem3A_1328 = vector.broadcast %jit3A_1307 : i32 to vector<256x1xi32>
    %rem3A_1329 = arith.remsi %convert_element_type3A_1306, %rem3A_1328 : vector<256x1xi32>
    %ne3A_1330 = arith.constant 0 : i32
    %ne3A_1331 = vector.broadcast %ne3A_1330 : i32 to vector<256x1xi32>
    %ne3A_1332 = arith.cmpi ne, %rem3A_1329, %ne3A_1331 : vector<256x1xi32>
    %and3A_1333 = arith.andi %ne3A_1327, %ne3A_1332 : vector<256x1xi1>
    %sub3A_1334 = arith.constant 1 : i32
    %sub3A_1335 = vector.broadcast %sub3A_1334 : i32 to vector<256x1xi32>
    %sub3A_1336 = arith.subi %div3A_1309, %sub3A_1335 : vector<256x1xi32>
    %select_n3A_1337 = arith.select %and3A_1333, %sub3A_1336, %div3A_1309 : vector<256x1xi1>, vector<256x1xi32>
    %mul3A_1338 = arith.constant 2048 : i32
    %mul3A_1339 = vector.broadcast %mul3A_1338 : i32 to vector<256x1xi32>
    %mul3A_1340 = arith.muli %select_n3A_1337, %mul3A_1339 : vector<256x1xi32>
    %jit3A_1341 = arith.constant 256 : i32
    %eq3A_1342 = arith.constant 0 : i32
    %eq3A_1343 = arith.cmpi eq, %jit3A_1341, %eq3A_1342 : i32
    %jit3A_1344 = arith.constant 1 : i32
    %select_n3A_1345 = arith.select %eq3A_1343, %jit3A_1344, %jit3A_1341 : i32
    %rem3A_1346 = vector.broadcast %select_n3A_1345 : i32 to vector<256x1xi32>
    %rem3A_1347 = arith.remsi %convert_element_type3A_1306, %rem3A_1346 : vector<256x1xi32>
    %ne3A_1348 = arith.constant 0 : i32
    %ne3A_1349 = vector.broadcast %ne3A_1348 : i32 to vector<256x1xi32>
    %ne3A_1350 = arith.cmpi ne, %rem3A_1347, %ne3A_1349 : vector<256x1xi32>
    %lt3A_1351 = arith.constant 0 : i32
    %lt3A_1352 = vector.broadcast %lt3A_1351 : i32 to vector<256x1xi32>
    %lt3A_1353 = arith.cmpi slt, %rem3A_1347, %lt3A_1352 : vector<256x1xi32>
    %lt3A_1354 = arith.constant 0 : i32
    %lt3A_1355 = arith.cmpi slt, %select_n3A_1345, %lt3A_1354 : i32
    %ne3A_1356 = vector.broadcast %lt3A_1355 : i1 to vector<256x1xi1>
    %ne3A_1357 = vector.broadcast %ne3A_1356 : vector<256x1xi1> to vector<256x1xi1>
    %ne3A_1358 = arith.xori %lt3A_1353, %ne3A_1357 : vector<256x1xi1>
    %and3A_1359 = arith.andi %ne3A_1358, %ne3A_1350 : vector<256x1xi1>
    %add3A_1360 = vector.broadcast %select_n3A_1345 : i32 to vector<256x1xi32>
    %add3A_1361 = arith.addi %rem3A_1347, %add3A_1360 : vector<256x1xi32>
    %select_n3A_1362 = arith.select %and3A_1359, %add3A_1361, %rem3A_1347 : vector<256x1xi1>, vector<256x1xi32>
    %add3A_1363 = arith.addi %mul3A_1340, %select_n3A_1362 : vector<256x1xi32>
    %add3A_1364 = vector.broadcast %add3A_1363 : vector<256x1xi32> to vector<256x8xi32>
    %add3A_1365 = vector.broadcast %mul3A_12 : vector<1x8xi32> to vector<256x8xi32>
    %add3A_1366 = arith.addi %add3A_1364, %add3A_1365 : vector<256x8xi32>
    %min3A_1367 = arith.constant 99999 : i32
    %min3A_1368 = vector.broadcast %min3A_1367 : i32 to vector<256x8xi32>
    %min3A_1369 = arith.minsi %add3A_1366, %min3A_1368 : vector<256x8xi32>
    %concatenate3A = tpu.concatenate %min3A_85, %min3A_171, %min3A_257, %min3A_343, %min3A_429, %min3A_515, %min3A_601, %min3A_687, %min3A_773, %min3A_859, %min3A_945, %min3A_1031, %min3A_1117, %min3A_1203, %min3A_1289, %min3A_1369 in 1 : vector<256x8xi32>, vector<256x8xi32>, vector<256x8xi32>, vector<256x8xi32>, vector<256x8xi32>, vector<256x8xi32>, vector<256x8xi32>, vector<256x8xi32>, vector<256x8xi32>, vector<256x8xi32>, vector<256x8xi32>, vector<256x8xi32>, vector<256x8xi32>, vector<256x8xi32>, vector<256x8xi32>, vector<256x8xi32> -> vector<256x128xi32>
    %swap3A = arith.constant 0 : index
    %swap3A_1370 = arith.constant 0 : index
    %swap3A_1371 = vector.load %arg3[%swap3A, %swap3A_1370] : memref<256x128xi32, #tpu.memory_space<vmem>>, vector<256x128xi32>
    tpu.vector_store %arg3[%swap3A, %swap3A_1370], %concatenate3A {strides = array<i32>} : memref<256x128xi32, #tpu.memory_space<vmem>>, vector<256x128xi32>,
    return
  }
  func.func @transform_0(%arg0: i32) -> (i32, i32) {
    %c0_i32 = arith.constant 0 : i32
    %c0_i32_0 = arith.constant 0 : i32
    return %arg0, %c0_i32 : i32, i32
  }
  func.func @transform_1(%arg0: i32) -> (i32, i32) {
    %c0_i32 = arith.constant 0 : i32
    %c0_i32_0 = arith.constant 0 : i32
    return %arg0, %c0_i32 : i32, i32
  }
  func.func @transform_2(%arg0: i32) -> (i32, i32) {
    %c0_i32 = arith.constant 0 : i32
    %c0_i32_0 = arith.constant 0 : i32
    return %arg0, %c0_i32 : i32, i32
  }
}

module attributes {stable_mosaic.version = 14 : i64} {
  func.func @_mlp_body(%arg0: i32, %arg1: memref<256x64xf32, #tpu.memory_space<vmem>>, %arg2: memref<256x2048xf32, #tpu.memory_space<vmem>>, %arg3: memref<256x2xf32, #tpu.memory_space<vmem>>, %arg4: memref<2112x256xf32, #tpu.memory_space<vmem>>, %arg5: memref<256xf32, #tpu.memory_space<vmem>>, %arg6: memref<256x256xf32, #tpu.memory_space<vmem>>, %arg7: memref<256xf32, #tpu.memory_space<vmem>>, %arg8: memref<256x256xf32, #tpu.memory_space<vmem>>, %arg9: memref<256xf32, #tpu.memory_space<vmem>>, %arg10: memref<2x256x128xf32, #tpu.memory_space<vmem>>, %arg11: memref<2x128xf32, #tpu.memory_space<vmem>>, %arg12: memref<2x128xf32, #tpu.memory_space<vmem>>, %arg13: memref<2xf32, #tpu.memory_space<smem>>, %arg14: memref<256x1xf32, #tpu.memory_space<vmem>>, %arg15: memref<256x2xf32, #tpu.memory_space<vmem>>, %arg16: memref<256x256xf32, #tpu.memory_space<vmem>>) attributes {dimension_semantics = [#tpu.dimension_semantics<arbitrary>], iteration_bounds = array<i64: 4>, scalar_prefetch = 0 : i64, scratch_operands = 0 : i64, tpu.core_type = #tpu.core_type<tc>, window_params = [{transform_indices = @transform_0, window_bounds = array<i64: 256, 64>}, {transform_indices = @transform_1, window_bounds = array<i64: 256, 2048>}, {transform_indices = @transform_2, window_bounds = array<i64: 256, 2>}, {pipeline_mode = #tpu.pipeline_mode<synchronous>, transform_indices = @transform_3, window_bounds = array<i64: 2112, 256>}, {pipeline_mode = #tpu.pipeline_mode<synchronous>, transform_indices = @transform_4, window_bounds = array<i64: 256>}, {pipeline_mode = #tpu.pipeline_mode<synchronous>, transform_indices = @transform_5, window_bounds = array<i64: 256, 256>}, {pipeline_mode = #tpu.pipeline_mode<synchronous>, transform_indices = @transform_6, window_bounds = array<i64: 256>}, {pipeline_mode = #tpu.pipeline_mode<synchronous>, transform_indices = @transform_7, window_bounds = array<i64: 256, 256>}, {pipeline_mode = #tpu.pipeline_mode<synchronous>, transform_indices = @transform_8, window_bounds = array<i64: 256>}, {pipeline_mode = #tpu.pipeline_mode<synchronous>, transform_indices = @transform_9, window_bounds = array<i64: 2, 256, 128>}, {pipeline_mode = #tpu.pipeline_mode<synchronous>, transform_indices = @transform_10, window_bounds = array<i64: 2, 128>}, {pipeline_mode = #tpu.pipeline_mode<synchronous>, transform_indices = @transform_11, window_bounds = array<i64: 2, 128>}, {transform_indices = @transform_12, window_bounds = array<i64: 2>}, {transform_indices = @transform_13, window_bounds = array<i64: 256, 1>}, {transform_indices = @transform_14, window_bounds = array<i64: 256, 2>}, {transform_indices = @transform_15, window_bounds = array<i64: 256, 256>}]} {
    %get3A = arith.constant 0 : index
    %get3A_0 = arith.constant 0 : index
    %get3A_1 = vector.load %arg1[%get3A, %get3A_0] : memref<256x64xf32, #tpu.memory_space<vmem>>, vector<256x64xf32>
    %get3A_2 = arith.constant 0 : index
    %get3A_3 = arith.constant 0 : index
    %get3A_4 = vector.load %arg4[%get3A_2, %get3A_3] : memref<2112x256xf32, #tpu.memory_space<vmem>>, vector<64x256xf32>
    %dot_general3A = arith.constant dense<0.000000e+00> : vector<256x256xf32>
    %dot_general3A_5 = tpu.matmul %get3A_1, %get3A_4, %dot_general3A {dimension_numbers = #tpu.dot_dimension_numbers<[1], [0], [0], [1], [0, 0, 1, 1], [], []>, transpose_lhs_hint = false} : vector<256x64xf32>, vector<64x256xf32>, vector<256x256xf32> -> vector<256x256xf32>
    %get3A_6 = arith.constant 0 : index
    %get3A_7 = arith.constant 0 : index
    %get3A_8 = vector.load %arg2[%get3A_6, %get3A_7] : memref<256x2048xf32, #tpu.memory_space<vmem>>, vector<256x2048xf32>
    %get3A_9 = arith.constant 64 : index
    %get3A_10 = arith.constant 0 : index
    %get3A_11 = vector.load %arg4[%get3A_9, %get3A_10] : memref<2112x256xf32, #tpu.memory_space<vmem>>, vector<2048x256xf32>
    %dot_general3A_12 = arith.constant dense<0.000000e+00> : vector<256x256xf32>
    %dot_general3A_13 = tpu.matmul %get3A_8, %get3A_11, %dot_general3A_12 {dimension_numbers = #tpu.dot_dimension_numbers<[1], [0], [0], [1], [0, 0, 1, 1], [], []>, transpose_lhs_hint = false} : vector<256x2048xf32>, vector<2048x256xf32>, vector<256x256xf32> -> vector<256x256xf32>
    %add3A = arith.addf %dot_general3A_5, %dot_general3A_13 : vector<256x256xf32>
    %get3A_14 = arith.constant 0 : index
    %get3A_15 = vector.load %arg5[%get3A_14] : memref<256xf32, #tpu.memory_space<vmem>>, vector<256xf32>
    %broadcast_in_dim3A = vector.shape_cast %get3A_15 : vector<256xf32> to vector<1x256xf32>
    %add3A_16 = vector.broadcast %broadcast_in_dim3A : vector<1x256xf32> to vector<256x256xf32>
    %add3A_17 = arith.addf %add3A, %add3A_16 : vector<256x256xf32>
    %max3A = arith.constant 0.000000e+00 : f32
    %max3A_18 = vector.broadcast %max3A : f32 to vector<256x256xf32>
    %max3A_19 = arith.maximumf %add3A_17, %max3A_18 : vector<256x256xf32>
    %get3A_20 = arith.constant 0 : index
    %get3A_21 = arith.constant 0 : index
    %get3A_22 = vector.load %arg6[%get3A_20, %get3A_21] : memref<256x256xf32, #tpu.memory_space<vmem>>, vector<256x256xf32>
    %dot_general3A_23 = arith.constant dense<0.000000e+00> : vector<256x256xf32>
    %dot_general3A_24 = tpu.matmul %max3A_19, %get3A_22, %dot_general3A_23 {dimension_numbers = #tpu.dot_dimension_numbers<[1], [0], [0], [1], [0, 0, 1, 1], [], []>, transpose_lhs_hint = false} : vector<256x256xf32>, vector<256x256xf32>, vector<256x256xf32> -> vector<256x256xf32>
    %get3A_25 = arith.constant 0 : index
    %get3A_26 = vector.load %arg7[%get3A_25] : memref<256xf32, #tpu.memory_space<vmem>>, vector<256xf32>
    %broadcast_in_dim3A_27 = vector.shape_cast %get3A_26 : vector<256xf32> to vector<1x256xf32>
    %add3A_28 = vector.broadcast %broadcast_in_dim3A_27 : vector<1x256xf32> to vector<256x256xf32>
    %add3A_29 = arith.addf %dot_general3A_24, %add3A_28 : vector<256x256xf32>
    %max3A_30 = arith.constant 0.000000e+00 : f32
    %max3A_31 = vector.broadcast %max3A_30 : f32 to vector<256x256xf32>
    %max3A_32 = arith.maximumf %add3A_29, %max3A_31 : vector<256x256xf32>
    %get3A_33 = arith.constant 0 : index
    %get3A_34 = arith.constant 0 : index
    %get3A_35 = vector.load %arg8[%get3A_33, %get3A_34] : memref<256x256xf32, #tpu.memory_space<vmem>>, vector<256x256xf32>
    %dot_general3A_36 = arith.constant dense<0.000000e+00> : vector<256x256xf32>
    %dot_general3A_37 = tpu.matmul %max3A_32, %get3A_35, %dot_general3A_36 {dimension_numbers = #tpu.dot_dimension_numbers<[1], [0], [0], [1], [0, 0, 1, 1], [], []>, transpose_lhs_hint = false} : vector<256x256xf32>, vector<256x256xf32>, vector<256x256xf32> -> vector<256x256xf32>
    %get3A_38 = arith.constant 0 : index
    %get3A_39 = vector.load %arg9[%get3A_38] : memref<256xf32, #tpu.memory_space<vmem>>, vector<256xf32>
    %broadcast_in_dim3A_40 = vector.shape_cast %get3A_39 : vector<256xf32> to vector<1x256xf32>
    %add3A_41 = vector.broadcast %broadcast_in_dim3A_40 : vector<1x256xf32> to vector<256x256xf32>
    %add3A_42 = arith.addf %dot_general3A_37, %add3A_41 : vector<256x256xf32>
    %swap3A = arith.constant 0 : index
    %swap3A_43 = arith.constant 0 : index
    %swap3A_44 = vector.load %arg16[%swap3A, %swap3A_43] : memref<256x256xf32, #tpu.memory_space<vmem>>, vector<256x256xf32>
    tpu.vector_store %arg16[%swap3A, %swap3A_43], %add3A_42 {strides = array<i32>} : memref<256x256xf32, #tpu.memory_space<vmem>>, vector<256x256xf32>,
    %get3A_45 = arith.constant 0 : index
    %get3A_46 = arith.constant 0 : index
    %get3A_47 = arith.constant 0 : index
    %get3A_48 = vector.load %arg10[%get3A_45, %get3A_46, %get3A_47] : memref<2x256x128xf32, #tpu.memory_space<vmem>>, vector<1x256x128xf32>
    %get3A_49 = vector.shape_cast %get3A_48 : vector<1x256x128xf32> to vector<256x128xf32>
    %dot_general3A_50 = arith.constant dense<0.000000e+00> : vector<256x128xf32>
    %dot_general3A_51 = tpu.matmul %add3A_42, %get3A_49, %dot_general3A_50 {dimension_numbers = #tpu.dot_dimension_numbers<[1], [0], [0], [1], [0, 0, 1, 1], [], []>, transpose_lhs_hint = false} : vector<256x256xf32>, vector<256x128xf32>, vector<256x128xf32> -> vector<256x128xf32>
    %get3A_52 = arith.constant 0 : index
    %get3A_53 = arith.constant 0 : index
    %get3A_54 = vector.load %arg11[%get3A_52, %get3A_53] : memref<2x128xf32, #tpu.memory_space<vmem>>, vector<1x128xf32>
    %get3A_55 = vector.shape_cast %get3A_54 : vector<1x128xf32> to vector<128xf32>
    %broadcast_in_dim3A_56 = vector.shape_cast %get3A_55 : vector<128xf32> to vector<1x128xf32>
    %add3A_57 = vector.broadcast %broadcast_in_dim3A_56 : vector<1x128xf32> to vector<256x128xf32>
    %add3A_58 = arith.addf %dot_general3A_51, %add3A_57 : vector<256x128xf32>
    %max3A_59 = arith.constant 0.000000e+00 : f32
    %max3A_60 = vector.broadcast %max3A_59 : f32 to vector<256x128xf32>
    %max3A_61 = arith.maximumf %add3A_58, %max3A_60 : vector<256x128xf32>
    %get3A_62 = arith.constant 0 : index
    %get3A_63 = arith.constant 0 : index
    %get3A_64 = vector.load %arg12[%get3A_62, %get3A_63] : memref<2x128xf32, #tpu.memory_space<vmem>>, vector<1x128xf32>
    %get3A_65 = vector.shape_cast %get3A_64 : vector<1x128xf32> to vector<128xf32>
    %broadcast_in_dim3A_66 = vector.shape_cast %get3A_65 : vector<128xf32> to vector<128x1xf32>
    %dot_general3A_67 = arith.constant dense<0.000000e+00> : vector<256x1xf32>
    %dot_general3A_68 = tpu.matmul %max3A_61, %broadcast_in_dim3A_66, %dot_general3A_67 {dimension_numbers = #tpu.dot_dimension_numbers<[1], [0], [0], [1], [0, 0, 1, 1], [], []>, transpose_lhs_hint = false} : vector<256x128xf32>, vector<128x1xf32>, vector<256x1xf32> -> vector<256x1xf32>
    %get3A_69 = arith.constant 0 : index
    %get3A_70 = memref.load %arg13[%get3A_69] : memref<2xf32, #tpu.memory_space<smem>>
    %add3A_71 = vector.broadcast %get3A_70 : f32 to vector<256x1xf32>
    %add3A_72 = arith.addf %dot_general3A_68, %add3A_71 : vector<256x1xf32>
    %get3A_73 = arith.constant 1 : index
    %get3A_74 = arith.constant 0 : index
    %get3A_75 = arith.constant 0 : index
    %get3A_76 = vector.load %arg10[%get3A_73, %get3A_74, %get3A_75] : memref<2x256x128xf32, #tpu.memory_space<vmem>>, vector<1x256x128xf32>
    %get3A_77 = vector.shape_cast %get3A_76 : vector<1x256x128xf32> to vector<256x128xf32>
    %dot_general3A_78 = arith.constant dense<0.000000e+00> : vector<256x128xf32>
    %dot_general3A_79 = tpu.matmul %add3A_42, %get3A_77, %dot_general3A_78 {dimension_numbers = #tpu.dot_dimension_numbers<[1], [0], [0], [1], [0, 0, 1, 1], [], []>, transpose_lhs_hint = false} : vector<256x256xf32>, vector<256x128xf32>, vector<256x128xf32> -> vector<256x128xf32>
    %get3A_80 = arith.constant 1 : index
    %get3A_81 = arith.constant 0 : index
    %get3A_82 = vector.load %arg11[%get3A_80, %get3A_81] : memref<2x128xf32, #tpu.memory_space<vmem>>, vector<1x128xf32>
    %get3A_83 = vector.shape_cast %get3A_82 : vector<1x128xf32> to vector<128xf32>
    %broadcast_in_dim3A_84 = vector.shape_cast %get3A_83 : vector<128xf32> to vector<1x128xf32>
    %add3A_85 = vector.broadcast %broadcast_in_dim3A_84 : vector<1x128xf32> to vector<256x128xf32>
    %add3A_86 = arith.addf %dot_general3A_79, %add3A_85 : vector<256x128xf32>
    %max3A_87 = arith.constant 0.000000e+00 : f32
    %max3A_88 = vector.broadcast %max3A_87 : f32 to vector<256x128xf32>
    %max3A_89 = arith.maximumf %add3A_86, %max3A_88 : vector<256x128xf32>
    %get3A_90 = arith.constant 1 : index
    %get3A_91 = arith.constant 0 : index
    %get3A_92 = vector.load %arg12[%get3A_90, %get3A_91] : memref<2x128xf32, #tpu.memory_space<vmem>>, vector<1x128xf32>
    %get3A_93 = vector.shape_cast %get3A_92 : vector<1x128xf32> to vector<128xf32>
    %broadcast_in_dim3A_94 = vector.shape_cast %get3A_93 : vector<128xf32> to vector<128x1xf32>
    %dot_general3A_95 = arith.constant dense<0.000000e+00> : vector<256x1xf32>
    %dot_general3A_96 = tpu.matmul %max3A_89, %broadcast_in_dim3A_94, %dot_general3A_95 {dimension_numbers = #tpu.dot_dimension_numbers<[1], [0], [0], [1], [0, 0, 1, 1], [], []>, transpose_lhs_hint = false} : vector<256x128xf32>, vector<128x1xf32>, vector<256x1xf32> -> vector<256x1xf32>
    %get3A_97 = arith.constant 1 : index
    %get3A_98 = memref.load %arg13[%get3A_97] : memref<2xf32, #tpu.memory_space<smem>>
    %add3A_99 = vector.broadcast %get3A_98 : f32 to vector<256x1xf32>
    %add3A_100 = arith.addf %dot_general3A_96, %add3A_99 : vector<256x1xf32>
    %concatenate3A = tpu.concatenate %add3A_72, %add3A_100 in 1 : vector<256x1xf32>, vector<256x1xf32> -> vector<256x2xf32>
    %swap3A_101 = arith.constant 0 : index
    %swap3A_102 = arith.constant 0 : index
    %swap3A_103 = vector.load %arg15[%swap3A_101, %swap3A_102] : memref<256x2xf32, #tpu.memory_space<vmem>>, vector<256x2xf32>
    tpu.vector_store %arg15[%swap3A_101, %swap3A_102], %concatenate3A {strides = array<i32>} : memref<256x2xf32, #tpu.memory_space<vmem>>, vector<256x2xf32>,
    %get3A_104 = arith.constant 0 : index
    %get3A_105 = arith.constant 0 : index
    %get3A_106 = vector.load %arg3[%get3A_104, %get3A_105] : memref<256x2xf32, #tpu.memory_space<vmem>>, vector<256x2xf32>
    %mul3A = arith.mulf %concatenate3A, %get3A_106 : vector<256x2xf32>
    %reduce_sum3A = arith.constant dense<0.000000e+00> : vector<256xf32>
    %reduce_sum3A_107 = vector.multi_reduction <add>, %mul3A, %reduce_sum3A [1] : vector<256x2xf32> to vector<256xf32>
    %broadcast_in_dim3A_108 = vector.shape_cast %reduce_sum3A_107 : vector<256xf32> to vector<256x1xf32>
    %swap3A_109 = arith.constant 0 : index
    %swap3A_110 = arith.constant 0 : index
    %swap3A_111 = vector.load %arg14[%swap3A_109, %swap3A_110] : memref<256x1xf32, #tpu.memory_space<vmem>>, vector<256x1xf32>
    tpu.vector_store %arg14[%swap3A_109, %swap3A_110], %broadcast_in_dim3A_108 {strides = array<i32>} : memref<256x1xf32, #tpu.memory_space<vmem>>, vector<256x1xf32>,
    return
  }
  func.func @transform_0(%arg0: i32) -> (i32, i32) {
    %c0_i32 = arith.constant 0 : i32
    %c0_i32_0 = arith.constant 0 : i32
    return %arg0, %c0_i32 : i32, i32
  }
  func.func @transform_1(%arg0: i32) -> (i32, i32) {
    %c0_i32 = arith.constant 0 : i32
    %c0_i32_0 = arith.constant 0 : i32
    return %arg0, %c0_i32 : i32, i32
  }
  func.func @transform_2(%arg0: i32) -> (i32, i32) {
    %c0_i32 = arith.constant 0 : i32
    %c0_i32_0 = arith.constant 0 : i32
    return %arg0, %c0_i32 : i32, i32
  }
  func.func @transform_3(%arg0: i32) -> (i32, i32) {
    %c0_i32 = arith.constant 0 : i32
    %c0_i32_0 = arith.constant 0 : i32
    %c0_i32_1 = arith.constant 0 : i32
    return %c0_i32, %c0_i32_0 : i32, i32
  }
  func.func @transform_4(%arg0: i32) -> i32 {
    %c0_i32 = arith.constant 0 : i32
    %c0_i32_0 = arith.constant 0 : i32
    return %c0_i32 : i32
  }
  func.func @transform_5(%arg0: i32) -> (i32, i32) {
    %c0_i32 = arith.constant 0 : i32
    %c0_i32_0 = arith.constant 0 : i32
    %c0_i32_1 = arith.constant 0 : i32
    return %c0_i32, %c0_i32_0 : i32, i32
  }
  func.func @transform_6(%arg0: i32) -> i32 {
    %c0_i32 = arith.constant 0 : i32
    %c0_i32_0 = arith.constant 0 : i32
    return %c0_i32 : i32
  }
  func.func @transform_7(%arg0: i32) -> (i32, i32) {
    %c0_i32 = arith.constant 0 : i32
    %c0_i32_0 = arith.constant 0 : i32
    %c0_i32_1 = arith.constant 0 : i32
    return %c0_i32, %c0_i32_0 : i32, i32
  }
  func.func @transform_8(%arg0: i32) -> i32 {
    %c0_i32 = arith.constant 0 : i32
    %c0_i32_0 = arith.constant 0 : i32
    return %c0_i32 : i32
  }
  func.func @transform_9(%arg0: i32) -> (i32, i32, i32) {
    %c0_i32 = arith.constant 0 : i32
    %c0_i32_0 = arith.constant 0 : i32
    %c0_i32_1 = arith.constant 0 : i32
    %c0_i32_2 = arith.constant 0 : i32
    return %c0_i32, %c0_i32_0, %c0_i32_1 : i32, i32, i32
  }
  func.func @transform_10(%arg0: i32) -> (i32, i32) {
    %c0_i32 = arith.constant 0 : i32
    %c0_i32_0 = arith.constant 0 : i32
    %c0_i32_1 = arith.constant 0 : i32
    return %c0_i32, %c0_i32_0 : i32, i32
  }
  func.func @transform_11(%arg0: i32) -> (i32, i32) {
    %c0_i32 = arith.constant 0 : i32
    %c0_i32_0 = arith.constant 0 : i32
    %c0_i32_1 = arith.constant 0 : i32
    return %c0_i32, %c0_i32_0 : i32, i32
  }
  func.func @transform_12(%arg0: i32) -> i32 {
    %c0_i32 = arith.constant 0 : i32
    %c0_i32_0 = arith.constant 0 : i32
    return %c0_i32 : i32
  }
  func.func @transform_13(%arg0: i32) -> (i32, i32) {
    %c0_i32 = arith.constant 0 : i32
    %c0_i32_0 = arith.constant 0 : i32
    return %arg0, %c0_i32 : i32, i32
  }
  func.func @transform_14(%arg0: i32) -> (i32, i32) {
    %c0_i32 = arith.constant 0 : i32
    %c0_i32_0 = arith.constant 0 : i32
    return %arg0, %c0_i32 : i32, i32
  }
  func.func @transform_15(%arg0: i32) -> (i32, i32) {
    %c0_i32 = arith.constant 0 : i32
    %c0_i32_0 = arith.constant 0 : i32
    return %arg0, %c0_i32 : i32, i32
  }
}

</mosaic_0001>

<sc_bundles>
// kernel: kernel.11.cloned.1.call-start
scs
__scs_entry_jumppad:
0x0: {  	(pc) =	sbr.rel $0x88, $3  }
0x1: {  	(tag) =	ssettag $0x0;
	lr =	simm.s32 $0x1  }
0x2: {  	[smem:$0x3F91] =	sst lr;
	_ =	strace $0xD0000000  }
0x3: {  	_ = 	snop  }
0x4: {  	_ = 	snop  }
0x5: {  	_ = 	snop  }
0x6: {  	_ = 	snop  }
0x7: {  	_ = 	snop  }
__scs_overlays_trampoline_lowered:
0x8: {  	[smem:$0x3FA0] =	sst s0  }
0x9: {  	[smem:$0x3FA1] =	sst s1  }
0xa: {  	[smem:$0x3FA2] =	sst s2  }
0xb: {  	[smem:$0x3FA3] =	sst s3  }
0xc: {  	[smem:$0x3FA4] =	sst s4  }
0xd: {  	[smem:$0x3FA5] =	sst s5  }
0xe: {  	[smem:$0x3FA6] =	sst s6  }
0xf: {  	[smem:$0x3FA7] =	sst s7  }
0x10: {  	[smem:$0x3FA8] =	sst s8  }
0x11: {  	[smem:$0x3FA9] =	sst s9;
	s0 =	simm.s32 @!p0 $0x0  }
0x12: {  	s1 =	sld [smem:$0x3F8F];
	s0 =	simm.s32 @p0 $0x1  }
0x13: {  	[smem:$0x3FAA] =	sst s0;
	s0 =	simm.s32 @!p1 $0x0  }
0x14: {  	s2 =	sld [smem:$0x3F8E];
	s0 =	simm.s32 @p1 $0x1  }
0x15: {  	[smem:$0x3FAB] =	sst s0;
	s0 =	simm.s32 @!p2 $0x0  }
0x16: {  	s3 =	sld [smem:$0x3FDB];
	s0 =	simm.s32 @p2 $0x1  }
0x17: {  	s4 =	simm.s32 $0x1BF5;
	[smem:$0x3FAD] =	sst s0  }
0x18: {  	s0 =	sld [smem:$0x3F90];
	_ =	swait.ge [sflag:s4], $0x0  }
0x19: {  	s7 =	sld [smem:$0x3F91]  }
0x1a: {  	s8 =	sadd.s32 $0xFFFFE003, lr  }
0x1b: {  	s9 =	sadd.s32 $0xFFFFFEF7, lr;
	s5 =	simm.s32 $0xFFFFFFFF;
	p2 =	slt.u32 s8, $0xFFFFF086  }
0x1c: {  	p1 =	slt.u32 s9, $0xF7A;
	s5 =	simm.s32 @!p2 $0x0  }
0x1d: {  	s5 =	simm.s32 @p1 $0x1;
	p0 =	seq.s32 s7, s2  }
0x1e: {  	s7 =	smul.u32 @!p0 $0xF7A, s2;
	p2 =	seq.s32 @!p0 s5, $0x0  }
0x1f: {  	s9 =	smul.u32 $0xF7A, s1;
	s8 =	simm.s32 @!p0 $0x1BF5;
	p2 =	por !p2, p0  }
0x20: {  	[sflag:s8] =	ssyncset.s32 @!p0 $0xFFFFF086;
	s6 =	sadd.s32 @!p0 s3, s7;
	s7 =	simm.s32 @!p0 $0x108  }
0x21: {  	s3 =	sadd.s32 s3, s9;
	s6 =	sadd.s32 @!p0 $0x88, s6;
	s7 =	simm.s32 @p2 $0x1082  }
0x22: {  	[simem:s7], [sflag:s8] =	dma.local @!p0 [hbm:s6], $0xF7A  }
0x23: {  	s9 =	sor.u32 $0xD0000000, s2;
	s6 =	simm.s32 $0x108;
	_ =	swait.ge @!p0 [sflag:s8], $0x0  }
0x24: {  	s3 =	sadd.s32 $0x88, s3;
	s6 =	simm.s32 @!p1 $0x1082;
	[sflag:s4] =	ssyncset.s32 $0xFFFFF086  }
0x25: {  	[simem:s6], [sflag:s4] =	dma.local [hbm:s3], $0xF7A  }
0x26: {  	[smem:$0x3F91] =	sst s1;
	(tag) =	ssettag s2;
	_ =	strace s9  }
0x27: {  	s1 =	sld [smem:$0x3FA1]  }
0x28: {  	s2 =	sld [smem:$0x3FA2]  }
0x29: {  	s4 =	sld [smem:$0x3FA4]  }
0x2a: {  	p0 =	seq.s32 s5, $0x0;
	s5 =	sld [smem:$0x3FA5]  }
0x2b: {  	s6 =	sld [smem:$0x3FA6]  }
0x2c: {  	s7 =	sld [smem:$0x3FA7]  }
0x2d: {  	s3 =	simm.s32 $0x108;
	s8 =	sld [smem:$0x3FA8]  }
0x2e: {  	s3 =	simm.s32 @!p0 $0x1082;
	s9 =	sld [smem:$0x3FA9]  }
0x2f: {  	lr =	sadd.s32 s0, s3;
	s0 =	sld [smem:$0x3FA0]  }
0x30: {  	s3 =	sld [smem:$0x3FA3]  }
0x31: {  	[smem:$0x3FAC] =	sst s10  }
0x32: {  	s10 =	sld [smem:$0x3FAA];
	_ =	sdelay $0x3  }
0x33: {  	p0 =	seq.s32 s10, $0x1;
	s10 =	sld [smem:$0x3FAC];
	_ =	sdelay $0x3  }
0x34: {  	[smem:$0x3FAC] =	sst s10  }
0x35: {  	s10 =	sld [smem:$0x3FAB];
	_ =	sdelay $0x3  }
0x36: {  	p1 =	seq.s32 s10, $0x1;
	s10 =	sld [smem:$0x3FAC];
	_ =	sdelay $0x3  }
0x37: {  	[smem:$0x3FAC] =	sst s10  }
0x38: {  	s10 =	sld [smem:$0x3FAD]  }
0x39: {  	_ = 	snop;
	(pc) =	sbr.ind lr, $3  }
0x3a: {  	_ = 	snop  }
0x3b: {  	_ = 	snop  }
0x3c: {  	p2 =	seq.s32 s10, $0x1;
	s10 =	sld [smem:$0x3FAC]  }
0x3d: {  	_ =	shalt  }
0x3e: {  	_ =	shalt  }
0x3f: {  	_ =	shalt  }
0x40: {  	_ =	shalt  }
0x41: {  	_ =	shalt  }
0x42: {  	_ =	shalt  }
0x43: {  	_ =	shalt  }
0x44: {  	_ =	shalt  }
0x45: {  	_ =	shalt  }
0x46: {  	_ =	shalt  }
0x47: {  	_ =	shalt  }
0x48: {  	_ =	shalt  }
0x49: {  	_ =	shalt  }
0x4a: {  	_ =	shalt  }
0x4b: {  	_ =	shalt  }
0x4c: {  	_ =	shalt  }
0x4d: {  	_ =	shalt  }
0x4e: {  	_ =	shalt  }
0x4f: {  	_ =	shalt  }
0x50: {  	_ =	shalt  }
0x51: {  	_ =	shalt  }
0x52: {  	_ =	shalt  }
0x53: {  	_ =	shalt  }
0x54: {  	_ =	shalt  }
0x55: {  	_ =	shalt  }
0x56: {  	_ =	shalt  }
0x57: {  	_ =	shalt  }
0x58: {  	_ =	shalt  }
0x59: {  	_ =	shalt  }
0x5a: {  	_ =	shalt  }
0x5b: {  	_ =	shalt  }
0x5c: {  	_ =	shalt  }
0x5d: {  	_ =	shalt  }
0x5e: {  	_ =	shalt  }
0x5f: {  	_ =	shalt  }
0x60: {  	_ =	shalt  }
0x61: {  	_ =	shalt  }
0x62: {  	_ =	shalt  }
0x63: {  	_ =	shalt  }
0x64: {  	_ =	shalt  }
0x65: {  	_ =	shalt  }
0x66: {  	_ =	shalt  }
0x67: {  	_ =	shalt  }
0x68: {  	_ =	shalt  }
0x69: {  	_ =	shalt  }
0x6a: {  	_ =	shalt  }
0x6b: {  	_ =	shalt  }
0x6c: {  	_ =	shalt  }
0x6d: {  	_ =	shalt  }
0x6e: {  	_ =	shalt  }
0x6f: {  	_ =	shalt  }
0x70: {  	_ =	shalt  }
0x71: {  	_ =	shalt  }
0x72: {  	_ =	shalt  }
0x73: {  	_ =	shalt  }
0x74: {  	_ =	shalt  }
0x75: {  	_ =	shalt  }
0x76: {  	_ =	shalt  }
0x77: {  	_ =	shalt  }
0x78: {  	_ =	shalt  }
0x79: {  	_ =	shalt  }
0x7a: {  	_ =	shalt  }
0x7b: {  	_ =	shalt  }
0x7c: {  	_ =	shalt  }
0x7d: {  	_ =	shalt  }
0x7e: {  	_ =	shalt  }
0x7f: {  	_ =	shalt  }
0x80: {  	_ =	shalt  }
0x81: {  	_ =	shalt  }
0x82: {  	_ =	shalt  }
0x83: {  	_ =	shalt  }
0x84: {  	_ =	shalt  }
0x85: {  	_ =	shalt  }
0x86: {  	_ =	shalt  }
0x87: {  	_ =	shalt  }
.Lfunc_end0:
.L_simem_size_0:
called_computation_lowered:
.L_overlay_start_0:
0x88: {  	s2 =	sld [smem:$0x3FD9]  }
0x89: {  	s3 =	sld [smem:$0x3FFE];
	_ =	sdelay $0x1  }
0x8a: {  	s1 =	srdreg.scid  }
0x8b: {  	s0 =	sand.u32 $0x1, s1  }
0x8c: {  	s14 =	sshll.u32 s0, $0xA;
	s2 =	sadd.s32 s3, s2  }
0x8d: {  	s2 =	sadd.s32 s2, s14  }
0x8e: {  	[smem:$0x3FB8] =	sst s2  }
0x8f: {  	_ = 	snop  }
0x90: {  	s2 =	sld [smem:$0x3FD0];
	_ =	sdelay $0x2  }
0x91: {  	s15 =	simm.s32 $0xA;
	s4 =	simm.s32 $0x10  }
0x92: {  	[smem:s4], [sflag:s15] =	dma.local [hbm:s2], $0x1  }
0x93: {  	_ =	swait.eq [sflag:s15], $0x1  }
0x94: {  	[sflag:s15] =	ssyncset.done $0x0  }
0x95: {  	[sflag:s15] =	ssyncadd.s32 $0xFFFFFFFF  }
0x96: {  	s16 =	sld [smem:$0x12];
	(tm) =	ssettm $0x1  }
0x97: {  	s17 =	sld [smem:$0x3FFB];
	_ =	sdelay $0x3  }
0x98: {  	_ =	strace s17  }
0x99: {  	s3 =	sld [smem:$0x3FFC];
	_ =	sdelay $0x3  }
0x9a: {  	_ =	strace s3  }
0x9b: {  	s3 =	sld [smem:$0x3FFD];
	_ =	sdelay $0x3  }
0x9c: {  	_ =	strace s3  }
0x9d: {  	_ =	strace $0x8FFFFFFF  }
0x9e: {  	s18 =	sld [smem:$0x3FDB];
	_ =	sdelay $0x1  }
0x9f: {  	s19 =	simm.s32 $_scs_section_size  }
0xa0: {  	s5 =	simm.s32 $_size__tile_overlayer_lowered;
	s6 =	simm.s32 $_tile_overlayer_lowered  }
0xa1: {  	s22 =	simm.s32 $0x1BFF;
	s21 =	sshll.u32 s6, $0x1;
	s3 =	sadd.s32 s19, s18  }
0xa2: {  	s7 =	simm.s32 $0x0;
	s20 =	sshll.u32 s5, $0x1;
	s5 =	sadd.s32 s21, s3  }
0xa3: {  	[timem:s7], [sflag:s22] =	dma.local [hbm:s5], s20  }
0xa4: {  	_ =	swait.ge [sflag:s22], s20  }
0xa5: {  	s4 =	ssub.s32 $0x0, s20;
	[sflag:s22] =	ssyncset.done $0x0  }
0xa6: {  	[sflag:s22] =	ssyncadd.s32 s4;
	_ =	sdelay $0x1  }
0xa7: {  	s23 =	simm.s32 $0x1B8B  }
0xa8: {  	_ =	swait.ge [sflag:s23], $0x1  }
0xa9: {  	[sflag:s23] =	ssyncset.done $0x0  }
0xaa: {  	s25 =	simm.s32 $0x1B8E;
	s24 =	sld [smem:$0x3FFE];
	[sflag:s23] =	ssyncadd.s32 $0xFFFFFFFF  }
0xab: {  	s26 =	simm.s32 $execute0_lowered;
	[smem:$0x3FD2] =	sst s25  }
0xac: {  	s5 =	sshll.u32 s26, $0x1;
	_ =	strace $0x80000046;
	[dreg:$0x1] =	wrdreg $0xFFFFFFFF  }
0xad: {  	s28 =	simm.s32 $_size_execute0_lowered;
	s3 =	sadd.s32 s3, s5;
	[dreg:$0x0] =	wrdreg $0x0  }
0xae: {  	s5 =	sshll.u32 s28, $0x1;
	[dreg:$0x2] =	wrdreg s3  }
0xaf: {  	[dreg:$0x3] =	wrdreg s5  }
0xb0: {  	[dreg:$0x4] =	wrdreg $0xC0  }
0xb1: {  	_ =	task [dreg:s7], $0x5FFFF  }
0xb2: {  	[dreg:$0x1] =	wrdreg $0xFFFFFFFF  }
0xb3: {  	[dreg:$0x0] =	wrdreg $0x60  }
0xb4: {  	[dreg:$0x2] =	wrdreg s24  }
0xb5: {  	[dreg:$0x3] =	wrdreg s16  }
0xb6: {  	[dreg:$0x4] =	wrdreg $0x9  }
0xb7: {  	_ =	task.clear_ibuf [dreg:s7], $0x5FFFF;
	_ =	strace $0x90000046  }
0xb8: {  	s29 =	simm.s32 $0x9;
	_ =	strace $0x80000048  }
0xb9: {  	_ =	swait.ge [sflag:s29], $0x1  }
0xba: {  	[sflag:s29] =	ssyncadd.s32 $0xFFFFFFFF  }
0xbb: {  	_ =	strace $0x90000048  }
0xbc: {  	_ =	sfence  }
0xbd: {  	s30 =	sld [smem:$0x0];
	_ =	sdelay $0x2  }
0xbe: {  	s31 =	sshll.u32 s1, $0xD;
	s1 =	sshrl.u32 s1, $0x2  }
0xbf: {  	s3 =	sand.u32 $0x4000, s31;
	s1 =	sadd.s32 s1, s30  }
0xc0: {  	s0 =	sor.u32 s3, s0;
	s1 =	sshll.u32 s1, $0x11  }
0xc1: {  	s0 =	sor.u32 s1, s0  }
0xc2: {  	s0 =	sadd.s32 $0x8F2B, s0  }
0xc3: {  	[sflag:s0] =	ssyncadd.remote.s32 $0x1  }
0xc4: {  	_ =	sfence.sel $0xFFFF  }
0xc5: {  	[dreg:$0x0] =	wrdreg $0xFFFFFFFF;
	(pc) =	sbr.abs _section_cstart, $3  }
0xc6: {  	[dreg:$0x1] =	wrdreg $0xFFFFFFFF  }
0xc7: {  	_ =	task.clear_ibuf [dreg:s7], $0x2FFFF;
	_ =	strace $0x9FFFFFFF  }
0xc8: {  	(tm) =	ssettm $0x7FFFFFFF  }
0xc9: {  	_ =	shalt  }
tec
execute0_lowered:
.L_overlay_start_1:
0x0: {  	(tag) =	ssettag $0x1  }
0x1: {  	s1 =	srdreg.scid  }
0x2: {  	s8 =	rddreg [dreg:$0x0];
	s0 =	stileid.u32  }
0x3: {  	s3 =	rddreg [dreg:$0x1];
	s2 =	simm.s32 $0x0;
	s6 =	sand.u32 $0x1, s1  }
0x4: {  	s4 =	sshll.u32 s0, $0xA;
	s1 =	rddreg [dreg:$0x2];
	s5 =	sshll.u32 s6, $0x9  }
0x5: {  	s7 =	simm.s32 $0x1;
	[smem:$0x7FF] =	sst s2;
	s9 =	sor.u32 s5, s4  }
0x6: {  	_ =	strace $0x80000047;
	s10 =	ssub.s32 $0x2, s6;
	s4 =	sshrl.u32 s9, $0x3  }
0x7: {  	s6 =	simm.s32 $0x200;
	s4 =	sadd.s32 s3, s4;
	s3 =	simm.s32 $0x2  }
0x8: {  	[tilespmem:s2], [sflag:$0x2] =	stream.linear.gather [hbm4b:s4+s2], $0x200, $0x38;
	[tilespmem:$0x10200] =	vst v63  }
0x9: {  	s5 =	sadd.s32 $0x3A00, s8;
	s11 =	sshrl.u32 s10, $0x1;
	_ =	swait.ge [sflag:s3], $0x200  }
0xa: {  	s9 =	sshll.u32 s9, $0x4;
	s31 =	ssub.s32 s10, s11;
	[sflag:s3] =	ssyncset.done $0x0  }
0xb: {  	s8 =	sadd.s32 s9, s8;
	s9 =	smax.u32 s31, $0x1;
	[sflag:s3] =	ssyncadd.s32 $0xFFFFFE00  }
0xc: {  	[tilespmem:s6], [sflag:$0x1] =	stream.indirect.gather [hbm4b:s5+s6], $0x80, s2, s6, $0xb8;
	[tilespmem:$0x10200] =	vst v63  }
0xd: {  	p0 =	sne.s32 s9, $0x1;
	_ =	swait.ge [sflag:s7], $0x10000  }
.Ltmp0:
0xe: {  	[sflag:s7] =	ssyncset.done $0x0;
	(pc) =	sbr.rel @!p0 .LBB2_2-.Ltmp0, $4  }
0xf: {  	s8 =	sadd.s32 $0x317A00, s8;
	[sflag:s7] =	ssyncadd.s32 $0xFFFF0000  }
0x10: {  	[hbm4b:s8+s2] =	stream.linear.scatter [tilespmem:s6], [sflag:$0x2], $0x10000, $0x38;
	[tilespmem:$0x10200] =	vst v63  }
0x11: {  	_ =	swait.ge [sflag:s3], $0x10000  }
0x12: {  	s9 =	sadd.s32 $0xFFFFFFFF, s9;
	[sflag:s3] =	ssyncset.done $0x0  }
.LBB2_1:
0x13: {  	p0 =	sne.s32 s9, $0x1;
	s9 =	sadd.s32 $0xFFFFFFFF, s9;
	[sflag:s3] =	ssyncadd.s32 $0xFFFF0000  }
0x14: {  	[tilespmem:s2], [sflag:$0x2] =	stream.linear.gather [hbm4b:s4+s2], $0x200, $0x38;
	[tilespmem:$0x10200] =	vst v63  }
0x15: {  	_ =	swait.ge [sflag:s3], $0x200  }
0x16: {  	[sflag:s3] =	ssyncset.done $0x0  }
0x17: {  	[sflag:s3] =	ssyncadd.s32 $0xFFFFFE00  }
0x18: {  	[tilespmem:s6], [sflag:$0x1] =	stream.indirect.gather [hbm4b:s5+s6], $0x80, s2, s6, $0xb8;
	[tilespmem:$0x10200] =	vst v63  }
0x19: {  	_ =	swait.ge [sflag:s7], $0x10000  }
.Ltmp1:
0x1a: {  	[sflag:s7] =	ssyncset.done $0x0;
	(pc) =	sbr.rel @p0 .LBB2_1-.Ltmp1, $4  }
0x1b: {  	[sflag:s7] =	ssyncadd.s32 $0xFFFF0000  }
0x1c: {  	[hbm4b:s8+s2] =	stream.linear.scatter [tilespmem:s6], [sflag:$0x2], $0x10000, $0x38;
	[tilespmem:$0x10200] =	vst v63  }
0x1d: {  	_ =	swait.ge [sflag:s3], $0x10000  }
0x1e: {  	[sflag:s3] =	ssyncset.done $0x0  }
.LBB2_2:
0x1f: {  	[sflag:s3] =	ssyncadd.s32 $0xFFFF0000  }
0x20: {  	_ =	sfence.sel $0x180000  }
0x21: {  	[bflag:$0x0] =	sbarrier.arrive $0xFFFF  }
0x22: {  	p0 =	sne.s32 s0, $0x0;
	_ =	strace $0x90000047  }
0x23: {  	s0 =	sadd.s32 @!p0 $0x100000, s1;
	[bflag:$0x2] =	sbarrier.arrive $0xFFFF  }
0x24: {  	[sflag:s0] =	ssyncadd.tile.s32 @!p0 $0x1;
	_ =	shalt  }
.Lfunc_end2:
_tile_overlayer_lowered:
.L_overlay_start_2:
0x25: {  	(tag) =	ssettag $0x2  }
0x26: {  	s0 =	rddreg [dreg:$0x0];
	s2 =	stileid.u32  }
0x27: {  	s1 =	rddreg [dreg:$0x1];
	p0 =	sne.s32 s2, $0x0  }
0x28: {  	s3 =	rddreg [dreg:$0x2];
	[bflag:$0x3] =	sbarrier.arrive $0xFFFF;
	s2 =	simm.s32 @!p0 $0x1C02  }
0x29: {  	[timem:s3], [sflag:s2] =	dma.local @!p0 [hbm:s0], s1  }
0x2a: {  	s0 =	simm.s32 @!p0 $0x2  }
0x2b: {  	_ =	swait.ge @!p0 [sflag:s0], s1  }
0x2c: {  	s1 =	ssub.s32 @!p0 $0x0, s1;
	[sflag:s0] =	ssyncset.done @!p0 $0x0  }
0x2d: {  	[sflag:s0] =	ssyncadd.s32 @!p0 s1  }
0x2e: {  	[bflag:$0x3] =	sbarrier.arrive $0xFFFF  }
0x2f: {  	_ =	shalt  }

// kernel: kernel.14.cloned.1.call-start
scs
__scs_entry_jumppad:
0x0: {  	(pc) =	sbr.rel $0x88, $3  }
0x1: {  	(tag) =	ssettag $0x0;
	lr =	simm.s32 $0x1  }
0x2: {  	[smem:$0x3F91] =	sst lr;
	_ =	strace $0xD0000000  }
0x3: {  	_ = 	snop  }
0x4: {  	_ = 	snop  }
0x5: {  	_ = 	snop  }
0x6: {  	_ = 	snop  }
0x7: {  	_ = 	snop  }
__scs_overlays_trampoline_lowered:
0x8: {  	[smem:$0x3FA0] =	sst s0  }
0x9: {  	[smem:$0x3FA1] =	sst s1  }
0xa: {  	[smem:$0x3FA2] =	sst s2  }
0xb: {  	[smem:$0x3FA3] =	sst s3  }
0xc: {  	[smem:$0x3FA4] =	sst s4  }
0xd: {  	[smem:$0x3FA5] =	sst s5  }
0xe: {  	[smem:$0x3FA6] =	sst s6  }
0xf: {  	[smem:$0x3FA7] =	sst s7  }
0x10: {  	[smem:$0x3FA8] =	sst s8  }
0x11: {  	[smem:$0x3FA9] =	sst s9;
	s0 =	simm.s32 @!p0 $0x0  }
0x12: {  	s1 =	sld [smem:$0x3F8F];
	s0 =	simm.s32 @p0 $0x1  }
0x13: {  	[smem:$0x3FAA] =	sst s0;
	s0 =	simm.s32 @!p1 $0x0  }
0x14: {  	s2 =	sld [smem:$0x3F8E];
	s0 =	simm.s32 @p1 $0x1  }
0x15: {  	[smem:$0x3FAB] =	sst s0;
	s0 =	simm.s32 @!p2 $0x0  }
0x16: {  	s3 =	sld [smem:$0x3FDB];
	s0 =	simm.s32 @p2 $0x1  }
0x17: {  	s4 =	simm.s32 $0x1BF5;
	[smem:$0x3FAD] =	sst s0  }
0x18: {  	s0 =	sld [smem:$0x3F90];
	_ =	swait.ge [sflag:s4], $0x0  }
0x19: {  	s7 =	sld [smem:$0x3F91]  }
0x1a: {  	s8 =	sadd.s32 $0xFFFFE003, lr  }
0x1b: {  	s9 =	sadd.s32 $0xFFFFFEF7, lr;
	s5 =	simm.s32 $0xFFFFFFFF;
	p2 =	slt.u32 s8, $0xFFFFF086  }
0x1c: {  	p1 =	slt.u32 s9, $0xF7A;
	s5 =	simm.s32 @!p2 $0x0  }
0x1d: {  	s5 =	simm.s32 @p1 $0x1;
	p0 =	seq.s32 s7, s2  }
0x1e: {  	s7 =	smul.u32 @!p0 $0xF7A, s2;
	p2 =	seq.s32 @!p0 s5, $0x0  }
0x1f: {  	s9 =	smul.u32 $0xF7A, s1;
	s8 =	simm.s32 @!p0 $0x1BF5;
	p2 =	por !p2, p0  }
0x20: {  	[sflag:s8] =	ssyncset.s32 @!p0 $0xFFFFF086;
	s6 =	sadd.s32 @!p0 s3, s7;
	s7 =	simm.s32 @!p0 $0x108  }
0x21: {  	s3 =	sadd.s32 s3, s9;
	s6 =	sadd.s32 @!p0 $0x88, s6;
	s7 =	simm.s32 @p2 $0x1082  }
0x22: {  	[simem:s7], [sflag:s8] =	dma.local @!p0 [hbm:s6], $0xF7A  }
0x23: {  	s9 =	sor.u32 $0xD0000000, s2;
	s6 =	simm.s32 $0x108;
	_ =	swait.ge @!p0 [sflag:s8], $0x0  }
0x24: {  	s3 =	sadd.s32 $0x88, s3;
	s6 =	simm.s32 @!p1 $0x1082;
	[sflag:s4] =	ssyncset.s32 $0xFFFFF086  }
0x25: {  	[simem:s6], [sflag:s4] =	dma.local [hbm:s3], $0xF7A  }
0x26: {  	[smem:$0x3F91] =	sst s1;
	(tag) =	ssettag s2;
	_ =	strace s9  }
0x27: {  	s1 =	sld [smem:$0x3FA1]  }
0x28: {  	s2 =	sld [smem:$0x3FA2]  }
0x29: {  	s4 =	sld [smem:$0x3FA4]  }
0x2a: {  	p0 =	seq.s32 s5, $0x0;
	s5 =	sld [smem:$0x3FA5]  }
0x2b: {  	s6 =	sld [smem:$0x3FA6]  }
0x2c: {  	s7 =	sld [smem:$0x3FA7]  }
0x2d: {  	s3 =	simm.s32 $0x108;
	s8 =	sld [smem:$0x3FA8]  }
0x2e: {  	s3 =	simm.s32 @!p0 $0x1082;
	s9 =	sld [smem:$0x3FA9]  }
0x2f: {  	lr =	sadd.s32 s0, s3;
	s0 =	sld [smem:$0x3FA0]  }
0x30: {  	s3 =	sld [smem:$0x3FA3]  }
0x31: {  	[smem:$0x3FAC] =	sst s10  }
0x32: {  	s10 =	sld [smem:$0x3FAA];
	_ =	sdelay $0x3  }
0x33: {  	p0 =	seq.s32 s10, $0x1;
	s10 =	sld [smem:$0x3FAC];
	_ =	sdelay $0x3  }
0x34: {  	[smem:$0x3FAC] =	sst s10  }
0x35: {  	s10 =	sld [smem:$0x3FAB];
	_ =	sdelay $0x3  }
0x36: {  	p1 =	seq.s32 s10, $0x1;
	s10 =	sld [smem:$0x3FAC];
	_ =	sdelay $0x3  }
0x37: {  	[smem:$0x3FAC] =	sst s10  }
0x38: {  	s10 =	sld [smem:$0x3FAD]  }
0x39: {  	_ = 	snop;
	(pc) =	sbr.ind lr, $3  }
0x3a: {  	_ = 	snop  }
0x3b: {  	_ = 	snop  }
0x3c: {  	p2 =	seq.s32 s10, $0x1;
	s10 =	sld [smem:$0x3FAC]  }
0x3d: {  	_ =	shalt  }
0x3e: {  	_ =	shalt  }
0x3f: {  	_ =	shalt  }
0x40: {  	_ =	shalt  }
0x41: {  	_ =	shalt  }
0x42: {  	_ =	shalt  }
0x43: {  	_ =	shalt  }
0x44: {  	_ =	shalt  }
0x45: {  	_ =	shalt  }
0x46: {  	_ =	shalt  }
0x47: {  	_ =	shalt  }
0x48: {  	_ =	shalt  }
0x49: {  	_ =	shalt  }
0x4a: {  	_ =	shalt  }
0x4b: {  	_ =	shalt  }
0x4c: {  	_ =	shalt  }
0x4d: {  	_ =	shalt  }
0x4e: {  	_ =	shalt  }
0x4f: {  	_ =	shalt  }
0x50: {  	_ =	shalt  }
0x51: {  	_ =	shalt  }
0x52: {  	_ =	shalt  }
0x53: {  	_ =	shalt  }
0x54: {  	_ =	shalt  }
0x55: {  	_ =	shalt  }
0x56: {  	_ =	shalt  }
0x57: {  	_ =	shalt  }
0x58: {  	_ =	shalt  }
0x59: {  	_ =	shalt  }
0x5a: {  	_ =	shalt  }
0x5b: {  	_ =	shalt  }
0x5c: {  	_ =	shalt  }
0x5d: {  	_ =	shalt  }
0x5e: {  	_ =	shalt  }
0x5f: {  	_ =	shalt  }
0x60: {  	_ =	shalt  }
0x61: {  	_ =	shalt  }
0x62: {  	_ =	shalt  }
0x63: {  	_ =	shalt  }
0x64: {  	_ =	shalt  }
0x65: {  	_ =	shalt  }
0x66: {  	_ =	shalt  }
0x67: {  	_ =	shalt  }
0x68: {  	_ =	shalt  }
0x69: {  	_ =	shalt  }
0x6a: {  	_ =	shalt  }
0x6b: {  	_ =	shalt  }
0x6c: {  	_ =	shalt  }
0x6d: {  	_ =	shalt  }
0x6e: {  	_ =	shalt  }
0x6f: {  	_ =	shalt  }
0x70: {  	_ =	shalt  }
0x71: {  	_ =	shalt  }
0x72: {  	_ =	shalt  }
0x73: {  	_ =	shalt  }
0x74: {  	_ =	shalt  }
0x75: {  	_ =	shalt  }
0x76: {  	_ =	shalt  }
0x77: {  	_ =	shalt  }
0x78: {  	_ =	shalt  }
0x79: {  	_ =	shalt  }
0x7a: {  	_ =	shalt  }
0x7b: {  	_ =	shalt  }
0x7c: {  	_ =	shalt  }
0x7d: {  	_ =	shalt  }
0x7e: {  	_ =	shalt  }
0x7f: {  	_ =	shalt  }
0x80: {  	_ =	shalt  }
0x81: {  	_ =	shalt  }
0x82: {  	_ =	shalt  }
0x83: {  	_ =	shalt  }
0x84: {  	_ =	shalt  }
0x85: {  	_ =	shalt  }
0x86: {  	_ =	shalt  }
0x87: {  	_ =	shalt  }
.Lfunc_end0:
.L_simem_size_0:
called_computation.1_lowered:
.L_overlay_start_0:
0x88: {  	s2 =	sld [smem:$0x3FD9]  }
0x89: {  	s3 =	sld [smem:$0x3FFE];
	_ =	sdelay $0x1  }
0x8a: {  	s1 =	srdreg.scid  }
0x8b: {  	s0 =	sand.u32 $0x1, s1  }
0x8c: {  	s14 =	sshll.u32 s0, $0xA;
	s2 =	sadd.s32 s3, s2  }
0x8d: {  	s2 =	sadd.s32 s2, s14  }
0x8e: {  	[smem:$0x3FB8] =	sst s2  }
0x8f: {  	_ = 	snop  }
0x90: {  	s2 =	sld [smem:$0x3FD0];
	_ =	sdelay $0x2  }
0x91: {  	s15 =	simm.s32 $0xA;
	s4 =	simm.s32 $0x10  }
0x92: {  	[smem:s4], [sflag:s15] =	dma.local [hbm:s2], $0x1  }
0x93: {  	_ =	swait.eq [sflag:s15], $0x1  }
0x94: {  	[sflag:s15] =	ssyncset.done $0x0  }
0x95: {  	[sflag:s15] =	ssyncadd.s32 $0xFFFFFFFF  }
0x96: {  	s16 =	sld [smem:$0x14];
	(tm) =	ssettm $0x1  }
0x97: {  	s17 =	sld [smem:$0x3FFB];
	_ =	sdelay $0x3  }
0x98: {  	_ =	strace s17  }
0x99: {  	s3 =	sld [smem:$0x3FFC];
	_ =	sdelay $0x3  }
0x9a: {  	_ =	strace s3  }
0x9b: {  	s3 =	sld [smem:$0x3FFD];
	_ =	sdelay $0x3  }
0x9c: {  	_ =	strace s3  }
0x9d: {  	_ =	strace $0x8FFFFFFF  }
0x9e: {  	s18 =	sld [smem:$0x3FDB];
	_ =	sdelay $0x1  }
0x9f: {  	s19 =	simm.s32 $_scs_section_size  }
0xa0: {  	s5 =	simm.s32 $_size__tile_overlayer_lowered;
	s6 =	simm.s32 $_tile_overlayer_lowered  }
0xa1: {  	s22 =	simm.s32 $0x1BFF;
	s21 =	sshll.u32 s6, $0x1;
	s3 =	sadd.s32 s19, s18  }
0xa2: {  	s7 =	simm.s32 $0x0;
	s20 =	sshll.u32 s5, $0x1;
	s5 =	sadd.s32 s21, s3  }
0xa3: {  	[timem:s7], [sflag:s22] =	dma.local [hbm:s5], s20  }
0xa4: {  	_ =	swait.ge [sflag:s22], s20  }
0xa5: {  	s4 =	ssub.s32 $0x0, s20;
	[sflag:s22] =	ssyncset.done $0x0  }
0xa6: {  	[sflag:s22] =	ssyncadd.s32 s4;
	_ =	sdelay $0x1  }
0xa7: {  	s23 =	simm.s32 $0x1B8B  }
0xa8: {  	_ =	swait.ge [sflag:s23], $0x1  }
0xa9: {  	[sflag:s23] =	ssyncset.done $0x0  }
0xaa: {  	s25 =	simm.s32 $0x1B8E;
	s24 =	sld [smem:$0x3FFE];
	[sflag:s23] =	ssyncadd.s32 $0xFFFFFFFF  }
0xab: {  	s26 =	simm.s32 $execute0_lowered;
	[smem:$0x3FD2] =	sst s25  }
0xac: {  	s5 =	sshll.u32 s26, $0x1;
	_ =	strace $0x80000049;
	[dreg:$0x1] =	wrdreg $0xFFFFFFFF  }
0xad: {  	s28 =	simm.s32 $_size_execute0_lowered;
	s3 =	sadd.s32 s3, s5;
	[dreg:$0x0] =	wrdreg $0x0  }
0xae: {  	s5 =	sshll.u32 s28, $0x1;
	[dreg:$0x2] =	wrdreg s3  }
0xaf: {  	[dreg:$0x3] =	wrdreg s5  }
0xb0: {  	[dreg:$0x4] =	wrdreg $0xC0  }
0xb1: {  	_ =	task [dreg:s7], $0x5FFFF  }
0xb2: {  	[dreg:$0x1] =	wrdreg $0xFFFFFFFF  }
0xb3: {  	[dreg:$0x0] =	wrdreg $0x60  }
0xb4: {  	[dreg:$0x2] =	wrdreg s24  }
0xb5: {  	[dreg:$0x3] =	wrdreg s16  }
0xb6: {  	[dreg:$0x4] =	wrdreg $0x9  }
0xb7: {  	_ =	task.clear_ibuf [dreg:s7], $0x5FFFF;
	_ =	strace $0x90000049  }
0xb8: {  	s29 =	simm.s32 $0x9;
	_ =	strace $0x8000004B  }
0xb9: {  	_ =	swait.ge [sflag:s29], $0x1  }
0xba: {  	[sflag:s29] =	ssyncadd.s32 $0xFFFFFFFF  }
0xbb: {  	_ =	strace $0x9000004B  }
0xbc: {  	_ =	sfence  }
0xbd: {  	s30 =	sld [smem:$0x0];
	_ =	sdelay $0x2  }
0xbe: {  	s31 =	sshll.u32 s1, $0xD;
	s1 =	sshrl.u32 s1, $0x2  }
0xbf: {  	s3 =	sand.u32 $0x4000, s31;
	s1 =	sadd.s32 s1, s30  }
0xc0: {  	s0 =	sor.u32 s3, s0;
	s1 =	sshll.u32 s1, $0x11  }
0xc1: {  	s0 =	sor.u32 s1, s0  }
0xc2: {  	s0 =	sadd.s32 $0x8F2B, s0  }
0xc3: {  	[sflag:s0] =	ssyncadd.remote.s32 $0x1  }
0xc4: {  	_ =	sfence.sel $0xFFFF  }
0xc5: {  	[dreg:$0x0] =	wrdreg $0xFFFFFFFF;
	(pc) =	sbr.abs _section_cstart, $3  }
0xc6: {  	[dreg:$0x1] =	wrdreg $0xFFFFFFFF  }
0xc7: {  	_ =	task.clear_ibuf [dreg:s7], $0x2FFFF;
	_ =	strace $0x9FFFFFFF  }
0xc8: {  	(tm) =	ssettm $0x7FFFFFFF  }
0xc9: {  	_ =	shalt  }
tec
execute0_lowered:
.L_overlay_start_1:
0x0: {  	(tag) =	ssettag $0x1  }
0x1: {  	s1 =	srdreg.scid  }
0x2: {  	s0 =	stileid.u32;
	s30 =	sand.u32 $0x1, s1  }
0x3: {  	s9 =	rddreg [dreg:$0x0];
	s3 =	sshll.u32 s0, $0xD;
	s4 =	sshll.u32 s30, $0xC  }
0x4: {  	s28 =	rddreg [dreg:$0x1];
	s2 =	simm.s32 $0x0;
	s29 =	sor.u32 s4, s3  }
0x5: {  	[smem:$0x7FF] =	sst s2;
	s3 =	sshrl.u32 s29, $0x3  }
0x6: {  	_ =	strace $0x8000004A;
	s4 =	sadd.s32 s28, s3;
	s3 =	simm.s32 $0x2  }
0x7: {  	[tilespmem:s2], [sflag:$0x2] =	stream.linear.gather [hbm4b:s4+s2], $0x200, $0x38;
	[tilespmem:$0x11000] =	vst v63  }
0x8: {  	_ =	swait.ge [sflag:s3], $0x200  }
0x9: {  	s6 =	simm.s32 $0x200;
	s7 =	simm.s32 $0x1000;
	[sflag:s3] =	ssyncset.done $0x0  }
0xa: {  	s8 =	simm.s32 $0x1;
	s5 =	sadd.s32 $0x18BA00, s9;
	[sflag:s3] =	ssyncadd.s32 $0xFFFFFE00  }
0xb: {  	[tilespmem:s7], [sflag:$0x1] =	stream.indirect.gather [hbm4b:s5+s6], $0x80, s2, s6, $0xb8;
	[tilespmem:$0x11000] =	vst v63  }
0xc: {  	_ =	swait.ge [sflag:s8], $0x10000  }
0xd: {  	s31 =	sadd.s32 $0x317A00, s9;
	s26 =	sshll.u32 s29, $0x4;
	[sflag:s8] =	ssyncset.done $0x0  }
0xe: {  	s9 =	sadd.s32 s31, s26;
	[sflag:s8] =	ssyncadd.s32 $0xFFFF0000  }
0xf: {  	[hbm4b:s9+s2] =	stream.linear.scatter [tilespmem:s7], [sflag:$0x2], $0x10000, $0x38;
	[tilespmem:$0x11000] =	vst v63  }
0x10: {  	s11 =	sor.u32 $0x200, s29;
	_ =	swait.ge [sflag:s3], $0x10000  }
0x11: {  	s10 =	sshrl.u32 s11, $0x3;
	[sflag:s3] =	ssyncset.done $0x0  }
0x12: {  	s10 =	sadd.s32 s28, s10;
	[sflag:s3] =	ssyncadd.s32 $0xFFFF0000  }
0x13: {  	[tilespmem:s6], [sflag:$0x2] =	stream.linear.gather [hbm4b:s10+s2], $0x200, $0x38;
	[tilespmem:$0x11000] =	vst v63  }
0x14: {  	_ =	swait.ge [sflag:s3], $0x200  }
0x15: {  	[sflag:s3] =	ssyncset.done $0x0  }
0x16: {  	[sflag:s3] =	ssyncadd.s32 $0xFFFFFE00  }
0x17: {  	[tilespmem:s7], [sflag:$0x1] =	stream.indirect.gather [hbm4b:s5+s6], $0x80, s6, s6, $0xb8;
	[tilespmem:$0x11000] =	vst v63  }
0x18: {  	_ =	swait.ge [sflag:s8], $0x10000  }
0x19: {  	s11 =	sshll.u32 s11, $0x4;
	[sflag:s8] =	ssyncset.done $0x0  }
0x1a: {  	s11 =	sadd.s32 s31, s11;
	[sflag:s8] =	ssyncadd.s32 $0xFFFF0000  }
0x1b: {  	[hbm4b:s11+s2] =	stream.linear.scatter [tilespmem:s7], [sflag:$0x2], $0x10000, $0x38;
	[tilespmem:$0x11000] =	vst v63  }
0x1c: {  	s14 =	sor.u32 $0x400, s29;
	_ =	swait.ge [sflag:s3], $0x10000  }
0x1d: {  	s12 =	sshrl.u32 s14, $0x3;
	[sflag:s3] =	ssyncset.done $0x0  }
0x1e: {  	s13 =	simm.s32 $0x400;
	s12 =	sadd.s32 s28, s12;
	[sflag:s3] =	ssyncadd.s32 $0xFFFF0000  }
0x1f: {  	[tilespmem:s13], [sflag:$0x2] =	stream.linear.gather [hbm4b:s12+s2], $0x200, $0x38;
	[tilespmem:$0x11000] =	vst v63  }
0x20: {  	_ =	swait.ge [sflag:s3], $0x200  }
0x21: {  	[sflag:s3] =	ssyncset.done $0x0  }
0x22: {  	[sflag:s3] =	ssyncadd.s32 $0xFFFFFE00  }
0x23: {  	[tilespmem:s7], [sflag:$0x1] =	stream.indirect.gather [hbm4b:s5+s6], $0x80, s13, s6, $0xb8;
	[tilespmem:$0x11000] =	vst v63  }
0x24: {  	_ =	swait.ge [sflag:s8], $0x10000  }
0x25: {  	s14 =	sshll.u32 s14, $0x4;
	[sflag:s8] =	ssyncset.done $0x0  }
0x26: {  	s14 =	sadd.s32 s31, s14;
	[sflag:s8] =	ssyncadd.s32 $0xFFFF0000  }
0x27: {  	[hbm4b:s14+s2] =	stream.linear.scatter [tilespmem:s7], [sflag:$0x2], $0x10000, $0x38;
	[tilespmem:$0x11000] =	vst v63  }
0x28: {  	s17 =	sor.u32 $0x600, s29;
	_ =	swait.ge [sflag:s3], $0x10000  }
0x29: {  	s15 =	sshrl.u32 s17, $0x3;
	[sflag:s3] =	ssyncset.done $0x0  }
0x2a: {  	s16 =	simm.s32 $0x600;
	s15 =	sadd.s32 s28, s15;
	[sflag:s3] =	ssyncadd.s32 $0xFFFF0000  }
0x2b: {  	[tilespmem:s16], [sflag:$0x2] =	stream.linear.gather [hbm4b:s15+s2], $0x200, $0x38;
	[tilespmem:$0x11000] =	vst v63  }
0x2c: {  	_ =	swait.ge [sflag:s3], $0x200  }
0x2d: {  	[sflag:s3] =	ssyncset.done $0x0  }
0x2e: {  	[sflag:s3] =	ssyncadd.s32 $0xFFFFFE00  }
0x2f: {  	[tilespmem:s7], [sflag:$0x1] =	stream.indirect.gather [hbm4b:s5+s6], $0x80, s16, s6, $0xb8;
	[tilespmem:$0x11000] =	vst v63  }
0x30: {  	_ =	swait.ge [sflag:s8], $0x10000  }
0x31: {  	s17 =	sshll.u32 s17, $0x4;
	[sflag:s8] =	ssyncset.done $0x0  }
0x32: {  	s17 =	sadd.s32 s31, s17;
	[sflag:s8] =	ssyncadd.s32 $0xFFFF0000  }
0x33: {  	[hbm4b:s17+s2] =	stream.linear.scatter [tilespmem:s7], [sflag:$0x2], $0x10000, $0x38;
	[tilespmem:$0x11000] =	vst v63  }
0x34: {  	s20 =	sor.u32 $0x800, s29;
	_ =	swait.ge [sflag:s3], $0x10000  }
0x35: {  	s18 =	sshrl.u32 s20, $0x3;
	[sflag:s3] =	ssyncset.done $0x0  }
0x36: {  	s19 =	simm.s32 $0x800;
	s18 =	sadd.s32 s28, s18;
	[sflag:s3] =	ssyncadd.s32 $0xFFFF0000  }
0x37: {  	[tilespmem:s19], [sflag:$0x2] =	stream.linear.gather [hbm4b:s18+s2], $0x200, $0x38;
	[tilespmem:$0x11000] =	vst v63  }
0x38: {  	_ =	swait.ge [sflag:s3], $0x200  }
0x39: {  	[sflag:s3] =	ssyncset.done $0x0  }
0x3a: {  	[sflag:s3] =	ssyncadd.s32 $0xFFFFFE00  }
0x3b: {  	[tilespmem:s7], [sflag:$0x1] =	stream.indirect.gather [hbm4b:s5+s6], $0x80, s19, s6, $0xb8;
	[tilespmem:$0x11000] =	vst v63  }
0x3c: {  	_ =	swait.ge [sflag:s8], $0x10000  }
0x3d: {  	s20 =	sshll.u32 s20, $0x4;
	[sflag:s8] =	ssyncset.done $0x0  }
0x3e: {  	s20 =	sadd.s32 s31, s20;
	[sflag:s8] =	ssyncadd.s32 $0xFFFF0000  }
0x3f: {  	[hbm4b:s20+s2] =	stream.linear.scatter [tilespmem:s7], [sflag:$0x2], $0x10000, $0x38;
	[tilespmem:$0x11000] =	vst v63  }
0x40: {  	s23 =	sor.u32 $0xA00, s29;
	_ =	swait.ge [sflag:s3], $0x10000  }
0x41: {  	s21 =	sshrl.u32 s23, $0x3;
	[sflag:s3] =	ssyncset.done $0x0  }
0x42: {  	s22 =	simm.s32 $0xA00;
	s21 =	sadd.s32 s28, s21;
	[sflag:s3] =	ssyncadd.s32 $0xFFFF0000  }
0x43: {  	[tilespmem:s22], [sflag:$0x2] =	stream.linear.gather [hbm4b:s21+s2], $0x200, $0x38;
	[tilespmem:$0x11000] =	vst v63  }
0x44: {  	_ =	swait.ge [sflag:s3], $0x200  }
0x45: {  	[sflag:s3] =	ssyncset.done $0x0  }
0x46: {  	[sflag:s3] =	ssyncadd.s32 $0xFFFFFE00  }
0x47: {  	[tilespmem:s7], [sflag:$0x1] =	stream.indirect.gather [hbm4b:s5+s6], $0x80, s22, s6, $0xb8;
	[tilespmem:$0x11000] =	vst v63  }
0x48: {  	_ =	swait.ge [sflag:s8], $0x10000  }
0x49: {  	s23 =	sshll.u32 s23, $0x4;
	[sflag:s8] =	ssyncset.done $0x0  }
0x4a: {  	s23 =	sadd.s32 s31, s23;
	[sflag:s8] =	ssyncadd.s32 $0xFFFF0000  }
0x4b: {  	[hbm4b:s23+s2] =	stream.linear.scatter [tilespmem:s7], [sflag:$0x2], $0x10000, $0x38;
	[tilespmem:$0x11000] =	vst v63  }
0x4c: {  	s26 =	sor.u32 $0xC00, s29;
	_ =	swait.ge [sflag:s3], $0x10000  }
0x4d: {  	s24 =	sshrl.u32 s26, $0x3;
	[sflag:s3] =	ssyncset.done $0x0  }
0x4e: {  	s25 =	simm.s32 $0xC00;
	s24 =	sadd.s32 s28, s24;
	[sflag:s3] =	ssyncadd.s32 $0xFFFF0000  }
0x4f: {  	[tilespmem:s25], [sflag:$0x2] =	stream.linear.gather [hbm4b:s24+s2], $0x200, $0x38;
	[tilespmem:$0x11000] =	vst v63  }
0x50: {  	_ =	swait.ge [sflag:s3], $0x200  }
0x51: {  	[sflag:s3] =	ssyncset.done $0x0  }
0x52: {  	[sflag:s3] =	ssyncadd.s32 $0xFFFFFE00  }
0x53: {  	[tilespmem:s7], [sflag:$0x1] =	stream.indirect.gather [hbm4b:s5+s6], $0x80, s25, s6, $0xb8;
	[tilespmem:$0x11000] =	vst v63  }
0x54: {  	_ =	swait.ge [sflag:s8], $0x10000  }
0x55: {  	s26 =	sshll.u32 s26, $0x4;
	[sflag:s8] =	ssyncset.done $0x0  }
0x56: {  	s26 =	sadd.s32 s31, s26;
	[sflag:s8] =	ssyncadd.s32 $0xFFFF0000  }
0x57: {  	[hbm4b:s26+s2] =	stream.linear.scatter [tilespmem:s7], [sflag:$0x2], $0x10000, $0x38;
	[tilespmem:$0x11000] =	vst v63  }
0x58: {  	s1 =	sor.u32 $0xE00, s29;
	_ =	swait.ge [sflag:s3], $0x10000  }
0x59: {  	s30 =	ssub.s32 $0x2, s30;
	s29 =	sshrl.u32 s1, $0x3;
	[sflag:s3] =	ssyncset.done $0x0  }
0x5a: {  	s28 =	sadd.s32 s28, s29;
	s29 =	simm.s32 $0xE00;
	[sflag:s3] =	ssyncadd.s32 $0xFFFF0000  }
0x5b: {  	[tilespmem:s29], [sflag:$0x2] =	stream.linear.gather [hbm4b:s28+s2], $0x200, $0x38;
	[tilespmem:$0x11000] =	vst v63  }
0x5c: {  	s0 =	sshrl.u32 s30, $0x1;
	_ =	swait.ge [sflag:s3], $0x200  }
0x5d: {  	s0 =	ssub.s32 s30, s0;
	[sflag:s3] =	ssyncset.done $0x0  }
0x5e: {  	s0 =	smax.u32 s0, $0x1;
	[sflag:s3] =	ssyncadd.s32 $0xFFFFFE00  }
0x5f: {  	[tilespmem:s7], [sflag:$0x1] =	stream.indirect.gather [hbm4b:s5+s6], $0x80, s29, s6, $0xb8;
	[tilespmem:$0x11000] =	vst v63  }
0x60: {  	p0 =	sne.s32 s0, $0x1;
	_ =	swait.ge [sflag:s8], $0x10000  }
.Ltmp0:
0x61: {  	s1 =	sshll.u32 s1, $0x4;
	[sflag:s8] =	ssyncset.done $0x0;
	(pc) =	sbr.rel @!p0 .LBB2_2-.Ltmp0, $4  }
0x62: {  	s30 =	sadd.s32 s31, s1;
	[sflag:s8] =	ssyncadd.s32 $0xFFFF0000  }
0x63: {  	[hbm4b:s30+s2] =	stream.linear.scatter [tilespmem:s7], [sflag:$0x2], $0x10000, $0x38;
	[tilespmem:$0x11000] =	vst v63  }
0x64: {  	_ =	swait.ge [sflag:s3], $0x10000  }
0x65: {  	s31 =	sadd.s32 $0xFFFFFFFF, s0;
	[sflag:s3] =	ssyncset.done $0x0  }
.LBB2_1:
0x66: {  	p0 =	sne.s32 s31, $0x1;
	s31 =	sadd.s32 $0xFFFFFFFF, s31;
	[sflag:s3] =	ssyncadd.s32 $0xFFFF0000  }
0x67: {  	[tilespmem:s2], [sflag:$0x2] =	stream.linear.gather [hbm4b:s4+s2], $0x200, $0x38;
	[tilespmem:$0x11000] =	vst v63  }
0x68: {  	_ =	swait.ge [sflag:s3], $0x200  }
0x69: {  	[sflag:s3] =	ssyncset.done $0x0  }
0x6a: {  	[sflag:s3] =	ssyncadd.s32 $0xFFFFFE00  }
0x6b: {  	[tilespmem:s7], [sflag:$0x1] =	stream.indirect.gather [hbm4b:s5+s6], $0x80, s2, s6, $0xb8;
	[tilespmem:$0x11000] =	vst v63  }
0x6c: {  	_ =	swait.ge [sflag:s8], $0x10000  }
0x6d: {  	[sflag:s8] =	ssyncset.done $0x0  }
0x6e: {  	[sflag:s8] =	ssyncadd.s32 $0xFFFF0000  }
0x6f: {  	[hbm4b:s9+s2] =	stream.linear.scatter [tilespmem:s7], [sflag:$0x2], $0x10000, $0x38;
	[tilespmem:$0x11000] =	vst v63  }
0x70: {  	_ =	swait.ge [sflag:s3], $0x10000  }
0x71: {  	[sflag:s3] =	ssyncset.done $0x0  }
0x72: {  	[sflag:s3] =	ssyncadd.s32 $0xFFFF0000  }
0x73: {  	[tilespmem:s6], [sflag:$0x2] =	stream.linear.gather [hbm4b:s10+s2], $0x200, $0x38;
	[tilespmem:$0x11000] =	vst v63  }
0x74: {  	_ =	swait.ge [sflag:s3], $0x200  }
0x75: {  	[sflag:s3] =	ssyncset.done $0x0  }
0x76: {  	[sflag:s3] =	ssyncadd.s32 $0xFFFFFE00  }
0x77: {  	[tilespmem:s7], [sflag:$0x1] =	stream.indirect.gather [hbm4b:s5+s6], $0x80, s6, s6, $0xb8;
	[tilespmem:$0x11000] =	vst v63  }
0x78: {  	_ =	swait.ge [sflag:s8], $0x10000  }
0x79: {  	[sflag:s8] =	ssyncset.done $0x0  }
0x7a: {  	[sflag:s8] =	ssyncadd.s32 $0xFFFF0000  }
0x7b: {  	[hbm4b:s11+s2] =	stream.linear.scatter [tilespmem:s7], [sflag:$0x2], $0x10000, $0x38;
	[tilespmem:$0x11000] =	vst v63  }
0x7c: {  	_ =	swait.ge [sflag:s3], $0x10000  }
0x7d: {  	[sflag:s3] =	ssyncset.done $0x0  }
0x7e: {  	[sflag:s3] =	ssyncadd.s32 $0xFFFF0000  }
0x7f: {  	[tilespmem:s13], [sflag:$0x2] =	stream.linear.gather [hbm4b:s12+s2], $0x200, $0x38;
	[tilespmem:$0x11000] =	vst v63  }
0x80: {  	_ =	swait.ge [sflag:s3], $0x200  }
0x81: {  	[sflag:s3] =	ssyncset.done $0x0  }
0x82: {  	[sflag:s3] =	ssyncadd.s32 $0xFFFFFE00  }
0x83: {  	[tilespmem:s7], [sflag:$0x1] =	stream.indirect.gather [hbm4b:s5+s6], $0x80, s13, s6, $0xb8;
	[tilespmem:$0x11000] =	vst v63  }
0x84: {  	_ =	swait.ge [sflag:s8], $0x10000  }
0x85: {  	[sflag:s8] =	ssyncset.done $0x0  }
0x86: {  	[sflag:s8] =	ssyncadd.s32 $0xFFFF0000  }
0x87: {  	[hbm4b:s14+s2] =	stream.linear.scatter [tilespmem:s7], [sflag:$0x2], $0x10000, $0x38;
	[tilespmem:$0x11000] =	vst v63  }
0x88: {  	_ =	swait.ge [sflag:s3], $0x10000  }
0x89: {  	[sflag:s3] =	ssyncset.done $0x0  }
0x8a: {  	[sflag:s3] =	ssyncadd.s32 $0xFFFF0000  }
0x8b: {  	[tilespmem:s16], [sflag:$0x2] =	stream.linear.gather [hbm4b:s15+s2], $0x200, $0x38;
	[tilespmem:$0x11000] =	vst v63  }
0x8c: {  	_ =	swait.ge [sflag:s3], $0x200  }
0x8d: {  	[sflag:s3] =	ssyncset.done $0x0  }
0x8e: {  	[sflag:s3] =	ssyncadd.s32 $0xFFFFFE00  }
0x8f: {  	[tilespmem:s7], [sflag:$0x1] =	stream.indirect.gather [hbm4b:s5+s6], $0x80, s16, s6, $0xb8;
	[tilespmem:$0x11000] =	vst v63  }
0x90: {  	_ =	swait.ge [sflag:s8], $0x10000  }
0x91: {  	[sflag:s8] =	ssyncset.done $0x0  }
0x92: {  	[sflag:s8] =	ssyncadd.s32 $0xFFFF0000  }
0x93: {  	[hbm4b:s17+s2] =	stream.linear.scatter [tilespmem:s7], [sflag:$0x2], $0x10000, $0x38;
	[tilespmem:$0x11000] =	vst v63  }
0x94: {  	_ =	swait.ge [sflag:s3], $0x10000  }
0x95: {  	[sflag:s3] =	ssyncset.done $0x0  }
0x96: {  	[sflag:s3] =	ssyncadd.s32 $0xFFFF0000  }
0x97: {  	[tilespmem:s19], [sflag:$0x2] =	stream.linear.gather [hbm4b:s18+s2], $0x200, $0x38;
	[tilespmem:$0x11000] =	vst v63  }
0x98: {  	_ =	swait.ge [sflag:s3], $0x200  }
0x99: {  	[sflag:s3] =	ssyncset.done $0x0  }
0x9a: {  	[sflag:s3] =	ssyncadd.s32 $0xFFFFFE00  }
0x9b: {  	[tilespmem:s7], [sflag:$0x1] =	stream.indirect.gather [hbm4b:s5+s6], $0x80, s19, s6, $0xb8;
	[tilespmem:$0x11000] =	vst v63  }
0x9c: {  	_ =	swait.ge [sflag:s8], $0x10000  }
0x9d: {  	[sflag:s8] =	ssyncset.done $0x0  }
0x9e: {  	[sflag:s8] =	ssyncadd.s32 $0xFFFF0000  }
0x9f: {  	[hbm4b:s20+s2] =	stream.linear.scatter [tilespmem:s7], [sflag:$0x2], $0x10000, $0x38;
	[tilespmem:$0x11000] =	vst v63  }
0xa0: {  	_ =	swait.ge [sflag:s3], $0x10000  }
0xa1: {  	[sflag:s3] =	ssyncset.done $0x0  }
0xa2: {  	[sflag:s3] =	ssyncadd.s32 $0xFFFF0000  }
0xa3: {  	[tilespmem:s22], [sflag:$0x2] =	stream.linear.gather [hbm4b:s21+s2], $0x200, $0x38;
	[tilespmem:$0x11000] =	vst v63  }
0xa4: {  	_ =	swait.ge [sflag:s3], $0x200  }
0xa5: {  	[sflag:s3] =	ssyncset.done $0x0  }
0xa6: {  	[sflag:s3] =	ssyncadd.s32 $0xFFFFFE00  }
0xa7: {  	[tilespmem:s7], [sflag:$0x1] =	stream.indirect.gather [hbm4b:s5+s6], $0x80, s22, s6, $0xb8;
	[tilespmem:$0x11000] =	vst v63  }
0xa8: {  	_ =	swait.ge [sflag:s8], $0x10000  }
0xa9: {  	[sflag:s8] =	ssyncset.done $0x0  }
0xaa: {  	[sflag:s8] =	ssyncadd.s32 $0xFFFF0000  }
0xab: {  	[hbm4b:s23+s2] =	stream.linear.scatter [tilespmem:s7], [sflag:$0x2], $0x10000, $0x38;
	[tilespmem:$0x11000] =	vst v63  }
0xac: {  	_ =	swait.ge [sflag:s3], $0x10000  }
0xad: {  	[sflag:s3] =	ssyncset.done $0x0  }
0xae: {  	[sflag:s3] =	ssyncadd.s32 $0xFFFF0000  }
0xaf: {  	[tilespmem:s25], [sflag:$0x2] =	stream.linear.gather [hbm4b:s24+s2], $0x200, $0x38;
	[tilespmem:$0x11000] =	vst v63  }
0xb0: {  	_ =	swait.ge [sflag:s3], $0x200  }
0xb1: {  	[sflag:s3] =	ssyncset.done $0x0  }
0xb2: {  	[sflag:s3] =	ssyncadd.s32 $0xFFFFFE00  }
0xb3: {  	[tilespmem:s7], [sflag:$0x1] =	stream.indirect.gather [hbm4b:s5+s6], $0x80, s25, s6, $0xb8;
	[tilespmem:$0x11000] =	vst v63  }
0xb4: {  	_ =	swait.ge [sflag:s8], $0x10000  }
0xb5: {  	[sflag:s8] =	ssyncset.done $0x0  }
0xb6: {  	[sflag:s8] =	ssyncadd.s32 $0xFFFF0000  }
0xb7: {  	[hbm4b:s26+s2] =	stream.linear.scatter [tilespmem:s7], [sflag:$0x2], $0x10000, $0x38;
	[tilespmem:$0x11000] =	vst v63  }
0xb8: {  	_ =	swait.ge [sflag:s3], $0x10000  }
0xb9: {  	[sflag:s3] =	ssyncset.done $0x0  }
0xba: {  	[sflag:s3] =	ssyncadd.s32 $0xFFFF0000  }
0xbb: {  	[tilespmem:s29], [sflag:$0x2] =	stream.linear.gather [hbm4b:s28+s2], $0x200, $0x38;
	[tilespmem:$0x11000] =	vst v63  }
0xbc: {  	_ =	swait.ge [sflag:s3], $0x200  }
0xbd: {  	[sflag:s3] =	ssyncset.done $0x0  }
0xbe: {  	[sflag:s3] =	ssyncadd.s32 $0xFFFFFE00  }
0xbf: {  	[tilespmem:s7], [sflag:$0x1] =	stream.indirect.gather [hbm4b:s5+s6], $0x80, s29, s6, $0xb8;
	[tilespmem:$0x11000] =	vst v63  }
0xc0: {  	_ =	swait.ge [sflag:s8], $0x10000  }
.Ltmp1:
0xc1: {  	[sflag:s8] =	ssyncset.done $0x0;
	(pc) =	sbr.rel @p0 .LBB2_1-.Ltmp1, $4  }
0xc2: {  	[sflag:s8] =	ssyncadd.s32 $0xFFFF0000  }
0xc3: {  	[hbm4b:s30+s2] =	stream.linear.scatter [tilespmem:s7], [sflag:$0x2], $0x10000, $0x38;
	[tilespmem:$0x11000] =	vst v63  }
0xc4: {  	_ =	swait.ge [sflag:s3], $0x10000  }
0xc5: {  	[sflag:s3] =	ssyncset.done $0x0  }
.LBB2_2:
0xc6: {  	[sflag:s3] =	ssyncadd.s32 $0xFFFF0000  }
0xc7: {  	_ =	sfence.sel $0x180000  }
0xc8: {  	[bflag:$0x0] =	sbarrier.arrive $0xFFFF  }
0xc9: {  	_ =	strace $0x9000004A  }
0xca: {  	s0 =	stileid.u32;
	[bflag:$0x2] =	sbarrier.arrive $0xFFFF  }
0xcb: {  	p0 =	sne.s32 s0, $0x0;
	s0 =	rddreg [dreg:$0x2]  }
0xcc: {  	s0 =	sadd.s32 @!p0 $0x100000, s0  }
0xcd: {  	[sflag:s0] =	ssyncadd.tile.s32 @!p0 $0x1;
	_ =	shalt  }
.Lfunc_end2:
_tile_overlayer_lowered:
.L_overlay_start_2:
0xce: {  	(tag) =	ssettag $0x2  }
0xcf: {  	s0 =	rddreg [dreg:$0x0];
	s2 =	stileid.u32  }
0xd0: {  	s1 =	rddreg [dreg:$0x1];
	p0 =	sne.s32 s2, $0x0  }
0xd1: {  	s3 =	rddreg [dreg:$0x2];
	[bflag:$0x3] =	sbarrier.arrive $0xFFFF;
	s2 =	simm.s32 @!p0 $0x1C02  }
0xd2: {  	[timem:s3], [sflag:s2] =	dma.local @!p0 [hbm:s0], s1  }
0xd3: {  	s0 =	simm.s32 @!p0 $0x2  }
0xd4: {  	_ =	swait.ge @!p0 [sflag:s0], s1  }
0xd5: {  	s1 =	ssub.s32 @!p0 $0x0, s1;
	[sflag:s0] =	ssyncset.done @!p0 $0x0  }
0xd6: {  	[sflag:s0] =	ssyncadd.s32 @!p0 s1  }
0xd7: {  	[bflag:$0x3] =	sbarrier.arrive $0xFFFF  }
0xd8: {  	_ =	shalt  }

// kernel: kernel.17.cloned.1.call-start
scs
__scs_entry_jumppad:
0x0: {  	(pc) =	sbr.rel $0x88, $3  }
0x1: {  	(tag) =	ssettag $0x0;
	lr =	simm.s32 $0x1  }
0x2: {  	[smem:$0x3F91] =	sst lr;
	_ =	strace $0xD0000000  }
0x3: {  	_ = 	snop  }
0x4: {  	_ = 	snop  }
0x5: {  	_ = 	snop  }
0x6: {  	_ = 	snop  }
0x7: {  	_ = 	snop  }
__scs_overlays_trampoline_lowered:
0x8: {  	[smem:$0x3FA0] =	sst s0  }
0x9: {  	[smem:$0x3FA1] =	sst s1  }
0xa: {  	[smem:$0x3FA2] =	sst s2  }
0xb: {  	[smem:$0x3FA3] =	sst s3  }
0xc: {  	[smem:$0x3FA4] =	sst s4  }
0xd: {  	[smem:$0x3FA5] =	sst s5  }
0xe: {  	[smem:$0x3FA6] =	sst s6  }
0xf: {  	[smem:$0x3FA7] =	sst s7  }
0x10: {  	[smem:$0x3FA8] =	sst s8  }
0x11: {  	[smem:$0x3FA9] =	sst s9;
	s0 =	simm.s32 @!p0 $0x0  }
0x12: {  	s1 =	sld [smem:$0x3F8F];
	s0 =	simm.s32 @p0 $0x1  }
0x13: {  	[smem:$0x3FAA] =	sst s0;
	s0 =	simm.s32 @!p1 $0x0  }
0x14: {  	s2 =	sld [smem:$0x3F8E];
	s0 =	simm.s32 @p1 $0x1  }
0x15: {  	[smem:$0x3FAB] =	sst s0;
	s0 =	simm.s32 @!p2 $0x0  }
0x16: {  	s3 =	sld [smem:$0x3FDB];
	s0 =	simm.s32 @p2 $0x1  }
0x17: {  	s4 =	simm.s32 $0x1BF5;
	[smem:$0x3FAD] =	sst s0  }
0x18: {  	s0 =	sld [smem:$0x3F90];
	_ =	swait.ge [sflag:s4], $0x0  }
0x19: {  	s7 =	sld [smem:$0x3F91]  }
0x1a: {  	s8 =	sadd.s32 $0xFFFFE003, lr  }
0x1b: {  	s9 =	sadd.s32 $0xFFFFFEF7, lr;
	s5 =	simm.s32 $0xFFFFFFFF;
	p2 =	slt.u32 s8, $0xFFFFF086  }
0x1c: {  	p1 =	slt.u32 s9, $0xF7A;
	s5 =	simm.s32 @!p2 $0x0  }
0x1d: {  	s5 =	simm.s32 @p1 $0x1;
	p0 =	seq.s32 s7, s2  }
0x1e: {  	s7 =	smul.u32 @!p0 $0xF7A, s2;
	p2 =	seq.s32 @!p0 s5, $0x0  }
0x1f: {  	s9 =	smul.u32 $0xF7A, s1;
	s8 =	simm.s32 @!p0 $0x1BF5;
	p2 =	por !p2, p0  }
0x20: {  	[sflag:s8] =	ssyncset.s32 @!p0 $0xFFFFF086;
	s6 =	sadd.s32 @!p0 s3, s7;
	s7 =	simm.s32 @!p0 $0x108  }
0x21: {  	s3 =	sadd.s32 s3, s9;
	s6 =	sadd.s32 @!p0 $0x88, s6;
	s7 =	simm.s32 @p2 $0x1082  }
0x22: {  	[simem:s7], [sflag:s8] =	dma.local @!p0 [hbm:s6], $0xF7A  }
0x23: {  	s9 =	sor.u32 $0xD0000000, s2;
	s6 =	simm.s32 $0x108;
	_ =	swait.ge @!p0 [sflag:s8], $0x0  }
0x24: {  	s3 =	sadd.s32 $0x88, s3;
	s6 =	simm.s32 @!p1 $0x1082;
	[sflag:s4] =	ssyncset.s32 $0xFFFFF086  }
0x25: {  	[simem:s6], [sflag:s4] =	dma.local [hbm:s3], $0xF7A  }
0x26: {  	[smem:$0x3F91] =	sst s1;
	(tag) =	ssettag s2;
	_ =	strace s9  }
0x27: {  	s1 =	sld [smem:$0x3FA1]  }
0x28: {  	s2 =	sld [smem:$0x3FA2]  }
0x29: {  	s4 =	sld [smem:$0x3FA4]  }
0x2a: {  	p0 =	seq.s32 s5, $0x0;
	s5 =	sld [smem:$0x3FA5]  }
0x2b: {  	s6 =	sld [smem:$0x3FA6]  }
0x2c: {  	s7 =	sld [smem:$0x3FA7]  }
0x2d: {  	s3 =	simm.s32 $0x108;
	s8 =	sld [smem:$0x3FA8]  }
0x2e: {  	s3 =	simm.s32 @!p0 $0x1082;
	s9 =	sld [smem:$0x3FA9]  }
0x2f: {  	lr =	sadd.s32 s0, s3;
	s0 =	sld [smem:$0x3FA0]  }
0x30: {  	s3 =	sld [smem:$0x3FA3]  }
0x31: {  	[smem:$0x3FAC] =	sst s10  }
0x32: {  	s10 =	sld [smem:$0x3FAA];
	_ =	sdelay $0x3  }
0x33: {  	p0 =	seq.s32 s10, $0x1;
	s10 =	sld [smem:$0x3FAC];
	_ =	sdelay $0x3  }
0x34: {  	[smem:$0x3FAC] =	sst s10  }
0x35: {  	s10 =	sld [smem:$0x3FAB];
	_ =	sdelay $0x3  }
0x36: {  	p1 =	seq.s32 s10, $0x1;
	s10 =	sld [smem:$0x3FAC];
	_ =	sdelay $0x3  }
0x37: {  	[smem:$0x3FAC] =	sst s10  }
0x38: {  	s10 =	sld [smem:$0x3FAD]  }
0x39: {  	_ = 	snop;
	(pc) =	sbr.ind lr, $3  }
0x3a: {  	_ = 	snop  }
0x3b: {  	_ = 	snop  }
0x3c: {  	p2 =	seq.s32 s10, $0x1;
	s10 =	sld [smem:$0x3FAC]  }
0x3d: {  	_ =	shalt  }
0x3e: {  	_ =	shalt  }
0x3f: {  	_ =	shalt  }
0x40: {  	_ =	shalt  }
0x41: {  	_ =	shalt  }
0x42: {  	_ =	shalt  }
0x43: {  	_ =	shalt  }
0x44: {  	_ =	shalt  }
0x45: {  	_ =	shalt  }
0x46: {  	_ =	shalt  }
0x47: {  	_ =	shalt  }
0x48: {  	_ =	shalt  }
0x49: {  	_ =	shalt  }
0x4a: {  	_ =	shalt  }
0x4b: {  	_ =	shalt  }
0x4c: {  	_ =	shalt  }
0x4d: {  	_ =	shalt  }
0x4e: {  	_ =	shalt  }
0x4f: {  	_ =	shalt  }
0x50: {  	_ =	shalt  }
0x51: {  	_ =	shalt  }
0x52: {  	_ =	shalt  }
0x53: {  	_ =	shalt  }
0x54: {  	_ =	shalt  }
0x55: {  	_ =	shalt  }
0x56: {  	_ =	shalt  }
0x57: {  	_ =	shalt  }
0x58: {  	_ =	shalt  }
0x59: {  	_ =	shalt  }
0x5a: {  	_ =	shalt  }
0x5b: {  	_ =	shalt  }
0x5c: {  	_ =	shalt  }
0x5d: {  	_ =	shalt  }
0x5e: {  	_ =	shalt  }
0x5f: {  	_ =	shalt  }
0x60: {  	_ =	shalt  }
0x61: {  	_ =	shalt  }
0x62: {  	_ =	shalt  }
0x63: {  	_ =	shalt  }
0x64: {  	_ =	shalt  }
0x65: {  	_ =	shalt  }
0x66: {  	_ =	shalt  }
0x67: {  	_ =	shalt  }
0x68: {  	_ =	shalt  }
0x69: {  	_ =	shalt  }
0x6a: {  	_ =	shalt  }
0x6b: {  	_ =	shalt  }
0x6c: {  	_ =	shalt  }
0x6d: {  	_ =	shalt  }
0x6e: {  	_ =	shalt  }
0x6f: {  	_ =	shalt  }
0x70: {  	_ =	shalt  }
0x71: {  	_ =	shalt  }
0x72: {  	_ =	shalt  }
0x73: {  	_ =	shalt  }
0x74: {  	_ =	shalt  }
0x75: {  	_ =	shalt  }
0x76: {  	_ =	shalt  }
0x77: {  	_ =	shalt  }
0x78: {  	_ =	shalt  }
0x79: {  	_ =	shalt  }
0x7a: {  	_ =	shalt  }
0x7b: {  	_ =	shalt  }
0x7c: {  	_ =	shalt  }
0x7d: {  	_ =	shalt  }
0x7e: {  	_ =	shalt  }
0x7f: {  	_ =	shalt  }
0x80: {  	_ =	shalt  }
0x81: {  	_ =	shalt  }
0x82: {  	_ =	shalt  }
0x83: {  	_ =	shalt  }
0x84: {  	_ =	shalt  }
0x85: {  	_ =	shalt  }
0x86: {  	_ =	shalt  }
0x87: {  	_ =	shalt  }
.Lfunc_end0:
.L_simem_size_0:
called_computation.2_lowered:
.L_overlay_start_0:
0x88: {  	s2 =	sld [smem:$0x3FD9]  }
0x89: {  	s3 =	sld [smem:$0x3FFE];
	_ =	sdelay $0x1  }
0x8a: {  	s1 =	srdreg.scid  }
0x8b: {  	s0 =	sand.u32 $0x1, s1  }
0x8c: {  	s14 =	sshll.u32 s0, $0xA;
	s2 =	sadd.s32 s3, s2  }
0x8d: {  	s2 =	sadd.s32 s2, s14  }
0x8e: {  	[smem:$0x3FB8] =	sst s2  }
0x8f: {  	_ = 	snop  }
0x90: {  	s2 =	sld [smem:$0x3FD0];
	_ =	sdelay $0x2  }
0x91: {  	s4 =	simm.s32 $0xA;
	s5 =	simm.s32 $0x10;
	s15 =	sld [smem:$0x3FC6]  }
0x92: {  	[smem:s5], [sflag:s4] =	dma.local [hbm:s2], $0x1  }
0x93: {  	_ =	swait.eq [sflag:s4], $0x1  }
0x94: {  	[sflag:s4] =	ssyncset.done $0x0  }
0x95: {  	[sflag:s4] =	ssyncadd.s32 $0xFFFFFFFF  }
0x96: {  	s16 =	sld [smem:$0x14];
	(tm) =	ssettm $0x1  }
0x97: {  	s17 =	sld [smem:$0x3FFB];
	_ =	sdelay $0x3  }
0x98: {  	_ =	strace s17  }
0x99: {  	s4 =	sld [smem:$0x3FFC];
	_ =	sdelay $0x3  }
0x9a: {  	_ =	strace s4  }
0x9b: {  	s4 =	sld [smem:$0x3FFD];
	_ =	sdelay $0x3  }
0x9c: {  	_ =	strace s4  }
0x9d: {  	_ =	strace $0x8FFFFFFF  }
0x9e: {  	s18 =	sld [smem:$0x3FDB];
	_ =	sdelay $0x1  }
0x9f: {  	s19 =	simm.s32 $_scs_section_size  }
0xa0: {  	s6 =	simm.s32 $_size__tile_overlayer_lowered;
	s7 =	simm.s32 $_tile_overlayer_lowered  }
0xa1: {  	s22 =	simm.s32 $0x1BFF;
	s21 =	sshll.u32 s7, $0x1;
	s4 =	sadd.s32 s19, s18  }
0xa2: {  	s8 =	simm.s32 $0x0;
	s20 =	sshll.u32 s6, $0x1;
	s6 =	sadd.s32 s21, s4  }
0xa3: {  	[timem:s8], [sflag:s22] =	dma.local [hbm:s6], s20  }
0xa4: {  	_ =	swait.ge [sflag:s22], s20  }
0xa5: {  	s5 =	ssub.s32 $0x0, s20;
	[sflag:s22] =	ssyncset.done $0x0  }
0xa6: {  	[sflag:s22] =	ssyncadd.s32 s5;
	_ =	sdelay $0x1  }
0xa7: {  	s23 =	simm.s32 $0x1B8B  }
0xa8: {  	_ =	swait.ge [sflag:s23], $0x1  }
0xa9: {  	[sflag:s23] =	ssyncset.done $0x0  }
0xaa: {  	s25 =	simm.s32 $0x1B8E;
	s24 =	sld [smem:$0x3FFE];
	[sflag:s23] =	ssyncadd.s32 $0xFFFFFFFF  }
0xab: {  	s26 =	simm.s32 $execute0_lowered;
	[smem:$0x3FD2] =	sst s25  }
0xac: {  	s6 =	sshll.u32 s26, $0x1;
	_ =	strace $0x8000004C;
	[dreg:$0x1] =	wrdreg $0xFFFFFFFF  }
0xad: {  	s28 =	simm.s32 $_size_execute0_lowered;
	s4 =	sadd.s32 s4, s6;
	[dreg:$0x0] =	wrdreg $0x0  }
0xae: {  	s6 =	sshll.u32 s28, $0x1;
	[dreg:$0x2] =	wrdreg s4  }
0xaf: {  	[dreg:$0x3] =	wrdreg s6  }
0xb0: {  	[dreg:$0x4] =	wrdreg $0xC0  }
0xb1: {  	_ =	task [dreg:s8], $0x5FFFF  }
0xb2: {  	[dreg:$0x1] =	wrdreg $0xFFFFFFFF  }
0xb3: {  	[dreg:$0x0] =	wrdreg $0x60  }
0xb4: {  	[dreg:$0x2] =	wrdreg s15  }
0xb5: {  	[dreg:$0x3] =	wrdreg s16  }
0xb6: {  	[dreg:$0x4] =	wrdreg s24  }
0xb7: {  	[dreg:$0x5] =	wrdreg $0x9  }
0xb8: {  	_ =	task.clear_ibuf [dreg:s8], $0x6FFFF;
	_ =	strace $0x9000004C  }
0xb9: {  	s29 =	simm.s32 $0x9;
	_ =	strace $0x8000004E  }
0xba: {  	_ =	swait.ge [sflag:s29], $0x1  }
0xbb: {  	[sflag:s29] =	ssyncadd.s32 $0xFFFFFFFF  }
0xbc: {  	_ =	strace $0x9000004E  }
0xbd: {  	_ =	sfence  }
0xbe: {  	s30 =	sld [smem:$0x0];
	_ =	sdelay $0x2  }
0xbf: {  	s31 =	sshll.u32 s1, $0xD;
	s1 =	sshrl.u32 s1, $0x2  }
0xc0: {  	s3 =	sand.u32 $0x4000, s31;
	s1 =	sadd.s32 s1, s30  }
0xc1: {  	s0 =	sor.u32 s3, s0;
	s1 =	sshll.u32 s1, $0x11  }
0xc2: {  	s0 =	sor.u32 s1, s0  }
0xc3: {  	s0 =	sadd.s32 $0x8F2B, s0  }
0xc4: {  	[sflag:s0] =	ssyncadd.remote.s32 $0x1  }
0xc5: {  	_ =	sfence.sel $0xFFFF  }
0xc6: {  	[dreg:$0x0] =	wrdreg $0xFFFFFFFF;
	(pc) =	sbr.abs _section_cstart, $3  }
0xc7: {  	[dreg:$0x1] =	wrdreg $0xFFFFFFFF  }
0xc8: {  	_ =	task.clear_ibuf [dreg:s8], $0x2FFFF;
	_ =	strace $0x9FFFFFFF  }
0xc9: {  	(tm) =	ssettm $0x7FFFFFFF  }
tec
execute0_lowered:
.L_overlay_start_1:
0x0: {  	(tag) =	ssettag $0x1  }
0x1: {  	s1 =	rddreg [dreg:$0x0];
	s2 =	srdreg.scid  }
0x2: {  	s4 =	rddreg [dreg:$0x1];
	s0 =	stileid.u32  }
0x3: {  	s8 =	rddreg [dreg:$0x2];
	s3 =	simm.s32 $0x0;
	s6 =	sand.u32 $0x1, s2  }
0x4: {  	s5 =	sshll.u32 s0, $0xA;
	s2 =	rddreg [dreg:$0x3];
	s7 =	sshll.u32 s6, $0x9  }
0x5: {  	[smem:$0x7FF] =	sst s3;
	s9 =	sor.u32 s7, s5  }
0x6: {  	_ =	strace $0x8000004D;
	s10 =	ssub.s32 $0x2, s6;
	s5 =	sshrl.u32 s9, $0x3  }
0x7: {  	s6 =	simm.s32 $0x200;
	s5 =	sadd.s32 s4, s5;
	s4 =	simm.s32 $0x2  }
0x8: {  	[tilespmem:s3], [sflag:$0x2] =	stream.linear.gather [hbm4b:s5+s3], $0x200, $0x38;
	[tilespmem:$0x10200] =	vst v63  }
0x9: {  	s7 =	simm.s32 $0x1;
	s11 =	sshrl.u32 s10, $0x1;
	_ =	swait.ge [sflag:s4], $0x200  }
0xa: {  	s9 =	sshll.u32 s9, $0x4;
	s31 =	ssub.s32 s10, s11;
	[sflag:s4] =	ssyncset.done $0x0  }
0xb: {  	s8 =	sadd.s32 s9, s8;
	s9 =	smax.u32 s31, $0x1;
	[sflag:s4] =	ssyncadd.s32 $0xFFFFFE00  }
0xc: {  	[tilespmem:s6], [sflag:$0x1] =	stream.indirect.gather [hbm4b:s1+s6], $0x80, s3, s6, $0xb8;
	[tilespmem:$0x10200] =	vst v63  }
0xd: {  	p0 =	sne.s32 s9, $0x1;
	_ =	swait.ge [sflag:s7], $0x10000  }
.Ltmp0:
0xe: {  	[sflag:s7] =	ssyncset.done $0x0;
	(pc) =	sbr.rel @!p0 .LBB2_2-.Ltmp0, $4  }
0xf: {  	s8 =	sadd.s32 $0x3A00, s8;
	[sflag:s7] =	ssyncadd.s32 $0xFFFF0000  }
0x10: {  	[hbm4b:s8+s3] =	stream.linear.scatter [tilespmem:s6], [sflag:$0x2], $0x10000, $0x38;
	[tilespmem:$0x10200] =	vst v63  }
0x11: {  	_ =	swait.ge [sflag:s4], $0x10000  }
0x12: {  	s9 =	sadd.s32 $0xFFFFFFFF, s9;
	[sflag:s4] =	ssyncset.done $0x0  }
.LBB2_1:
0x13: {  	p0 =	sne.s32 s9, $0x1;
	s9 =	sadd.s32 $0xFFFFFFFF, s9;
	[sflag:s4] =	ssyncadd.s32 $0xFFFF0000  }
0x14: {  	[tilespmem:s3], [sflag:$0x2] =	stream.linear.gather [hbm4b:s5+s3], $0x200, $0x38;
	[tilespmem:$0x10200] =	vst v63  }
0x15: {  	_ =	swait.ge [sflag:s4], $0x200  }
0x16: {  	[sflag:s4] =	ssyncset.done $0x0  }
0x17: {  	[sflag:s4] =	ssyncadd.s32 $0xFFFFFE00  }
0x18: {  	[tilespmem:s6], [sflag:$0x1] =	stream.indirect.gather [hbm4b:s1+s6], $0x80, s3, s6, $0xb8;
	[tilespmem:$0x10200] =	vst v63  }
0x19: {  	_ =	swait.ge [sflag:s7], $0x10000  }
.Ltmp1:
0x1a: {  	[sflag:s7] =	ssyncset.done $0x0;
	(pc) =	sbr.rel @p0 .LBB2_1-.Ltmp1, $4  }
0x1b: {  	[sflag:s7] =	ssyncadd.s32 $0xFFFF0000  }
0x1c: {  	[hbm4b:s8+s3] =	stream.linear.scatter [tilespmem:s6], [sflag:$0x2], $0x10000, $0x38;
	[tilespmem:$0x10200] =	vst v63  }
0x1d: {  	_ =	swait.ge [sflag:s4], $0x10000  }
0x1e: {  	[sflag:s4] =	ssyncset.done $0x0  }
.LBB2_2:
0x1f: {  	[sflag:s4] =	ssyncadd.s32 $0xFFFF0000  }
0x20: {  	_ =	sfence.sel $0x180000  }
0x21: {  	[bflag:$0x0] =	sbarrier.arrive $0xFFFF  }
0x22: {  	p0 =	sne.s32 s0, $0x0;
	_ =	strace $0x9000004D  }
0x23: {  	s0 =	sadd.s32 @!p0 $0x100000, s2;
	[bflag:$0x2] =	sbarrier.arrive $0xFFFF  }
0x24: {  	[sflag:s0] =	ssyncadd.tile.s32 @!p0 $0x1;
	_ =	shalt  }
.Lfunc_end2:
_tile_overlayer_lowered:
.L_overlay_start_2:
0x25: {  	(tag) =	ssettag $0x2  }
0x26: {  	s0 =	rddreg [dreg:$0x0];
	s2 =	stileid.u32  }
0x27: {  	s1 =	rddreg [dreg:$0x1];
	p0 =	sne.s32 s2, $0x0  }
0x28: {  	s3 =	rddreg [dreg:$0x2];
	[bflag:$0x3] =	sbarrier.arrive $0xFFFF;
	s2 =	simm.s32 @!p0 $0x1C02  }
0x29: {  	[timem:s3], [sflag:s2] =	dma.local @!p0 [hbm:s0], s1  }
0x2a: {  	s0 =	simm.s32 @!p0 $0x2  }
0x2b: {  	_ =	swait.ge @!p0 [sflag:s0], s1  }
0x2c: {  	s1 =	ssub.s32 @!p0 $0x0, s1;
	[sflag:s0] =	ssyncset.done @!p0 $0x0  }
0x2d: {  	[sflag:s0] =	ssyncadd.s32 @!p0 s1  }
0x2e: {  	[bflag:$0x3] =	sbarrier.arrive $0xFFFF  }
0x2f: {  	_ =	shalt  }

</sc_bundles>
